<compile_context>
chip_gen: v7x
topology: tpu7x:2x2x1
jax: 0.10.2.dev20260603
libtpu: 0.0.44.dev20260713+nightly
codegen_flags: <defaults>
</compile_context>

<pallas_src>
import functools

import jax
import jax.numpy as jnp
from jax import lax
from jax.experimental import pallas as pl
from jax.experimental.pallas import tpu as pltpu
from jax.experimental.pallas import tpu_sc as plsc

_VOCAB = 1_000_000
_EMBED = 64
_BATCH = 4096
_SEQ = 200
_HPAD = 128
_GW = 16

_ROW_BLK = 20000
_NC = 2
_NS = 16
_NW = _NC * _NS
_EPW = _BATCH // _NW
_HSEQ = _SEQ // 2
_NBUF = 8


def _g_body(tbl_ref, w1_ref, b1_ref, w23_ref, out_ref):
    h = jnp.tanh(
        jnp.dot(
            tbl_ref[...].astype(jnp.bfloat16),
            w1_ref[...],
            preferred_element_type=jnp.float32,
        )
        + b1_ref[...]
    )
    out_ref[...] = jnp.dot(
        h.astype(jnp.bfloat16), w23_ref[...], preferred_element_type=jnp.float32
    )


_CH = 10000
_NCHUNK = _VOCAB // _CH
_NB = 5
_NSTEP = _NCHUNK // _NB


def _g_manual_body(tbl_hbm, w1_ref, b1_ref, w23_ref, out_hbm, *rest):
    ibufs = rest[:_NB]
    obufs = rest[_NB : 2 * _NB]
    isems = rest[2 * _NB : 3 * _NB]
    osems = rest[3 * _NB : 4 * _NB]
    i = pl.program_id(0)

    def in_copy(ch, b):
        return pltpu.make_async_copy(
            tbl_hbm.at[pl.ds(ch * _CH, _CH), :], ibufs[b], isems[b]
        )

    def out_copy(ch, b):
        return pltpu.make_async_copy(
            obufs[b], out_hbm.at[pl.ds(ch * _CH, _CH), :], osems[b]
        )

    @pl.when(i == 0)
    def _():
        for b in range(_NB):
            in_copy(b, b).start()

    for b in range(_NB):
        ch = i * _NB + b

        @pl.when(ch >= _NB)
        def _():
            out_copy(ch - _NB, b).wait()

        in_copy(ch, b).wait()
        h = jnp.tanh(
            jnp.dot(
                ibufs[b][...],
                w1_ref[...],
                preferred_element_type=jnp.float32,
            )
            + b1_ref[...]
        )
        obufs[b][...] = jnp.dot(
            h.astype(jnp.bfloat16), w23_ref[...], preferred_element_type=jnp.float32
        )
        out_copy(ch, b).start()

        @pl.when(ch + _NB < _NCHUNK)
        def _():
            in_copy(ch + _NB, b).start()

    @pl.when(i == _NSTEP - 1)
    def _():
        for b in range(_NB):
            out_copy((_NSTEP - 1) * _NB + b, b).wait()


def _precompute_g(table, w1p, b1p, w23p):
    return pl.pallas_call(
        _g_manual_body,
        grid=(_NSTEP,),
        in_specs=[
            pl.BlockSpec(memory_space=pltpu.MemorySpace.HBM),
            pl.BlockSpec((_EMBED, _HPAD), lambda i: (0, 0)),
            pl.BlockSpec((1, _HPAD), lambda i: (0, 0)),
            pl.BlockSpec((_HPAD, _GW), lambda i: (0, 0)),
        ],
        out_specs=pl.BlockSpec(memory_space=pltpu.MemorySpace.HBM),
        out_shape=jax.ShapeDtypeStruct((_VOCAB, _GW), jnp.float32),
        scratch_shapes=(
            [pltpu.VMEM((_CH, _EMBED), jnp.bfloat16) for _ in range(_NB)]
            + [pltpu.VMEM((_CH, _GW), jnp.float32) for _ in range(_NB)]
            + [pltpu.SemaphoreType.DMA for _ in range(2 * _NB)]
        ),
        compiler_params=pltpu.CompilerParams(vmem_limit_bytes=100 * 1024 * 1024),
    )(table, w1p, b1p, w23p)


def _reduce_elem(rows_ref, acc_ref, e, off=0):

    def red(j, accs):
        a0, a1, a2, a3 = accs
        r = off + j * 8
        a0 = a0 + rows_ref[r] + rows_ref[r + 4]
        a1 = a1 + rows_ref[r + 1] + rows_ref[r + 5]
        a2 = a2 + rows_ref[r + 2] + rows_ref[r + 6]
        a3 = a3 + rows_ref[r + 3] + rows_ref[r + 7]
        return (a0, a1, a2, a3)

    z = jnp.zeros((_GW,), jnp.float32)
    a0, a1, a2, a3 = lax.fori_loop(0, _SEQ // 8, red, (z, z, z, z))
    acc_ref[e] = (a0 + a1) + (a2 + a3)


_CHK = 4
_CROWS = _CHK * _SEQ
_NCHK = _EPW // _CHK


def _sc_body(idx_hbm, g_hbm, out_hbm, idx_v, *rest):
    rows = rest[:_NBUF]
    acc_v = rest[_NBUF]
    sems = rest[_NBUF + 1 : _NBUF + 1 + _NBUF]
    c = lax.axis_index("c")
    s = lax.axis_index("s")
    wid = s * _NC + c
    base = wid * _EPW

    pltpu.sync_copy(idx_hbm.at[pl.ds(base * _SEQ, _EPW * _SEQ)], idx_v)

    def fire(ch, buf, sem):
        pltpu.make_async_copy(
            g_hbm.at[idx_v.at[pl.ds(ch * _CROWS, _CROWS)]], buf, sem
        ).start()

    def drain(ch, buf, sem):
        pltpu.make_async_copy(
            g_hbm.at[idx_v.at[pl.ds(ch * _CROWS, _CROWS)]], buf, sem
        ).wait()

    for b in range(_NBUF):
        fire(b, rows[b], sems[b])

    def body(i, carry):
        c0 = _NBUF * i
        for b in range(_NBUF):
            ch = c0 + b
            drain(ch, rows[b], sems[b])
            for k in range(_CHK):
                _reduce_elem(rows[b], acc_v, ch * _CHK + k, off=k * _SEQ)

            @pl.when(ch + _NBUF < _NCHK)
            def _():
                fire(ch + _NBUF, rows[b], sems[b])

        return carry

    lax.fori_loop(0, _NCHK // _NBUF, body, 0)
    pltpu.sync_copy(acc_v, out_hbm.at[pl.ds(base, _EPW)])


def _sc_gather_sum(idx1, g):
    mesh = plsc.VectorSubcoreMesh(core_axis_name="c", subcore_axis_name="s")
    return pl.kernel(
        _sc_body,
        out_type=jax.ShapeDtypeStruct((_BATCH, _GW), jnp.float32),
        mesh=mesh,
        scratch_types=(
            [pltpu.VMEM((_EPW * _SEQ,), jnp.int32)]
            + [pltpu.VMEM((_CROWS, _GW), jnp.float32) for _ in range(_NBUF)]
            + [pltpu.VMEM((_EPW, _GW), jnp.float32)]
            + [pltpu.SemaphoreType.DMA for _ in range(_NBUF)]
        ),
        compiler_params=pltpu.CompilerParams(use_tc_tiling_on_sc=False),
    )(idx1, g)


def kernel(inputs, table, W1, b1, W2, b2, W3, b3):
    idx1 = inputs.astype(jnp.int32).reshape(_BATCH * _SEQ)
    w23 = W3 @ W2
    w1p = (
        jnp.zeros((_EMBED, _HPAD), jnp.float32)
        .at[:, :100]
        .set(W1.T)
        .astype(jnp.bfloat16)
    )
    b1p = jnp.zeros((1, _HPAD), jnp.float32).at[0, :100].set(b1)
    w23p = (
        jnp.zeros((_HPAD, _GW), jnp.float32)
        .at[:100, :5]
        .set(w23.T)
        .astype(jnp.bfloat16)
    )
    g = _precompute_g(table.astype(jnp.bfloat16), w1p, b1p, w23p)
    s16 = _sc_gather_sum(idx1, g)
    const = _SEQ * (b2 @ W3.T + b3)
    return s16[:, :5] + const

# --- scband reference (transcript-rebuilt; emitter-appended) ---
"""Pipeline reference for scband-deep-cbow-42683384988066 (READ-ONLY COPY).

The authoritative reference and input builder live on the scoring server;
editing this copy changes nothing except your own understanding.
"""

import jax, jax.numpy as jnp
import numpy as np

VOCAB = 1000000
EMBED = 64
BATCH = 4096
SEQ = 200
HIDDENS = [100, 100]
OUT = 5
PAD_IDX = 0


def setup_inputs(seed: int = 0) -> dict:
    key = jax.random.key(seed)
    k_idx, k_tab, k1, k2, k3 = jax.random.split(key, 5)
    inputs = jax.random.randint(k_idx, (BATCH, SEQ), 0, VOCAB, dtype=jnp.int64 if jax.config.jax_enable_x64 else jnp.int32)
    table = jax.random.normal(k_tab, (VOCAB, EMBED), dtype=jnp.float32)
    table = table.at[PAD_IDX].set(0.0)  # padding_idx row is zero
    def linear_params(k, fan_in, fan_out):
        ka, kb = jax.random.split(k)
        bound = 1.0 / np.sqrt(fan_in)
        W = jax.random.uniform(ka, (fan_out, fan_in), minval=-bound, maxval=bound, dtype=jnp.float32)
        b = jax.random.uniform(kb, (fan_out,), minval=-bound, maxval=bound, dtype=jnp.float32)
        return W, b
    W1, b1 = linear_params(k1, EMBED, HIDDENS[0])
    W2, b2 = linear_params(k2, HIDDENS[0], HIDDENS[1])
    W3, b3 = linear_params(k3, HIDDENS[1], OUT)
    return {"inputs": inputs, "table": table, "W1": W1, "b1": b1, "W2": W2, "b2": b2, "W3": W3, "b3": b3}


def reference(inputs, table, W1, b1, W2, b2, W3, b3):
    # embedding lookup (SparseCore gather)
    embeds = jnp.take(table, inputs, axis=0)  # [B, L, EMBED]
    # MLP per token: Linear -> Tanh -> Linear -> Linear (last Tanh popped, output layer appended)
    h = jnp.tanh(embeds @ W1.T + b1)
    h = h @ W2.T + b2  # note: trailing Tanh was popped in original code
    logits = h @ W3.T + b3  # [B, L, OUT]
    logits = logits.sum(axis=1)  # [B, OUT]
    return logits

if __name__ == "__main__":
    import jax
    _d = setup_inputs()
    print(jax.jit(kernel)(*tuple(_d.values())))

</pallas_src>

<mosaic_0001>
#map = affine_map<(d0, d1) -> (0)>
#map1 = affine_map<(d0, d1) -> (0, 0)>
module attributes {stable_mosaic.version = 14 : i64} {
  func.func @_sc_body(%arg0: i32, %arg1: i32, %arg2: memref<819200xi32, #tpu.memory_space<hbm>>, %arg3: memref<1000000x16xf32, #tpu.memory_space<hbm>>, %arg4: memref<4096x16xf32, #tpu.memory_space<hbm>>, %arg5: memref<25600xi32, #tpu.memory_space<vmem>>, %arg6: memref<800x16xf32, #tpu.memory_space<vmem>>, %arg7: memref<800x16xf32, #tpu.memory_space<vmem>>, %arg8: memref<800x16xf32, #tpu.memory_space<vmem>>, %arg9: memref<800x16xf32, #tpu.memory_space<vmem>>, %arg10: memref<800x16xf32, #tpu.memory_space<vmem>>, %arg11: memref<800x16xf32, #tpu.memory_space<vmem>>, %arg12: memref<800x16xf32, #tpu.memory_space<vmem>>, %arg13: memref<800x16xf32, #tpu.memory_space<vmem>>, %arg14: memref<128x16xf32, #tpu.memory_space<vmem>>, %arg15: memref<!tpu.dma_semaphore, #tpu.memory_space<semaphore_mem>>, %arg16: memref<!tpu.dma_semaphore, #tpu.memory_space<semaphore_mem>>, %arg17: memref<!tpu.dma_semaphore, #tpu.memory_space<semaphore_mem>>, %arg18: memref<!tpu.dma_semaphore, #tpu.memory_space<semaphore_mem>>, %arg19: memref<!tpu.dma_semaphore, #tpu.memory_space<semaphore_mem>>, %arg20: memref<!tpu.dma_semaphore, #tpu.memory_space<semaphore_mem>>, %arg21: memref<!tpu.dma_semaphore, #tpu.memory_space<semaphore_mem>>, %arg22: memref<!tpu.dma_semaphore, #tpu.memory_space<semaphore_mem>>) attributes {dimension_semantics = [#tpu.dimension_semantics<core_parallel>, #tpu.dimension_semantics<subcore_parallel>], iteration_bounds = array<i64: 2, 16>, scalar_prefetch = 0 : i64, scratch_operands = 18 : i64, tpu.core_type = #tpu.core_type<sc_vector_subcore>, window_params = [{transform_indices = #map}, {transform_indices = #map1}, {transform_indices = #map1}]} {
    %mul3A = arith.constant 2 : i32
    %mul3A_0 = arith.muli %arg1, %mul3A : i32
    %add3A = arith.addi %mul3A_0, %arg0 : i32
    %mul3A_1 = arith.constant 128 : i32
    %mul3A_2 = arith.muli %add3A, %mul3A_1 : i32
    %mul3A_3 = arith.constant 200 : i32
    %mul3A_4 = arith.muli %mul3A_2, %mul3A_3 : i32
    "tpu.region"() ({
      %run_scoped3A = tpu.sem_alloc : memref<!tpu.dma_semaphore, #tpu.memory_space<semaphore_mem>>
      %dma_start3A_49 = tpu.memref_slice %arg2[%mul3A_4] : memref<819200xi32, #tpu.memory_space<hbm>> -> memref<25600xi32, #tpu.memory_space<hbm>>
      %dma_start3A_50 = tpu.memref_slice %arg2[%mul3A_4] : memref<819200xi32, #tpu.memory_space<hbm>> -> memref<25600xi32, #tpu.memory_space<hbm>>
      tpu.enqueue_dma source(%dma_start3A_50 : memref<25600xi32, #tpu.memory_space<hbm>>) target(%arg5 : memref<25600xi32, #tpu.memory_space<vmem>>) target_semaphore(%run_scoped3A : memref<!tpu.dma_semaphore, #tpu.memory_space<semaphore_mem>>)
      %dma_wait3A = tpu.memref_slice %arg2[%mul3A_4] : memref<819200xi32, #tpu.memory_space<hbm>> -> memref<25600xi32, #tpu.memory_space<hbm>>
      %dma_wait3A_51 = tpu.memref_slice %arg2[%mul3A_4] : memref<819200xi32, #tpu.memory_space<hbm>> -> memref<25600xi32, #tpu.memory_space<hbm>>
      tpu.wait_dma2 semaphore(%run_scoped3A : memref<!tpu.dma_semaphore, #tpu.memory_space<semaphore_mem>>) src(%dma_wait3A_51 : memref<25600xi32, #tpu.memory_space<hbm>>) dst(%arg5 : memref<25600xi32, #tpu.memory_space<vmem>>)
      tpu.yield
    }) : () -> ()
    %dma_start3A = arith.constant 0 : i32
    %dma_start3A_5 = tpu.memref_slice %arg5[%dma_start3A] : memref<25600xi32, #tpu.memory_space<vmem>> -> memref<800xi32, #tpu.memory_space<vmem>>
    %dma_start3A_6 = arith.constant 0 : i32
    %dma_start3A_7 = arith.constant 0 : i32
    %dma_start3A_8 = tpu.memref_slice %arg3[%dma_start3A_6, %dma_start3A_7] : memref<1000000x16xf32, #tpu.memory_space<hbm>> -> memref<1000000x16xf32, #tpu.memory_space<hbm>>
    tpu.enqueue_indirect_dma source(%dma_start3A_8 : memref<1000000x16xf32, #tpu.memory_space<hbm>>) target(%arg6 : memref<800x16xf32, #tpu.memory_space<vmem>>) offsets(%dma_start3A_5 : memref<800xi32, #tpu.memory_space<vmem>>) semaphore(%arg15 : memref<!tpu.dma_semaphore, #tpu.memory_space<semaphore_mem>>)
    %dma_start3A_9 = arith.constant 800 : i32
    %dma_start3A_10 = tpu.memref_slice %arg5[%dma_start3A_9] : memref<25600xi32, #tpu.memory_space<vmem>> -> memref<800xi32, #tpu.memory_space<vmem>>
    %dma_start3A_11 = arith.constant 0 : i32
    %dma_start3A_12 = arith.constant 0 : i32
    %dma_start3A_13 = tpu.memref_slice %arg3[%dma_start3A_11, %dma_start3A_12] : memref<1000000x16xf32, #tpu.memory_space<hbm>> -> memref<1000000x16xf32, #tpu.memory_space<hbm>>
    tpu.enqueue_indirect_dma source(%dma_start3A_13 : memref<1000000x16xf32, #tpu.memory_space<hbm>>) target(%arg7 : memref<800x16xf32, #tpu.memory_space<vmem>>) offsets(%dma_start3A_10 : memref<800xi32, #tpu.memory_space<vmem>>) semaphore(%arg16 : memref<!tpu.dma_semaphore, #tpu.memory_space<semaphore_mem>>)
    %dma_start3A_14 = arith.constant 1600 : i32
    %dma_start3A_15 = tpu.memref_slice %arg5[%dma_start3A_14] : memref<25600xi32, #tpu.memory_space<vmem>> -> memref<800xi32, #tpu.memory_space<vmem>>
    %dma_start3A_16 = arith.constant 0 : i32
    %dma_start3A_17 = arith.constant 0 : i32
    %dma_start3A_18 = tpu.memref_slice %arg3[%dma_start3A_16, %dma_start3A_17] : memref<1000000x16xf32, #tpu.memory_space<hbm>> -> memref<1000000x16xf32, #tpu.memory_space<hbm>>
    tpu.enqueue_indirect_dma source(%dma_start3A_18 : memref<1000000x16xf32, #tpu.memory_space<hbm>>) target(%arg8 : memref<800x16xf32, #tpu.memory_space<vmem>>) offsets(%dma_start3A_15 : memref<800xi32, #tpu.memory_space<vmem>>) semaphore(%arg17 : memref<!tpu.dma_semaphore, #tpu.memory_space<semaphore_mem>>)
    %dma_start3A_19 = arith.constant 2400 : i32
    %dma_start3A_20 = tpu.memref_slice %arg5[%dma_start3A_19] : memref<25600xi32, #tpu.memory_space<vmem>> -> memref<800xi32, #tpu.memory_space<vmem>>
    %dma_start3A_21 = arith.constant 0 : i32
    %dma_start3A_22 = arith.constant 0 : i32
    %dma_start3A_23 = tpu.memref_slice %arg3[%dma_start3A_21, %dma_start3A_22] : memref<1000000x16xf32, #tpu.memory_space<hbm>> -> memref<1000000x16xf32, #tpu.memory_space<hbm>>
    tpu.enqueue_indirect_dma source(%dma_start3A_23 : memref<1000000x16xf32, #tpu.memory_space<hbm>>) target(%arg9 : memref<800x16xf32, #tpu.memory_space<vmem>>) offsets(%dma_start3A_20 : memref<800xi32, #tpu.memory_space<vmem>>) semaphore(%arg18 : memref<!tpu.dma_semaphore, #tpu.memory_space<semaphore_mem>>)
    %dma_start3A_24 = arith.constant 3200 : i32
    %dma_start3A_25 = tpu.memref_slice %arg5[%dma_start3A_24] : memref<25600xi32, #tpu.memory_space<vmem>> -> memref<800xi32, #tpu.memory_space<vmem>>
    %dma_start3A_26 = arith.constant 0 : i32
    %dma_start3A_27 = arith.constant 0 : i32
    %dma_start3A_28 = tpu.memref_slice %arg3[%dma_start3A_26, %dma_start3A_27] : memref<1000000x16xf32, #tpu.memory_space<hbm>> -> memref<1000000x16xf32, #tpu.memory_space<hbm>>
    tpu.enqueue_indirect_dma source(%dma_start3A_28 : memref<1000000x16xf32, #tpu.memory_space<hbm>>) target(%arg10 : memref<800x16xf32, #tpu.memory_space<vmem>>) offsets(%dma_start3A_25 : memref<800xi32, #tpu.memory_space<vmem>>) semaphore(%arg19 : memref<!tpu.dma_semaphore, #tpu.memory_space<semaphore_mem>>)
    %dma_start3A_29 = arith.constant 4000 : i32
    %dma_start3A_30 = tpu.memref_slice %arg5[%dma_start3A_29] : memref<25600xi32, #tpu.memory_space<vmem>> -> memref<800xi32, #tpu.memory_space<vmem>>
    %dma_start3A_31 = arith.constant 0 : i32
    %dma_start3A_32 = arith.constant 0 : i32
    %dma_start3A_33 = tpu.memref_slice %arg3[%dma_start3A_31, %dma_start3A_32] : memref<1000000x16xf32, #tpu.memory_space<hbm>> -> memref<1000000x16xf32, #tpu.memory_space<hbm>>
    tpu.enqueue_indirect_dma source(%dma_start3A_33 : memref<1000000x16xf32, #tpu.memory_space<hbm>>) target(%arg11 : memref<800x16xf32, #tpu.memory_space<vmem>>) offsets(%dma_start3A_30 : memref<800xi32, #tpu.memory_space<vmem>>) semaphore(%arg20 : memref<!tpu.dma_semaphore, #tpu.memory_space<semaphore_mem>>)
    %dma_start3A_34 = arith.constant 4800 : i32
    %dma_start3A_35 = tpu.memref_slice %arg5[%dma_start3A_34] : memref<25600xi32, #tpu.memory_space<vmem>> -> memref<800xi32, #tpu.memory_space<vmem>>
    %dma_start3A_36 = arith.constant 0 : i32
    %dma_start3A_37 = arith.constant 0 : i32
    %dma_start3A_38 = tpu.memref_slice %arg3[%dma_start3A_36, %dma_start3A_37] : memref<1000000x16xf32, #tpu.memory_space<hbm>> -> memref<1000000x16xf32, #tpu.memory_space<hbm>>
    tpu.enqueue_indirect_dma source(%dma_start3A_38 : memref<1000000x16xf32, #tpu.memory_space<hbm>>) target(%arg12 : memref<800x16xf32, #tpu.memory_space<vmem>>) offsets(%dma_start3A_35 : memref<800xi32, #tpu.memory_space<vmem>>) semaphore(%arg21 : memref<!tpu.dma_semaphore, #tpu.memory_space<semaphore_mem>>)
    %dma_start3A_39 = arith.constant 5600 : i32
    %dma_start3A_40 = tpu.memref_slice %arg5[%dma_start3A_39] : memref<25600xi32, #tpu.memory_space<vmem>> -> memref<800xi32, #tpu.memory_space<vmem>>
    %dma_start3A_41 = arith.constant 0 : i32
    %dma_start3A_42 = arith.constant 0 : i32
    %dma_start3A_43 = tpu.memref_slice %arg3[%dma_start3A_41, %dma_start3A_42] : memref<1000000x16xf32, #tpu.memory_space<hbm>> -> memref<1000000x16xf32, #tpu.memory_space<hbm>>
    tpu.enqueue_indirect_dma source(%dma_start3A_43 : memref<1000000x16xf32, #tpu.memory_space<hbm>>) target(%arg13 : memref<800x16xf32, #tpu.memory_space<vmem>>) offsets(%dma_start3A_40 : memref<800xi32, #tpu.memory_space<vmem>>) semaphore(%arg22 : memref<!tpu.dma_semaphore, #tpu.memory_space<semaphore_mem>>)
    %scan3A = arith.constant 0 : i32
    %scan3A_44 = arith.constant 0 : i32
    %scan3A_45 = arith.constant 4 : i32
    %scan3A_46 = arith.addi %scan3A_44, %scan3A_45 : i32
    %scan3A_47 = arith.constant 1 : i32
    scf.for %scan3A_49 = %scan3A_44 to %scan3A_46 step %scan3A_47  : i32 {
      %mul3A_50 = arith.constant 8 : i32
      %mul3A_51 = arith.muli %mul3A_50, %scan3A_49 : i32
      %add3A_52 = arith.constant 0 : i32
      %add3A_53 = arith.addi %mul3A_51, %add3A_52 : i32
      %mul3A_54 = arith.constant 800 : i32
      %mul3A_55 = arith.muli %add3A_53, %mul3A_54 : i32
      %dma_wait3A = tpu.memref_slice %arg5[%mul3A_55] : memref<25600xi32, #tpu.memory_space<vmem>> -> memref<800xi32, #tpu.memory_space<vmem>>
      %dma_wait3A_56 = arith.constant 0 : i32
      %dma_wait3A_57 = arith.constant 0 : i32
      %dma_wait3A_58 = tpu.memref_slice %arg3[%dma_wait3A_56, %dma_wait3A_57] : memref<1000000x16xf32, #tpu.memory_space<hbm>> -> memref<1000000x16xf32, #tpu.memory_space<hbm>>
      tpu.wait_indirect_dma semaphore(%arg15 : memref<!tpu.dma_semaphore, #tpu.memory_space<semaphore_mem>>) src(%dma_wait3A_58 : memref<1000000x16xf32, #tpu.memory_space<hbm>>) dst(%arg6 : memref<800x16xf32, #tpu.memory_space<vmem>>)
      %mul3A_59 = arith.constant 4 : i32
      %mul3A_60 = arith.muli %add3A_53, %mul3A_59 : i32
      %add3A_61 = arith.constant 0 : i32
      %add3A_62 = arith.addi %mul3A_60, %add3A_61 : i32
      %broadcast_in_dim3A = arith.constant 0.000000e+00 : f32
      %broadcast_in_dim3A_63 = vector.broadcast %broadcast_in_dim3A : f32 to vector<16xf32>
      %scan3A_64 = arith.constant 0 : i32
      %scan3A_65 = arith.constant 25 : i32
      %scan3A_66 = arith.addi %scan3A_64, %scan3A_65 : i32
      %scan3A_67 = arith.constant 1 : i32
      %scan3A_68:4 = scf.for %scan3A_806 = %scan3A_64 to %scan3A_66 step %scan3A_67 iter_args(%scan3A_807 = %broadcast_in_dim3A_63, %scan3A_808 = %broadcast_in_dim3A_63, %scan3A_809 = %broadcast_in_dim3A_63, %scan3A_810 = %broadcast_in_dim3A_63) -> (vector<16xf32>, vector<16xf32>, vector<16xf32>, vector<16xf32>)  : i32 {
        %mul3A_811 = arith.constant 8 : i32
        %mul3A_812 = arith.muli %scan3A_806, %mul3A_811 : i32
        %add3A_813 = arith.constant 0 : i32
        %add3A_814 = arith.addi %add3A_813, %mul3A_812 : i32
        %get3A = arith.index_cast %add3A_814 : i32 to index
        %get3A_815 = arith.constant 0 : index
        %get3A_816 = tpu.vector_load %arg6[%get3A, %get3A_815] {strides = array<i32>} : memref<800x16xf32, #tpu.memory_space<vmem>>, vector<1x16xf32>,
        %get3A_817 = vector.shape_cast %get3A_816 : vector<1x16xf32> to vector<16xf32>
        %add3A_818 = arith.addf %scan3A_807, %get3A_817 : vector<16xf32>
        %add3A_819 = arith.constant 4 : i32
        %add3A_820 = arith.addi %add3A_814, %add3A_819 : i32
        %get3A_821 = arith.index_cast %add3A_820 : i32 to index
        %get3A_822 = arith.constant 0 : index
        %get3A_823 = tpu.vector_load %arg6[%get3A_821, %get3A_822] {strides = array<i32>} : memref<800x16xf32, #tpu.memory_space<vmem>>, vector<1x16xf32>,
        %get3A_824 = vector.shape_cast %get3A_823 : vector<1x16xf32> to vector<16xf32>
        %add3A_825 = arith.addf %add3A_818, %get3A_824 : vector<16xf32>
        %add3A_826 = arith.constant 1 : i32
        %add3A_827 = arith.addi %add3A_814, %add3A_826 : i32
        %get3A_828 = arith.index_cast %add3A_827 : i32 to index
        %get3A_829 = arith.constant 0 : index
        %get3A_830 = tpu.vector_load %arg6[%get3A_828, %get3A_829] {strides = array<i32>} : memref<800x16xf32, #tpu.memory_space<vmem>>, vector<1x16xf32>,
        %get3A_831 = vector.shape_cast %get3A_830 : vector<1x16xf32> to vector<16xf32>
        %add3A_832 = arith.addf %scan3A_808, %get3A_831 : vector<16xf32>
        %add3A_833 = arith.constant 5 : i32
        %add3A_834 = arith.addi %add3A_814, %add3A_833 : i32
        %get3A_835 = arith.index_cast %add3A_834 : i32 to index
        %get3A_836 = arith.constant 0 : index
        %get3A_837 = tpu.vector_load %arg6[%get3A_835, %get3A_836] {strides = array<i32>} : memref<800x16xf32, #tpu.memory_space<vmem>>, vector<1x16xf32>,
        %get3A_838 = vector.shape_cast %get3A_837 : vector<1x16xf32> to vector<16xf32>
        %add3A_839 = arith.addf %add3A_832, %get3A_838 : vector<16xf32>
        %add3A_840 = arith.constant 2 : i32
        %add3A_841 = arith.addi %add3A_814, %add3A_840 : i32
        %get3A_842 = arith.index_cast %add3A_841 : i32 to index
        %get3A_843 = arith.constant 0 : index
        %get3A_844 = tpu.vector_load %arg6[%get3A_842, %get3A_843] {strides = array<i32>} : memref<800x16xf32, #tpu.memory_space<vmem>>, vector<1x16xf32>,
        %get3A_845 = vector.shape_cast %get3A_844 : vector<1x16xf32> to vector<16xf32>
        %add3A_846 = arith.addf %scan3A_809, %get3A_845 : vector<16xf32>
        %add3A_847 = arith.constant 6 : i32
        %add3A_848 = arith.addi %add3A_814, %add3A_847 : i32
        %get3A_849 = arith.index_cast %add3A_848 : i32 to index
        %get3A_850 = arith.constant 0 : index
        %get3A_851 = tpu.vector_load %arg6[%get3A_849, %get3A_850] {strides = array<i32>} : memref<800x16xf32, #tpu.memory_space<vmem>>, vector<1x16xf32>,
        %get3A_852 = vector.shape_cast %get3A_851 : vector<1x16xf32> to vector<16xf32>
        %add3A_853 = arith.addf %add3A_846, %get3A_852 : vector<16xf32>
        %add3A_854 = arith.constant 3 : i32
        %add3A_855 = arith.addi %add3A_814, %add3A_854 : i32
        %get3A_856 = arith.index_cast %add3A_855 : i32 to index
        %get3A_857 = arith.constant 0 : index
        %get3A_858 = tpu.vector_load %arg6[%get3A_856, %get3A_857] {strides = array<i32>} : memref<800x16xf32, #tpu.memory_space<vmem>>, vector<1x16xf32>,
        %get3A_859 = vector.shape_cast %get3A_858 : vector<1x16xf32> to vector<16xf32>
        %add3A_860 = arith.addf %scan3A_810, %get3A_859 : vector<16xf32>
        %add3A_861 = arith.constant 7 : i32
        %add3A_862 = arith.addi %add3A_814, %add3A_861 : i32
        %get3A_863 = arith.index_cast %add3A_862 : i32 to index
        %get3A_864 = arith.constant 0 : index
        %get3A_865 = tpu.vector_load %arg6[%get3A_863, %get3A_864] {strides = array<i32>} : memref<800x16xf32, #tpu.memory_space<vmem>>, vector<1x16xf32>,
        %get3A_866 = vector.shape_cast %get3A_865 : vector<1x16xf32> to vector<16xf32>
        %add3A_867 = arith.addf %add3A_860, %get3A_866 : vector<16xf32>
        scf.yield %add3A_825, %add3A_839, %add3A_853, %add3A_867 : vector<16xf32>, vector<16xf32>, vector<16xf32>, vector<16xf32>
      }
      %scan3A_69 = arith.constant 25 : i32
      %add3A_70 = arith.addf %scan3A_68#0, %scan3A_68#1 : vector<16xf32>
      %add3A_71 = arith.addf %scan3A_68#2, %scan3A_68#3 : vector<16xf32>
      %add3A_72 = arith.addf %add3A_70, %add3A_71 : vector<16xf32>
      %swap3A = arith.index_cast %add3A_62 : i32 to index
      %swap3A_73 = arith.constant 0 : index
      %swap3A_74 = tpu.vector_load %arg14[%swap3A, %swap3A_73] {strides = array<i32>} : memref<128x16xf32, #tpu.memory_space<vmem>>, vector<1x16xf32>,
      %swap3A_75 = vector.shape_cast %swap3A_74 : vector<1x16xf32> to vector<16xf32>
      %swap3A_76 = vector.shape_cast %add3A_72 : vector<16xf32> to vector<1x16xf32>
      tpu.vector_store %arg14[%swap3A, %swap3A_73], %swap3A_76 {strides = array<i32>} : memref<128x16xf32, #tpu.memory_space<vmem>>, vector<1x16xf32>,
      %mul3A_77 = arith.constant 4 : i32
      %mul3A_78 = arith.muli %add3A_53, %mul3A_77 : i32
      %add3A_79 = arith.constant 1 : i32
      %add3A_80 = arith.addi %mul3A_78, %add3A_79 : i32
      %broadcast_in_dim3A_81 = arith.constant 0.000000e+00 : f32
      %broadcast_in_dim3A_82 = vector.broadcast %broadcast_in_dim3A_81 : f32 to vector<16xf32>
      %scan3A_83 = arith.constant 0 : i32
      %scan3A_84 = arith.constant 25 : i32
      %scan3A_85 = arith.addi %scan3A_83, %scan3A_84 : i32
      %scan3A_86 = arith.constant 1 : i32
      %scan3A_87:4 = scf.for %scan3A_806 = %scan3A_83 to %scan3A_85 step %scan3A_86 iter_args(%scan3A_807 = %broadcast_in_dim3A_82, %scan3A_808 = %broadcast_in_dim3A_82, %scan3A_809 = %broadcast_in_dim3A_82, %scan3A_810 = %broadcast_in_dim3A_82) -> (vector<16xf32>, vector<16xf32>, vector<16xf32>, vector<16xf32>)  : i32 {
        %mul3A_811 = arith.constant 8 : i32
        %mul3A_812 = arith.muli %scan3A_806, %mul3A_811 : i32
        %add3A_813 = arith.constant 200 : i32
        %add3A_814 = arith.addi %add3A_813, %mul3A_812 : i32
        %get3A = arith.index_cast %add3A_814 : i32 to index
        %get3A_815 = arith.constant 0 : index
        %get3A_816 = tpu.vector_load %arg6[%get3A, %get3A_815] {strides = array<i32>} : memref<800x16xf32, #tpu.memory_space<vmem>>, vector<1x16xf32>,
        %get3A_817 = vector.shape_cast %get3A_816 : vector<1x16xf32> to vector<16xf32>
        %add3A_818 = arith.addf %scan3A_807, %get3A_817 : vector<16xf32>
        %add3A_819 = arith.constant 4 : i32
        %add3A_820 = arith.addi %add3A_814, %add3A_819 : i32
        %get3A_821 = arith.index_cast %add3A_820 : i32 to index
        %get3A_822 = arith.constant 0 : index
        %get3A_823 = tpu.vector_load %arg6[%get3A_821, %get3A_822] {strides = array<i32>} : memref<800x16xf32, #tpu.memory_space<vmem>>, vector<1x16xf32>,
        %get3A_824 = vector.shape_cast %get3A_823 : vector<1x16xf32> to vector<16xf32>
        %add3A_825 = arith.addf %add3A_818, %get3A_824 : vector<16xf32>
        %add3A_826 = arith.constant 1 : i32
        %add3A_827 = arith.addi %add3A_814, %add3A_826 : i32
        %get3A_828 = arith.index_cast %add3A_827 : i32 to index
        %get3A_829 = arith.constant 0 : index
        %get3A_830 = tpu.vector_load %arg6[%get3A_828, %get3A_829] {strides = array<i32>} : memref<800x16xf32, #tpu.memory_space<vmem>>, vector<1x16xf32>,
        %get3A_831 = vector.shape_cast %get3A_830 : vector<1x16xf32> to vector<16xf32>
        %add3A_832 = arith.addf %scan3A_808, %get3A_831 : vector<16xf32>
        %add3A_833 = arith.constant 5 : i32
        %add3A_834 = arith.addi %add3A_814, %add3A_833 : i32
        %get3A_835 = arith.index_cast %add3A_834 : i32 to index
        %get3A_836 = arith.constant 0 : index
        %get3A_837 = tpu.vector_load %arg6[%get3A_835, %get3A_836] {strides = array<i32>} : memref<800x16xf32, #tpu.memory_space<vmem>>, vector<1x16xf32>,
        %get3A_838 = vector.shape_cast %get3A_837 : vector<1x16xf32> to vector<16xf32>
        %add3A_839 = arith.addf %add3A_832, %get3A_838 : vector<16xf32>
        %add3A_840 = arith.constant 2 : i32
        %add3A_841 = arith.addi %add3A_814, %add3A_840 : i32
        %get3A_842 = arith.index_cast %add3A_841 : i32 to index
        %get3A_843 = arith.constant 0 : index
        %get3A_844 = tpu.vector_load %arg6[%get3A_842, %get3A_843] {strides = array<i32>} : memref<800x16xf32, #tpu.memory_space<vmem>>, vector<1x16xf32>,
        %get3A_845 = vector.shape_cast %get3A_844 : vector<1x16xf32> to vector<16xf32>
        %add3A_846 = arith.addf %scan3A_809, %get3A_845 : vector<16xf32>
        %add3A_847 = arith.constant 6 : i32
        %add3A_848 = arith.addi %add3A_814, %add3A_847 : i32
        %get3A_849 = arith.index_cast %add3A_848 : i32 to index
        %get3A_850 = arith.constant 0 : index
        %get3A_851 = tpu.vector_load %arg6[%get3A_849, %get3A_850] {strides = array<i32>} : memref<800x16xf32, #tpu.memory_space<vmem>>, vector<1x16xf32>,
        %get3A_852 = vector.shape_cast %get3A_851 : vector<1x16xf32> to vector<16xf32>
        %add3A_853 = arith.addf %add3A_846, %get3A_852 : vector<16xf32>
        %add3A_854 = arith.constant 3 : i32
        %add3A_855 = arith.addi %add3A_814, %add3A_854 : i32
        %get3A_856 = arith.index_cast %add3A_855 : i32 to index
        %get3A_857 = arith.constant 0 : index
        %get3A_858 = tpu.vector_load %arg6[%get3A_856, %get3A_857] {strides = array<i32>} : memref<800x16xf32, #tpu.memory_space<vmem>>, vector<1x16xf32>,
        %get3A_859 = vector.shape_cast %get3A_858 : vector<1x16xf32> to vector<16xf32>
        %add3A_860 = arith.addf %scan3A_810, %get3A_859 : vector<16xf32>
        %add3A_861 = arith.constant 7 : i32
        %add3A_862 = arith.addi %add3A_814, %add3A_861 : i32
        %get3A_863 = arith.index_cast %add3A_862 : i32 to index
        %get3A_864 = arith.constant 0 : index
        %get3A_865 = tpu.vector_load %arg6[%get3A_863, %get3A_864] {strides = array<i32>} : memref<800x16xf32, #tpu.memory_space<vmem>>, vector<1x16xf32>,
        %get3A_866 = vector.shape_cast %get3A_865 : vector<1x16xf32> to vector<16xf32>
        %add3A_867 = arith.addf %add3A_860, %get3A_866 : vector<16xf32>
        scf.yield %add3A_825, %add3A_839, %add3A_853, %add3A_867 : vector<16xf32>, vector<16xf32>, vector<16xf32>, vector<16xf32>
      }
      %scan3A_88 = arith.constant 25 : i32
      %add3A_89 = arith.addf %scan3A_87#0, %scan3A_87#1 : vector<16xf32>
      %add3A_90 = arith.addf %scan3A_87#2, %scan3A_87#3 : vector<16xf32>
      %add3A_91 = arith.addf %add3A_89, %add3A_90 : vector<16xf32>
      %swap3A_92 = arith.index_cast %add3A_80 : i32 to index
      %swap3A_93 = arith.constant 0 : index
      %swap3A_94 = tpu.vector_load %arg14[%swap3A_92, %swap3A_93] {strides = array<i32>} : memref<128x16xf32, #tpu.memory_space<vmem>>, vector<1x16xf32>,
      %swap3A_95 = vector.shape_cast %swap3A_94 : vector<1x16xf32> to vector<16xf32>
      %swap3A_96 = vector.shape_cast %add3A_91 : vector<16xf32> to vector<1x16xf32>
      tpu.vector_store %arg14[%swap3A_92, %swap3A_93], %swap3A_96 {strides = array<i32>} : memref<128x16xf32, #tpu.memory_space<vmem>>, vector<1x16xf32>,
      %mul3A_97 = arith.constant 4 : i32
      %mul3A_98 = arith.muli %add3A_53, %mul3A_97 : i32
      %add3A_99 = arith.constant 2 : i32
      %add3A_100 = arith.addi %mul3A_98, %add3A_99 : i32
      %broadcast_in_dim3A_101 = arith.constant 0.000000e+00 : f32
      %broadcast_in_dim3A_102 = vector.broadcast %broadcast_in_dim3A_101 : f32 to vector<16xf32>
      %scan3A_103 = arith.constant 0 : i32
      %scan3A_104 = arith.constant 25 : i32
      %scan3A_105 = arith.addi %scan3A_103, %scan3A_104 : i32
      %scan3A_106 = arith.constant 1 : i32
      %scan3A_107:4 = scf.for %scan3A_806 = %scan3A_103 to %scan3A_105 step %scan3A_106 iter_args(%scan3A_807 = %broadcast_in_dim3A_102, %scan3A_808 = %broadcast_in_dim3A_102, %scan3A_809 = %broadcast_in_dim3A_102, %scan3A_810 = %broadcast_in_dim3A_102) -> (vector<16xf32>, vector<16xf32>, vector<16xf32>, vector<16xf32>)  : i32 {
        %mul3A_811 = arith.constant 8 : i32
        %mul3A_812 = arith.muli %scan3A_806, %mul3A_811 : i32
        %add3A_813 = arith.constant 400 : i32
        %add3A_814 = arith.addi %add3A_813, %mul3A_812 : i32
        %get3A = arith.index_cast %add3A_814 : i32 to index
        %get3A_815 = arith.constant 0 : index
        %get3A_816 = tpu.vector_load %arg6[%get3A, %get3A_815] {strides = array<i32>} : memref<800x16xf32, #tpu.memory_space<vmem>>, vector<1x16xf32>,
        %get3A_817 = vector.shape_cast %get3A_816 : vector<1x16xf32> to vector<16xf32>
        %add3A_818 = arith.addf %scan3A_807, %get3A_817 : vector<16xf32>
        %add3A_819 = arith.constant 4 : i32
        %add3A_820 = arith.addi %add3A_814, %add3A_819 : i32
        %get3A_821 = arith.index_cast %add3A_820 : i32 to index
        %get3A_822 = arith.constant 0 : index
        %get3A_823 = tpu.vector_load %arg6[%get3A_821, %get3A_822] {strides = array<i32>} : memref<800x16xf32, #tpu.memory_space<vmem>>, vector<1x16xf32>,
        %get3A_824 = vector.shape_cast %get3A_823 : vector<1x16xf32> to vector<16xf32>
        %add3A_825 = arith.addf %add3A_818, %get3A_824 : vector<16xf32>
        %add3A_826 = arith.constant 1 : i32
        %add3A_827 = arith.addi %add3A_814, %add3A_826 : i32
        %get3A_828 = arith.index_cast %add3A_827 : i32 to index
        %get3A_829 = arith.constant 0 : index
        %get3A_830 = tpu.vector_load %arg6[%get3A_828, %get3A_829] {strides = array<i32>} : memref<800x16xf32, #tpu.memory_space<vmem>>, vector<1x16xf32>,
        %get3A_831 = vector.shape_cast %get3A_830 : vector<1x16xf32> to vector<16xf32>
        %add3A_832 = arith.addf %scan3A_808, %get3A_831 : vector<16xf32>
        %add3A_833 = arith.constant 5 : i32
        %add3A_834 = arith.addi %add3A_814, %add3A_833 : i32
        %get3A_835 = arith.index_cast %add3A_834 : i32 to index
        %get3A_836 = arith.constant 0 : index
        %get3A_837 = tpu.vector_load %arg6[%get3A_835, %get3A_836] {strides = array<i32>} : memref<800x16xf32, #tpu.memory_space<vmem>>, vector<1x16xf32>,
        %get3A_838 = vector.shape_cast %get3A_837 : vector<1x16xf32> to vector<16xf32>
        %add3A_839 = arith.addf %add3A_832, %get3A_838 : vector<16xf32>
        %add3A_840 = arith.constant 2 : i32
        %add3A_841 = arith.addi %add3A_814, %add3A_840 : i32
        %get3A_842 = arith.index_cast %add3A_841 : i32 to index
        %get3A_843 = arith.constant 0 : index
        %get3A_844 = tpu.vector_load %arg6[%get3A_842, %get3A_843] {strides = array<i32>} : memref<800x16xf32, #tpu.memory_space<vmem>>, vector<1x16xf32>,
        %get3A_845 = vector.shape_cast %get3A_844 : vector<1x16xf32> to vector<16xf32>
        %add3A_846 = arith.addf %scan3A_809, %get3A_845 : vector<16xf32>
        %add3A_847 = arith.constant 6 : i32
        %add3A_848 = arith.addi %add3A_814, %add3A_847 : i32
        %get3A_849 = arith.index_cast %add3A_848 : i32 to index
        %get3A_850 = arith.constant 0 : index
        %get3A_851 = tpu.vector_load %arg6[%get3A_849, %get3A_850] {strides = array<i32>} : memref<800x16xf32, #tpu.memory_space<vmem>>, vector<1x16xf32>,
        %get3A_852 = vector.shape_cast %get3A_851 : vector<1x16xf32> to vector<16xf32>
        %add3A_853 = arith.addf %add3A_846, %get3A_852 : vector<16xf32>
        %add3A_854 = arith.constant 3 : i32
        %add3A_855 = arith.addi %add3A_814, %add3A_854 : i32
        %get3A_856 = arith.index_cast %add3A_855 : i32 to index
        %get3A_857 = arith.constant 0 : index
        %get3A_858 = tpu.vector_load %arg6[%get3A_856, %get3A_857] {strides = array<i32>} : memref<800x16xf32, #tpu.memory_space<vmem>>, vector<1x16xf32>,
        %get3A_859 = vector.shape_cast %get3A_858 : vector<1x16xf32> to vector<16xf32>
        %add3A_860 = arith.addf %scan3A_810, %get3A_859 : vector<16xf32>
        %add3A_861 = arith.constant 7 : i32
        %add3A_862 = arith.addi %add3A_814, %add3A_861 : i32
        %get3A_863 = arith.index_cast %add3A_862 : i32 to index
        %get3A_864 = arith.constant 0 : index
        %get3A_865 = tpu.vector_load %arg6[%get3A_863, %get3A_864] {strides = array<i32>} : memref<800x16xf32, #tpu.memory_space<vmem>>, vector<1x16xf32>,
        %get3A_866 = vector.shape_cast %get3A_865 : vector<1x16xf32> to vector<16xf32>
        %add3A_867 = arith.addf %add3A_860, %get3A_866 : vector<16xf32>
        scf.yield %add3A_825, %add3A_839, %add3A_853, %add3A_867 : vector<16xf32>, vector<16xf32>, vector<16xf32>, vector<16xf32>
      }
      %scan3A_108 = arith.constant 25 : i32
      %add3A_109 = arith.addf %scan3A_107#0, %scan3A_107#1 : vector<16xf32>
      %add3A_110 = arith.addf %scan3A_107#2, %scan3A_107#3 : vector<16xf32>
      %add3A_111 = arith.addf %add3A_109, %add3A_110 : vector<16xf32>
      %swap3A_112 = arith.index_cast %add3A_100 : i32 to index
      %swap3A_113 = arith.constant 0 : index
      %swap3A_114 = tpu.vector_load %arg14[%swap3A_112, %swap3A_113] {strides = array<i32>} : memref<128x16xf32, #tpu.memory_space<vmem>>, vector<1x16xf32>,
      %swap3A_115 = vector.shape_cast %swap3A_114 : vector<1x16xf32> to vector<16xf32>
      %swap3A_116 = vector.shape_cast %add3A_111 : vector<16xf32> to vector<1x16xf32>
      tpu.vector_store %arg14[%swap3A_112, %swap3A_113], %swap3A_116 {strides = array<i32>} : memref<128x16xf32, #tpu.memory_space<vmem>>, vector<1x16xf32>,
      %mul3A_117 = arith.constant 4 : i32
      %mul3A_118 = arith.muli %add3A_53, %mul3A_117 : i32
      %add3A_119 = arith.constant 3 : i32
      %add3A_120 = arith.addi %mul3A_118, %add3A_119 : i32
      %broadcast_in_dim3A_121 = arith.constant 0.000000e+00 : f32
      %broadcast_in_dim3A_122 = vector.broadcast %broadcast_in_dim3A_121 : f32 to vector<16xf32>
      %scan3A_123 = arith.constant 0 : i32
      %scan3A_124 = arith.constant 25 : i32
      %scan3A_125 = arith.addi %scan3A_123, %scan3A_124 : i32
      %scan3A_126 = arith.constant 1 : i32
      %scan3A_127:4 = scf.for %scan3A_806 = %scan3A_123 to %scan3A_125 step %scan3A_126 iter_args(%scan3A_807 = %broadcast_in_dim3A_122, %scan3A_808 = %broadcast_in_dim3A_122, %scan3A_809 = %broadcast_in_dim3A_122, %scan3A_810 = %broadcast_in_dim3A_122) -> (vector<16xf32>, vector<16xf32>, vector<16xf32>, vector<16xf32>)  : i32 {
        %mul3A_811 = arith.constant 8 : i32
        %mul3A_812 = arith.muli %scan3A_806, %mul3A_811 : i32
        %add3A_813 = arith.constant 600 : i32
        %add3A_814 = arith.addi %add3A_813, %mul3A_812 : i32
        %get3A = arith.index_cast %add3A_814 : i32 to index
        %get3A_815 = arith.constant 0 : index
        %get3A_816 = tpu.vector_load %arg6[%get3A, %get3A_815] {strides = array<i32>} : memref<800x16xf32, #tpu.memory_space<vmem>>, vector<1x16xf32>,
        %get3A_817 = vector.shape_cast %get3A_816 : vector<1x16xf32> to vector<16xf32>
        %add3A_818 = arith.addf %scan3A_807, %get3A_817 : vector<16xf32>
        %add3A_819 = arith.constant 4 : i32
        %add3A_820 = arith.addi %add3A_814, %add3A_819 : i32
        %get3A_821 = arith.index_cast %add3A_820 : i32 to index
        %get3A_822 = arith.constant 0 : index
        %get3A_823 = tpu.vector_load %arg6[%get3A_821, %get3A_822] {strides = array<i32>} : memref<800x16xf32, #tpu.memory_space<vmem>>, vector<1x16xf32>,
        %get3A_824 = vector.shape_cast %get3A_823 : vector<1x16xf32> to vector<16xf32>
        %add3A_825 = arith.addf %add3A_818, %get3A_824 : vector<16xf32>
        %add3A_826 = arith.constant 1 : i32
        %add3A_827 = arith.addi %add3A_814, %add3A_826 : i32
        %get3A_828 = arith.index_cast %add3A_827 : i32 to index
        %get3A_829 = arith.constant 0 : index
        %get3A_830 = tpu.vector_load %arg6[%get3A_828, %get3A_829] {strides = array<i32>} : memref<800x16xf32, #tpu.memory_space<vmem>>, vector<1x16xf32>,
        %get3A_831 = vector.shape_cast %get3A_830 : vector<1x16xf32> to vector<16xf32>
        %add3A_832 = arith.addf %scan3A_808, %get3A_831 : vector<16xf32>
        %add3A_833 = arith.constant 5 : i32
        %add3A_834 = arith.addi %add3A_814, %add3A_833 : i32
        %get3A_835 = arith.index_cast %add3A_834 : i32 to index
        %get3A_836 = arith.constant 0 : index
        %get3A_837 = tpu.vector_load %arg6[%get3A_835, %get3A_836] {strides = array<i32>} : memref<800x16xf32, #tpu.memory_space<vmem>>, vector<1x16xf32>,
        %get3A_838 = vector.shape_cast %get3A_837 : vector<1x16xf32> to vector<16xf32>
        %add3A_839 = arith.addf %add3A_832, %get3A_838 : vector<16xf32>
        %add3A_840 = arith.constant 2 : i32
        %add3A_841 = arith.addi %add3A_814, %add3A_840 : i32
        %get3A_842 = arith.index_cast %add3A_841 : i32 to index
        %get3A_843 = arith.constant 0 : index
        %get3A_844 = tpu.vector_load %arg6[%get3A_842, %get3A_843] {strides = array<i32>} : memref<800x16xf32, #tpu.memory_space<vmem>>, vector<1x16xf32>,
        %get3A_845 = vector.shape_cast %get3A_844 : vector<1x16xf32> to vector<16xf32>
        %add3A_846 = arith.addf %scan3A_809, %get3A_845 : vector<16xf32>
        %add3A_847 = arith.constant 6 : i32
        %add3A_848 = arith.addi %add3A_814, %add3A_847 : i32
        %get3A_849 = arith.index_cast %add3A_848 : i32 to index
        %get3A_850 = arith.constant 0 : index
        %get3A_851 = tpu.vector_load %arg6[%get3A_849, %get3A_850] {strides = array<i32>} : memref<800x16xf32, #tpu.memory_space<vmem>>, vector<1x16xf32>,
        %get3A_852 = vector.shape_cast %get3A_851 : vector<1x16xf32> to vector<16xf32>
        %add3A_853 = arith.addf %add3A_846, %get3A_852 : vector<16xf32>
        %add3A_854 = arith.constant 3 : i32
        %add3A_855 = arith.addi %add3A_814, %add3A_854 : i32
        %get3A_856 = arith.index_cast %add3A_855 : i32 to index
        %get3A_857 = arith.constant 0 : index
        %get3A_858 = tpu.vector_load %arg6[%get3A_856, %get3A_857] {strides = array<i32>} : memref<800x16xf32, #tpu.memory_space<vmem>>, vector<1x16xf32>,
        %get3A_859 = vector.shape_cast %get3A_858 : vector<1x16xf32> to vector<16xf32>
        %add3A_860 = arith.addf %scan3A_810, %get3A_859 : vector<16xf32>
        %add3A_861 = arith.constant 7 : i32
        %add3A_862 = arith.addi %add3A_814, %add3A_861 : i32
        %get3A_863 = arith.index_cast %add3A_862 : i32 to index
        %get3A_864 = arith.constant 0 : index
        %get3A_865 = tpu.vector_load %arg6[%get3A_863, %get3A_864] {strides = array<i32>} : memref<800x16xf32, #tpu.memory_space<vmem>>, vector<1x16xf32>,
        %get3A_866 = vector.shape_cast %get3A_865 : vector<1x16xf32> to vector<16xf32>
        %add3A_867 = arith.addf %add3A_860, %get3A_866 : vector<16xf32>
        scf.yield %add3A_825, %add3A_839, %add3A_853, %add3A_867 : vector<16xf32>, vector<16xf32>, vector<16xf32>, vector<16xf32>
      }
      %scan3A_128 = arith.constant 25 : i32
      %add3A_129 = arith.addf %scan3A_127#0, %scan3A_127#1 : vector<16xf32>
      %add3A_130 = arith.addf %scan3A_127#2, %scan3A_127#3 : vector<16xf32>
      %add3A_131 = arith.addf %add3A_129, %add3A_130 : vector<16xf32>
      %swap3A_132 = arith.index_cast %add3A_120 : i32 to index
      %swap3A_133 = arith.constant 0 : index
      %swap3A_134 = tpu.vector_load %arg14[%swap3A_132, %swap3A_133] {strides = array<i32>} : memref<128x16xf32, #tpu.memory_space<vmem>>, vector<1x16xf32>,
      %swap3A_135 = vector.shape_cast %swap3A_134 : vector<1x16xf32> to vector<16xf32>
      %swap3A_136 = vector.shape_cast %add3A_131 : vector<16xf32> to vector<1x16xf32>
      tpu.vector_store %arg14[%swap3A_132, %swap3A_133], %swap3A_136 {strides = array<i32>} : memref<128x16xf32, #tpu.memory_space<vmem>>, vector<1x16xf32>,
      %add3A_137 = arith.constant 8 : i32
      %add3A_138 = arith.addi %add3A_53, %add3A_137 : i32
      %lt3A = arith.constant 32 : i32
      %lt3A_139 = arith.cmpi slt, %add3A_138, %lt3A : i32
      %convert_element_type3A = arith.extui %lt3A_139 : i1 to i32
      %cond3A = arith.constant 0 : i32
      %cond3A_140 = arith.cmpi ne, %convert_element_type3A, %cond3A : i32
      scf.if %cond3A_140 {
        %add3A_806 = arith.constant 8 : i32
        %add3A_807 = arith.addi %add3A_53, %add3A_806 : i32
        %mul3A_808 = arith.constant 800 : i32
        %mul3A_809 = arith.muli %add3A_807, %mul3A_808 : i32
        %dma_start3A_810 = tpu.memref_slice %arg5[%mul3A_809] : memref<25600xi32, #tpu.memory_space<vmem>> -> memref<800xi32, #tpu.memory_space<vmem>>
        %dma_start3A_811 = arith.constant 0 : i32
        %dma_start3A_812 = arith.constant 0 : i32
        %dma_start3A_813 = tpu.memref_slice %arg3[%dma_start3A_811, %dma_start3A_812] : memref<1000000x16xf32, #tpu.memory_space<hbm>> -> memref<1000000x16xf32, #tpu.memory_space<hbm>>
        tpu.enqueue_indirect_dma source(%dma_start3A_813 : memref<1000000x16xf32, #tpu.memory_space<hbm>>) target(%arg6 : memref<800x16xf32, #tpu.memory_space<vmem>>) offsets(%dma_start3A_810 : memref<800xi32, #tpu.memory_space<vmem>>) semaphore(%arg15 : memref<!tpu.dma_semaphore, #tpu.memory_space<semaphore_mem>>)
      } else {
      }
      %add3A_141 = arith.constant 1 : i32
      %add3A_142 = arith.addi %mul3A_51, %add3A_141 : i32
      %mul3A_143 = arith.constant 800 : i32
      %mul3A_144 = arith.muli %add3A_142, %mul3A_143 : i32
      %dma_wait3A_145 = tpu.memref_slice %arg5[%mul3A_144] : memref<25600xi32, #tpu.memory_space<vmem>> -> memref<800xi32, #tpu.memory_space<vmem>>
      %dma_wait3A_146 = arith.constant 0 : i32
      %dma_wait3A_147 = arith.constant 0 : i32
      %dma_wait3A_148 = tpu.memref_slice %arg3[%dma_wait3A_146, %dma_wait3A_147] : memref<1000000x16xf32, #tpu.memory_space<hbm>> -> memref<1000000x16xf32, #tpu.memory_space<hbm>>
      tpu.wait_indirect_dma semaphore(%arg16 : memref<!tpu.dma_semaphore, #tpu.memory_space<semaphore_mem>>) src(%dma_wait3A_148 : memref<1000000x16xf32, #tpu.memory_space<hbm>>) dst(%arg7 : memref<800x16xf32, #tpu.memory_space<vmem>>)
      %mul3A_149 = arith.constant 4 : i32
      %mul3A_150 = arith.muli %add3A_142, %mul3A_149 : i32
      %add3A_151 = arith.constant 0 : i32
      %add3A_152 = arith.addi %mul3A_150, %add3A_151 : i32
      %broadcast_in_dim3A_153 = arith.constant 0.000000e+00 : f32
      %broadcast_in_dim3A_154 = vector.broadcast %broadcast_in_dim3A_153 : f32 to vector<16xf32>
      %scan3A_155 = arith.constant 0 : i32
      %scan3A_156 = arith.constant 25 : i32
      %scan3A_157 = arith.addi %scan3A_155, %scan3A_156 : i32
      %scan3A_158 = arith.constant 1 : i32
      %scan3A_159:4 = scf.for %scan3A_806 = %scan3A_155 to %scan3A_157 step %scan3A_158 iter_args(%scan3A_807 = %broadcast_in_dim3A_154, %scan3A_808 = %broadcast_in_dim3A_154, %scan3A_809 = %broadcast_in_dim3A_154, %scan3A_810 = %broadcast_in_dim3A_154) -> (vector<16xf32>, vector<16xf32>, vector<16xf32>, vector<16xf32>)  : i32 {
        %mul3A_811 = arith.constant 8 : i32
        %mul3A_812 = arith.muli %scan3A_806, %mul3A_811 : i32
        %add3A_813 = arith.constant 0 : i32
        %add3A_814 = arith.addi %add3A_813, %mul3A_812 : i32
        %get3A = arith.index_cast %add3A_814 : i32 to index
        %get3A_815 = arith.constant 0 : index
        %get3A_816 = tpu.vector_load %arg7[%get3A, %get3A_815] {strides = array<i32>} : memref<800x16xf32, #tpu.memory_space<vmem>>, vector<1x16xf32>,
        %get3A_817 = vector.shape_cast %get3A_816 : vector<1x16xf32> to vector<16xf32>
        %add3A_818 = arith.addf %scan3A_807, %get3A_817 : vector<16xf32>
        %add3A_819 = arith.constant 4 : i32
        %add3A_820 = arith.addi %add3A_814, %add3A_819 : i32
        %get3A_821 = arith.index_cast %add3A_820 : i32 to index
        %get3A_822 = arith.constant 0 : index
        %get3A_823 = tpu.vector_load %arg7[%get3A_821, %get3A_822] {strides = array<i32>} : memref<800x16xf32, #tpu.memory_space<vmem>>, vector<1x16xf32>,
        %get3A_824 = vector.shape_cast %get3A_823 : vector<1x16xf32> to vector<16xf32>
        %add3A_825 = arith.addf %add3A_818, %get3A_824 : vector<16xf32>
        %add3A_826 = arith.constant 1 : i32
        %add3A_827 = arith.addi %add3A_814, %add3A_826 : i32
        %get3A_828 = arith.index_cast %add3A_827 : i32 to index
        %get3A_829 = arith.constant 0 : index
        %get3A_830 = tpu.vector_load %arg7[%get3A_828, %get3A_829] {strides = array<i32>} : memref<800x16xf32, #tpu.memory_space<vmem>>, vector<1x16xf32>,
        %get3A_831 = vector.shape_cast %get3A_830 : vector<1x16xf32> to vector<16xf32>
        %add3A_832 = arith.addf %scan3A_808, %get3A_831 : vector<16xf32>
        %add3A_833 = arith.constant 5 : i32
        %add3A_834 = arith.addi %add3A_814, %add3A_833 : i32
        %get3A_835 = arith.index_cast %add3A_834 : i32 to index
        %get3A_836 = arith.constant 0 : index
        %get3A_837 = tpu.vector_load %arg7[%get3A_835, %get3A_836] {strides = array<i32>} : memref<800x16xf32, #tpu.memory_space<vmem>>, vector<1x16xf32>,
        %get3A_838 = vector.shape_cast %get3A_837 : vector<1x16xf32> to vector<16xf32>
        %add3A_839 = arith.addf %add3A_832, %get3A_838 : vector<16xf32>
        %add3A_840 = arith.constant 2 : i32
        %add3A_841 = arith.addi %add3A_814, %add3A_840 : i32
        %get3A_842 = arith.index_cast %add3A_841 : i32 to index
        %get3A_843 = arith.constant 0 : index
        %get3A_844 = tpu.vector_load %arg7[%get3A_842, %get3A_843] {strides = array<i32>} : memref<800x16xf32, #tpu.memory_space<vmem>>, vector<1x16xf32>,
        %get3A_845 = vector.shape_cast %get3A_844 : vector<1x16xf32> to vector<16xf32>
        %add3A_846 = arith.addf %scan3A_809, %get3A_845 : vector<16xf32>
        %add3A_847 = arith.constant 6 : i32
        %add3A_848 = arith.addi %add3A_814, %add3A_847 : i32
        %get3A_849 = arith.index_cast %add3A_848 : i32 to index
        %get3A_850 = arith.constant 0 : index
        %get3A_851 = tpu.vector_load %arg7[%get3A_849, %get3A_850] {strides = array<i32>} : memref<800x16xf32, #tpu.memory_space<vmem>>, vector<1x16xf32>,
        %get3A_852 = vector.shape_cast %get3A_851 : vector<1x16xf32> to vector<16xf32>
        %add3A_853 = arith.addf %add3A_846, %get3A_852 : vector<16xf32>
        %add3A_854 = arith.constant 3 : i32
        %add3A_855 = arith.addi %add3A_814, %add3A_854 : i32
        %get3A_856 = arith.index_cast %add3A_855 : i32 to index
        %get3A_857 = arith.constant 0 : index
        %get3A_858 = tpu.vector_load %arg7[%get3A_856, %get3A_857] {strides = array<i32>} : memref<800x16xf32, #tpu.memory_space<vmem>>, vector<1x16xf32>,
        %get3A_859 = vector.shape_cast %get3A_858 : vector<1x16xf32> to vector<16xf32>
        %add3A_860 = arith.addf %scan3A_810, %get3A_859 : vector<16xf32>
        %add3A_861 = arith.constant 7 : i32
        %add3A_862 = arith.addi %add3A_814, %add3A_861 : i32
        %get3A_863 = arith.index_cast %add3A_862 : i32 to index
        %get3A_864 = arith.constant 0 : index
        %get3A_865 = tpu.vector_load %arg7[%get3A_863, %get3A_864] {strides = array<i32>} : memref<800x16xf32, #tpu.memory_space<vmem>>, vector<1x16xf32>,
        %get3A_866 = vector.shape_cast %get3A_865 : vector<1x16xf32> to vector<16xf32>
        %add3A_867 = arith.addf %add3A_860, %get3A_866 : vector<16xf32>
        scf.yield %add3A_825, %add3A_839, %add3A_853, %add3A_867 : vector<16xf32>, vector<16xf32>, vector<16xf32>, vector<16xf32>
      }
      %scan3A_160 = arith.constant 25 : i32
      %add3A_161 = arith.addf %scan3A_159#0, %scan3A_159#1 : vector<16xf32>
      %add3A_162 = arith.addf %scan3A_159#2, %scan3A_159#3 : vector<16xf32>
      %add3A_163 = arith.addf %add3A_161, %add3A_162 : vector<16xf32>
      %swap3A_164 = arith.index_cast %add3A_152 : i32 to index
      %swap3A_165 = arith.constant 0 : index
      %swap3A_166 = tpu.vector_load %arg14[%swap3A_164, %swap3A_165] {strides = array<i32>} : memref<128x16xf32, #tpu.memory_space<vmem>>, vector<1x16xf32>,
      %swap3A_167 = vector.shape_cast %swap3A_166 : vector<1x16xf32> to vector<16xf32>
      %swap3A_168 = vector.shape_cast %add3A_163 : vector<16xf32> to vector<1x16xf32>
      tpu.vector_store %arg14[%swap3A_164, %swap3A_165], %swap3A_168 {strides = array<i32>} : memref<128x16xf32, #tpu.memory_space<vmem>>, vector<1x16xf32>,
      %mul3A_169 = arith.constant 4 : i32
      %mul3A_170 = arith.muli %add3A_142, %mul3A_169 : i32
      %add3A_171 = arith.constant 1 : i32
      %add3A_172 = arith.addi %mul3A_170, %add3A_171 : i32
      %broadcast_in_dim3A_173 = arith.constant 0.000000e+00 : f32
      %broadcast_in_dim3A_174 = vector.broadcast %broadcast_in_dim3A_173 : f32 to vector<16xf32>
      %scan3A_175 = arith.constant 0 : i32
      %scan3A_176 = arith.constant 25 : i32
      %scan3A_177 = arith.addi %scan3A_175, %scan3A_176 : i32
      %scan3A_178 = arith.constant 1 : i32
      %scan3A_179:4 = scf.for %scan3A_806 = %scan3A_175 to %scan3A_177 step %scan3A_178 iter_args(%scan3A_807 = %broadcast_in_dim3A_174, %scan3A_808 = %broadcast_in_dim3A_174, %scan3A_809 = %broadcast_in_dim3A_174, %scan3A_810 = %broadcast_in_dim3A_174) -> (vector<16xf32>, vector<16xf32>, vector<16xf32>, vector<16xf32>)  : i32 {
        %mul3A_811 = arith.constant 8 : i32
        %mul3A_812 = arith.muli %scan3A_806, %mul3A_811 : i32
        %add3A_813 = arith.constant 200 : i32
        %add3A_814 = arith.addi %add3A_813, %mul3A_812 : i32
        %get3A = arith.index_cast %add3A_814 : i32 to index
        %get3A_815 = arith.constant 0 : index
        %get3A_816 = tpu.vector_load %arg7[%get3A, %get3A_815] {strides = array<i32>} : memref<800x16xf32, #tpu.memory_space<vmem>>, vector<1x16xf32>,
        %get3A_817 = vector.shape_cast %get3A_816 : vector<1x16xf32> to vector<16xf32>
        %add3A_818 = arith.addf %scan3A_807, %get3A_817 : vector<16xf32>
        %add3A_819 = arith.constant 4 : i32
        %add3A_820 = arith.addi %add3A_814, %add3A_819 : i32
        %get3A_821 = arith.index_cast %add3A_820 : i32 to index
        %get3A_822 = arith.constant 0 : index
        %get3A_823 = tpu.vector_load %arg7[%get3A_821, %get3A_822] {strides = array<i32>} : memref<800x16xf32, #tpu.memory_space<vmem>>, vector<1x16xf32>,
        %get3A_824 = vector.shape_cast %get3A_823 : vector<1x16xf32> to vector<16xf32>
        %add3A_825 = arith.addf %add3A_818, %get3A_824 : vector<16xf32>
        %add3A_826 = arith.constant 1 : i32
        %add3A_827 = arith.addi %add3A_814, %add3A_826 : i32
        %get3A_828 = arith.index_cast %add3A_827 : i32 to index
        %get3A_829 = arith.constant 0 : index
        %get3A_830 = tpu.vector_load %arg7[%get3A_828, %get3A_829] {strides = array<i32>} : memref<800x16xf32, #tpu.memory_space<vmem>>, vector<1x16xf32>,
        %get3A_831 = vector.shape_cast %get3A_830 : vector<1x16xf32> to vector<16xf32>
        %add3A_832 = arith.addf %scan3A_808, %get3A_831 : vector<16xf32>
        %add3A_833 = arith.constant 5 : i32
        %add3A_834 = arith.addi %add3A_814, %add3A_833 : i32
        %get3A_835 = arith.index_cast %add3A_834 : i32 to index
        %get3A_836 = arith.constant 0 : index
        %get3A_837 = tpu.vector_load %arg7[%get3A_835, %get3A_836] {strides = array<i32>} : memref<800x16xf32, #tpu.memory_space<vmem>>, vector<1x16xf32>,
        %get3A_838 = vector.shape_cast %get3A_837 : vector<1x16xf32> to vector<16xf32>
        %add3A_839 = arith.addf %add3A_832, %get3A_838 : vector<16xf32>
        %add3A_840 = arith.constant 2 : i32
        %add3A_841 = arith.addi %add3A_814, %add3A_840 : i32
        %get3A_842 = arith.index_cast %add3A_841 : i32 to index
        %get3A_843 = arith.constant 0 : index
        %get3A_844 = tpu.vector_load %arg7[%get3A_842, %get3A_843] {strides = array<i32>} : memref<800x16xf32, #tpu.memory_space<vmem>>, vector<1x16xf32>,
        %get3A_845 = vector.shape_cast %get3A_844 : vector<1x16xf32> to vector<16xf32>
        %add3A_846 = arith.addf %scan3A_809, %get3A_845 : vector<16xf32>
        %add3A_847 = arith.constant 6 : i32
        %add3A_848 = arith.addi %add3A_814, %add3A_847 : i32
        %get3A_849 = arith.index_cast %add3A_848 : i32 to index
        %get3A_850 = arith.constant 0 : index
        %get3A_851 = tpu.vector_load %arg7[%get3A_849, %get3A_850] {strides = array<i32>} : memref<800x16xf32, #tpu.memory_space<vmem>>, vector<1x16xf32>,
        %get3A_852 = vector.shape_cast %get3A_851 : vector<1x16xf32> to vector<16xf32>
        %add3A_853 = arith.addf %add3A_846, %get3A_852 : vector<16xf32>
        %add3A_854 = arith.constant 3 : i32
        %add3A_855 = arith.addi %add3A_814, %add3A_854 : i32
        %get3A_856 = arith.index_cast %add3A_855 : i32 to index
        %get3A_857 = arith.constant 0 : index
        %get3A_858 = tpu.vector_load %arg7[%get3A_856, %get3A_857] {strides = array<i32>} : memref<800x16xf32, #tpu.memory_space<vmem>>, vector<1x16xf32>,
        %get3A_859 = vector.shape_cast %get3A_858 : vector<1x16xf32> to vector<16xf32>
        %add3A_860 = arith.addf %scan3A_810, %get3A_859 : vector<16xf32>
        %add3A_861 = arith.constant 7 : i32
        %add3A_862 = arith.addi %add3A_814, %add3A_861 : i32
        %get3A_863 = arith.index_cast %add3A_862 : i32 to index
        %get3A_864 = arith.constant 0 : index
        %get3A_865 = tpu.vector_load %arg7[%get3A_863, %get3A_864] {strides = array<i32>} : memref<800x16xf32, #tpu.memory_space<vmem>>, vector<1x16xf32>,
        %get3A_866 = vector.shape_cast %get3A_865 : vector<1x16xf32> to vector<16xf32>
        %add3A_867 = arith.addf %add3A_860, %get3A_866 : vector<16xf32>
        scf.yield %add3A_825, %add3A_839, %add3A_853, %add3A_867 : vector<16xf32>, vector<16xf32>, vector<16xf32>, vector<16xf32>
      }
      %scan3A_180 = arith.constant 25 : i32
      %add3A_181 = arith.addf %scan3A_179#0, %scan3A_179#1 : vector<16xf32>
      %add3A_182 = arith.addf %scan3A_179#2, %scan3A_179#3 : vector<16xf32>
      %add3A_183 = arith.addf %add3A_181, %add3A_182 : vector<16xf32>
      %swap3A_184 = arith.index_cast %add3A_172 : i32 to index
      %swap3A_185 = arith.constant 0 : index
      %swap3A_186 = tpu.vector_load %arg14[%swap3A_184, %swap3A_185] {strides = array<i32>} : memref<128x16xf32, #tpu.memory_space<vmem>>, vector<1x16xf32>,
      %swap3A_187 = vector.shape_cast %swap3A_186 : vector<1x16xf32> to vector<16xf32>
      %swap3A_188 = vector.shape_cast %add3A_183 : vector<16xf32> to vector<1x16xf32>
      tpu.vector_store %arg14[%swap3A_184, %swap3A_185], %swap3A_188 {strides = array<i32>} : memref<128x16xf32, #tpu.memory_space<vmem>>, vector<1x16xf32>,
      %mul3A_189 = arith.constant 4 : i32
      %mul3A_190 = arith.muli %add3A_142, %mul3A_189 : i32
      %add3A_191 = arith.constant 2 : i32
      %add3A_192 = arith.addi %mul3A_190, %add3A_191 : i32
      %broadcast_in_dim3A_193 = arith.constant 0.000000e+00 : f32
      %broadcast_in_dim3A_194 = vector.broadcast %broadcast_in_dim3A_193 : f32 to vector<16xf32>
      %scan3A_195 = arith.constant 0 : i32
      %scan3A_196 = arith.constant 25 : i32
      %scan3A_197 = arith.addi %scan3A_195, %scan3A_196 : i32
      %scan3A_198 = arith.constant 1 : i32
      %scan3A_199:4 = scf.for %scan3A_806 = %scan3A_195 to %scan3A_197 step %scan3A_198 iter_args(%scan3A_807 = %broadcast_in_dim3A_194, %scan3A_808 = %broadcast_in_dim3A_194, %scan3A_809 = %broadcast_in_dim3A_194, %scan3A_810 = %broadcast_in_dim3A_194) -> (vector<16xf32>, vector<16xf32>, vector<16xf32>, vector<16xf32>)  : i32 {
        %mul3A_811 = arith.constant 8 : i32
        %mul3A_812 = arith.muli %scan3A_806, %mul3A_811 : i32
        %add3A_813 = arith.constant 400 : i32
        %add3A_814 = arith.addi %add3A_813, %mul3A_812 : i32
        %get3A = arith.index_cast %add3A_814 : i32 to index
        %get3A_815 = arith.constant 0 : index
        %get3A_816 = tpu.vector_load %arg7[%get3A, %get3A_815] {strides = array<i32>} : memref<800x16xf32, #tpu.memory_space<vmem>>, vector<1x16xf32>,
        %get3A_817 = vector.shape_cast %get3A_816 : vector<1x16xf32> to vector<16xf32>
        %add3A_818 = arith.addf %scan3A_807, %get3A_817 : vector<16xf32>
        %add3A_819 = arith.constant 4 : i32
        %add3A_820 = arith.addi %add3A_814, %add3A_819 : i32
        %get3A_821 = arith.index_cast %add3A_820 : i32 to index
        %get3A_822 = arith.constant 0 : index
        %get3A_823 = tpu.vector_load %arg7[%get3A_821, %get3A_822] {strides = array<i32>} : memref<800x16xf32, #tpu.memory_space<vmem>>, vector<1x16xf32>,
        %get3A_824 = vector.shape_cast %get3A_823 : vector<1x16xf32> to vector<16xf32>
        %add3A_825 = arith.addf %add3A_818, %get3A_824 : vector<16xf32>
        %add3A_826 = arith.constant 1 : i32
        %add3A_827 = arith.addi %add3A_814, %add3A_826 : i32
        %get3A_828 = arith.index_cast %add3A_827 : i32 to index
        %get3A_829 = arith.constant 0 : index
        %get3A_830 = tpu.vector_load %arg7[%get3A_828, %get3A_829] {strides = array<i32>} : memref<800x16xf32, #tpu.memory_space<vmem>>, vector<1x16xf32>,
        %get3A_831 = vector.shape_cast %get3A_830 : vector<1x16xf32> to vector<16xf32>
        %add3A_832 = arith.addf %scan3A_808, %get3A_831 : vector<16xf32>
        %add3A_833 = arith.constant 5 : i32
        %add3A_834 = arith.addi %add3A_814, %add3A_833 : i32
        %get3A_835 = arith.index_cast %add3A_834 : i32 to index
        %get3A_836 = arith.constant 0 : index
        %get3A_837 = tpu.vector_load %arg7[%get3A_835, %get3A_836] {strides = array<i32>} : memref<800x16xf32, #tpu.memory_space<vmem>>, vector<1x16xf32>,
        %get3A_838 = vector.shape_cast %get3A_837 : vector<1x16xf32> to vector<16xf32>
        %add3A_839 = arith.addf %add3A_832, %get3A_838 : vector<16xf32>
        %add3A_840 = arith.constant 2 : i32
        %add3A_841 = arith.addi %add3A_814, %add3A_840 : i32
        %get3A_842 = arith.index_cast %add3A_841 : i32 to index
        %get3A_843 = arith.constant 0 : index
        %get3A_844 = tpu.vector_load %arg7[%get3A_842, %get3A_843] {strides = array<i32>} : memref<800x16xf32, #tpu.memory_space<vmem>>, vector<1x16xf32>,
        %get3A_845 = vector.shape_cast %get3A_844 : vector<1x16xf32> to vector<16xf32>
        %add3A_846 = arith.addf %scan3A_809, %get3A_845 : vector<16xf32>
        %add3A_847 = arith.constant 6 : i32
        %add3A_848 = arith.addi %add3A_814, %add3A_847 : i32
        %get3A_849 = arith.index_cast %add3A_848 : i32 to index
        %get3A_850 = arith.constant 0 : index
        %get3A_851 = tpu.vector_load %arg7[%get3A_849, %get3A_850] {strides = array<i32>} : memref<800x16xf32, #tpu.memory_space<vmem>>, vector<1x16xf32>,
        %get3A_852 = vector.shape_cast %get3A_851 : vector<1x16xf32> to vector<16xf32>
        %add3A_853 = arith.addf %add3A_846, %get3A_852 : vector<16xf32>
        %add3A_854 = arith.constant 3 : i32
        %add3A_855 = arith.addi %add3A_814, %add3A_854 : i32
        %get3A_856 = arith.index_cast %add3A_855 : i32 to index
        %get3A_857 = arith.constant 0 : index
        %get3A_858 = tpu.vector_load %arg7[%get3A_856, %get3A_857] {strides = array<i32>} : memref<800x16xf32, #tpu.memory_space<vmem>>, vector<1x16xf32>,
        %get3A_859 = vector.shape_cast %get3A_858 : vector<1x16xf32> to vector<16xf32>
        %add3A_860 = arith.addf %scan3A_810, %get3A_859 : vector<16xf32>
        %add3A_861 = arith.constant 7 : i32
        %add3A_862 = arith.addi %add3A_814, %add3A_861 : i32
        %get3A_863 = arith.index_cast %add3A_862 : i32 to index
        %get3A_864 = arith.constant 0 : index
        %get3A_865 = tpu.vector_load %arg7[%get3A_863, %get3A_864] {strides = array<i32>} : memref<800x16xf32, #tpu.memory_space<vmem>>, vector<1x16xf32>,
        %get3A_866 = vector.shape_cast %get3A_865 : vector<1x16xf32> to vector<16xf32>
        %add3A_867 = arith.addf %add3A_860, %get3A_866 : vector<16xf32>
        scf.yield %add3A_825, %add3A_839, %add3A_853, %add3A_867 : vector<16xf32>, vector<16xf32>, vector<16xf32>, vector<16xf32>
      }
      %scan3A_200 = arith.constant 25 : i32
      %add3A_201 = arith.addf %scan3A_199#0, %scan3A_199#1 : vector<16xf32>
      %add3A_202 = arith.addf %scan3A_199#2, %scan3A_199#3 : vector<16xf32>
      %add3A_203 = arith.addf %add3A_201, %add3A_202 : vector<16xf32>
      %swap3A_204 = arith.index_cast %add3A_192 : i32 to index
      %swap3A_205 = arith.constant 0 : index
      %swap3A_206 = tpu.vector_load %arg14[%swap3A_204, %swap3A_205] {strides = array<i32>} : memref<128x16xf32, #tpu.memory_space<vmem>>, vector<1x16xf32>,
      %swap3A_207 = vector.shape_cast %swap3A_206 : vector<1x16xf32> to vector<16xf32>
      %swap3A_208 = vector.shape_cast %add3A_203 : vector<16xf32> to vector<1x16xf32>
      tpu.vector_store %arg14[%swap3A_204, %swap3A_205], %swap3A_208 {strides = array<i32>} : memref<128x16xf32, #tpu.memory_space<vmem>>, vector<1x16xf32>,
      %mul3A_209 = arith.constant 4 : i32
      %mul3A_210 = arith.muli %add3A_142, %mul3A_209 : i32
      %add3A_211 = arith.constant 3 : i32
      %add3A_212 = arith.addi %mul3A_210, %add3A_211 : i32
      %broadcast_in_dim3A_213 = arith.constant 0.000000e+00 : f32
      %broadcast_in_dim3A_214 = vector.broadcast %broadcast_in_dim3A_213 : f32 to vector<16xf32>
      %scan3A_215 = arith.constant 0 : i32
      %scan3A_216 = arith.constant 25 : i32
      %scan3A_217 = arith.addi %scan3A_215, %scan3A_216 : i32
      %scan3A_218 = arith.constant 1 : i32
      %scan3A_219:4 = scf.for %scan3A_806 = %scan3A_215 to %scan3A_217 step %scan3A_218 iter_args(%scan3A_807 = %broadcast_in_dim3A_214, %scan3A_808 = %broadcast_in_dim3A_214, %scan3A_809 = %broadcast_in_dim3A_214, %scan3A_810 = %broadcast_in_dim3A_214) -> (vector<16xf32>, vector<16xf32>, vector<16xf32>, vector<16xf32>)  : i32 {
        %mul3A_811 = arith.constant 8 : i32
        %mul3A_812 = arith.muli %scan3A_806, %mul3A_811 : i32
        %add3A_813 = arith.constant 600 : i32
        %add3A_814 = arith.addi %add3A_813, %mul3A_812 : i32
        %get3A = arith.index_cast %add3A_814 : i32 to index
        %get3A_815 = arith.constant 0 : index
        %get3A_816 = tpu.vector_load %arg7[%get3A, %get3A_815] {strides = array<i32>} : memref<800x16xf32, #tpu.memory_space<vmem>>, vector<1x16xf32>,
        %get3A_817 = vector.shape_cast %get3A_816 : vector<1x16xf32> to vector<16xf32>
        %add3A_818 = arith.addf %scan3A_807, %get3A_817 : vector<16xf32>
        %add3A_819 = arith.constant 4 : i32
        %add3A_820 = arith.addi %add3A_814, %add3A_819 : i32
        %get3A_821 = arith.index_cast %add3A_820 : i32 to index
        %get3A_822 = arith.constant 0 : index
        %get3A_823 = tpu.vector_load %arg7[%get3A_821, %get3A_822] {strides = array<i32>} : memref<800x16xf32, #tpu.memory_space<vmem>>, vector<1x16xf32>,
        %get3A_824 = vector.shape_cast %get3A_823 : vector<1x16xf32> to vector<16xf32>
        %add3A_825 = arith.addf %add3A_818, %get3A_824 : vector<16xf32>
        %add3A_826 = arith.constant 1 : i32
        %add3A_827 = arith.addi %add3A_814, %add3A_826 : i32
        %get3A_828 = arith.index_cast %add3A_827 : i32 to index
        %get3A_829 = arith.constant 0 : index
        %get3A_830 = tpu.vector_load %arg7[%get3A_828, %get3A_829] {strides = array<i32>} : memref<800x16xf32, #tpu.memory_space<vmem>>, vector<1x16xf32>,
        %get3A_831 = vector.shape_cast %get3A_830 : vector<1x16xf32> to vector<16xf32>
        %add3A_832 = arith.addf %scan3A_808, %get3A_831 : vector<16xf32>
        %add3A_833 = arith.constant 5 : i32
        %add3A_834 = arith.addi %add3A_814, %add3A_833 : i32
        %get3A_835 = arith.index_cast %add3A_834 : i32 to index
        %get3A_836 = arith.constant 0 : index
        %get3A_837 = tpu.vector_load %arg7[%get3A_835, %get3A_836] {strides = array<i32>} : memref<800x16xf32, #tpu.memory_space<vmem>>, vector<1x16xf32>,
        %get3A_838 = vector.shape_cast %get3A_837 : vector<1x16xf32> to vector<16xf32>
        %add3A_839 = arith.addf %add3A_832, %get3A_838 : vector<16xf32>
        %add3A_840 = arith.constant 2 : i32
        %add3A_841 = arith.addi %add3A_814, %add3A_840 : i32
        %get3A_842 = arith.index_cast %add3A_841 : i32 to index
        %get3A_843 = arith.constant 0 : index
        %get3A_844 = tpu.vector_load %arg7[%get3A_842, %get3A_843] {strides = array<i32>} : memref<800x16xf32, #tpu.memory_space<vmem>>, vector<1x16xf32>,
        %get3A_845 = vector.shape_cast %get3A_844 : vector<1x16xf32> to vector<16xf32>
        %add3A_846 = arith.addf %scan3A_809, %get3A_845 : vector<16xf32>
        %add3A_847 = arith.constant 6 : i32
        %add3A_848 = arith.addi %add3A_814, %add3A_847 : i32
        %get3A_849 = arith.index_cast %add3A_848 : i32 to index
        %get3A_850 = arith.constant 0 : index
        %get3A_851 = tpu.vector_load %arg7[%get3A_849, %get3A_850] {strides = array<i32>} : memref<800x16xf32, #tpu.memory_space<vmem>>, vector<1x16xf32>,
        %get3A_852 = vector.shape_cast %get3A_851 : vector<1x16xf32> to vector<16xf32>
        %add3A_853 = arith.addf %add3A_846, %get3A_852 : vector<16xf32>
        %add3A_854 = arith.constant 3 : i32
        %add3A_855 = arith.addi %add3A_814, %add3A_854 : i32
        %get3A_856 = arith.index_cast %add3A_855 : i32 to index
        %get3A_857 = arith.constant 0 : index
        %get3A_858 = tpu.vector_load %arg7[%get3A_856, %get3A_857] {strides = array<i32>} : memref<800x16xf32, #tpu.memory_space<vmem>>, vector<1x16xf32>,
        %get3A_859 = vector.shape_cast %get3A_858 : vector<1x16xf32> to vector<16xf32>
        %add3A_860 = arith.addf %scan3A_810, %get3A_859 : vector<16xf32>
        %add3A_861 = arith.constant 7 : i32
        %add3A_862 = arith.addi %add3A_814, %add3A_861 : i32
        %get3A_863 = arith.index_cast %add3A_862 : i32 to index
        %get3A_864 = arith.constant 0 : index
        %get3A_865 = tpu.vector_load %arg7[%get3A_863, %get3A_864] {strides = array<i32>} : memref<800x16xf32, #tpu.memory_space<vmem>>, vector<1x16xf32>,
        %get3A_866 = vector.shape_cast %get3A_865 : vector<1x16xf32> to vector<16xf32>
        %add3A_867 = arith.addf %add3A_860, %get3A_866 : vector<16xf32>
        scf.yield %add3A_825, %add3A_839, %add3A_853, %add3A_867 : vector<16xf32>, vector<16xf32>, vector<16xf32>, vector<16xf32>
      }
      %scan3A_220 = arith.constant 25 : i32
      %add3A_221 = arith.addf %scan3A_219#0, %scan3A_219#1 : vector<16xf32>
      %add3A_222 = arith.addf %scan3A_219#2, %scan3A_219#3 : vector<16xf32>
      %add3A_223 = arith.addf %add3A_221, %add3A_222 : vector<16xf32>
      %swap3A_224 = arith.index_cast %add3A_212 : i32 to index
      %swap3A_225 = arith.constant 0 : index
      %swap3A_226 = tpu.vector_load %arg14[%swap3A_224, %swap3A_225] {strides = array<i32>} : memref<128x16xf32, #tpu.memory_space<vmem>>, vector<1x16xf32>,
      %swap3A_227 = vector.shape_cast %swap3A_226 : vector<1x16xf32> to vector<16xf32>
      %swap3A_228 = vector.shape_cast %add3A_223 : vector<16xf32> to vector<1x16xf32>
      tpu.vector_store %arg14[%swap3A_224, %swap3A_225], %swap3A_228 {strides = array<i32>} : memref<128x16xf32, #tpu.memory_space<vmem>>, vector<1x16xf32>,
      %add3A_229 = arith.constant 8 : i32
      %add3A_230 = arith.addi %add3A_142, %add3A_229 : i32
      %lt3A_231 = arith.constant 32 : i32
      %lt3A_232 = arith.cmpi slt, %add3A_230, %lt3A_231 : i32
      %convert_element_type3A_233 = arith.extui %lt3A_232 : i1 to i32
      %cond3A_234 = arith.constant 0 : i32
      %cond3A_235 = arith.cmpi ne, %convert_element_type3A_233, %cond3A_234 : i32
      scf.if %cond3A_235 {
        %add3A_806 = arith.constant 8 : i32
        %add3A_807 = arith.addi %add3A_142, %add3A_806 : i32
        %mul3A_808 = arith.constant 800 : i32
        %mul3A_809 = arith.muli %add3A_807, %mul3A_808 : i32
        %dma_start3A_810 = tpu.memref_slice %arg5[%mul3A_809] : memref<25600xi32, #tpu.memory_space<vmem>> -> memref<800xi32, #tpu.memory_space<vmem>>
        %dma_start3A_811 = arith.constant 0 : i32
        %dma_start3A_812 = arith.constant 0 : i32
        %dma_start3A_813 = tpu.memref_slice %arg3[%dma_start3A_811, %dma_start3A_812] : memref<1000000x16xf32, #tpu.memory_space<hbm>> -> memref<1000000x16xf32, #tpu.memory_space<hbm>>
        tpu.enqueue_indirect_dma source(%dma_start3A_813 : memref<1000000x16xf32, #tpu.memory_space<hbm>>) target(%arg7 : memref<800x16xf32, #tpu.memory_space<vmem>>) offsets(%dma_start3A_810 : memref<800xi32, #tpu.memory_space<vmem>>) semaphore(%arg16 : memref<!tpu.dma_semaphore, #tpu.memory_space<semaphore_mem>>)
      } else {
      }
      %add3A_236 = arith.constant 2 : i32
      %add3A_237 = arith.addi %mul3A_51, %add3A_236 : i32
      %mul3A_238 = arith.constant 800 : i32
      %mul3A_239 = arith.muli %add3A_237, %mul3A_238 : i32
      %dma_wait3A_240 = tpu.memref_slice %arg5[%mul3A_239] : memref<25600xi32, #tpu.memory_space<vmem>> -> memref<800xi32, #tpu.memory_space<vmem>>
      %dma_wait3A_241 = arith.constant 0 : i32
      %dma_wait3A_242 = arith.constant 0 : i32
      %dma_wait3A_243 = tpu.memref_slice %arg3[%dma_wait3A_241, %dma_wait3A_242] : memref<1000000x16xf32, #tpu.memory_space<hbm>> -> memref<1000000x16xf32, #tpu.memory_space<hbm>>
      tpu.wait_indirect_dma semaphore(%arg17 : memref<!tpu.dma_semaphore, #tpu.memory_space<semaphore_mem>>) src(%dma_wait3A_243 : memref<1000000x16xf32, #tpu.memory_space<hbm>>) dst(%arg8 : memref<800x16xf32, #tpu.memory_space<vmem>>)
      %mul3A_244 = arith.constant 4 : i32
      %mul3A_245 = arith.muli %add3A_237, %mul3A_244 : i32
      %add3A_246 = arith.constant 0 : i32
      %add3A_247 = arith.addi %mul3A_245, %add3A_246 : i32
      %broadcast_in_dim3A_248 = arith.constant 0.000000e+00 : f32
      %broadcast_in_dim3A_249 = vector.broadcast %broadcast_in_dim3A_248 : f32 to vector<16xf32>
      %scan3A_250 = arith.constant 0 : i32
      %scan3A_251 = arith.constant 25 : i32
      %scan3A_252 = arith.addi %scan3A_250, %scan3A_251 : i32
      %scan3A_253 = arith.constant 1 : i32
      %scan3A_254:4 = scf.for %scan3A_806 = %scan3A_250 to %scan3A_252 step %scan3A_253 iter_args(%scan3A_807 = %broadcast_in_dim3A_249, %scan3A_808 = %broadcast_in_dim3A_249, %scan3A_809 = %broadcast_in_dim3A_249, %scan3A_810 = %broadcast_in_dim3A_249) -> (vector<16xf32>, vector<16xf32>, vector<16xf32>, vector<16xf32>)  : i32 {
        %mul3A_811 = arith.constant 8 : i32
        %mul3A_812 = arith.muli %scan3A_806, %mul3A_811 : i32
        %add3A_813 = arith.constant 0 : i32
        %add3A_814 = arith.addi %add3A_813, %mul3A_812 : i32
        %get3A = arith.index_cast %add3A_814 : i32 to index
        %get3A_815 = arith.constant 0 : index
        %get3A_816 = tpu.vector_load %arg8[%get3A, %get3A_815] {strides = array<i32>} : memref<800x16xf32, #tpu.memory_space<vmem>>, vector<1x16xf32>,
        %get3A_817 = vector.shape_cast %get3A_816 : vector<1x16xf32> to vector<16xf32>
        %add3A_818 = arith.addf %scan3A_807, %get3A_817 : vector<16xf32>
        %add3A_819 = arith.constant 4 : i32
        %add3A_820 = arith.addi %add3A_814, %add3A_819 : i32
        %get3A_821 = arith.index_cast %add3A_820 : i32 to index
        %get3A_822 = arith.constant 0 : index
        %get3A_823 = tpu.vector_load %arg8[%get3A_821, %get3A_822] {strides = array<i32>} : memref<800x16xf32, #tpu.memory_space<vmem>>, vector<1x16xf32>,
        %get3A_824 = vector.shape_cast %get3A_823 : vector<1x16xf32> to vector<16xf32>
        %add3A_825 = arith.addf %add3A_818, %get3A_824 : vector<16xf32>
        %add3A_826 = arith.constant 1 : i32
        %add3A_827 = arith.addi %add3A_814, %add3A_826 : i32
        %get3A_828 = arith.index_cast %add3A_827 : i32 to index
        %get3A_829 = arith.constant 0 : index
        %get3A_830 = tpu.vector_load %arg8[%get3A_828, %get3A_829] {strides = array<i32>} : memref<800x16xf32, #tpu.memory_space<vmem>>, vector<1x16xf32>,
        %get3A_831 = vector.shape_cast %get3A_830 : vector<1x16xf32> to vector<16xf32>
        %add3A_832 = arith.addf %scan3A_808, %get3A_831 : vector<16xf32>
        %add3A_833 = arith.constant 5 : i32
        %add3A_834 = arith.addi %add3A_814, %add3A_833 : i32
        %get3A_835 = arith.index_cast %add3A_834 : i32 to index
        %get3A_836 = arith.constant 0 : index
        %get3A_837 = tpu.vector_load %arg8[%get3A_835, %get3A_836] {strides = array<i32>} : memref<800x16xf32, #tpu.memory_space<vmem>>, vector<1x16xf32>,
        %get3A_838 = vector.shape_cast %get3A_837 : vector<1x16xf32> to vector<16xf32>
        %add3A_839 = arith.addf %add3A_832, %get3A_838 : vector<16xf32>
        %add3A_840 = arith.constant 2 : i32
        %add3A_841 = arith.addi %add3A_814, %add3A_840 : i32
        %get3A_842 = arith.index_cast %add3A_841 : i32 to index
        %get3A_843 = arith.constant 0 : index
        %get3A_844 = tpu.vector_load %arg8[%get3A_842, %get3A_843] {strides = array<i32>} : memref<800x16xf32, #tpu.memory_space<vmem>>, vector<1x16xf32>,
        %get3A_845 = vector.shape_cast %get3A_844 : vector<1x16xf32> to vector<16xf32>
        %add3A_846 = arith.addf %scan3A_809, %get3A_845 : vector<16xf32>
        %add3A_847 = arith.constant 6 : i32
        %add3A_848 = arith.addi %add3A_814, %add3A_847 : i32
        %get3A_849 = arith.index_cast %add3A_848 : i32 to index
        %get3A_850 = arith.constant 0 : index
        %get3A_851 = tpu.vector_load %arg8[%get3A_849, %get3A_850] {strides = array<i32>} : memref<800x16xf32, #tpu.memory_space<vmem>>, vector<1x16xf32>,
        %get3A_852 = vector.shape_cast %get3A_851 : vector<1x16xf32> to vector<16xf32>
        %add3A_853 = arith.addf %add3A_846, %get3A_852 : vector<16xf32>
        %add3A_854 = arith.constant 3 : i32
        %add3A_855 = arith.addi %add3A_814, %add3A_854 : i32
        %get3A_856 = arith.index_cast %add3A_855 : i32 to index
        %get3A_857 = arith.constant 0 : index
        %get3A_858 = tpu.vector_load %arg8[%get3A_856, %get3A_857] {strides = array<i32>} : memref<800x16xf32, #tpu.memory_space<vmem>>, vector<1x16xf32>,
        %get3A_859 = vector.shape_cast %get3A_858 : vector<1x16xf32> to vector<16xf32>
        %add3A_860 = arith.addf %scan3A_810, %get3A_859 : vector<16xf32>
        %add3A_861 = arith.constant 7 : i32
        %add3A_862 = arith.addi %add3A_814, %add3A_861 : i32
        %get3A_863 = arith.index_cast %add3A_862 : i32 to index
        %get3A_864 = arith.constant 0 : index
        %get3A_865 = tpu.vector_load %arg8[%get3A_863, %get3A_864] {strides = array<i32>} : memref<800x16xf32, #tpu.memory_space<vmem>>, vector<1x16xf32>,
        %get3A_866 = vector.shape_cast %get3A_865 : vector<1x16xf32> to vector<16xf32>
        %add3A_867 = arith.addf %add3A_860, %get3A_866 : vector<16xf32>
        scf.yield %add3A_825, %add3A_839, %add3A_853, %add3A_867 : vector<16xf32>, vector<16xf32>, vector<16xf32>, vector<16xf32>
      }
      %scan3A_255 = arith.constant 25 : i32
      %add3A_256 = arith.addf %scan3A_254#0, %scan3A_254#1 : vector<16xf32>
      %add3A_257 = arith.addf %scan3A_254#2, %scan3A_254#3 : vector<16xf32>
      %add3A_258 = arith.addf %add3A_256, %add3A_257 : vector<16xf32>
      %swap3A_259 = arith.index_cast %add3A_247 : i32 to index
      %swap3A_260 = arith.constant 0 : index
      %swap3A_261 = tpu.vector_load %arg14[%swap3A_259, %swap3A_260] {strides = array<i32>} : memref<128x16xf32, #tpu.memory_space<vmem>>, vector<1x16xf32>,
      %swap3A_262 = vector.shape_cast %swap3A_261 : vector<1x16xf32> to vector<16xf32>
      %swap3A_263 = vector.shape_cast %add3A_258 : vector<16xf32> to vector<1x16xf32>
      tpu.vector_store %arg14[%swap3A_259, %swap3A_260], %swap3A_263 {strides = array<i32>} : memref<128x16xf32, #tpu.memory_space<vmem>>, vector<1x16xf32>,
      %mul3A_264 = arith.constant 4 : i32
      %mul3A_265 = arith.muli %add3A_237, %mul3A_264 : i32
      %add3A_266 = arith.constant 1 : i32
      %add3A_267 = arith.addi %mul3A_265, %add3A_266 : i32
      %broadcast_in_dim3A_268 = arith.constant 0.000000e+00 : f32
      %broadcast_in_dim3A_269 = vector.broadcast %broadcast_in_dim3A_268 : f32 to vector<16xf32>
      %scan3A_270 = arith.constant 0 : i32
      %scan3A_271 = arith.constant 25 : i32
      %scan3A_272 = arith.addi %scan3A_270, %scan3A_271 : i32
      %scan3A_273 = arith.constant 1 : i32
      %scan3A_274:4 = scf.for %scan3A_806 = %scan3A_270 to %scan3A_272 step %scan3A_273 iter_args(%scan3A_807 = %broadcast_in_dim3A_269, %scan3A_808 = %broadcast_in_dim3A_269, %scan3A_809 = %broadcast_in_dim3A_269, %scan3A_810 = %broadcast_in_dim3A_269) -> (vector<16xf32>, vector<16xf32>, vector<16xf32>, vector<16xf32>)  : i32 {
        %mul3A_811 = arith.constant 8 : i32
        %mul3A_812 = arith.muli %scan3A_806, %mul3A_811 : i32
        %add3A_813 = arith.constant 200 : i32
        %add3A_814 = arith.addi %add3A_813, %mul3A_812 : i32
        %get3A = arith.index_cast %add3A_814 : i32 to index
        %get3A_815 = arith.constant 0 : index
        %get3A_816 = tpu.vector_load %arg8[%get3A, %get3A_815] {strides = array<i32>} : memref<800x16xf32, #tpu.memory_space<vmem>>, vector<1x16xf32>,
        %get3A_817 = vector.shape_cast %get3A_816 : vector<1x16xf32> to vector<16xf32>
        %add3A_818 = arith.addf %scan3A_807, %get3A_817 : vector<16xf32>
        %add3A_819 = arith.constant 4 : i32
        %add3A_820 = arith.addi %add3A_814, %add3A_819 : i32
        %get3A_821 = arith.index_cast %add3A_820 : i32 to index
        %get3A_822 = arith.constant 0 : index
        %get3A_823 = tpu.vector_load %arg8[%get3A_821, %get3A_822] {strides = array<i32>} : memref<800x16xf32, #tpu.memory_space<vmem>>, vector<1x16xf32>,
        %get3A_824 = vector.shape_cast %get3A_823 : vector<1x16xf32> to vector<16xf32>
        %add3A_825 = arith.addf %add3A_818, %get3A_824 : vector<16xf32>
        %add3A_826 = arith.constant 1 : i32
        %add3A_827 = arith.addi %add3A_814, %add3A_826 : i32
        %get3A_828 = arith.index_cast %add3A_827 : i32 to index
        %get3A_829 = arith.constant 0 : index
        %get3A_830 = tpu.vector_load %arg8[%get3A_828, %get3A_829] {strides = array<i32>} : memref<800x16xf32, #tpu.memory_space<vmem>>, vector<1x16xf32>,
        %get3A_831 = vector.shape_cast %get3A_830 : vector<1x16xf32> to vector<16xf32>
        %add3A_832 = arith.addf %scan3A_808, %get3A_831 : vector<16xf32>
        %add3A_833 = arith.constant 5 : i32
        %add3A_834 = arith.addi %add3A_814, %add3A_833 : i32
        %get3A_835 = arith.index_cast %add3A_834 : i32 to index
        %get3A_836 = arith.constant 0 : index
        %get3A_837 = tpu.vector_load %arg8[%get3A_835, %get3A_836] {strides = array<i32>} : memref<800x16xf32, #tpu.memory_space<vmem>>, vector<1x16xf32>,
        %get3A_838 = vector.shape_cast %get3A_837 : vector<1x16xf32> to vector<16xf32>
        %add3A_839 = arith.addf %add3A_832, %get3A_838 : vector<16xf32>
        %add3A_840 = arith.constant 2 : i32
        %add3A_841 = arith.addi %add3A_814, %add3A_840 : i32
        %get3A_842 = arith.index_cast %add3A_841 : i32 to index
        %get3A_843 = arith.constant 0 : index
        %get3A_844 = tpu.vector_load %arg8[%get3A_842, %get3A_843] {strides = array<i32>} : memref<800x16xf32, #tpu.memory_space<vmem>>, vector<1x16xf32>,
        %get3A_845 = vector.shape_cast %get3A_844 : vector<1x16xf32> to vector<16xf32>
        %add3A_846 = arith.addf %scan3A_809, %get3A_845 : vector<16xf32>
        %add3A_847 = arith.constant 6 : i32
        %add3A_848 = arith.addi %add3A_814, %add3A_847 : i32
        %get3A_849 = arith.index_cast %add3A_848 : i32 to index
        %get3A_850 = arith.constant 0 : index
        %get3A_851 = tpu.vector_load %arg8[%get3A_849, %get3A_850] {strides = array<i32>} : memref<800x16xf32, #tpu.memory_space<vmem>>, vector<1x16xf32>,
        %get3A_852 = vector.shape_cast %get3A_851 : vector<1x16xf32> to vector<16xf32>
        %add3A_853 = arith.addf %add3A_846, %get3A_852 : vector<16xf32>
        %add3A_854 = arith.constant 3 : i32
        %add3A_855 = arith.addi %add3A_814, %add3A_854 : i32
        %get3A_856 = arith.index_cast %add3A_855 : i32 to index
        %get3A_857 = arith.constant 0 : index
        %get3A_858 = tpu.vector_load %arg8[%get3A_856, %get3A_857] {strides = array<i32>} : memref<800x16xf32, #tpu.memory_space<vmem>>, vector<1x16xf32>,
        %get3A_859 = vector.shape_cast %get3A_858 : vector<1x16xf32> to vector<16xf32>
        %add3A_860 = arith.addf %scan3A_810, %get3A_859 : vector<16xf32>
        %add3A_861 = arith.constant 7 : i32
        %add3A_862 = arith.addi %add3A_814, %add3A_861 : i32
        %get3A_863 = arith.index_cast %add3A_862 : i32 to index
        %get3A_864 = arith.constant 0 : index
        %get3A_865 = tpu.vector_load %arg8[%get3A_863, %get3A_864] {strides = array<i32>} : memref<800x16xf32, #tpu.memory_space<vmem>>, vector<1x16xf32>,
        %get3A_866 = vector.shape_cast %get3A_865 : vector<1x16xf32> to vector<16xf32>
        %add3A_867 = arith.addf %add3A_860, %get3A_866 : vector<16xf32>
        scf.yield %add3A_825, %add3A_839, %add3A_853, %add3A_867 : vector<16xf32>, vector<16xf32>, vector<16xf32>, vector<16xf32>
      }
      %scan3A_275 = arith.constant 25 : i32
      %add3A_276 = arith.addf %scan3A_274#0, %scan3A_274#1 : vector<16xf32>
      %add3A_277 = arith.addf %scan3A_274#2, %scan3A_274#3 : vector<16xf32>
      %add3A_278 = arith.addf %add3A_276, %add3A_277 : vector<16xf32>
      %swap3A_279 = arith.index_cast %add3A_267 : i32 to index
      %swap3A_280 = arith.constant 0 : index
      %swap3A_281 = tpu.vector_load %arg14[%swap3A_279, %swap3A_280] {strides = array<i32>} : memref<128x16xf32, #tpu.memory_space<vmem>>, vector<1x16xf32>,
      %swap3A_282 = vector.shape_cast %swap3A_281 : vector<1x16xf32> to vector<16xf32>
      %swap3A_283 = vector.shape_cast %add3A_278 : vector<16xf32> to vector<1x16xf32>
      tpu.vector_store %arg14[%swap3A_279, %swap3A_280], %swap3A_283 {strides = array<i32>} : memref<128x16xf32, #tpu.memory_space<vmem>>, vector<1x16xf32>,
      %mul3A_284 = arith.constant 4 : i32
      %mul3A_285 = arith.muli %add3A_237, %mul3A_284 : i32
      %add3A_286 = arith.constant 2 : i32
      %add3A_287 = arith.addi %mul3A_285, %add3A_286 : i32
      %broadcast_in_dim3A_288 = arith.constant 0.000000e+00 : f32
      %broadcast_in_dim3A_289 = vector.broadcast %broadcast_in_dim3A_288 : f32 to vector<16xf32>
      %scan3A_290 = arith.constant 0 : i32
      %scan3A_291 = arith.constant 25 : i32
      %scan3A_292 = arith.addi %scan3A_290, %scan3A_291 : i32
      %scan3A_293 = arith.constant 1 : i32
      %scan3A_294:4 = scf.for %scan3A_806 = %scan3A_290 to %scan3A_292 step %scan3A_293 iter_args(%scan3A_807 = %broadcast_in_dim3A_289, %scan3A_808 = %broadcast_in_dim3A_289, %scan3A_809 = %broadcast_in_dim3A_289, %scan3A_810 = %broadcast_in_dim3A_289) -> (vector<16xf32>, vector<16xf32>, vector<16xf32>, vector<16xf32>)  : i32 {
        %mul3A_811 = arith.constant 8 : i32
        %mul3A_812 = arith.muli %scan3A_806, %mul3A_811 : i32
        %add3A_813 = arith.constant 400 : i32
        %add3A_814 = arith.addi %add3A_813, %mul3A_812 : i32
        %get3A = arith.index_cast %add3A_814 : i32 to index
        %get3A_815 = arith.constant 0 : index
        %get3A_816 = tpu.vector_load %arg8[%get3A, %get3A_815] {strides = array<i32>} : memref<800x16xf32, #tpu.memory_space<vmem>>, vector<1x16xf32>,
        %get3A_817 = vector.shape_cast %get3A_816 : vector<1x16xf32> to vector<16xf32>
        %add3A_818 = arith.addf %scan3A_807, %get3A_817 : vector<16xf32>
        %add3A_819 = arith.constant 4 : i32
        %add3A_820 = arith.addi %add3A_814, %add3A_819 : i32
        %get3A_821 = arith.index_cast %add3A_820 : i32 to index
        %get3A_822 = arith.constant 0 : index
        %get3A_823 = tpu.vector_load %arg8[%get3A_821, %get3A_822] {strides = array<i32>} : memref<800x16xf32, #tpu.memory_space<vmem>>, vector<1x16xf32>,
        %get3A_824 = vector.shape_cast %get3A_823 : vector<1x16xf32> to vector<16xf32>
        %add3A_825 = arith.addf %add3A_818, %get3A_824 : vector<16xf32>
        %add3A_826 = arith.constant 1 : i32
        %add3A_827 = arith.addi %add3A_814, %add3A_826 : i32
        %get3A_828 = arith.index_cast %add3A_827 : i32 to index
        %get3A_829 = arith.constant 0 : index
        %get3A_830 = tpu.vector_load %arg8[%get3A_828, %get3A_829] {strides = array<i32>} : memref<800x16xf32, #tpu.memory_space<vmem>>, vector<1x16xf32>,
        %get3A_831 = vector.shape_cast %get3A_830 : vector<1x16xf32> to vector<16xf32>
        %add3A_832 = arith.addf %scan3A_808, %get3A_831 : vector<16xf32>
        %add3A_833 = arith.constant 5 : i32
        %add3A_834 = arith.addi %add3A_814, %add3A_833 : i32
        %get3A_835 = arith.index_cast %add3A_834 : i32 to index
        %get3A_836 = arith.constant 0 : index
        %get3A_837 = tpu.vector_load %arg8[%get3A_835, %get3A_836] {strides = array<i32>} : memref<800x16xf32, #tpu.memory_space<vmem>>, vector<1x16xf32>,
        %get3A_838 = vector.shape_cast %get3A_837 : vector<1x16xf32> to vector<16xf32>
        %add3A_839 = arith.addf %add3A_832, %get3A_838 : vector<16xf32>
        %add3A_840 = arith.constant 2 : i32
        %add3A_841 = arith.addi %add3A_814, %add3A_840 : i32
        %get3A_842 = arith.index_cast %add3A_841 : i32 to index
        %get3A_843 = arith.constant 0 : index
        %get3A_844 = tpu.vector_load %arg8[%get3A_842, %get3A_843] {strides = array<i32>} : memref<800x16xf32, #tpu.memory_space<vmem>>, vector<1x16xf32>,
        %get3A_845 = vector.shape_cast %get3A_844 : vector<1x16xf32> to vector<16xf32>
        %add3A_846 = arith.addf %scan3A_809, %get3A_845 : vector<16xf32>
        %add3A_847 = arith.constant 6 : i32
        %add3A_848 = arith.addi %add3A_814, %add3A_847 : i32
        %get3A_849 = arith.index_cast %add3A_848 : i32 to index
        %get3A_850 = arith.constant 0 : index
        %get3A_851 = tpu.vector_load %arg8[%get3A_849, %get3A_850] {strides = array<i32>} : memref<800x16xf32, #tpu.memory_space<vmem>>, vector<1x16xf32>,
        %get3A_852 = vector.shape_cast %get3A_851 : vector<1x16xf32> to vector<16xf32>
        %add3A_853 = arith.addf %add3A_846, %get3A_852 : vector<16xf32>
        %add3A_854 = arith.constant 3 : i32
        %add3A_855 = arith.addi %add3A_814, %add3A_854 : i32
        %get3A_856 = arith.index_cast %add3A_855 : i32 to index
        %get3A_857 = arith.constant 0 : index
        %get3A_858 = tpu.vector_load %arg8[%get3A_856, %get3A_857] {strides = array<i32>} : memref<800x16xf32, #tpu.memory_space<vmem>>, vector<1x16xf32>,
        %get3A_859 = vector.shape_cast %get3A_858 : vector<1x16xf32> to vector<16xf32>
        %add3A_860 = arith.addf %scan3A_810, %get3A_859 : vector<16xf32>
        %add3A_861 = arith.constant 7 : i32
        %add3A_862 = arith.addi %add3A_814, %add3A_861 : i32
        %get3A_863 = arith.index_cast %add3A_862 : i32 to index
        %get3A_864 = arith.constant 0 : index
        %get3A_865 = tpu.vector_load %arg8[%get3A_863, %get3A_864] {strides = array<i32>} : memref<800x16xf32, #tpu.memory_space<vmem>>, vector<1x16xf32>,
        %get3A_866 = vector.shape_cast %get3A_865 : vector<1x16xf32> to vector<16xf32>
        %add3A_867 = arith.addf %add3A_860, %get3A_866 : vector<16xf32>
        scf.yield %add3A_825, %add3A_839, %add3A_853, %add3A_867 : vector<16xf32>, vector<16xf32>, vector<16xf32>, vector<16xf32>
      }
      %scan3A_295 = arith.constant 25 : i32
      %add3A_296 = arith.addf %scan3A_294#0, %scan3A_294#1 : vector<16xf32>
      %add3A_297 = arith.addf %scan3A_294#2, %scan3A_294#3 : vector<16xf32>
      %add3A_298 = arith.addf %add3A_296, %add3A_297 : vector<16xf32>
      %swap3A_299 = arith.index_cast %add3A_287 : i32 to index
      %swap3A_300 = arith.constant 0 : index
      %swap3A_301 = tpu.vector_load %arg14[%swap3A_299, %swap3A_300] {strides = array<i32>} : memref<128x16xf32, #tpu.memory_space<vmem>>, vector<1x16xf32>,
      %swap3A_302 = vector.shape_cast %swap3A_301 : vector<1x16xf32> to vector<16xf32>
      %swap3A_303 = vector.shape_cast %add3A_298 : vector<16xf32> to vector<1x16xf32>
      tpu.vector_store %arg14[%swap3A_299, %swap3A_300], %swap3A_303 {strides = array<i32>} : memref<128x16xf32, #tpu.memory_space<vmem>>, vector<1x16xf32>,
      %mul3A_304 = arith.constant 4 : i32
      %mul3A_305 = arith.muli %add3A_237, %mul3A_304 : i32
      %add3A_306 = arith.constant 3 : i32
      %add3A_307 = arith.addi %mul3A_305, %add3A_306 : i32
      %broadcast_in_dim3A_308 = arith.constant 0.000000e+00 : f32
      %broadcast_in_dim3A_309 = vector.broadcast %broadcast_in_dim3A_308 : f32 to vector<16xf32>
      %scan3A_310 = arith.constant 0 : i32
      %scan3A_311 = arith.constant 25 : i32
      %scan3A_312 = arith.addi %scan3A_310, %scan3A_311 : i32
      %scan3A_313 = arith.constant 1 : i32
      %scan3A_314:4 = scf.for %scan3A_806 = %scan3A_310 to %scan3A_312 step %scan3A_313 iter_args(%scan3A_807 = %broadcast_in_dim3A_309, %scan3A_808 = %broadcast_in_dim3A_309, %scan3A_809 = %broadcast_in_dim3A_309, %scan3A_810 = %broadcast_in_dim3A_309) -> (vector<16xf32>, vector<16xf32>, vector<16xf32>, vector<16xf32>)  : i32 {
        %mul3A_811 = arith.constant 8 : i32
        %mul3A_812 = arith.muli %scan3A_806, %mul3A_811 : i32
        %add3A_813 = arith.constant 600 : i32
        %add3A_814 = arith.addi %add3A_813, %mul3A_812 : i32
        %get3A = arith.index_cast %add3A_814 : i32 to index
        %get3A_815 = arith.constant 0 : index
        %get3A_816 = tpu.vector_load %arg8[%get3A, %get3A_815] {strides = array<i32>} : memref<800x16xf32, #tpu.memory_space<vmem>>, vector<1x16xf32>,
        %get3A_817 = vector.shape_cast %get3A_816 : vector<1x16xf32> to vector<16xf32>
        %add3A_818 = arith.addf %scan3A_807, %get3A_817 : vector<16xf32>
        %add3A_819 = arith.constant 4 : i32
        %add3A_820 = arith.addi %add3A_814, %add3A_819 : i32
        %get3A_821 = arith.index_cast %add3A_820 : i32 to index
        %get3A_822 = arith.constant 0 : index
        %get3A_823 = tpu.vector_load %arg8[%get3A_821, %get3A_822] {strides = array<i32>} : memref<800x16xf32, #tpu.memory_space<vmem>>, vector<1x16xf32>,
        %get3A_824 = vector.shape_cast %get3A_823 : vector<1x16xf32> to vector<16xf32>
        %add3A_825 = arith.addf %add3A_818, %get3A_824 : vector<16xf32>
        %add3A_826 = arith.constant 1 : i32
        %add3A_827 = arith.addi %add3A_814, %add3A_826 : i32
        %get3A_828 = arith.index_cast %add3A_827 : i32 to index
        %get3A_829 = arith.constant 0 : index
        %get3A_830 = tpu.vector_load %arg8[%get3A_828, %get3A_829] {strides = array<i32>} : memref<800x16xf32, #tpu.memory_space<vmem>>, vector<1x16xf32>,
        %get3A_831 = vector.shape_cast %get3A_830 : vector<1x16xf32> to vector<16xf32>
        %add3A_832 = arith.addf %scan3A_808, %get3A_831 : vector<16xf32>
        %add3A_833 = arith.constant 5 : i32
        %add3A_834 = arith.addi %add3A_814, %add3A_833 : i32
        %get3A_835 = arith.index_cast %add3A_834 : i32 to index
        %get3A_836 = arith.constant 0 : index
        %get3A_837 = tpu.vector_load %arg8[%get3A_835, %get3A_836] {strides = array<i32>} : memref<800x16xf32, #tpu.memory_space<vmem>>, vector<1x16xf32>,
        %get3A_838 = vector.shape_cast %get3A_837 : vector<1x16xf32> to vector<16xf32>
        %add3A_839 = arith.addf %add3A_832, %get3A_838 : vector<16xf32>
        %add3A_840 = arith.constant 2 : i32
        %add3A_841 = arith.addi %add3A_814, %add3A_840 : i32
        %get3A_842 = arith.index_cast %add3A_841 : i32 to index
        %get3A_843 = arith.constant 0 : index
        %get3A_844 = tpu.vector_load %arg8[%get3A_842, %get3A_843] {strides = array<i32>} : memref<800x16xf32, #tpu.memory_space<vmem>>, vector<1x16xf32>,
        %get3A_845 = vector.shape_cast %get3A_844 : vector<1x16xf32> to vector<16xf32>
        %add3A_846 = arith.addf %scan3A_809, %get3A_845 : vector<16xf32>
        %add3A_847 = arith.constant 6 : i32
        %add3A_848 = arith.addi %add3A_814, %add3A_847 : i32
        %get3A_849 = arith.index_cast %add3A_848 : i32 to index
        %get3A_850 = arith.constant 0 : index
        %get3A_851 = tpu.vector_load %arg8[%get3A_849, %get3A_850] {strides = array<i32>} : memref<800x16xf32, #tpu.memory_space<vmem>>, vector<1x16xf32>,
        %get3A_852 = vector.shape_cast %get3A_851 : vector<1x16xf32> to vector<16xf32>
        %add3A_853 = arith.addf %add3A_846, %get3A_852 : vector<16xf32>
        %add3A_854 = arith.constant 3 : i32
        %add3A_855 = arith.addi %add3A_814, %add3A_854 : i32
        %get3A_856 = arith.index_cast %add3A_855 : i32 to index
        %get3A_857 = arith.constant 0 : index
        %get3A_858 = tpu.vector_load %arg8[%get3A_856, %get3A_857] {strides = array<i32>} : memref<800x16xf32, #tpu.memory_space<vmem>>, vector<1x16xf32>,
        %get3A_859 = vector.shape_cast %get3A_858 : vector<1x16xf32> to vector<16xf32>
        %add3A_860 = arith.addf %scan3A_810, %get3A_859 : vector<16xf32>
        %add3A_861 = arith.constant 7 : i32
        %add3A_862 = arith.addi %add3A_814, %add3A_861 : i32
        %get3A_863 = arith.index_cast %add3A_862 : i32 to index
        %get3A_864 = arith.constant 0 : index
        %get3A_865 = tpu.vector_load %arg8[%get3A_863, %get3A_864] {strides = array<i32>} : memref<800x16xf32, #tpu.memory_space<vmem>>, vector<1x16xf32>,
        %get3A_866 = vector.shape_cast %get3A_865 : vector<1x16xf32> to vector<16xf32>
        %add3A_867 = arith.addf %add3A_860, %get3A_866 : vector<16xf32>
        scf.yield %add3A_825, %add3A_839, %add3A_853, %add3A_867 : vector<16xf32>, vector<16xf32>, vector<16xf32>, vector<16xf32>
      }
      %scan3A_315 = arith.constant 25 : i32
      %add3A_316 = arith.addf %scan3A_314#0, %scan3A_314#1 : vector<16xf32>
      %add3A_317 = arith.addf %scan3A_314#2, %scan3A_314#3 : vector<16xf32>
      %add3A_318 = arith.addf %add3A_316, %add3A_317 : vector<16xf32>
      %swap3A_319 = arith.index_cast %add3A_307 : i32 to index
      %swap3A_320 = arith.constant 0 : index
      %swap3A_321 = tpu.vector_load %arg14[%swap3A_319, %swap3A_320] {strides = array<i32>} : memref<128x16xf32, #tpu.memory_space<vmem>>, vector<1x16xf32>,
      %swap3A_322 = vector.shape_cast %swap3A_321 : vector<1x16xf32> to vector<16xf32>
      %swap3A_323 = vector.shape_cast %add3A_318 : vector<16xf32> to vector<1x16xf32>
      tpu.vector_store %arg14[%swap3A_319, %swap3A_320], %swap3A_323 {strides = array<i32>} : memref<128x16xf32, #tpu.memory_space<vmem>>, vector<1x16xf32>,
      %add3A_324 = arith.constant 8 : i32
      %add3A_325 = arith.addi %add3A_237, %add3A_324 : i32
      %lt3A_326 = arith.constant 32 : i32
      %lt3A_327 = arith.cmpi slt, %add3A_325, %lt3A_326 : i32
      %convert_element_type3A_328 = arith.extui %lt3A_327 : i1 to i32
      %cond3A_329 = arith.constant 0 : i32
      %cond3A_330 = arith.cmpi ne, %convert_element_type3A_328, %cond3A_329 : i32
      scf.if %cond3A_330 {
        %add3A_806 = arith.constant 8 : i32
        %add3A_807 = arith.addi %add3A_237, %add3A_806 : i32
        %mul3A_808 = arith.constant 800 : i32
        %mul3A_809 = arith.muli %add3A_807, %mul3A_808 : i32
        %dma_start3A_810 = tpu.memref_slice %arg5[%mul3A_809] : memref<25600xi32, #tpu.memory_space<vmem>> -> memref<800xi32, #tpu.memory_space<vmem>>
        %dma_start3A_811 = arith.constant 0 : i32
        %dma_start3A_812 = arith.constant 0 : i32
        %dma_start3A_813 = tpu.memref_slice %arg3[%dma_start3A_811, %dma_start3A_812] : memref<1000000x16xf32, #tpu.memory_space<hbm>> -> memref<1000000x16xf32, #tpu.memory_space<hbm>>
        tpu.enqueue_indirect_dma source(%dma_start3A_813 : memref<1000000x16xf32, #tpu.memory_space<hbm>>) target(%arg8 : memref<800x16xf32, #tpu.memory_space<vmem>>) offsets(%dma_start3A_810 : memref<800xi32, #tpu.memory_space<vmem>>) semaphore(%arg17 : memref<!tpu.dma_semaphore, #tpu.memory_space<semaphore_mem>>)
      } else {
      }
      %add3A_331 = arith.constant 3 : i32
      %add3A_332 = arith.addi %mul3A_51, %add3A_331 : i32
      %mul3A_333 = arith.constant 800 : i32
      %mul3A_334 = arith.muli %add3A_332, %mul3A_333 : i32
      %dma_wait3A_335 = tpu.memref_slice %arg5[%mul3A_334] : memref<25600xi32, #tpu.memory_space<vmem>> -> memref<800xi32, #tpu.memory_space<vmem>>
      %dma_wait3A_336 = arith.constant 0 : i32
      %dma_wait3A_337 = arith.constant 0 : i32
      %dma_wait3A_338 = tpu.memref_slice %arg3[%dma_wait3A_336, %dma_wait3A_337] : memref<1000000x16xf32, #tpu.memory_space<hbm>> -> memref<1000000x16xf32, #tpu.memory_space<hbm>>
      tpu.wait_indirect_dma semaphore(%arg18 : memref<!tpu.dma_semaphore, #tpu.memory_space<semaphore_mem>>) src(%dma_wait3A_338 : memref<1000000x16xf32, #tpu.memory_space<hbm>>) dst(%arg9 : memref<800x16xf32, #tpu.memory_space<vmem>>)
      %mul3A_339 = arith.constant 4 : i32
      %mul3A_340 = arith.muli %add3A_332, %mul3A_339 : i32
      %add3A_341 = arith.constant 0 : i32
      %add3A_342 = arith.addi %mul3A_340, %add3A_341 : i32
      %broadcast_in_dim3A_343 = arith.constant 0.000000e+00 : f32
      %broadcast_in_dim3A_344 = vector.broadcast %broadcast_in_dim3A_343 : f32 to vector<16xf32>
      %scan3A_345 = arith.constant 0 : i32
      %scan3A_346 = arith.constant 25 : i32
      %scan3A_347 = arith.addi %scan3A_345, %scan3A_346 : i32
      %scan3A_348 = arith.constant 1 : i32
      %scan3A_349:4 = scf.for %scan3A_806 = %scan3A_345 to %scan3A_347 step %scan3A_348 iter_args(%scan3A_807 = %broadcast_in_dim3A_344, %scan3A_808 = %broadcast_in_dim3A_344, %scan3A_809 = %broadcast_in_dim3A_344, %scan3A_810 = %broadcast_in_dim3A_344) -> (vector<16xf32>, vector<16xf32>, vector<16xf32>, vector<16xf32>)  : i32 {
        %mul3A_811 = arith.constant 8 : i32
        %mul3A_812 = arith.muli %scan3A_806, %mul3A_811 : i32
        %add3A_813 = arith.constant 0 : i32
        %add3A_814 = arith.addi %add3A_813, %mul3A_812 : i32
        %get3A = arith.index_cast %add3A_814 : i32 to index
        %get3A_815 = arith.constant 0 : index
        %get3A_816 = tpu.vector_load %arg9[%get3A, %get3A_815] {strides = array<i32>} : memref<800x16xf32, #tpu.memory_space<vmem>>, vector<1x16xf32>,
        %get3A_817 = vector.shape_cast %get3A_816 : vector<1x16xf32> to vector<16xf32>
        %add3A_818 = arith.addf %scan3A_807, %get3A_817 : vector<16xf32>
        %add3A_819 = arith.constant 4 : i32
        %add3A_820 = arith.addi %add3A_814, %add3A_819 : i32
        %get3A_821 = arith.index_cast %add3A_820 : i32 to index
        %get3A_822 = arith.constant 0 : index
        %get3A_823 = tpu.vector_load %arg9[%get3A_821, %get3A_822] {strides = array<i32>} : memref<800x16xf32, #tpu.memory_space<vmem>>, vector<1x16xf32>,
        %get3A_824 = vector.shape_cast %get3A_823 : vector<1x16xf32> to vector<16xf32>
        %add3A_825 = arith.addf %add3A_818, %get3A_824 : vector<16xf32>
        %add3A_826 = arith.constant 1 : i32
        %add3A_827 = arith.addi %add3A_814, %add3A_826 : i32
        %get3A_828 = arith.index_cast %add3A_827 : i32 to index
        %get3A_829 = arith.constant 0 : index
        %get3A_830 = tpu.vector_load %arg9[%get3A_828, %get3A_829] {strides = array<i32>} : memref<800x16xf32, #tpu.memory_space<vmem>>, vector<1x16xf32>,
        %get3A_831 = vector.shape_cast %get3A_830 : vector<1x16xf32> to vector<16xf32>
        %add3A_832 = arith.addf %scan3A_808, %get3A_831 : vector<16xf32>
        %add3A_833 = arith.constant 5 : i32
        %add3A_834 = arith.addi %add3A_814, %add3A_833 : i32
        %get3A_835 = arith.index_cast %add3A_834 : i32 to index
        %get3A_836 = arith.constant 0 : index
        %get3A_837 = tpu.vector_load %arg9[%get3A_835, %get3A_836] {strides = array<i32>} : memref<800x16xf32, #tpu.memory_space<vmem>>, vector<1x16xf32>,
        %get3A_838 = vector.shape_cast %get3A_837 : vector<1x16xf32> to vector<16xf32>
        %add3A_839 = arith.addf %add3A_832, %get3A_838 : vector<16xf32>
        %add3A_840 = arith.constant 2 : i32
        %add3A_841 = arith.addi %add3A_814, %add3A_840 : i32
        %get3A_842 = arith.index_cast %add3A_841 : i32 to index
        %get3A_843 = arith.constant 0 : index
        %get3A_844 = tpu.vector_load %arg9[%get3A_842, %get3A_843] {strides = array<i32>} : memref<800x16xf32, #tpu.memory_space<vmem>>, vector<1x16xf32>,
        %get3A_845 = vector.shape_cast %get3A_844 : vector<1x16xf32> to vector<16xf32>
        %add3A_846 = arith.addf %scan3A_809, %get3A_845 : vector<16xf32>
        %add3A_847 = arith.constant 6 : i32
        %add3A_848 = arith.addi %add3A_814, %add3A_847 : i32
        %get3A_849 = arith.index_cast %add3A_848 : i32 to index
        %get3A_850 = arith.constant 0 : index
        %get3A_851 = tpu.vector_load %arg9[%get3A_849, %get3A_850] {strides = array<i32>} : memref<800x16xf32, #tpu.memory_space<vmem>>, vector<1x16xf32>,
        %get3A_852 = vector.shape_cast %get3A_851 : vector<1x16xf32> to vector<16xf32>
        %add3A_853 = arith.addf %add3A_846, %get3A_852 : vector<16xf32>
        %add3A_854 = arith.constant 3 : i32
        %add3A_855 = arith.addi %add3A_814, %add3A_854 : i32
        %get3A_856 = arith.index_cast %add3A_855 : i32 to index
        %get3A_857 = arith.constant 0 : index
        %get3A_858 = tpu.vector_load %arg9[%get3A_856, %get3A_857] {strides = array<i32>} : memref<800x16xf32, #tpu.memory_space<vmem>>, vector<1x16xf32>,
        %get3A_859 = vector.shape_cast %get3A_858 : vector<1x16xf32> to vector<16xf32>
        %add3A_860 = arith.addf %scan3A_810, %get3A_859 : vector<16xf32>
        %add3A_861 = arith.constant 7 : i32
        %add3A_862 = arith.addi %add3A_814, %add3A_861 : i32
        %get3A_863 = arith.index_cast %add3A_862 : i32 to index
        %get3A_864 = arith.constant 0 : index
        %get3A_865 = tpu.vector_load %arg9[%get3A_863, %get3A_864] {strides = array<i32>} : memref<800x16xf32, #tpu.memory_space<vmem>>, vector<1x16xf32>,
        %get3A_866 = vector.shape_cast %get3A_865 : vector<1x16xf32> to vector<16xf32>
        %add3A_867 = arith.addf %add3A_860, %get3A_866 : vector<16xf32>
        scf.yield %add3A_825, %add3A_839, %add3A_853, %add3A_867 : vector<16xf32>, vector<16xf32>, vector<16xf32>, vector<16xf32>
      }
      %scan3A_350 = arith.constant 25 : i32
      %add3A_351 = arith.addf %scan3A_349#0, %scan3A_349#1 : vector<16xf32>
      %add3A_352 = arith.addf %scan3A_349#2, %scan3A_349#3 : vector<16xf32>
      %add3A_353 = arith.addf %add3A_351, %add3A_352 : vector<16xf32>
      %swap3A_354 = arith.index_cast %add3A_342 : i32 to index
      %swap3A_355 = arith.constant 0 : index
      %swap3A_356 = tpu.vector_load %arg14[%swap3A_354, %swap3A_355] {strides = array<i32>} : memref<128x16xf32, #tpu.memory_space<vmem>>, vector<1x16xf32>,
      %swap3A_357 = vector.shape_cast %swap3A_356 : vector<1x16xf32> to vector<16xf32>
      %swap3A_358 = vector.shape_cast %add3A_353 : vector<16xf32> to vector<1x16xf32>
      tpu.vector_store %arg14[%swap3A_354, %swap3A_355], %swap3A_358 {strides = array<i32>} : memref<128x16xf32, #tpu.memory_space<vmem>>, vector<1x16xf32>,
      %mul3A_359 = arith.constant 4 : i32
      %mul3A_360 = arith.muli %add3A_332, %mul3A_359 : i32
      %add3A_361 = arith.constant 1 : i32
      %add3A_362 = arith.addi %mul3A_360, %add3A_361 : i32
      %broadcast_in_dim3A_363 = arith.constant 0.000000e+00 : f32
      %broadcast_in_dim3A_364 = vector.broadcast %broadcast_in_dim3A_363 : f32 to vector<16xf32>
      %scan3A_365 = arith.constant 0 : i32
      %scan3A_366 = arith.constant 25 : i32
      %scan3A_367 = arith.addi %scan3A_365, %scan3A_366 : i32
      %scan3A_368 = arith.constant 1 : i32
      %scan3A_369:4 = scf.for %scan3A_806 = %scan3A_365 to %scan3A_367 step %scan3A_368 iter_args(%scan3A_807 = %broadcast_in_dim3A_364, %scan3A_808 = %broadcast_in_dim3A_364, %scan3A_809 = %broadcast_in_dim3A_364, %scan3A_810 = %broadcast_in_dim3A_364) -> (vector<16xf32>, vector<16xf32>, vector<16xf32>, vector<16xf32>)  : i32 {
        %mul3A_811 = arith.constant 8 : i32
        %mul3A_812 = arith.muli %scan3A_806, %mul3A_811 : i32
        %add3A_813 = arith.constant 200 : i32
        %add3A_814 = arith.addi %add3A_813, %mul3A_812 : i32
        %get3A = arith.index_cast %add3A_814 : i32 to index
        %get3A_815 = arith.constant 0 : index
        %get3A_816 = tpu.vector_load %arg9[%get3A, %get3A_815] {strides = array<i32>} : memref<800x16xf32, #tpu.memory_space<vmem>>, vector<1x16xf32>,
        %get3A_817 = vector.shape_cast %get3A_816 : vector<1x16xf32> to vector<16xf32>
        %add3A_818 = arith.addf %scan3A_807, %get3A_817 : vector<16xf32>
        %add3A_819 = arith.constant 4 : i32
        %add3A_820 = arith.addi %add3A_814, %add3A_819 : i32
        %get3A_821 = arith.index_cast %add3A_820 : i32 to index
        %get3A_822 = arith.constant 0 : index
        %get3A_823 = tpu.vector_load %arg9[%get3A_821, %get3A_822] {strides = array<i32>} : memref<800x16xf32, #tpu.memory_space<vmem>>, vector<1x16xf32>,
        %get3A_824 = vector.shape_cast %get3A_823 : vector<1x16xf32> to vector<16xf32>
        %add3A_825 = arith.addf %add3A_818, %get3A_824 : vector<16xf32>
        %add3A_826 = arith.constant 1 : i32
        %add3A_827 = arith.addi %add3A_814, %add3A_826 : i32
        %get3A_828 = arith.index_cast %add3A_827 : i32 to index
        %get3A_829 = arith.constant 0 : index
        %get3A_830 = tpu.vector_load %arg9[%get3A_828, %get3A_829] {strides = array<i32>} : memref<800x16xf32, #tpu.memory_space<vmem>>, vector<1x16xf32>,
        %get3A_831 = vector.shape_cast %get3A_830 : vector<1x16xf32> to vector<16xf32>
        %add3A_832 = arith.addf %scan3A_808, %get3A_831 : vector<16xf32>
        %add3A_833 = arith.constant 5 : i32
        %add3A_834 = arith.addi %add3A_814, %add3A_833 : i32
        %get3A_835 = arith.index_cast %add3A_834 : i32 to index
        %get3A_836 = arith.constant 0 : index
        %get3A_837 = tpu.vector_load %arg9[%get3A_835, %get3A_836] {strides = array<i32>} : memref<800x16xf32, #tpu.memory_space<vmem>>, vector<1x16xf32>,
        %get3A_838 = vector.shape_cast %get3A_837 : vector<1x16xf32> to vector<16xf32>
        %add3A_839 = arith.addf %add3A_832, %get3A_838 : vector<16xf32>
        %add3A_840 = arith.constant 2 : i32
        %add3A_841 = arith.addi %add3A_814, %add3A_840 : i32
        %get3A_842 = arith.index_cast %add3A_841 : i32 to index
        %get3A_843 = arith.constant 0 : index
        %get3A_844 = tpu.vector_load %arg9[%get3A_842, %get3A_843] {strides = array<i32>} : memref<800x16xf32, #tpu.memory_space<vmem>>, vector<1x16xf32>,
        %get3A_845 = vector.shape_cast %get3A_844 : vector<1x16xf32> to vector<16xf32>
        %add3A_846 = arith.addf %scan3A_809, %get3A_845 : vector<16xf32>
        %add3A_847 = arith.constant 6 : i32
        %add3A_848 = arith.addi %add3A_814, %add3A_847 : i32
        %get3A_849 = arith.index_cast %add3A_848 : i32 to index
        %get3A_850 = arith.constant 0 : index
        %get3A_851 = tpu.vector_load %arg9[%get3A_849, %get3A_850] {strides = array<i32>} : memref<800x16xf32, #tpu.memory_space<vmem>>, vector<1x16xf32>,
        %get3A_852 = vector.shape_cast %get3A_851 : vector<1x16xf32> to vector<16xf32>
        %add3A_853 = arith.addf %add3A_846, %get3A_852 : vector<16xf32>
        %add3A_854 = arith.constant 3 : i32
        %add3A_855 = arith.addi %add3A_814, %add3A_854 : i32
        %get3A_856 = arith.index_cast %add3A_855 : i32 to index
        %get3A_857 = arith.constant 0 : index
        %get3A_858 = tpu.vector_load %arg9[%get3A_856, %get3A_857] {strides = array<i32>} : memref<800x16xf32, #tpu.memory_space<vmem>>, vector<1x16xf32>,
        %get3A_859 = vector.shape_cast %get3A_858 : vector<1x16xf32> to vector<16xf32>
        %add3A_860 = arith.addf %scan3A_810, %get3A_859 : vector<16xf32>
        %add3A_861 = arith.constant 7 : i32
        %add3A_862 = arith.addi %add3A_814, %add3A_861 : i32
        %get3A_863 = arith.index_cast %add3A_862 : i32 to index
        %get3A_864 = arith.constant 0 : index
        %get3A_865 = tpu.vector_load %arg9[%get3A_863, %get3A_864] {strides = array<i32>} : memref<800x16xf32, #tpu.memory_space<vmem>>, vector<1x16xf32>,
        %get3A_866 = vector.shape_cast %get3A_865 : vector<1x16xf32> to vector<16xf32>
        %add3A_867 = arith.addf %add3A_860, %get3A_866 : vector<16xf32>
        scf.yield %add3A_825, %add3A_839, %add3A_853, %add3A_867 : vector<16xf32>, vector<16xf32>, vector<16xf32>, vector<16xf32>
      }
      %scan3A_370 = arith.constant 25 : i32
      %add3A_371 = arith.addf %scan3A_369#0, %scan3A_369#1 : vector<16xf32>
      %add3A_372 = arith.addf %scan3A_369#2, %scan3A_369#3 : vector<16xf32>
      %add3A_373 = arith.addf %add3A_371, %add3A_372 : vector<16xf32>
      %swap3A_374 = arith.index_cast %add3A_362 : i32 to index
      %swap3A_375 = arith.constant 0 : index
      %swap3A_376 = tpu.vector_load %arg14[%swap3A_374, %swap3A_375] {strides = array<i32>} : memref<128x16xf32, #tpu.memory_space<vmem>>, vector<1x16xf32>,
      %swap3A_377 = vector.shape_cast %swap3A_376 : vector<1x16xf32> to vector<16xf32>
      %swap3A_378 = vector.shape_cast %add3A_373 : vector<16xf32> to vector<1x16xf32>
      tpu.vector_store %arg14[%swap3A_374, %swap3A_375], %swap3A_378 {strides = array<i32>} : memref<128x16xf32, #tpu.memory_space<vmem>>, vector<1x16xf32>,
      %mul3A_379 = arith.constant 4 : i32
      %mul3A_380 = arith.muli %add3A_332, %mul3A_379 : i32
      %add3A_381 = arith.constant 2 : i32
      %add3A_382 = arith.addi %mul3A_380, %add3A_381 : i32
      %broadcast_in_dim3A_383 = arith.constant 0.000000e+00 : f32
      %broadcast_in_dim3A_384 = vector.broadcast %broadcast_in_dim3A_383 : f32 to vector<16xf32>
      %scan3A_385 = arith.constant 0 : i32
      %scan3A_386 = arith.constant 25 : i32
      %scan3A_387 = arith.addi %scan3A_385, %scan3A_386 : i32
      %scan3A_388 = arith.constant 1 : i32
      %scan3A_389:4 = scf.for %scan3A_806 = %scan3A_385 to %scan3A_387 step %scan3A_388 iter_args(%scan3A_807 = %broadcast_in_dim3A_384, %scan3A_808 = %broadcast_in_dim3A_384, %scan3A_809 = %broadcast_in_dim3A_384, %scan3A_810 = %broadcast_in_dim3A_384) -> (vector<16xf32>, vector<16xf32>, vector<16xf32>, vector<16xf32>)  : i32 {
        %mul3A_811 = arith.constant 8 : i32
        %mul3A_812 = arith.muli %scan3A_806, %mul3A_811 : i32
        %add3A_813 = arith.constant 400 : i32
        %add3A_814 = arith.addi %add3A_813, %mul3A_812 : i32
        %get3A = arith.index_cast %add3A_814 : i32 to index
        %get3A_815 = arith.constant 0 : index
        %get3A_816 = tpu.vector_load %arg9[%get3A, %get3A_815] {strides = array<i32>} : memref<800x16xf32, #tpu.memory_space<vmem>>, vector<1x16xf32>,
        %get3A_817 = vector.shape_cast %get3A_816 : vector<1x16xf32> to vector<16xf32>
        %add3A_818 = arith.addf %scan3A_807, %get3A_817 : vector<16xf32>
        %add3A_819 = arith.constant 4 : i32
        %add3A_820 = arith.addi %add3A_814, %add3A_819 : i32
        %get3A_821 = arith.index_cast %add3A_820 : i32 to index
        %get3A_822 = arith.constant 0 : index
        %get3A_823 = tpu.vector_load %arg9[%get3A_821, %get3A_822] {strides = array<i32>} : memref<800x16xf32, #tpu.memory_space<vmem>>, vector<1x16xf32>,
        %get3A_824 = vector.shape_cast %get3A_823 : vector<1x16xf32> to vector<16xf32>
        %add3A_825 = arith.addf %add3A_818, %get3A_824 : vector<16xf32>
        %add3A_826 = arith.constant 1 : i32
        %add3A_827 = arith.addi %add3A_814, %add3A_826 : i32
        %get3A_828 = arith.index_cast %add3A_827 : i32 to index
        %get3A_829 = arith.constant 0 : index
        %get3A_830 = tpu.vector_load %arg9[%get3A_828, %get3A_829] {strides = array<i32>} : memref<800x16xf32, #tpu.memory_space<vmem>>, vector<1x16xf32>,
        %get3A_831 = vector.shape_cast %get3A_830 : vector<1x16xf32> to vector<16xf32>
        %add3A_832 = arith.addf %scan3A_808, %get3A_831 : vector<16xf32>
        %add3A_833 = arith.constant 5 : i32
        %add3A_834 = arith.addi %add3A_814, %add3A_833 : i32
        %get3A_835 = arith.index_cast %add3A_834 : i32 to index
        %get3A_836 = arith.constant 0 : index
        %get3A_837 = tpu.vector_load %arg9[%get3A_835, %get3A_836] {strides = array<i32>} : memref<800x16xf32, #tpu.memory_space<vmem>>, vector<1x16xf32>,
        %get3A_838 = vector.shape_cast %get3A_837 : vector<1x16xf32> to vector<16xf32>
        %add3A_839 = arith.addf %add3A_832, %get3A_838 : vector<16xf32>
        %add3A_840 = arith.constant 2 : i32
        %add3A_841 = arith.addi %add3A_814, %add3A_840 : i32
        %get3A_842 = arith.index_cast %add3A_841 : i32 to index
        %get3A_843 = arith.constant 0 : index
        %get3A_844 = tpu.vector_load %arg9[%get3A_842, %get3A_843] {strides = array<i32>} : memref<800x16xf32, #tpu.memory_space<vmem>>, vector<1x16xf32>,
        %get3A_845 = vector.shape_cast %get3A_844 : vector<1x16xf32> to vector<16xf32>
        %add3A_846 = arith.addf %scan3A_809, %get3A_845 : vector<16xf32>
        %add3A_847 = arith.constant 6 : i32
        %add3A_848 = arith.addi %add3A_814, %add3A_847 : i32
        %get3A_849 = arith.index_cast %add3A_848 : i32 to index
        %get3A_850 = arith.constant 0 : index
        %get3A_851 = tpu.vector_load %arg9[%get3A_849, %get3A_850] {strides = array<i32>} : memref<800x16xf32, #tpu.memory_space<vmem>>, vector<1x16xf32>,
        %get3A_852 = vector.shape_cast %get3A_851 : vector<1x16xf32> to vector<16xf32>
        %add3A_853 = arith.addf %add3A_846, %get3A_852 : vector<16xf32>
        %add3A_854 = arith.constant 3 : i32
        %add3A_855 = arith.addi %add3A_814, %add3A_854 : i32
        %get3A_856 = arith.index_cast %add3A_855 : i32 to index
        %get3A_857 = arith.constant 0 : index
        %get3A_858 = tpu.vector_load %arg9[%get3A_856, %get3A_857] {strides = array<i32>} : memref<800x16xf32, #tpu.memory_space<vmem>>, vector<1x16xf32>,
        %get3A_859 = vector.shape_cast %get3A_858 : vector<1x16xf32> to vector<16xf32>
        %add3A_860 = arith.addf %scan3A_810, %get3A_859 : vector<16xf32>
        %add3A_861 = arith.constant 7 : i32
        %add3A_862 = arith.addi %add3A_814, %add3A_861 : i32
        %get3A_863 = arith.index_cast %add3A_862 : i32 to index
        %get3A_864 = arith.constant 0 : index
        %get3A_865 = tpu.vector_load %arg9[%get3A_863, %get3A_864] {strides = array<i32>} : memref<800x16xf32, #tpu.memory_space<vmem>>, vector<1x16xf32>,
        %get3A_866 = vector.shape_cast %get3A_865 : vector<1x16xf32> to vector<16xf32>
        %add3A_867 = arith.addf %add3A_860, %get3A_866 : vector<16xf32>
        scf.yield %add3A_825, %add3A_839, %add3A_853, %add3A_867 : vector<16xf32>, vector<16xf32>, vector<16xf32>, vector<16xf32>
      }
      %scan3A_390 = arith.constant 25 : i32
      %add3A_391 = arith.addf %scan3A_389#0, %scan3A_389#1 : vector<16xf32>
      %add3A_392 = arith.addf %scan3A_389#2, %scan3A_389#3 : vector<16xf32>
      %add3A_393 = arith.addf %add3A_391, %add3A_392 : vector<16xf32>
      %swap3A_394 = arith.index_cast %add3A_382 : i32 to index
      %swap3A_395 = arith.constant 0 : index
      %swap3A_396 = tpu.vector_load %arg14[%swap3A_394, %swap3A_395] {strides = array<i32>} : memref<128x16xf32, #tpu.memory_space<vmem>>, vector<1x16xf32>,
      %swap3A_397 = vector.shape_cast %swap3A_396 : vector<1x16xf32> to vector<16xf32>
      %swap3A_398 = vector.shape_cast %add3A_393 : vector<16xf32> to vector<1x16xf32>
      tpu.vector_store %arg14[%swap3A_394, %swap3A_395], %swap3A_398 {strides = array<i32>} : memref<128x16xf32, #tpu.memory_space<vmem>>, vector<1x16xf32>,
      %mul3A_399 = arith.constant 4 : i32
      %mul3A_400 = arith.muli %add3A_332, %mul3A_399 : i32
      %add3A_401 = arith.constant 3 : i32
      %add3A_402 = arith.addi %mul3A_400, %add3A_401 : i32
      %broadcast_in_dim3A_403 = arith.constant 0.000000e+00 : f32
      %broadcast_in_dim3A_404 = vector.broadcast %broadcast_in_dim3A_403 : f32 to vector<16xf32>
      %scan3A_405 = arith.constant 0 : i32
      %scan3A_406 = arith.constant 25 : i32
      %scan3A_407 = arith.addi %scan3A_405, %scan3A_406 : i32
      %scan3A_408 = arith.constant 1 : i32
      %scan3A_409:4 = scf.for %scan3A_806 = %scan3A_405 to %scan3A_407 step %scan3A_408 iter_args(%scan3A_807 = %broadcast_in_dim3A_404, %scan3A_808 = %broadcast_in_dim3A_404, %scan3A_809 = %broadcast_in_dim3A_404, %scan3A_810 = %broadcast_in_dim3A_404) -> (vector<16xf32>, vector<16xf32>, vector<16xf32>, vector<16xf32>)  : i32 {
        %mul3A_811 = arith.constant 8 : i32
        %mul3A_812 = arith.muli %scan3A_806, %mul3A_811 : i32
        %add3A_813 = arith.constant 600 : i32
        %add3A_814 = arith.addi %add3A_813, %mul3A_812 : i32
        %get3A = arith.index_cast %add3A_814 : i32 to index
        %get3A_815 = arith.constant 0 : index
        %get3A_816 = tpu.vector_load %arg9[%get3A, %get3A_815] {strides = array<i32>} : memref<800x16xf32, #tpu.memory_space<vmem>>, vector<1x16xf32>,
        %get3A_817 = vector.shape_cast %get3A_816 : vector<1x16xf32> to vector<16xf32>
        %add3A_818 = arith.addf %scan3A_807, %get3A_817 : vector<16xf32>
        %add3A_819 = arith.constant 4 : i32
        %add3A_820 = arith.addi %add3A_814, %add3A_819 : i32
        %get3A_821 = arith.index_cast %add3A_820 : i32 to index
        %get3A_822 = arith.constant 0 : index
        %get3A_823 = tpu.vector_load %arg9[%get3A_821, %get3A_822] {strides = array<i32>} : memref<800x16xf32, #tpu.memory_space<vmem>>, vector<1x16xf32>,
        %get3A_824 = vector.shape_cast %get3A_823 : vector<1x16xf32> to vector<16xf32>
        %add3A_825 = arith.addf %add3A_818, %get3A_824 : vector<16xf32>
        %add3A_826 = arith.constant 1 : i32
        %add3A_827 = arith.addi %add3A_814, %add3A_826 : i32
        %get3A_828 = arith.index_cast %add3A_827 : i32 to index
        %get3A_829 = arith.constant 0 : index
        %get3A_830 = tpu.vector_load %arg9[%get3A_828, %get3A_829] {strides = array<i32>} : memref<800x16xf32, #tpu.memory_space<vmem>>, vector<1x16xf32>,
        %get3A_831 = vector.shape_cast %get3A_830 : vector<1x16xf32> to vector<16xf32>
        %add3A_832 = arith.addf %scan3A_808, %get3A_831 : vector<16xf32>
        %add3A_833 = arith.constant 5 : i32
        %add3A_834 = arith.addi %add3A_814, %add3A_833 : i32
        %get3A_835 = arith.index_cast %add3A_834 : i32 to index
        %get3A_836 = arith.constant 0 : index
        %get3A_837 = tpu.vector_load %arg9[%get3A_835, %get3A_836] {strides = array<i32>} : memref<800x16xf32, #tpu.memory_space<vmem>>, vector<1x16xf32>,
        %get3A_838 = vector.shape_cast %get3A_837 : vector<1x16xf32> to vector<16xf32>
        %add3A_839 = arith.addf %add3A_832, %get3A_838 : vector<16xf32>
        %add3A_840 = arith.constant 2 : i32
        %add3A_841 = arith.addi %add3A_814, %add3A_840 : i32
        %get3A_842 = arith.index_cast %add3A_841 : i32 to index
        %get3A_843 = arith.constant 0 : index
        %get3A_844 = tpu.vector_load %arg9[%get3A_842, %get3A_843] {strides = array<i32>} : memref<800x16xf32, #tpu.memory_space<vmem>>, vector<1x16xf32>,
        %get3A_845 = vector.shape_cast %get3A_844 : vector<1x16xf32> to vector<16xf32>
        %add3A_846 = arith.addf %scan3A_809, %get3A_845 : vector<16xf32>
        %add3A_847 = arith.constant 6 : i32
        %add3A_848 = arith.addi %add3A_814, %add3A_847 : i32
        %get3A_849 = arith.index_cast %add3A_848 : i32 to index
        %get3A_850 = arith.constant 0 : index
        %get3A_851 = tpu.vector_load %arg9[%get3A_849, %get3A_850] {strides = array<i32>} : memref<800x16xf32, #tpu.memory_space<vmem>>, vector<1x16xf32>,
        %get3A_852 = vector.shape_cast %get3A_851 : vector<1x16xf32> to vector<16xf32>
        %add3A_853 = arith.addf %add3A_846, %get3A_852 : vector<16xf32>
        %add3A_854 = arith.constant 3 : i32
        %add3A_855 = arith.addi %add3A_814, %add3A_854 : i32
        %get3A_856 = arith.index_cast %add3A_855 : i32 to index
        %get3A_857 = arith.constant 0 : index
        %get3A_858 = tpu.vector_load %arg9[%get3A_856, %get3A_857] {strides = array<i32>} : memref<800x16xf32, #tpu.memory_space<vmem>>, vector<1x16xf32>,
        %get3A_859 = vector.shape_cast %get3A_858 : vector<1x16xf32> to vector<16xf32>
        %add3A_860 = arith.addf %scan3A_810, %get3A_859 : vector<16xf32>
        %add3A_861 = arith.constant 7 : i32
        %add3A_862 = arith.addi %add3A_814, %add3A_861 : i32
        %get3A_863 = arith.index_cast %add3A_862 : i32 to index
        %get3A_864 = arith.constant 0 : index
        %get3A_865 = tpu.vector_load %arg9[%get3A_863, %get3A_864] {strides = array<i32>} : memref<800x16xf32, #tpu.memory_space<vmem>>, vector<1x16xf32>,
        %get3A_866 = vector.shape_cast %get3A_865 : vector<1x16xf32> to vector<16xf32>
        %add3A_867 = arith.addf %add3A_860, %get3A_866 : vector<16xf32>
        scf.yield %add3A_825, %add3A_839, %add3A_853, %add3A_867 : vector<16xf32>, vector<16xf32>, vector<16xf32>, vector<16xf32>
      }
      %scan3A_410 = arith.constant 25 : i32
      %add3A_411 = arith.addf %scan3A_409#0, %scan3A_409#1 : vector<16xf32>
      %add3A_412 = arith.addf %scan3A_409#2, %scan3A_409#3 : vector<16xf32>
      %add3A_413 = arith.addf %add3A_411, %add3A_412 : vector<16xf32>
      %swap3A_414 = arith.index_cast %add3A_402 : i32 to index
      %swap3A_415 = arith.constant 0 : index
      %swap3A_416 = tpu.vector_load %arg14[%swap3A_414, %swap3A_415] {strides = array<i32>} : memref<128x16xf32, #tpu.memory_space<vmem>>, vector<1x16xf32>,
      %swap3A_417 = vector.shape_cast %swap3A_416 : vector<1x16xf32> to vector<16xf32>
      %swap3A_418 = vector.shape_cast %add3A_413 : vector<16xf32> to vector<1x16xf32>
      tpu.vector_store %arg14[%swap3A_414, %swap3A_415], %swap3A_418 {strides = array<i32>} : memref<128x16xf32, #tpu.memory_space<vmem>>, vector<1x16xf32>,
      %add3A_419 = arith.constant 8 : i32
      %add3A_420 = arith.addi %add3A_332, %add3A_419 : i32
      %lt3A_421 = arith.constant 32 : i32
      %lt3A_422 = arith.cmpi slt, %add3A_420, %lt3A_421 : i32
      %convert_element_type3A_423 = arith.extui %lt3A_422 : i1 to i32
      %cond3A_424 = arith.constant 0 : i32
      %cond3A_425 = arith.cmpi ne, %convert_element_type3A_423, %cond3A_424 : i32
      scf.if %cond3A_425 {
        %add3A_806 = arith.constant 8 : i32
        %add3A_807 = arith.addi %add3A_332, %add3A_806 : i32
        %mul3A_808 = arith.constant 800 : i32
        %mul3A_809 = arith.muli %add3A_807, %mul3A_808 : i32
        %dma_start3A_810 = tpu.memref_slice %arg5[%mul3A_809] : memref<25600xi32, #tpu.memory_space<vmem>> -> memref<800xi32, #tpu.memory_space<vmem>>
        %dma_start3A_811 = arith.constant 0 : i32
        %dma_start3A_812 = arith.constant 0 : i32
        %dma_start3A_813 = tpu.memref_slice %arg3[%dma_start3A_811, %dma_start3A_812] : memref<1000000x16xf32, #tpu.memory_space<hbm>> -> memref<1000000x16xf32, #tpu.memory_space<hbm>>
        tpu.enqueue_indirect_dma source(%dma_start3A_813 : memref<1000000x16xf32, #tpu.memory_space<hbm>>) target(%arg9 : memref<800x16xf32, #tpu.memory_space<vmem>>) offsets(%dma_start3A_810 : memref<800xi32, #tpu.memory_space<vmem>>) semaphore(%arg18 : memref<!tpu.dma_semaphore, #tpu.memory_space<semaphore_mem>>)
      } else {
      }
      %add3A_426 = arith.constant 4 : i32
      %add3A_427 = arith.addi %mul3A_51, %add3A_426 : i32
      %mul3A_428 = arith.constant 800 : i32
      %mul3A_429 = arith.muli %add3A_427, %mul3A_428 : i32
      %dma_wait3A_430 = tpu.memref_slice %arg5[%mul3A_429] : memref<25600xi32, #tpu.memory_space<vmem>> -> memref<800xi32, #tpu.memory_space<vmem>>
      %dma_wait3A_431 = arith.constant 0 : i32
      %dma_wait3A_432 = arith.constant 0 : i32
      %dma_wait3A_433 = tpu.memref_slice %arg3[%dma_wait3A_431, %dma_wait3A_432] : memref<1000000x16xf32, #tpu.memory_space<hbm>> -> memref<1000000x16xf32, #tpu.memory_space<hbm>>
      tpu.wait_indirect_dma semaphore(%arg19 : memref<!tpu.dma_semaphore, #tpu.memory_space<semaphore_mem>>) src(%dma_wait3A_433 : memref<1000000x16xf32, #tpu.memory_space<hbm>>) dst(%arg10 : memref<800x16xf32, #tpu.memory_space<vmem>>)
      %mul3A_434 = arith.constant 4 : i32
      %mul3A_435 = arith.muli %add3A_427, %mul3A_434 : i32
      %add3A_436 = arith.constant 0 : i32
      %add3A_437 = arith.addi %mul3A_435, %add3A_436 : i32
      %broadcast_in_dim3A_438 = arith.constant 0.000000e+00 : f32
      %broadcast_in_dim3A_439 = vector.broadcast %broadcast_in_dim3A_438 : f32 to vector<16xf32>
      %scan3A_440 = arith.constant 0 : i32
      %scan3A_441 = arith.constant 25 : i32
      %scan3A_442 = arith.addi %scan3A_440, %scan3A_441 : i32
      %scan3A_443 = arith.constant 1 : i32
      %scan3A_444:4 = scf.for %scan3A_806 = %scan3A_440 to %scan3A_442 step %scan3A_443 iter_args(%scan3A_807 = %broadcast_in_dim3A_439, %scan3A_808 = %broadcast_in_dim3A_439, %scan3A_809 = %broadcast_in_dim3A_439, %scan3A_810 = %broadcast_in_dim3A_439) -> (vector<16xf32>, vector<16xf32>, vector<16xf32>, vector<16xf32>)  : i32 {
        %mul3A_811 = arith.constant 8 : i32
        %mul3A_812 = arith.muli %scan3A_806, %mul3A_811 : i32
        %add3A_813 = arith.constant 0 : i32
        %add3A_814 = arith.addi %add3A_813, %mul3A_812 : i32
        %get3A = arith.index_cast %add3A_814 : i32 to index
        %get3A_815 = arith.constant 0 : index
        %get3A_816 = tpu.vector_load %arg10[%get3A, %get3A_815] {strides = array<i32>} : memref<800x16xf32, #tpu.memory_space<vmem>>, vector<1x16xf32>,
        %get3A_817 = vector.shape_cast %get3A_816 : vector<1x16xf32> to vector<16xf32>
        %add3A_818 = arith.addf %scan3A_807, %get3A_817 : vector<16xf32>
        %add3A_819 = arith.constant 4 : i32
        %add3A_820 = arith.addi %add3A_814, %add3A_819 : i32
        %get3A_821 = arith.index_cast %add3A_820 : i32 to index
        %get3A_822 = arith.constant 0 : index
        %get3A_823 = tpu.vector_load %arg10[%get3A_821, %get3A_822] {strides = array<i32>} : memref<800x16xf32, #tpu.memory_space<vmem>>, vector<1x16xf32>,
        %get3A_824 = vector.shape_cast %get3A_823 : vector<1x16xf32> to vector<16xf32>
        %add3A_825 = arith.addf %add3A_818, %get3A_824 : vector<16xf32>
        %add3A_826 = arith.constant 1 : i32
        %add3A_827 = arith.addi %add3A_814, %add3A_826 : i32
        %get3A_828 = arith.index_cast %add3A_827 : i32 to index
        %get3A_829 = arith.constant 0 : index
        %get3A_830 = tpu.vector_load %arg10[%get3A_828, %get3A_829] {strides = array<i32>} : memref<800x16xf32, #tpu.memory_space<vmem>>, vector<1x16xf32>,
        %get3A_831 = vector.shape_cast %get3A_830 : vector<1x16xf32> to vector<16xf32>
        %add3A_832 = arith.addf %scan3A_808, %get3A_831 : vector<16xf32>
        %add3A_833 = arith.constant 5 : i32
        %add3A_834 = arith.addi %add3A_814, %add3A_833 : i32
        %get3A_835 = arith.index_cast %add3A_834 : i32 to index
        %get3A_836 = arith.constant 0 : index
        %get3A_837 = tpu.vector_load %arg10[%get3A_835, %get3A_836] {strides = array<i32>} : memref<800x16xf32, #tpu.memory_space<vmem>>, vector<1x16xf32>,
        %get3A_838 = vector.shape_cast %get3A_837 : vector<1x16xf32> to vector<16xf32>
        %add3A_839 = arith.addf %add3A_832, %get3A_838 : vector<16xf32>
        %add3A_840 = arith.constant 2 : i32
        %add3A_841 = arith.addi %add3A_814, %add3A_840 : i32
        %get3A_842 = arith.index_cast %add3A_841 : i32 to index
        %get3A_843 = arith.constant 0 : index
        %get3A_844 = tpu.vector_load %arg10[%get3A_842, %get3A_843] {strides = array<i32>} : memref<800x16xf32, #tpu.memory_space<vmem>>, vector<1x16xf32>,
        %get3A_845 = vector.shape_cast %get3A_844 : vector<1x16xf32> to vector<16xf32>
        %add3A_846 = arith.addf %scan3A_809, %get3A_845 : vector<16xf32>
        %add3A_847 = arith.constant 6 : i32
        %add3A_848 = arith.addi %add3A_814, %add3A_847 : i32
        %get3A_849 = arith.index_cast %add3A_848 : i32 to index
        %get3A_850 = arith.constant 0 : index
        %get3A_851 = tpu.vector_load %arg10[%get3A_849, %get3A_850] {strides = array<i32>} : memref<800x16xf32, #tpu.memory_space<vmem>>, vector<1x16xf32>,
        %get3A_852 = vector.shape_cast %get3A_851 : vector<1x16xf32> to vector<16xf32>
        %add3A_853 = arith.addf %add3A_846, %get3A_852 : vector<16xf32>
        %add3A_854 = arith.constant 3 : i32
        %add3A_855 = arith.addi %add3A_814, %add3A_854 : i32
        %get3A_856 = arith.index_cast %add3A_855 : i32 to index
        %get3A_857 = arith.constant 0 : index
        %get3A_858 = tpu.vector_load %arg10[%get3A_856, %get3A_857] {strides = array<i32>} : memref<800x16xf32, #tpu.memory_space<vmem>>, vector<1x16xf32>,
        %get3A_859 = vector.shape_cast %get3A_858 : vector<1x16xf32> to vector<16xf32>
        %add3A_860 = arith.addf %scan3A_810, %get3A_859 : vector<16xf32>
        %add3A_861 = arith.constant 7 : i32
        %add3A_862 = arith.addi %add3A_814, %add3A_861 : i32
        %get3A_863 = arith.index_cast %add3A_862 : i32 to index
        %get3A_864 = arith.constant 0 : index
        %get3A_865 = tpu.vector_load %arg10[%get3A_863, %get3A_864] {strides = array<i32>} : memref<800x16xf32, #tpu.memory_space<vmem>>, vector<1x16xf32>,
        %get3A_866 = vector.shape_cast %get3A_865 : vector<1x16xf32> to vector<16xf32>
        %add3A_867 = arith.addf %add3A_860, %get3A_866 : vector<16xf32>
        scf.yield %add3A_825, %add3A_839, %add3A_853, %add3A_867 : vector<16xf32>, vector<16xf32>, vector<16xf32>, vector<16xf32>
      }
      %scan3A_445 = arith.constant 25 : i32
      %add3A_446 = arith.addf %scan3A_444#0, %scan3A_444#1 : vector<16xf32>
      %add3A_447 = arith.addf %scan3A_444#2, %scan3A_444#3 : vector<16xf32>
      %add3A_448 = arith.addf %add3A_446, %add3A_447 : vector<16xf32>
      %swap3A_449 = arith.index_cast %add3A_437 : i32 to index
      %swap3A_450 = arith.constant 0 : index
      %swap3A_451 = tpu.vector_load %arg14[%swap3A_449, %swap3A_450] {strides = array<i32>} : memref<128x16xf32, #tpu.memory_space<vmem>>, vector<1x16xf32>,
      %swap3A_452 = vector.shape_cast %swap3A_451 : vector<1x16xf32> to vector<16xf32>
      %swap3A_453 = vector.shape_cast %add3A_448 : vector<16xf32> to vector<1x16xf32>
      tpu.vector_store %arg14[%swap3A_449, %swap3A_450], %swap3A_453 {strides = array<i32>} : memref<128x16xf32, #tpu.memory_space<vmem>>, vector<1x16xf32>,
      %mul3A_454 = arith.constant 4 : i32
      %mul3A_455 = arith.muli %add3A_427, %mul3A_454 : i32
      %add3A_456 = arith.constant 1 : i32
      %add3A_457 = arith.addi %mul3A_455, %add3A_456 : i32
      %broadcast_in_dim3A_458 = arith.constant 0.000000e+00 : f32
      %broadcast_in_dim3A_459 = vector.broadcast %broadcast_in_dim3A_458 : f32 to vector<16xf32>
      %scan3A_460 = arith.constant 0 : i32
      %scan3A_461 = arith.constant 25 : i32
      %scan3A_462 = arith.addi %scan3A_460, %scan3A_461 : i32
      %scan3A_463 = arith.constant 1 : i32
      %scan3A_464:4 = scf.for %scan3A_806 = %scan3A_460 to %scan3A_462 step %scan3A_463 iter_args(%scan3A_807 = %broadcast_in_dim3A_459, %scan3A_808 = %broadcast_in_dim3A_459, %scan3A_809 = %broadcast_in_dim3A_459, %scan3A_810 = %broadcast_in_dim3A_459) -> (vector<16xf32>, vector<16xf32>, vector<16xf32>, vector<16xf32>)  : i32 {
        %mul3A_811 = arith.constant 8 : i32
        %mul3A_812 = arith.muli %scan3A_806, %mul3A_811 : i32
        %add3A_813 = arith.constant 200 : i32
        %add3A_814 = arith.addi %add3A_813, %mul3A_812 : i32
        %get3A = arith.index_cast %add3A_814 : i32 to index
        %get3A_815 = arith.constant 0 : index
        %get3A_816 = tpu.vector_load %arg10[%get3A, %get3A_815] {strides = array<i32>} : memref<800x16xf32, #tpu.memory_space<vmem>>, vector<1x16xf32>,
        %get3A_817 = vector.shape_cast %get3A_816 : vector<1x16xf32> to vector<16xf32>
        %add3A_818 = arith.addf %scan3A_807, %get3A_817 : vector<16xf32>
        %add3A_819 = arith.constant 4 : i32
        %add3A_820 = arith.addi %add3A_814, %add3A_819 : i32
        %get3A_821 = arith.index_cast %add3A_820 : i32 to index
        %get3A_822 = arith.constant 0 : index
        %get3A_823 = tpu.vector_load %arg10[%get3A_821, %get3A_822] {strides = array<i32>} : memref<800x16xf32, #tpu.memory_space<vmem>>, vector<1x16xf32>,
        %get3A_824 = vector.shape_cast %get3A_823 : vector<1x16xf32> to vector<16xf32>
        %add3A_825 = arith.addf %add3A_818, %get3A_824 : vector<16xf32>
        %add3A_826 = arith.constant 1 : i32
        %add3A_827 = arith.addi %add3A_814, %add3A_826 : i32
        %get3A_828 = arith.index_cast %add3A_827 : i32 to index
        %get3A_829 = arith.constant 0 : index
        %get3A_830 = tpu.vector_load %arg10[%get3A_828, %get3A_829] {strides = array<i32>} : memref<800x16xf32, #tpu.memory_space<vmem>>, vector<1x16xf32>,
        %get3A_831 = vector.shape_cast %get3A_830 : vector<1x16xf32> to vector<16xf32>
        %add3A_832 = arith.addf %scan3A_808, %get3A_831 : vector<16xf32>
        %add3A_833 = arith.constant 5 : i32
        %add3A_834 = arith.addi %add3A_814, %add3A_833 : i32
        %get3A_835 = arith.index_cast %add3A_834 : i32 to index
        %get3A_836 = arith.constant 0 : index
        %get3A_837 = tpu.vector_load %arg10[%get3A_835, %get3A_836] {strides = array<i32>} : memref<800x16xf32, #tpu.memory_space<vmem>>, vector<1x16xf32>,
        %get3A_838 = vector.shape_cast %get3A_837 : vector<1x16xf32> to vector<16xf32>
        %add3A_839 = arith.addf %add3A_832, %get3A_838 : vector<16xf32>
        %add3A_840 = arith.constant 2 : i32
        %add3A_841 = arith.addi %add3A_814, %add3A_840 : i32
        %get3A_842 = arith.index_cast %add3A_841 : i32 to index
        %get3A_843 = arith.constant 0 : index
        %get3A_844 = tpu.vector_load %arg10[%get3A_842, %get3A_843] {strides = array<i32>} : memref<800x16xf32, #tpu.memory_space<vmem>>, vector<1x16xf32>,
        %get3A_845 = vector.shape_cast %get3A_844 : vector<1x16xf32> to vector<16xf32>
        %add3A_846 = arith.addf %scan3A_809, %get3A_845 : vector<16xf32>
        %add3A_847 = arith.constant 6 : i32
        %add3A_848 = arith.addi %add3A_814, %add3A_847 : i32
        %get3A_849 = arith.index_cast %add3A_848 : i32 to index
        %get3A_850 = arith.constant 0 : index
        %get3A_851 = tpu.vector_load %arg10[%get3A_849, %get3A_850] {strides = array<i32>} : memref<800x16xf32, #tpu.memory_space<vmem>>, vector<1x16xf32>,
        %get3A_852 = vector.shape_cast %get3A_851 : vector<1x16xf32> to vector<16xf32>
        %add3A_853 = arith.addf %add3A_846, %get3A_852 : vector<16xf32>
        %add3A_854 = arith.constant 3 : i32
        %add3A_855 = arith.addi %add3A_814, %add3A_854 : i32
        %get3A_856 = arith.index_cast %add3A_855 : i32 to index
        %get3A_857 = arith.constant 0 : index
        %get3A_858 = tpu.vector_load %arg10[%get3A_856, %get3A_857] {strides = array<i32>} : memref<800x16xf32, #tpu.memory_space<vmem>>, vector<1x16xf32>,
        %get3A_859 = vector.shape_cast %get3A_858 : vector<1x16xf32> to vector<16xf32>
        %add3A_860 = arith.addf %scan3A_810, %get3A_859 : vector<16xf32>
        %add3A_861 = arith.constant 7 : i32
        %add3A_862 = arith.addi %add3A_814, %add3A_861 : i32
        %get3A_863 = arith.index_cast %add3A_862 : i32 to index
        %get3A_864 = arith.constant 0 : index
        %get3A_865 = tpu.vector_load %arg10[%get3A_863, %get3A_864] {strides = array<i32>} : memref<800x16xf32, #tpu.memory_space<vmem>>, vector<1x16xf32>,
        %get3A_866 = vector.shape_cast %get3A_865 : vector<1x16xf32> to vector<16xf32>
        %add3A_867 = arith.addf %add3A_860, %get3A_866 : vector<16xf32>
        scf.yield %add3A_825, %add3A_839, %add3A_853, %add3A_867 : vector<16xf32>, vector<16xf32>, vector<16xf32>, vector<16xf32>
      }
      %scan3A_465 = arith.constant 25 : i32
      %add3A_466 = arith.addf %scan3A_464#0, %scan3A_464#1 : vector<16xf32>
      %add3A_467 = arith.addf %scan3A_464#2, %scan3A_464#3 : vector<16xf32>
      %add3A_468 = arith.addf %add3A_466, %add3A_467 : vector<16xf32>
      %swap3A_469 = arith.index_cast %add3A_457 : i32 to index
      %swap3A_470 = arith.constant 0 : index
      %swap3A_471 = tpu.vector_load %arg14[%swap3A_469, %swap3A_470] {strides = array<i32>} : memref<128x16xf32, #tpu.memory_space<vmem>>, vector<1x16xf32>,
      %swap3A_472 = vector.shape_cast %swap3A_471 : vector<1x16xf32> to vector<16xf32>
      %swap3A_473 = vector.shape_cast %add3A_468 : vector<16xf32> to vector<1x16xf32>
      tpu.vector_store %arg14[%swap3A_469, %swap3A_470], %swap3A_473 {strides = array<i32>} : memref<128x16xf32, #tpu.memory_space<vmem>>, vector<1x16xf32>,
      %mul3A_474 = arith.constant 4 : i32
      %mul3A_475 = arith.muli %add3A_427, %mul3A_474 : i32
      %add3A_476 = arith.constant 2 : i32
      %add3A_477 = arith.addi %mul3A_475, %add3A_476 : i32
      %broadcast_in_dim3A_478 = arith.constant 0.000000e+00 : f32
      %broadcast_in_dim3A_479 = vector.broadcast %broadcast_in_dim3A_478 : f32 to vector<16xf32>
      %scan3A_480 = arith.constant 0 : i32
      %scan3A_481 = arith.constant 25 : i32
      %scan3A_482 = arith.addi %scan3A_480, %scan3A_481 : i32
      %scan3A_483 = arith.constant 1 : i32
      %scan3A_484:4 = scf.for %scan3A_806 = %scan3A_480 to %scan3A_482 step %scan3A_483 iter_args(%scan3A_807 = %broadcast_in_dim3A_479, %scan3A_808 = %broadcast_in_dim3A_479, %scan3A_809 = %broadcast_in_dim3A_479, %scan3A_810 = %broadcast_in_dim3A_479) -> (vector<16xf32>, vector<16xf32>, vector<16xf32>, vector<16xf32>)  : i32 {
        %mul3A_811 = arith.constant 8 : i32
        %mul3A_812 = arith.muli %scan3A_806, %mul3A_811 : i32
        %add3A_813 = arith.constant 400 : i32
        %add3A_814 = arith.addi %add3A_813, %mul3A_812 : i32
        %get3A = arith.index_cast %add3A_814 : i32 to index
        %get3A_815 = arith.constant 0 : index
        %get3A_816 = tpu.vector_load %arg10[%get3A, %get3A_815] {strides = array<i32>} : memref<800x16xf32, #tpu.memory_space<vmem>>, vector<1x16xf32>,
        %get3A_817 = vector.shape_cast %get3A_816 : vector<1x16xf32> to vector<16xf32>
        %add3A_818 = arith.addf %scan3A_807, %get3A_817 : vector<16xf32>
        %add3A_819 = arith.constant 4 : i32
        %add3A_820 = arith.addi %add3A_814, %add3A_819 : i32
        %get3A_821 = arith.index_cast %add3A_820 : i32 to index
        %get3A_822 = arith.constant 0 : index
        %get3A_823 = tpu.vector_load %arg10[%get3A_821, %get3A_822] {strides = array<i32>} : memref<800x16xf32, #tpu.memory_space<vmem>>, vector<1x16xf32>,
        %get3A_824 = vector.shape_cast %get3A_823 : vector<1x16xf32> to vector<16xf32>
        %add3A_825 = arith.addf %add3A_818, %get3A_824 : vector<16xf32>
        %add3A_826 = arith.constant 1 : i32
        %add3A_827 = arith.addi %add3A_814, %add3A_826 : i32
        %get3A_828 = arith.index_cast %add3A_827 : i32 to index
        %get3A_829 = arith.constant 0 : index
        %get3A_830 = tpu.vector_load %arg10[%get3A_828, %get3A_829] {strides = array<i32>} : memref<800x16xf32, #tpu.memory_space<vmem>>, vector<1x16xf32>,
        %get3A_831 = vector.shape_cast %get3A_830 : vector<1x16xf32> to vector<16xf32>
        %add3A_832 = arith.addf %scan3A_808, %get3A_831 : vector<16xf32>
        %add3A_833 = arith.constant 5 : i32
        %add3A_834 = arith.addi %add3A_814, %add3A_833 : i32
        %get3A_835 = arith.index_cast %add3A_834 : i32 to index
        %get3A_836 = arith.constant 0 : index
        %get3A_837 = tpu.vector_load %arg10[%get3A_835, %get3A_836] {strides = array<i32>} : memref<800x16xf32, #tpu.memory_space<vmem>>, vector<1x16xf32>,
        %get3A_838 = vector.shape_cast %get3A_837 : vector<1x16xf32> to vector<16xf32>
        %add3A_839 = arith.addf %add3A_832, %get3A_838 : vector<16xf32>
        %add3A_840 = arith.constant 2 : i32
        %add3A_841 = arith.addi %add3A_814, %add3A_840 : i32
        %get3A_842 = arith.index_cast %add3A_841 : i32 to index
        %get3A_843 = arith.constant 0 : index
        %get3A_844 = tpu.vector_load %arg10[%get3A_842, %get3A_843] {strides = array<i32>} : memref<800x16xf32, #tpu.memory_space<vmem>>, vector<1x16xf32>,
        %get3A_845 = vector.shape_cast %get3A_844 : vector<1x16xf32> to vector<16xf32>
        %add3A_846 = arith.addf %scan3A_809, %get3A_845 : vector<16xf32>
        %add3A_847 = arith.constant 6 : i32
        %add3A_848 = arith.addi %add3A_814, %add3A_847 : i32
        %get3A_849 = arith.index_cast %add3A_848 : i32 to index
        %get3A_850 = arith.constant 0 : index
        %get3A_851 = tpu.vector_load %arg10[%get3A_849, %get3A_850] {strides = array<i32>} : memref<800x16xf32, #tpu.memory_space<vmem>>, vector<1x16xf32>,
        %get3A_852 = vector.shape_cast %get3A_851 : vector<1x16xf32> to vector<16xf32>
        %add3A_853 = arith.addf %add3A_846, %get3A_852 : vector<16xf32>
        %add3A_854 = arith.constant 3 : i32
        %add3A_855 = arith.addi %add3A_814, %add3A_854 : i32
        %get3A_856 = arith.index_cast %add3A_855 : i32 to index
        %get3A_857 = arith.constant 0 : index
        %get3A_858 = tpu.vector_load %arg10[%get3A_856, %get3A_857] {strides = array<i32>} : memref<800x16xf32, #tpu.memory_space<vmem>>, vector<1x16xf32>,
        %get3A_859 = vector.shape_cast %get3A_858 : vector<1x16xf32> to vector<16xf32>
        %add3A_860 = arith.addf %scan3A_810, %get3A_859 : vector<16xf32>
        %add3A_861 = arith.constant 7 : i32
        %add3A_862 = arith.addi %add3A_814, %add3A_861 : i32
        %get3A_863 = arith.index_cast %add3A_862 : i32 to index
        %get3A_864 = arith.constant 0 : index
        %get3A_865 = tpu.vector_load %arg10[%get3A_863, %get3A_864] {strides = array<i32>} : memref<800x16xf32, #tpu.memory_space<vmem>>, vector<1x16xf32>,
        %get3A_866 = vector.shape_cast %get3A_865 : vector<1x16xf32> to vector<16xf32>
        %add3A_867 = arith.addf %add3A_860, %get3A_866 : vector<16xf32>
        scf.yield %add3A_825, %add3A_839, %add3A_853, %add3A_867 : vector<16xf32>, vector<16xf32>, vector<16xf32>, vector<16xf32>
      }
      %scan3A_485 = arith.constant 25 : i32
      %add3A_486 = arith.addf %scan3A_484#0, %scan3A_484#1 : vector<16xf32>
      %add3A_487 = arith.addf %scan3A_484#2, %scan3A_484#3 : vector<16xf32>
      %add3A_488 = arith.addf %add3A_486, %add3A_487 : vector<16xf32>
      %swap3A_489 = arith.index_cast %add3A_477 : i32 to index
      %swap3A_490 = arith.constant 0 : index
      %swap3A_491 = tpu.vector_load %arg14[%swap3A_489, %swap3A_490] {strides = array<i32>} : memref<128x16xf32, #tpu.memory_space<vmem>>, vector<1x16xf32>,
      %swap3A_492 = vector.shape_cast %swap3A_491 : vector<1x16xf32> to vector<16xf32>
      %swap3A_493 = vector.shape_cast %add3A_488 : vector<16xf32> to vector<1x16xf32>
      tpu.vector_store %arg14[%swap3A_489, %swap3A_490], %swap3A_493 {strides = array<i32>} : memref<128x16xf32, #tpu.memory_space<vmem>>, vector<1x16xf32>,
      %mul3A_494 = arith.constant 4 : i32
      %mul3A_495 = arith.muli %add3A_427, %mul3A_494 : i32
      %add3A_496 = arith.constant 3 : i32
      %add3A_497 = arith.addi %mul3A_495, %add3A_496 : i32
      %broadcast_in_dim3A_498 = arith.constant 0.000000e+00 : f32
      %broadcast_in_dim3A_499 = vector.broadcast %broadcast_in_dim3A_498 : f32 to vector<16xf32>
      %scan3A_500 = arith.constant 0 : i32
      %scan3A_501 = arith.constant 25 : i32
      %scan3A_502 = arith.addi %scan3A_500, %scan3A_501 : i32
      %scan3A_503 = arith.constant 1 : i32
      %scan3A_504:4 = scf.for %scan3A_806 = %scan3A_500 to %scan3A_502 step %scan3A_503 iter_args(%scan3A_807 = %broadcast_in_dim3A_499, %scan3A_808 = %broadcast_in_dim3A_499, %scan3A_809 = %broadcast_in_dim3A_499, %scan3A_810 = %broadcast_in_dim3A_499) -> (vector<16xf32>, vector<16xf32>, vector<16xf32>, vector<16xf32>)  : i32 {
        %mul3A_811 = arith.constant 8 : i32
        %mul3A_812 = arith.muli %scan3A_806, %mul3A_811 : i32
        %add3A_813 = arith.constant 600 : i32
        %add3A_814 = arith.addi %add3A_813, %mul3A_812 : i32
        %get3A = arith.index_cast %add3A_814 : i32 to index
        %get3A_815 = arith.constant 0 : index
        %get3A_816 = tpu.vector_load %arg10[%get3A, %get3A_815] {strides = array<i32>} : memref<800x16xf32, #tpu.memory_space<vmem>>, vector<1x16xf32>,
        %get3A_817 = vector.shape_cast %get3A_816 : vector<1x16xf32> to vector<16xf32>
        %add3A_818 = arith.addf %scan3A_807, %get3A_817 : vector<16xf32>
        %add3A_819 = arith.constant 4 : i32
        %add3A_820 = arith.addi %add3A_814, %add3A_819 : i32
        %get3A_821 = arith.index_cast %add3A_820 : i32 to index
        %get3A_822 = arith.constant 0 : index
        %get3A_823 = tpu.vector_load %arg10[%get3A_821, %get3A_822] {strides = array<i32>} : memref<800x16xf32, #tpu.memory_space<vmem>>, vector<1x16xf32>,
        %get3A_824 = vector.shape_cast %get3A_823 : vector<1x16xf32> to vector<16xf32>
        %add3A_825 = arith.addf %add3A_818, %get3A_824 : vector<16xf32>
        %add3A_826 = arith.constant 1 : i32
        %add3A_827 = arith.addi %add3A_814, %add3A_826 : i32
        %get3A_828 = arith.index_cast %add3A_827 : i32 to index
        %get3A_829 = arith.constant 0 : index
        %get3A_830 = tpu.vector_load %arg10[%get3A_828, %get3A_829] {strides = array<i32>} : memref<800x16xf32, #tpu.memory_space<vmem>>, vector<1x16xf32>,
        %get3A_831 = vector.shape_cast %get3A_830 : vector<1x16xf32> to vector<16xf32>
        %add3A_832 = arith.addf %scan3A_808, %get3A_831 : vector<16xf32>
        %add3A_833 = arith.constant 5 : i32
        %add3A_834 = arith.addi %add3A_814, %add3A_833 : i32
        %get3A_835 = arith.index_cast %add3A_834 : i32 to index
        %get3A_836 = arith.constant 0 : index
        %get3A_837 = tpu.vector_load %arg10[%get3A_835, %get3A_836] {strides = array<i32>} : memref<800x16xf32, #tpu.memory_space<vmem>>, vector<1x16xf32>,
        %get3A_838 = vector.shape_cast %get3A_837 : vector<1x16xf32> to vector<16xf32>
        %add3A_839 = arith.addf %add3A_832, %get3A_838 : vector<16xf32>
        %add3A_840 = arith.constant 2 : i32
        %add3A_841 = arith.addi %add3A_814, %add3A_840 : i32
        %get3A_842 = arith.index_cast %add3A_841 : i32 to index
        %get3A_843 = arith.constant 0 : index
        %get3A_844 = tpu.vector_load %arg10[%get3A_842, %get3A_843] {strides = array<i32>} : memref<800x16xf32, #tpu.memory_space<vmem>>, vector<1x16xf32>,
        %get3A_845 = vector.shape_cast %get3A_844 : vector<1x16xf32> to vector<16xf32>
        %add3A_846 = arith.addf %scan3A_809, %get3A_845 : vector<16xf32>
        %add3A_847 = arith.constant 6 : i32
        %add3A_848 = arith.addi %add3A_814, %add3A_847 : i32
        %get3A_849 = arith.index_cast %add3A_848 : i32 to index
        %get3A_850 = arith.constant 0 : index
        %get3A_851 = tpu.vector_load %arg10[%get3A_849, %get3A_850] {strides = array<i32>} : memref<800x16xf32, #tpu.memory_space<vmem>>, vector<1x16xf32>,
        %get3A_852 = vector.shape_cast %get3A_851 : vector<1x16xf32> to vector<16xf32>
        %add3A_853 = arith.addf %add3A_846, %get3A_852 : vector<16xf32>
        %add3A_854 = arith.constant 3 : i32
        %add3A_855 = arith.addi %add3A_814, %add3A_854 : i32
        %get3A_856 = arith.index_cast %add3A_855 : i32 to index
        %get3A_857 = arith.constant 0 : index
        %get3A_858 = tpu.vector_load %arg10[%get3A_856, %get3A_857] {strides = array<i32>} : memref<800x16xf32, #tpu.memory_space<vmem>>, vector<1x16xf32>,
        %get3A_859 = vector.shape_cast %get3A_858 : vector<1x16xf32> to vector<16xf32>
        %add3A_860 = arith.addf %scan3A_810, %get3A_859 : vector<16xf32>
        %add3A_861 = arith.constant 7 : i32
        %add3A_862 = arith.addi %add3A_814, %add3A_861 : i32
        %get3A_863 = arith.index_cast %add3A_862 : i32 to index
        %get3A_864 = arith.constant 0 : index
        %get3A_865 = tpu.vector_load %arg10[%get3A_863, %get3A_864] {strides = array<i32>} : memref<800x16xf32, #tpu.memory_space<vmem>>, vector<1x16xf32>,
        %get3A_866 = vector.shape_cast %get3A_865 : vector<1x16xf32> to vector<16xf32>
        %add3A_867 = arith.addf %add3A_860, %get3A_866 : vector<16xf32>
        scf.yield %add3A_825, %add3A_839, %add3A_853, %add3A_867 : vector<16xf32>, vector<16xf32>, vector<16xf32>, vector<16xf32>
      }
      %scan3A_505 = arith.constant 25 : i32
      %add3A_506 = arith.addf %scan3A_504#0, %scan3A_504#1 : vector<16xf32>
      %add3A_507 = arith.addf %scan3A_504#2, %scan3A_504#3 : vector<16xf32>
      %add3A_508 = arith.addf %add3A_506, %add3A_507 : vector<16xf32>
      %swap3A_509 = arith.index_cast %add3A_497 : i32 to index
      %swap3A_510 = arith.constant 0 : index
      %swap3A_511 = tpu.vector_load %arg14[%swap3A_509, %swap3A_510] {strides = array<i32>} : memref<128x16xf32, #tpu.memory_space<vmem>>, vector<1x16xf32>,
      %swap3A_512 = vector.shape_cast %swap3A_511 : vector<1x16xf32> to vector<16xf32>
      %swap3A_513 = vector.shape_cast %add3A_508 : vector<16xf32> to vector<1x16xf32>
      tpu.vector_store %arg14[%swap3A_509, %swap3A_510], %swap3A_513 {strides = array<i32>} : memref<128x16xf32, #tpu.memory_space<vmem>>, vector<1x16xf32>,
      %add3A_514 = arith.constant 8 : i32
      %add3A_515 = arith.addi %add3A_427, %add3A_514 : i32
      %lt3A_516 = arith.constant 32 : i32
      %lt3A_517 = arith.cmpi slt, %add3A_515, %lt3A_516 : i32
      %convert_element_type3A_518 = arith.extui %lt3A_517 : i1 to i32
      %cond3A_519 = arith.constant 0 : i32
      %cond3A_520 = arith.cmpi ne, %convert_element_type3A_518, %cond3A_519 : i32
      scf.if %cond3A_520 {
        %add3A_806 = arith.constant 8 : i32
        %add3A_807 = arith.addi %add3A_427, %add3A_806 : i32
        %mul3A_808 = arith.constant 800 : i32
        %mul3A_809 = arith.muli %add3A_807, %mul3A_808 : i32
        %dma_start3A_810 = tpu.memref_slice %arg5[%mul3A_809] : memref<25600xi32, #tpu.memory_space<vmem>> -> memref<800xi32, #tpu.memory_space<vmem>>
        %dma_start3A_811 = arith.constant 0 : i32
        %dma_start3A_812 = arith.constant 0 : i32
        %dma_start3A_813 = tpu.memref_slice %arg3[%dma_start3A_811, %dma_start3A_812] : memref<1000000x16xf32, #tpu.memory_space<hbm>> -> memref<1000000x16xf32, #tpu.memory_space<hbm>>
        tpu.enqueue_indirect_dma source(%dma_start3A_813 : memref<1000000x16xf32, #tpu.memory_space<hbm>>) target(%arg10 : memref<800x16xf32, #tpu.memory_space<vmem>>) offsets(%dma_start3A_810 : memref<800xi32, #tpu.memory_space<vmem>>) semaphore(%arg19 : memref<!tpu.dma_semaphore, #tpu.memory_space<semaphore_mem>>)
      } else {
      }
      %add3A_521 = arith.constant 5 : i32
      %add3A_522 = arith.addi %mul3A_51, %add3A_521 : i32
      %mul3A_523 = arith.constant 800 : i32
      %mul3A_524 = arith.muli %add3A_522, %mul3A_523 : i32
      %dma_wait3A_525 = tpu.memref_slice %arg5[%mul3A_524] : memref<25600xi32, #tpu.memory_space<vmem>> -> memref<800xi32, #tpu.memory_space<vmem>>
      %dma_wait3A_526 = arith.constant 0 : i32
      %dma_wait3A_527 = arith.constant 0 : i32
      %dma_wait3A_528 = tpu.memref_slice %arg3[%dma_wait3A_526, %dma_wait3A_527] : memref<1000000x16xf32, #tpu.memory_space<hbm>> -> memref<1000000x16xf32, #tpu.memory_space<hbm>>
      tpu.wait_indirect_dma semaphore(%arg20 : memref<!tpu.dma_semaphore, #tpu.memory_space<semaphore_mem>>) src(%dma_wait3A_528 : memref<1000000x16xf32, #tpu.memory_space<hbm>>) dst(%arg11 : memref<800x16xf32, #tpu.memory_space<vmem>>)
      %mul3A_529 = arith.constant 4 : i32
      %mul3A_530 = arith.muli %add3A_522, %mul3A_529 : i32
      %add3A_531 = arith.constant 0 : i32
      %add3A_532 = arith.addi %mul3A_530, %add3A_531 : i32
      %broadcast_in_dim3A_533 = arith.constant 0.000000e+00 : f32
      %broadcast_in_dim3A_534 = vector.broadcast %broadcast_in_dim3A_533 : f32 to vector<16xf32>
      %scan3A_535 = arith.constant 0 : i32
      %scan3A_536 = arith.constant 25 : i32
      %scan3A_537 = arith.addi %scan3A_535, %scan3A_536 : i32
      %scan3A_538 = arith.constant 1 : i32
      %scan3A_539:4 = scf.for %scan3A_806 = %scan3A_535 to %scan3A_537 step %scan3A_538 iter_args(%scan3A_807 = %broadcast_in_dim3A_534, %scan3A_808 = %broadcast_in_dim3A_534, %scan3A_809 = %broadcast_in_dim3A_534, %scan3A_810 = %broadcast_in_dim3A_534) -> (vector<16xf32>, vector<16xf32>, vector<16xf32>, vector<16xf32>)  : i32 {
        %mul3A_811 = arith.constant 8 : i32
        %mul3A_812 = arith.muli %scan3A_806, %mul3A_811 : i32
        %add3A_813 = arith.constant 0 : i32
        %add3A_814 = arith.addi %add3A_813, %mul3A_812 : i32
        %get3A = arith.index_cast %add3A_814 : i32 to index
        %get3A_815 = arith.constant 0 : index
        %get3A_816 = tpu.vector_load %arg11[%get3A, %get3A_815] {strides = array<i32>} : memref<800x16xf32, #tpu.memory_space<vmem>>, vector<1x16xf32>,
        %get3A_817 = vector.shape_cast %get3A_816 : vector<1x16xf32> to vector<16xf32>
        %add3A_818 = arith.addf %scan3A_807, %get3A_817 : vector<16xf32>
        %add3A_819 = arith.constant 4 : i32
        %add3A_820 = arith.addi %add3A_814, %add3A_819 : i32
        %get3A_821 = arith.index_cast %add3A_820 : i32 to index
        %get3A_822 = arith.constant 0 : index
        %get3A_823 = tpu.vector_load %arg11[%get3A_821, %get3A_822] {strides = array<i32>} : memref<800x16xf32, #tpu.memory_space<vmem>>, vector<1x16xf32>,
        %get3A_824 = vector.shape_cast %get3A_823 : vector<1x16xf32> to vector<16xf32>
        %add3A_825 = arith.addf %add3A_818, %get3A_824 : vector<16xf32>
        %add3A_826 = arith.constant 1 : i32
        %add3A_827 = arith.addi %add3A_814, %add3A_826 : i32
        %get3A_828 = arith.index_cast %add3A_827 : i32 to index
        %get3A_829 = arith.constant 0 : index
        %get3A_830 = tpu.vector_load %arg11[%get3A_828, %get3A_829] {strides = array<i32>} : memref<800x16xf32, #tpu.memory_space<vmem>>, vector<1x16xf32>,
        %get3A_831 = vector.shape_cast %get3A_830 : vector<1x16xf32> to vector<16xf32>
        %add3A_832 = arith.addf %scan3A_808, %get3A_831 : vector<16xf32>
        %add3A_833 = arith.constant 5 : i32
        %add3A_834 = arith.addi %add3A_814, %add3A_833 : i32
        %get3A_835 = arith.index_cast %add3A_834 : i32 to index
        %get3A_836 = arith.constant 0 : index
        %get3A_837 = tpu.vector_load %arg11[%get3A_835, %get3A_836] {strides = array<i32>} : memref<800x16xf32, #tpu.memory_space<vmem>>, vector<1x16xf32>,
        %get3A_838 = vector.shape_cast %get3A_837 : vector<1x16xf32> to vector<16xf32>
        %add3A_839 = arith.addf %add3A_832, %get3A_838 : vector<16xf32>
        %add3A_840 = arith.constant 2 : i32
        %add3A_841 = arith.addi %add3A_814, %add3A_840 : i32
        %get3A_842 = arith.index_cast %add3A_841 : i32 to index
        %get3A_843 = arith.constant 0 : index
        %get3A_844 = tpu.vector_load %arg11[%get3A_842, %get3A_843] {strides = array<i32>} : memref<800x16xf32, #tpu.memory_space<vmem>>, vector<1x16xf32>,
        %get3A_845 = vector.shape_cast %get3A_844 : vector<1x16xf32> to vector<16xf32>
        %add3A_846 = arith.addf %scan3A_809, %get3A_845 : vector<16xf32>
        %add3A_847 = arith.constant 6 : i32
        %add3A_848 = arith.addi %add3A_814, %add3A_847 : i32
        %get3A_849 = arith.index_cast %add3A_848 : i32 to index
        %get3A_850 = arith.constant 0 : index
        %get3A_851 = tpu.vector_load %arg11[%get3A_849, %get3A_850] {strides = array<i32>} : memref<800x16xf32, #tpu.memory_space<vmem>>, vector<1x16xf32>,
        %get3A_852 = vector.shape_cast %get3A_851 : vector<1x16xf32> to vector<16xf32>
        %add3A_853 = arith.addf %add3A_846, %get3A_852 : vector<16xf32>
        %add3A_854 = arith.constant 3 : i32
        %add3A_855 = arith.addi %add3A_814, %add3A_854 : i32
        %get3A_856 = arith.index_cast %add3A_855 : i32 to index
        %get3A_857 = arith.constant 0 : index
        %get3A_858 = tpu.vector_load %arg11[%get3A_856, %get3A_857] {strides = array<i32>} : memref<800x16xf32, #tpu.memory_space<vmem>>, vector<1x16xf32>,
        %get3A_859 = vector.shape_cast %get3A_858 : vector<1x16xf32> to vector<16xf32>
        %add3A_860 = arith.addf %scan3A_810, %get3A_859 : vector<16xf32>
        %add3A_861 = arith.constant 7 : i32
        %add3A_862 = arith.addi %add3A_814, %add3A_861 : i32
        %get3A_863 = arith.index_cast %add3A_862 : i32 to index
        %get3A_864 = arith.constant 0 : index
        %get3A_865 = tpu.vector_load %arg11[%get3A_863, %get3A_864] {strides = array<i32>} : memref<800x16xf32, #tpu.memory_space<vmem>>, vector<1x16xf32>,
        %get3A_866 = vector.shape_cast %get3A_865 : vector<1x16xf32> to vector<16xf32>
        %add3A_867 = arith.addf %add3A_860, %get3A_866 : vector<16xf32>
        scf.yield %add3A_825, %add3A_839, %add3A_853, %add3A_867 : vector<16xf32>, vector<16xf32>, vector<16xf32>, vector<16xf32>
      }
      %scan3A_540 = arith.constant 25 : i32
      %add3A_541 = arith.addf %scan3A_539#0, %scan3A_539#1 : vector<16xf32>
      %add3A_542 = arith.addf %scan3A_539#2, %scan3A_539#3 : vector<16xf32>
      %add3A_543 = arith.addf %add3A_541, %add3A_542 : vector<16xf32>
      %swap3A_544 = arith.index_cast %add3A_532 : i32 to index
      %swap3A_545 = arith.constant 0 : index
      %swap3A_546 = tpu.vector_load %arg14[%swap3A_544, %swap3A_545] {strides = array<i32>} : memref<128x16xf32, #tpu.memory_space<vmem>>, vector<1x16xf32>,
      %swap3A_547 = vector.shape_cast %swap3A_546 : vector<1x16xf32> to vector<16xf32>
      %swap3A_548 = vector.shape_cast %add3A_543 : vector<16xf32> to vector<1x16xf32>
      tpu.vector_store %arg14[%swap3A_544, %swap3A_545], %swap3A_548 {strides = array<i32>} : memref<128x16xf32, #tpu.memory_space<vmem>>, vector<1x16xf32>,
      %mul3A_549 = arith.constant 4 : i32
      %mul3A_550 = arith.muli %add3A_522, %mul3A_549 : i32
      %add3A_551 = arith.constant 1 : i32
      %add3A_552 = arith.addi %mul3A_550, %add3A_551 : i32
      %broadcast_in_dim3A_553 = arith.constant 0.000000e+00 : f32
      %broadcast_in_dim3A_554 = vector.broadcast %broadcast_in_dim3A_553 : f32 to vector<16xf32>
      %scan3A_555 = arith.constant 0 : i32
      %scan3A_556 = arith.constant 25 : i32
      %scan3A_557 = arith.addi %scan3A_555, %scan3A_556 : i32
      %scan3A_558 = arith.constant 1 : i32
      %scan3A_559:4 = scf.for %scan3A_806 = %scan3A_555 to %scan3A_557 step %scan3A_558 iter_args(%scan3A_807 = %broadcast_in_dim3A_554, %scan3A_808 = %broadcast_in_dim3A_554, %scan3A_809 = %broadcast_in_dim3A_554, %scan3A_810 = %broadcast_in_dim3A_554) -> (vector<16xf32>, vector<16xf32>, vector<16xf32>, vector<16xf32>)  : i32 {
        %mul3A_811 = arith.constant 8 : i32
        %mul3A_812 = arith.muli %scan3A_806, %mul3A_811 : i32
        %add3A_813 = arith.constant 200 : i32
        %add3A_814 = arith.addi %add3A_813, %mul3A_812 : i32
        %get3A = arith.index_cast %add3A_814 : i32 to index
        %get3A_815 = arith.constant 0 : index
        %get3A_816 = tpu.vector_load %arg11[%get3A, %get3A_815] {strides = array<i32>} : memref<800x16xf32, #tpu.memory_space<vmem>>, vector<1x16xf32>,
        %get3A_817 = vector.shape_cast %get3A_816 : vector<1x16xf32> to vector<16xf32>
        %add3A_818 = arith.addf %scan3A_807, %get3A_817 : vector<16xf32>
        %add3A_819 = arith.constant 4 : i32
        %add3A_820 = arith.addi %add3A_814, %add3A_819 : i32
        %get3A_821 = arith.index_cast %add3A_820 : i32 to index
        %get3A_822 = arith.constant 0 : index
        %get3A_823 = tpu.vector_load %arg11[%get3A_821, %get3A_822] {strides = array<i32>} : memref<800x16xf32, #tpu.memory_space<vmem>>, vector<1x16xf32>,
        %get3A_824 = vector.shape_cast %get3A_823 : vector<1x16xf32> to vector<16xf32>
        %add3A_825 = arith.addf %add3A_818, %get3A_824 : vector<16xf32>
        %add3A_826 = arith.constant 1 : i32
        %add3A_827 = arith.addi %add3A_814, %add3A_826 : i32
        %get3A_828 = arith.index_cast %add3A_827 : i32 to index
        %get3A_829 = arith.constant 0 : index
        %get3A_830 = tpu.vector_load %arg11[%get3A_828, %get3A_829] {strides = array<i32>} : memref<800x16xf32, #tpu.memory_space<vmem>>, vector<1x16xf32>,
        %get3A_831 = vector.shape_cast %get3A_830 : vector<1x16xf32> to vector<16xf32>
        %add3A_832 = arith.addf %scan3A_808, %get3A_831 : vector<16xf32>
        %add3A_833 = arith.constant 5 : i32
        %add3A_834 = arith.addi %add3A_814, %add3A_833 : i32
        %get3A_835 = arith.index_cast %add3A_834 : i32 to index
        %get3A_836 = arith.constant 0 : index
        %get3A_837 = tpu.vector_load %arg11[%get3A_835, %get3A_836] {strides = array<i32>} : memref<800x16xf32, #tpu.memory_space<vmem>>, vector<1x16xf32>,
        %get3A_838 = vector.shape_cast %get3A_837 : vector<1x16xf32> to vector<16xf32>
        %add3A_839 = arith.addf %add3A_832, %get3A_838 : vector<16xf32>
        %add3A_840 = arith.constant 2 : i32
        %add3A_841 = arith.addi %add3A_814, %add3A_840 : i32
        %get3A_842 = arith.index_cast %add3A_841 : i32 to index
        %get3A_843 = arith.constant 0 : index
        %get3A_844 = tpu.vector_load %arg11[%get3A_842, %get3A_843] {strides = array<i32>} : memref<800x16xf32, #tpu.memory_space<vmem>>, vector<1x16xf32>,
        %get3A_845 = vector.shape_cast %get3A_844 : vector<1x16xf32> to vector<16xf32>
        %add3A_846 = arith.addf %scan3A_809, %get3A_845 : vector<16xf32>
        %add3A_847 = arith.constant 6 : i32
        %add3A_848 = arith.addi %add3A_814, %add3A_847 : i32
        %get3A_849 = arith.index_cast %add3A_848 : i32 to index
        %get3A_850 = arith.constant 0 : index
        %get3A_851 = tpu.vector_load %arg11[%get3A_849, %get3A_850] {strides = array<i32>} : memref<800x16xf32, #tpu.memory_space<vmem>>, vector<1x16xf32>,
        %get3A_852 = vector.shape_cast %get3A_851 : vector<1x16xf32> to vector<16xf32>
        %add3A_853 = arith.addf %add3A_846, %get3A_852 : vector<16xf32>
        %add3A_854 = arith.constant 3 : i32
        %add3A_855 = arith.addi %add3A_814, %add3A_854 : i32
        %get3A_856 = arith.index_cast %add3A_855 : i32 to index
        %get3A_857 = arith.constant 0 : index
        %get3A_858 = tpu.vector_load %arg11[%get3A_856, %get3A_857] {strides = array<i32>} : memref<800x16xf32, #tpu.memory_space<vmem>>, vector<1x16xf32>,
        %get3A_859 = vector.shape_cast %get3A_858 : vector<1x16xf32> to vector<16xf32>
        %add3A_860 = arith.addf %scan3A_810, %get3A_859 : vector<16xf32>
        %add3A_861 = arith.constant 7 : i32
        %add3A_862 = arith.addi %add3A_814, %add3A_861 : i32
        %get3A_863 = arith.index_cast %add3A_862 : i32 to index
        %get3A_864 = arith.constant 0 : index
        %get3A_865 = tpu.vector_load %arg11[%get3A_863, %get3A_864] {strides = array<i32>} : memref<800x16xf32, #tpu.memory_space<vmem>>, vector<1x16xf32>,
        %get3A_866 = vector.shape_cast %get3A_865 : vector<1x16xf32> to vector<16xf32>
        %add3A_867 = arith.addf %add3A_860, %get3A_866 : vector<16xf32>
        scf.yield %add3A_825, %add3A_839, %add3A_853, %add3A_867 : vector<16xf32>, vector<16xf32>, vector<16xf32>, vector<16xf32>
      }
      %scan3A_560 = arith.constant 25 : i32
      %add3A_561 = arith.addf %scan3A_559#0, %scan3A_559#1 : vector<16xf32>
      %add3A_562 = arith.addf %scan3A_559#2, %scan3A_559#3 : vector<16xf32>
      %add3A_563 = arith.addf %add3A_561, %add3A_562 : vector<16xf32>
      %swap3A_564 = arith.index_cast %add3A_552 : i32 to index
      %swap3A_565 = arith.constant 0 : index
      %swap3A_566 = tpu.vector_load %arg14[%swap3A_564, %swap3A_565] {strides = array<i32>} : memref<128x16xf32, #tpu.memory_space<vmem>>, vector<1x16xf32>,
      %swap3A_567 = vector.shape_cast %swap3A_566 : vector<1x16xf32> to vector<16xf32>
      %swap3A_568 = vector.shape_cast %add3A_563 : vector<16xf32> to vector<1x16xf32>
      tpu.vector_store %arg14[%swap3A_564, %swap3A_565], %swap3A_568 {strides = array<i32>} : memref<128x16xf32, #tpu.memory_space<vmem>>, vector<1x16xf32>,
      %mul3A_569 = arith.constant 4 : i32
      %mul3A_570 = arith.muli %add3A_522, %mul3A_569 : i32
      %add3A_571 = arith.constant 2 : i32
      %add3A_572 = arith.addi %mul3A_570, %add3A_571 : i32
      %broadcast_in_dim3A_573 = arith.constant 0.000000e+00 : f32
      %broadcast_in_dim3A_574 = vector.broadcast %broadcast_in_dim3A_573 : f32 to vector<16xf32>
      %scan3A_575 = arith.constant 0 : i32
      %scan3A_576 = arith.constant 25 : i32
      %scan3A_577 = arith.addi %scan3A_575, %scan3A_576 : i32
      %scan3A_578 = arith.constant 1 : i32
      %scan3A_579:4 = scf.for %scan3A_806 = %scan3A_575 to %scan3A_577 step %scan3A_578 iter_args(%scan3A_807 = %broadcast_in_dim3A_574, %scan3A_808 = %broadcast_in_dim3A_574, %scan3A_809 = %broadcast_in_dim3A_574, %scan3A_810 = %broadcast_in_dim3A_574) -> (vector<16xf32>, vector<16xf32>, vector<16xf32>, vector<16xf32>)  : i32 {
        %mul3A_811 = arith.constant 8 : i32
        %mul3A_812 = arith.muli %scan3A_806, %mul3A_811 : i32
        %add3A_813 = arith.constant 400 : i32
        %add3A_814 = arith.addi %add3A_813, %mul3A_812 : i32
        %get3A = arith.index_cast %add3A_814 : i32 to index
        %get3A_815 = arith.constant 0 : index
        %get3A_816 = tpu.vector_load %arg11[%get3A, %get3A_815] {strides = array<i32>} : memref<800x16xf32, #tpu.memory_space<vmem>>, vector<1x16xf32>,
        %get3A_817 = vector.shape_cast %get3A_816 : vector<1x16xf32> to vector<16xf32>
        %add3A_818 = arith.addf %scan3A_807, %get3A_817 : vector<16xf32>
        %add3A_819 = arith.constant 4 : i32
        %add3A_820 = arith.addi %add3A_814, %add3A_819 : i32
        %get3A_821 = arith.index_cast %add3A_820 : i32 to index
        %get3A_822 = arith.constant 0 : index
        %get3A_823 = tpu.vector_load %arg11[%get3A_821, %get3A_822] {strides = array<i32>} : memref<800x16xf32, #tpu.memory_space<vmem>>, vector<1x16xf32>,
        %get3A_824 = vector.shape_cast %get3A_823 : vector<1x16xf32> to vector<16xf32>
        %add3A_825 = arith.addf %add3A_818, %get3A_824 : vector<16xf32>
        %add3A_826 = arith.constant 1 : i32
        %add3A_827 = arith.addi %add3A_814, %add3A_826 : i32
        %get3A_828 = arith.index_cast %add3A_827 : i32 to index
        %get3A_829 = arith.constant 0 : index
        %get3A_830 = tpu.vector_load %arg11[%get3A_828, %get3A_829] {strides = array<i32>} : memref<800x16xf32, #tpu.memory_space<vmem>>, vector<1x16xf32>,
        %get3A_831 = vector.shape_cast %get3A_830 : vector<1x16xf32> to vector<16xf32>
        %add3A_832 = arith.addf %scan3A_808, %get3A_831 : vector<16xf32>
        %add3A_833 = arith.constant 5 : i32
        %add3A_834 = arith.addi %add3A_814, %add3A_833 : i32
        %get3A_835 = arith.index_cast %add3A_834 : i32 to index
        %get3A_836 = arith.constant 0 : index
        %get3A_837 = tpu.vector_load %arg11[%get3A_835, %get3A_836] {strides = array<i32>} : memref<800x16xf32, #tpu.memory_space<vmem>>, vector<1x16xf32>,
        %get3A_838 = vector.shape_cast %get3A_837 : vector<1x16xf32> to vector<16xf32>
        %add3A_839 = arith.addf %add3A_832, %get3A_838 : vector<16xf32>
        %add3A_840 = arith.constant 2 : i32
        %add3A_841 = arith.addi %add3A_814, %add3A_840 : i32
        %get3A_842 = arith.index_cast %add3A_841 : i32 to index
        %get3A_843 = arith.constant 0 : index
        %get3A_844 = tpu.vector_load %arg11[%get3A_842, %get3A_843] {strides = array<i32>} : memref<800x16xf32, #tpu.memory_space<vmem>>, vector<1x16xf32>,
        %get3A_845 = vector.shape_cast %get3A_844 : vector<1x16xf32> to vector<16xf32>
        %add3A_846 = arith.addf %scan3A_809, %get3A_845 : vector<16xf32>
        %add3A_847 = arith.constant 6 : i32
        %add3A_848 = arith.addi %add3A_814, %add3A_847 : i32
        %get3A_849 = arith.index_cast %add3A_848 : i32 to index
        %get3A_850 = arith.constant 0 : index
        %get3A_851 = tpu.vector_load %arg11[%get3A_849, %get3A_850] {strides = array<i32>} : memref<800x16xf32, #tpu.memory_space<vmem>>, vector<1x16xf32>,
        %get3A_852 = vector.shape_cast %get3A_851 : vector<1x16xf32> to vector<16xf32>
        %add3A_853 = arith.addf %add3A_846, %get3A_852 : vector<16xf32>
        %add3A_854 = arith.constant 3 : i32
        %add3A_855 = arith.addi %add3A_814, %add3A_854 : i32
        %get3A_856 = arith.index_cast %add3A_855 : i32 to index
        %get3A_857 = arith.constant 0 : index
        %get3A_858 = tpu.vector_load %arg11[%get3A_856, %get3A_857] {strides = array<i32>} : memref<800x16xf32, #tpu.memory_space<vmem>>, vector<1x16xf32>,
        %get3A_859 = vector.shape_cast %get3A_858 : vector<1x16xf32> to vector<16xf32>
        %add3A_860 = arith.addf %scan3A_810, %get3A_859 : vector<16xf32>
        %add3A_861 = arith.constant 7 : i32
        %add3A_862 = arith.addi %add3A_814, %add3A_861 : i32
        %get3A_863 = arith.index_cast %add3A_862 : i32 to index
        %get3A_864 = arith.constant 0 : index
        %get3A_865 = tpu.vector_load %arg11[%get3A_863, %get3A_864] {strides = array<i32>} : memref<800x16xf32, #tpu.memory_space<vmem>>, vector<1x16xf32>,
        %get3A_866 = vector.shape_cast %get3A_865 : vector<1x16xf32> to vector<16xf32>
        %add3A_867 = arith.addf %add3A_860, %get3A_866 : vector<16xf32>
        scf.yield %add3A_825, %add3A_839, %add3A_853, %add3A_867 : vector<16xf32>, vector<16xf32>, vector<16xf32>, vector<16xf32>
      }
      %scan3A_580 = arith.constant 25 : i32
      %add3A_581 = arith.addf %scan3A_579#0, %scan3A_579#1 : vector<16xf32>
      %add3A_582 = arith.addf %scan3A_579#2, %scan3A_579#3 : vector<16xf32>
      %add3A_583 = arith.addf %add3A_581, %add3A_582 : vector<16xf32>
      %swap3A_584 = arith.index_cast %add3A_572 : i32 to index
      %swap3A_585 = arith.constant 0 : index
      %swap3A_586 = tpu.vector_load %arg14[%swap3A_584, %swap3A_585] {strides = array<i32>} : memref<128x16xf32, #tpu.memory_space<vmem>>, vector<1x16xf32>,
      %swap3A_587 = vector.shape_cast %swap3A_586 : vector<1x16xf32> to vector<16xf32>
      %swap3A_588 = vector.shape_cast %add3A_583 : vector<16xf32> to vector<1x16xf32>
      tpu.vector_store %arg14[%swap3A_584, %swap3A_585], %swap3A_588 {strides = array<i32>} : memref<128x16xf32, #tpu.memory_space<vmem>>, vector<1x16xf32>,
      %mul3A_589 = arith.constant 4 : i32
      %mul3A_590 = arith.muli %add3A_522, %mul3A_589 : i32
      %add3A_591 = arith.constant 3 : i32
      %add3A_592 = arith.addi %mul3A_590, %add3A_591 : i32
      %broadcast_in_dim3A_593 = arith.constant 0.000000e+00 : f32
      %broadcast_in_dim3A_594 = vector.broadcast %broadcast_in_dim3A_593 : f32 to vector<16xf32>
      %scan3A_595 = arith.constant 0 : i32
      %scan3A_596 = arith.constant 25 : i32
      %scan3A_597 = arith.addi %scan3A_595, %scan3A_596 : i32
      %scan3A_598 = arith.constant 1 : i32
      %scan3A_599:4 = scf.for %scan3A_806 = %scan3A_595 to %scan3A_597 step %scan3A_598 iter_args(%scan3A_807 = %broadcast_in_dim3A_594, %scan3A_808 = %broadcast_in_dim3A_594, %scan3A_809 = %broadcast_in_dim3A_594, %scan3A_810 = %broadcast_in_dim3A_594) -> (vector<16xf32>, vector<16xf32>, vector<16xf32>, vector<16xf32>)  : i32 {
        %mul3A_811 = arith.constant 8 : i32
        %mul3A_812 = arith.muli %scan3A_806, %mul3A_811 : i32
        %add3A_813 = arith.constant 600 : i32
        %add3A_814 = arith.addi %add3A_813, %mul3A_812 : i32
        %get3A = arith.index_cast %add3A_814 : i32 to index
        %get3A_815 = arith.constant 0 : index
        %get3A_816 = tpu.vector_load %arg11[%get3A, %get3A_815] {strides = array<i32>} : memref<800x16xf32, #tpu.memory_space<vmem>>, vector<1x16xf32>,
        %get3A_817 = vector.shape_cast %get3A_816 : vector<1x16xf32> to vector<16xf32>
        %add3A_818 = arith.addf %scan3A_807, %get3A_817 : vector<16xf32>
        %add3A_819 = arith.constant 4 : i32
        %add3A_820 = arith.addi %add3A_814, %add3A_819 : i32
        %get3A_821 = arith.index_cast %add3A_820 : i32 to index
        %get3A_822 = arith.constant 0 : index
        %get3A_823 = tpu.vector_load %arg11[%get3A_821, %get3A_822] {strides = array<i32>} : memref<800x16xf32, #tpu.memory_space<vmem>>, vector<1x16xf32>,
        %get3A_824 = vector.shape_cast %get3A_823 : vector<1x16xf32> to vector<16xf32>
        %add3A_825 = arith.addf %add3A_818, %get3A_824 : vector<16xf32>
        %add3A_826 = arith.constant 1 : i32
        %add3A_827 = arith.addi %add3A_814, %add3A_826 : i32
        %get3A_828 = arith.index_cast %add3A_827 : i32 to index
        %get3A_829 = arith.constant 0 : index
        %get3A_830 = tpu.vector_load %arg11[%get3A_828, %get3A_829] {strides = array<i32>} : memref<800x16xf32, #tpu.memory_space<vmem>>, vector<1x16xf32>,
        %get3A_831 = vector.shape_cast %get3A_830 : vector<1x16xf32> to vector<16xf32>
        %add3A_832 = arith.addf %scan3A_808, %get3A_831 : vector<16xf32>
        %add3A_833 = arith.constant 5 : i32
        %add3A_834 = arith.addi %add3A_814, %add3A_833 : i32
        %get3A_835 = arith.index_cast %add3A_834 : i32 to index
        %get3A_836 = arith.constant 0 : index
        %get3A_837 = tpu.vector_load %arg11[%get3A_835, %get3A_836] {strides = array<i32>} : memref<800x16xf32, #tpu.memory_space<vmem>>, vector<1x16xf32>,
        %get3A_838 = vector.shape_cast %get3A_837 : vector<1x16xf32> to vector<16xf32>
        %add3A_839 = arith.addf %add3A_832, %get3A_838 : vector<16xf32>
        %add3A_840 = arith.constant 2 : i32
        %add3A_841 = arith.addi %add3A_814, %add3A_840 : i32
        %get3A_842 = arith.index_cast %add3A_841 : i32 to index
        %get3A_843 = arith.constant 0 : index
        %get3A_844 = tpu.vector_load %arg11[%get3A_842, %get3A_843] {strides = array<i32>} : memref<800x16xf32, #tpu.memory_space<vmem>>, vector<1x16xf32>,
        %get3A_845 = vector.shape_cast %get3A_844 : vector<1x16xf32> to vector<16xf32>
        %add3A_846 = arith.addf %scan3A_809, %get3A_845 : vector<16xf32>
        %add3A_847 = arith.constant 6 : i32
        %add3A_848 = arith.addi %add3A_814, %add3A_847 : i32
        %get3A_849 = arith.index_cast %add3A_848 : i32 to index
        %get3A_850 = arith.constant 0 : index
        %get3A_851 = tpu.vector_load %arg11[%get3A_849, %get3A_850] {strides = array<i32>} : memref<800x16xf32, #tpu.memory_space<vmem>>, vector<1x16xf32>,
        %get3A_852 = vector.shape_cast %get3A_851 : vector<1x16xf32> to vector<16xf32>
        %add3A_853 = arith.addf %add3A_846, %get3A_852 : vector<16xf32>
        %add3A_854 = arith.constant 3 : i32
        %add3A_855 = arith.addi %add3A_814, %add3A_854 : i32
        %get3A_856 = arith.index_cast %add3A_855 : i32 to index
        %get3A_857 = arith.constant 0 : index
        %get3A_858 = tpu.vector_load %arg11[%get3A_856, %get3A_857] {strides = array<i32>} : memref<800x16xf32, #tpu.memory_space<vmem>>, vector<1x16xf32>,
        %get3A_859 = vector.shape_cast %get3A_858 : vector<1x16xf32> to vector<16xf32>
        %add3A_860 = arith.addf %scan3A_810, %get3A_859 : vector<16xf32>
        %add3A_861 = arith.constant 7 : i32
        %add3A_862 = arith.addi %add3A_814, %add3A_861 : i32
        %get3A_863 = arith.index_cast %add3A_862 : i32 to index
        %get3A_864 = arith.constant 0 : index
        %get3A_865 = tpu.vector_load %arg11[%get3A_863, %get3A_864] {strides = array<i32>} : memref<800x16xf32, #tpu.memory_space<vmem>>, vector<1x16xf32>,
        %get3A_866 = vector.shape_cast %get3A_865 : vector<1x16xf32> to vector<16xf32>
        %add3A_867 = arith.addf %add3A_860, %get3A_866 : vector<16xf32>
        scf.yield %add3A_825, %add3A_839, %add3A_853, %add3A_867 : vector<16xf32>, vector<16xf32>, vector<16xf32>, vector<16xf32>
      }
      %scan3A_600 = arith.constant 25 : i32
      %add3A_601 = arith.addf %scan3A_599#0, %scan3A_599#1 : vector<16xf32>
      %add3A_602 = arith.addf %scan3A_599#2, %scan3A_599#3 : vector<16xf32>
      %add3A_603 = arith.addf %add3A_601, %add3A_602 : vector<16xf32>
      %swap3A_604 = arith.index_cast %add3A_592 : i32 to index
      %swap3A_605 = arith.constant 0 : index
      %swap3A_606 = tpu.vector_load %arg14[%swap3A_604, %swap3A_605] {strides = array<i32>} : memref<128x16xf32, #tpu.memory_space<vmem>>, vector<1x16xf32>,
      %swap3A_607 = vector.shape_cast %swap3A_606 : vector<1x16xf32> to vector<16xf32>
      %swap3A_608 = vector.shape_cast %add3A_603 : vector<16xf32> to vector<1x16xf32>
      tpu.vector_store %arg14[%swap3A_604, %swap3A_605], %swap3A_608 {strides = array<i32>} : memref<128x16xf32, #tpu.memory_space<vmem>>, vector<1x16xf32>,
      %add3A_609 = arith.constant 8 : i32
      %add3A_610 = arith.addi %add3A_522, %add3A_609 : i32
      %lt3A_611 = arith.constant 32 : i32
      %lt3A_612 = arith.cmpi slt, %add3A_610, %lt3A_611 : i32
      %convert_element_type3A_613 = arith.extui %lt3A_612 : i1 to i32
      %cond3A_614 = arith.constant 0 : i32
      %cond3A_615 = arith.cmpi ne, %convert_element_type3A_613, %cond3A_614 : i32
      scf.if %cond3A_615 {
        %add3A_806 = arith.constant 8 : i32
        %add3A_807 = arith.addi %add3A_522, %add3A_806 : i32
        %mul3A_808 = arith.constant 800 : i32
        %mul3A_809 = arith.muli %add3A_807, %mul3A_808 : i32
        %dma_start3A_810 = tpu.memref_slice %arg5[%mul3A_809] : memref<25600xi32, #tpu.memory_space<vmem>> -> memref<800xi32, #tpu.memory_space<vmem>>
        %dma_start3A_811 = arith.constant 0 : i32
        %dma_start3A_812 = arith.constant 0 : i32
        %dma_start3A_813 = tpu.memref_slice %arg3[%dma_start3A_811, %dma_start3A_812] : memref<1000000x16xf32, #tpu.memory_space<hbm>> -> memref<1000000x16xf32, #tpu.memory_space<hbm>>
        tpu.enqueue_indirect_dma source(%dma_start3A_813 : memref<1000000x16xf32, #tpu.memory_space<hbm>>) target(%arg11 : memref<800x16xf32, #tpu.memory_space<vmem>>) offsets(%dma_start3A_810 : memref<800xi32, #tpu.memory_space<vmem>>) semaphore(%arg20 : memref<!tpu.dma_semaphore, #tpu.memory_space<semaphore_mem>>)
      } else {
      }
      %add3A_616 = arith.constant 6 : i32
      %add3A_617 = arith.addi %mul3A_51, %add3A_616 : i32
      %mul3A_618 = arith.constant 800 : i32
      %mul3A_619 = arith.muli %add3A_617, %mul3A_618 : i32
      %dma_wait3A_620 = tpu.memref_slice %arg5[%mul3A_619] : memref<25600xi32, #tpu.memory_space<vmem>> -> memref<800xi32, #tpu.memory_space<vmem>>
      %dma_wait3A_621 = arith.constant 0 : i32
      %dma_wait3A_622 = arith.constant 0 : i32
      %dma_wait3A_623 = tpu.memref_slice %arg3[%dma_wait3A_621, %dma_wait3A_622] : memref<1000000x16xf32, #tpu.memory_space<hbm>> -> memref<1000000x16xf32, #tpu.memory_space<hbm>>
      tpu.wait_indirect_dma semaphore(%arg21 : memref<!tpu.dma_semaphore, #tpu.memory_space<semaphore_mem>>) src(%dma_wait3A_623 : memref<1000000x16xf32, #tpu.memory_space<hbm>>) dst(%arg12 : memref<800x16xf32, #tpu.memory_space<vmem>>)
      %mul3A_624 = arith.constant 4 : i32
      %mul3A_625 = arith.muli %add3A_617, %mul3A_624 : i32
      %add3A_626 = arith.constant 0 : i32
      %add3A_627 = arith.addi %mul3A_625, %add3A_626 : i32
      %broadcast_in_dim3A_628 = arith.constant 0.000000e+00 : f32
      %broadcast_in_dim3A_629 = vector.broadcast %broadcast_in_dim3A_628 : f32 to vector<16xf32>
      %scan3A_630 = arith.constant 0 : i32
      %scan3A_631 = arith.constant 25 : i32
      %scan3A_632 = arith.addi %scan3A_630, %scan3A_631 : i32
      %scan3A_633 = arith.constant 1 : i32
      %scan3A_634:4 = scf.for %scan3A_806 = %scan3A_630 to %scan3A_632 step %scan3A_633 iter_args(%scan3A_807 = %broadcast_in_dim3A_629, %scan3A_808 = %broadcast_in_dim3A_629, %scan3A_809 = %broadcast_in_dim3A_629, %scan3A_810 = %broadcast_in_dim3A_629) -> (vector<16xf32>, vector<16xf32>, vector<16xf32>, vector<16xf32>)  : i32 {
        %mul3A_811 = arith.constant 8 : i32
        %mul3A_812 = arith.muli %scan3A_806, %mul3A_811 : i32
        %add3A_813 = arith.constant 0 : i32
        %add3A_814 = arith.addi %add3A_813, %mul3A_812 : i32
        %get3A = arith.index_cast %add3A_814 : i32 to index
        %get3A_815 = arith.constant 0 : index
        %get3A_816 = tpu.vector_load %arg12[%get3A, %get3A_815] {strides = array<i32>} : memref<800x16xf32, #tpu.memory_space<vmem>>, vector<1x16xf32>,
        %get3A_817 = vector.shape_cast %get3A_816 : vector<1x16xf32> to vector<16xf32>
        %add3A_818 = arith.addf %scan3A_807, %get3A_817 : vector<16xf32>
        %add3A_819 = arith.constant 4 : i32
        %add3A_820 = arith.addi %add3A_814, %add3A_819 : i32
        %get3A_821 = arith.index_cast %add3A_820 : i32 to index
        %get3A_822 = arith.constant 0 : index
        %get3A_823 = tpu.vector_load %arg12[%get3A_821, %get3A_822] {strides = array<i32>} : memref<800x16xf32, #tpu.memory_space<vmem>>, vector<1x16xf32>,
        %get3A_824 = vector.shape_cast %get3A_823 : vector<1x16xf32> to vector<16xf32>
        %add3A_825 = arith.addf %add3A_818, %get3A_824 : vector<16xf32>
        %add3A_826 = arith.constant 1 : i32
        %add3A_827 = arith.addi %add3A_814, %add3A_826 : i32
        %get3A_828 = arith.index_cast %add3A_827 : i32 to index
        %get3A_829 = arith.constant 0 : index
        %get3A_830 = tpu.vector_load %arg12[%get3A_828, %get3A_829] {strides = array<i32>} : memref<800x16xf32, #tpu.memory_space<vmem>>, vector<1x16xf32>,
        %get3A_831 = vector.shape_cast %get3A_830 : vector<1x16xf32> to vector<16xf32>
        %add3A_832 = arith.addf %scan3A_808, %get3A_831 : vector<16xf32>
        %add3A_833 = arith.constant 5 : i32
        %add3A_834 = arith.addi %add3A_814, %add3A_833 : i32
        %get3A_835 = arith.index_cast %add3A_834 : i32 to index
        %get3A_836 = arith.constant 0 : index
        %get3A_837 = tpu.vector_load %arg12[%get3A_835, %get3A_836] {strides = array<i32>} : memref<800x16xf32, #tpu.memory_space<vmem>>, vector<1x16xf32>,
        %get3A_838 = vector.shape_cast %get3A_837 : vector<1x16xf32> to vector<16xf32>
        %add3A_839 = arith.addf %add3A_832, %get3A_838 : vector<16xf32>
        %add3A_840 = arith.constant 2 : i32
        %add3A_841 = arith.addi %add3A_814, %add3A_840 : i32
        %get3A_842 = arith.index_cast %add3A_841 : i32 to index
        %get3A_843 = arith.constant 0 : index
        %get3A_844 = tpu.vector_load %arg12[%get3A_842, %get3A_843] {strides = array<i32>} : memref<800x16xf32, #tpu.memory_space<vmem>>, vector<1x16xf32>,
        %get3A_845 = vector.shape_cast %get3A_844 : vector<1x16xf32> to vector<16xf32>
        %add3A_846 = arith.addf %scan3A_809, %get3A_845 : vector<16xf32>
        %add3A_847 = arith.constant 6 : i32
        %add3A_848 = arith.addi %add3A_814, %add3A_847 : i32
        %get3A_849 = arith.index_cast %add3A_848 : i32 to index
        %get3A_850 = arith.constant 0 : index
        %get3A_851 = tpu.vector_load %arg12[%get3A_849, %get3A_850] {strides = array<i32>} : memref<800x16xf32, #tpu.memory_space<vmem>>, vector<1x16xf32>,
        %get3A_852 = vector.shape_cast %get3A_851 : vector<1x16xf32> to vector<16xf32>
        %add3A_853 = arith.addf %add3A_846, %get3A_852 : vector<16xf32>
        %add3A_854 = arith.constant 3 : i32
        %add3A_855 = arith.addi %add3A_814, %add3A_854 : i32
        %get3A_856 = arith.index_cast %add3A_855 : i32 to index
        %get3A_857 = arith.constant 0 : index
        %get3A_858 = tpu.vector_load %arg12[%get3A_856, %get3A_857] {strides = array<i32>} : memref<800x16xf32, #tpu.memory_space<vmem>>, vector<1x16xf32>,
        %get3A_859 = vector.shape_cast %get3A_858 : vector<1x16xf32> to vector<16xf32>
        %add3A_860 = arith.addf %scan3A_810, %get3A_859 : vector<16xf32>
        %add3A_861 = arith.constant 7 : i32
        %add3A_862 = arith.addi %add3A_814, %add3A_861 : i32
        %get3A_863 = arith.index_cast %add3A_862 : i32 to index
        %get3A_864 = arith.constant 0 : index
        %get3A_865 = tpu.vector_load %arg12[%get3A_863, %get3A_864] {strides = array<i32>} : memref<800x16xf32, #tpu.memory_space<vmem>>, vector<1x16xf32>,
        %get3A_866 = vector.shape_cast %get3A_865 : vector<1x16xf32> to vector<16xf32>
        %add3A_867 = arith.addf %add3A_860, %get3A_866 : vector<16xf32>
        scf.yield %add3A_825, %add3A_839, %add3A_853, %add3A_867 : vector<16xf32>, vector<16xf32>, vector<16xf32>, vector<16xf32>
      }
      %scan3A_635 = arith.constant 25 : i32
      %add3A_636 = arith.addf %scan3A_634#0, %scan3A_634#1 : vector<16xf32>
      %add3A_637 = arith.addf %scan3A_634#2, %scan3A_634#3 : vector<16xf32>
      %add3A_638 = arith.addf %add3A_636, %add3A_637 : vector<16xf32>
      %swap3A_639 = arith.index_cast %add3A_627 : i32 to index
      %swap3A_640 = arith.constant 0 : index
      %swap3A_641 = tpu.vector_load %arg14[%swap3A_639, %swap3A_640] {strides = array<i32>} : memref<128x16xf32, #tpu.memory_space<vmem>>, vector<1x16xf32>,
      %swap3A_642 = vector.shape_cast %swap3A_641 : vector<1x16xf32> to vector<16xf32>
      %swap3A_643 = vector.shape_cast %add3A_638 : vector<16xf32> to vector<1x16xf32>
      tpu.vector_store %arg14[%swap3A_639, %swap3A_640], %swap3A_643 {strides = array<i32>} : memref<128x16xf32, #tpu.memory_space<vmem>>, vector<1x16xf32>,
      %mul3A_644 = arith.constant 4 : i32
      %mul3A_645 = arith.muli %add3A_617, %mul3A_644 : i32
      %add3A_646 = arith.constant 1 : i32
      %add3A_647 = arith.addi %mul3A_645, %add3A_646 : i32
      %broadcast_in_dim3A_648 = arith.constant 0.000000e+00 : f32
      %broadcast_in_dim3A_649 = vector.broadcast %broadcast_in_dim3A_648 : f32 to vector<16xf32>
      %scan3A_650 = arith.constant 0 : i32
      %scan3A_651 = arith.constant 25 : i32
      %scan3A_652 = arith.addi %scan3A_650, %scan3A_651 : i32
      %scan3A_653 = arith.constant 1 : i32
      %scan3A_654:4 = scf.for %scan3A_806 = %scan3A_650 to %scan3A_652 step %scan3A_653 iter_args(%scan3A_807 = %broadcast_in_dim3A_649, %scan3A_808 = %broadcast_in_dim3A_649, %scan3A_809 = %broadcast_in_dim3A_649, %scan3A_810 = %broadcast_in_dim3A_649) -> (vector<16xf32>, vector<16xf32>, vector<16xf32>, vector<16xf32>)  : i32 {
        %mul3A_811 = arith.constant 8 : i32
        %mul3A_812 = arith.muli %scan3A_806, %mul3A_811 : i32
        %add3A_813 = arith.constant 200 : i32
        %add3A_814 = arith.addi %add3A_813, %mul3A_812 : i32
        %get3A = arith.index_cast %add3A_814 : i32 to index
        %get3A_815 = arith.constant 0 : index
        %get3A_816 = tpu.vector_load %arg12[%get3A, %get3A_815] {strides = array<i32>} : memref<800x16xf32, #tpu.memory_space<vmem>>, vector<1x16xf32>,
        %get3A_817 = vector.shape_cast %get3A_816 : vector<1x16xf32> to vector<16xf32>
        %add3A_818 = arith.addf %scan3A_807, %get3A_817 : vector<16xf32>
        %add3A_819 = arith.constant 4 : i32
        %add3A_820 = arith.addi %add3A_814, %add3A_819 : i32
        %get3A_821 = arith.index_cast %add3A_820 : i32 to index
        %get3A_822 = arith.constant 0 : index
        %get3A_823 = tpu.vector_load %arg12[%get3A_821, %get3A_822] {strides = array<i32>} : memref<800x16xf32, #tpu.memory_space<vmem>>, vector<1x16xf32>,
        %get3A_824 = vector.shape_cast %get3A_823 : vector<1x16xf32> to vector<16xf32>
        %add3A_825 = arith.addf %add3A_818, %get3A_824 : vector<16xf32>
        %add3A_826 = arith.constant 1 : i32
        %add3A_827 = arith.addi %add3A_814, %add3A_826 : i32
        %get3A_828 = arith.index_cast %add3A_827 : i32 to index
        %get3A_829 = arith.constant 0 : index
        %get3A_830 = tpu.vector_load %arg12[%get3A_828, %get3A_829] {strides = array<i32>} : memref<800x16xf32, #tpu.memory_space<vmem>>, vector<1x16xf32>,
        %get3A_831 = vector.shape_cast %get3A_830 : vector<1x16xf32> to vector<16xf32>
        %add3A_832 = arith.addf %scan3A_808, %get3A_831 : vector<16xf32>
        %add3A_833 = arith.constant 5 : i32
        %add3A_834 = arith.addi %add3A_814, %add3A_833 : i32
        %get3A_835 = arith.index_cast %add3A_834 : i32 to index
        %get3A_836 = arith.constant 0 : index
        %get3A_837 = tpu.vector_load %arg12[%get3A_835, %get3A_836] {strides = array<i32>} : memref<800x16xf32, #tpu.memory_space<vmem>>, vector<1x16xf32>,
        %get3A_838 = vector.shape_cast %get3A_837 : vector<1x16xf32> to vector<16xf32>
        %add3A_839 = arith.addf %add3A_832, %get3A_838 : vector<16xf32>
        %add3A_840 = arith.constant 2 : i32
        %add3A_841 = arith.addi %add3A_814, %add3A_840 : i32
        %get3A_842 = arith.index_cast %add3A_841 : i32 to index
        %get3A_843 = arith.constant 0 : index
        %get3A_844 = tpu.vector_load %arg12[%get3A_842, %get3A_843] {strides = array<i32>} : memref<800x16xf32, #tpu.memory_space<vmem>>, vector<1x16xf32>,
        %get3A_845 = vector.shape_cast %get3A_844 : vector<1x16xf32> to vector<16xf32>
        %add3A_846 = arith.addf %scan3A_809, %get3A_845 : vector<16xf32>
        %add3A_847 = arith.constant 6 : i32
        %add3A_848 = arith.addi %add3A_814, %add3A_847 : i32
        %get3A_849 = arith.index_cast %add3A_848 : i32 to index
        %get3A_850 = arith.constant 0 : index
        %get3A_851 = tpu.vector_load %arg12[%get3A_849, %get3A_850] {strides = array<i32>} : memref<800x16xf32, #tpu.memory_space<vmem>>, vector<1x16xf32>,
        %get3A_852 = vector.shape_cast %get3A_851 : vector<1x16xf32> to vector<16xf32>
        %add3A_853 = arith.addf %add3A_846, %get3A_852 : vector<16xf32>
        %add3A_854 = arith.constant 3 : i32
        %add3A_855 = arith.addi %add3A_814, %add3A_854 : i32
        %get3A_856 = arith.index_cast %add3A_855 : i32 to index
        %get3A_857 = arith.constant 0 : index
        %get3A_858 = tpu.vector_load %arg12[%get3A_856, %get3A_857] {strides = array<i32>} : memref<800x16xf32, #tpu.memory_space<vmem>>, vector<1x16xf32>,
        %get3A_859 = vector.shape_cast %get3A_858 : vector<1x16xf32> to vector<16xf32>
        %add3A_860 = arith.addf %scan3A_810, %get3A_859 : vector<16xf32>
        %add3A_861 = arith.constant 7 : i32
        %add3A_862 = arith.addi %add3A_814, %add3A_861 : i32
        %get3A_863 = arith.index_cast %add3A_862 : i32 to index
        %get3A_864 = arith.constant 0 : index
        %get3A_865 = tpu.vector_load %arg12[%get3A_863, %get3A_864] {strides = array<i32>} : memref<800x16xf32, #tpu.memory_space<vmem>>, vector<1x16xf32>,
        %get3A_866 = vector.shape_cast %get3A_865 : vector<1x16xf32> to vector<16xf32>
        %add3A_867 = arith.addf %add3A_860, %get3A_866 : vector<16xf32>
        scf.yield %add3A_825, %add3A_839, %add3A_853, %add3A_867 : vector<16xf32>, vector<16xf32>, vector<16xf32>, vector<16xf32>
      }
      %scan3A_655 = arith.constant 25 : i32
      %add3A_656 = arith.addf %scan3A_654#0, %scan3A_654#1 : vector<16xf32>
      %add3A_657 = arith.addf %scan3A_654#2, %scan3A_654#3 : vector<16xf32>
      %add3A_658 = arith.addf %add3A_656, %add3A_657 : vector<16xf32>
      %swap3A_659 = arith.index_cast %add3A_647 : i32 to index
      %swap3A_660 = arith.constant 0 : index
      %swap3A_661 = tpu.vector_load %arg14[%swap3A_659, %swap3A_660] {strides = array<i32>} : memref<128x16xf32, #tpu.memory_space<vmem>>, vector<1x16xf32>,
      %swap3A_662 = vector.shape_cast %swap3A_661 : vector<1x16xf32> to vector<16xf32>
      %swap3A_663 = vector.shape_cast %add3A_658 : vector<16xf32> to vector<1x16xf32>
      tpu.vector_store %arg14[%swap3A_659, %swap3A_660], %swap3A_663 {strides = array<i32>} : memref<128x16xf32, #tpu.memory_space<vmem>>, vector<1x16xf32>,
      %mul3A_664 = arith.constant 4 : i32
      %mul3A_665 = arith.muli %add3A_617, %mul3A_664 : i32
      %add3A_666 = arith.constant 2 : i32
      %add3A_667 = arith.addi %mul3A_665, %add3A_666 : i32
      %broadcast_in_dim3A_668 = arith.constant 0.000000e+00 : f32
      %broadcast_in_dim3A_669 = vector.broadcast %broadcast_in_dim3A_668 : f32 to vector<16xf32>
      %scan3A_670 = arith.constant 0 : i32
      %scan3A_671 = arith.constant 25 : i32
      %scan3A_672 = arith.addi %scan3A_670, %scan3A_671 : i32
      %scan3A_673 = arith.constant 1 : i32
      %scan3A_674:4 = scf.for %scan3A_806 = %scan3A_670 to %scan3A_672 step %scan3A_673 iter_args(%scan3A_807 = %broadcast_in_dim3A_669, %scan3A_808 = %broadcast_in_dim3A_669, %scan3A_809 = %broadcast_in_dim3A_669, %scan3A_810 = %broadcast_in_dim3A_669) -> (vector<16xf32>, vector<16xf32>, vector<16xf32>, vector<16xf32>)  : i32 {
        %mul3A_811 = arith.constant 8 : i32
        %mul3A_812 = arith.muli %scan3A_806, %mul3A_811 : i32
        %add3A_813 = arith.constant 400 : i32
        %add3A_814 = arith.addi %add3A_813, %mul3A_812 : i32
        %get3A = arith.index_cast %add3A_814 : i32 to index
        %get3A_815 = arith.constant 0 : index
        %get3A_816 = tpu.vector_load %arg12[%get3A, %get3A_815] {strides = array<i32>} : memref<800x16xf32, #tpu.memory_space<vmem>>, vector<1x16xf32>,
        %get3A_817 = vector.shape_cast %get3A_816 : vector<1x16xf32> to vector<16xf32>
        %add3A_818 = arith.addf %scan3A_807, %get3A_817 : vector<16xf32>
        %add3A_819 = arith.constant 4 : i32
        %add3A_820 = arith.addi %add3A_814, %add3A_819 : i32
        %get3A_821 = arith.index_cast %add3A_820 : i32 to index
        %get3A_822 = arith.constant 0 : index
        %get3A_823 = tpu.vector_load %arg12[%get3A_821, %get3A_822] {strides = array<i32>} : memref<800x16xf32, #tpu.memory_space<vmem>>, vector<1x16xf32>,
        %get3A_824 = vector.shape_cast %get3A_823 : vector<1x16xf32> to vector<16xf32>
        %add3A_825 = arith.addf %add3A_818, %get3A_824 : vector<16xf32>
        %add3A_826 = arith.constant 1 : i32
        %add3A_827 = arith.addi %add3A_814, %add3A_826 : i32
        %get3A_828 = arith.index_cast %add3A_827 : i32 to index
        %get3A_829 = arith.constant 0 : index
        %get3A_830 = tpu.vector_load %arg12[%get3A_828, %get3A_829] {strides = array<i32>} : memref<800x16xf32, #tpu.memory_space<vmem>>, vector<1x16xf32>,
        %get3A_831 = vector.shape_cast %get3A_830 : vector<1x16xf32> to vector<16xf32>
        %add3A_832 = arith.addf %scan3A_808, %get3A_831 : vector<16xf32>
        %add3A_833 = arith.constant 5 : i32
        %add3A_834 = arith.addi %add3A_814, %add3A_833 : i32
        %get3A_835 = arith.index_cast %add3A_834 : i32 to index
        %get3A_836 = arith.constant 0 : index
        %get3A_837 = tpu.vector_load %arg12[%get3A_835, %get3A_836] {strides = array<i32>} : memref<800x16xf32, #tpu.memory_space<vmem>>, vector<1x16xf32>,
        %get3A_838 = vector.shape_cast %get3A_837 : vector<1x16xf32> to vector<16xf32>
        %add3A_839 = arith.addf %add3A_832, %get3A_838 : vector<16xf32>
        %add3A_840 = arith.constant 2 : i32
        %add3A_841 = arith.addi %add3A_814, %add3A_840 : i32
        %get3A_842 = arith.index_cast %add3A_841 : i32 to index
        %get3A_843 = arith.constant 0 : index
        %get3A_844 = tpu.vector_load %arg12[%get3A_842, %get3A_843] {strides = array<i32>} : memref<800x16xf32, #tpu.memory_space<vmem>>, vector<1x16xf32>,
        %get3A_845 = vector.shape_cast %get3A_844 : vector<1x16xf32> to vector<16xf32>
        %add3A_846 = arith.addf %scan3A_809, %get3A_845 : vector<16xf32>
        %add3A_847 = arith.constant 6 : i32
        %add3A_848 = arith.addi %add3A_814, %add3A_847 : i32
        %get3A_849 = arith.index_cast %add3A_848 : i32 to index
        %get3A_850 = arith.constant 0 : index
        %get3A_851 = tpu.vector_load %arg12[%get3A_849, %get3A_850] {strides = array<i32>} : memref<800x16xf32, #tpu.memory_space<vmem>>, vector<1x16xf32>,
        %get3A_852 = vector.shape_cast %get3A_851 : vector<1x16xf32> to vector<16xf32>
        %add3A_853 = arith.addf %add3A_846, %get3A_852 : vector<16xf32>
        %add3A_854 = arith.constant 3 : i32
        %add3A_855 = arith.addi %add3A_814, %add3A_854 : i32
        %get3A_856 = arith.index_cast %add3A_855 : i32 to index
        %get3A_857 = arith.constant 0 : index
        %get3A_858 = tpu.vector_load %arg12[%get3A_856, %get3A_857] {strides = array<i32>} : memref<800x16xf32, #tpu.memory_space<vmem>>, vector<1x16xf32>,
        %get3A_859 = vector.shape_cast %get3A_858 : vector<1x16xf32> to vector<16xf32>
        %add3A_860 = arith.addf %scan3A_810, %get3A_859 : vector<16xf32>
        %add3A_861 = arith.constant 7 : i32
        %add3A_862 = arith.addi %add3A_814, %add3A_861 : i32
        %get3A_863 = arith.index_cast %add3A_862 : i32 to index
        %get3A_864 = arith.constant 0 : index
        %get3A_865 = tpu.vector_load %arg12[%get3A_863, %get3A_864] {strides = array<i32>} : memref<800x16xf32, #tpu.memory_space<vmem>>, vector<1x16xf32>,
        %get3A_866 = vector.shape_cast %get3A_865 : vector<1x16xf32> to vector<16xf32>
        %add3A_867 = arith.addf %add3A_860, %get3A_866 : vector<16xf32>
        scf.yield %add3A_825, %add3A_839, %add3A_853, %add3A_867 : vector<16xf32>, vector<16xf32>, vector<16xf32>, vector<16xf32>
      }
      %scan3A_675 = arith.constant 25 : i32
      %add3A_676 = arith.addf %scan3A_674#0, %scan3A_674#1 : vector<16xf32>
      %add3A_677 = arith.addf %scan3A_674#2, %scan3A_674#3 : vector<16xf32>
      %add3A_678 = arith.addf %add3A_676, %add3A_677 : vector<16xf32>
      %swap3A_679 = arith.index_cast %add3A_667 : i32 to index
      %swap3A_680 = arith.constant 0 : index
      %swap3A_681 = tpu.vector_load %arg14[%swap3A_679, %swap3A_680] {strides = array<i32>} : memref<128x16xf32, #tpu.memory_space<vmem>>, vector<1x16xf32>,
      %swap3A_682 = vector.shape_cast %swap3A_681 : vector<1x16xf32> to vector<16xf32>
      %swap3A_683 = vector.shape_cast %add3A_678 : vector<16xf32> to vector<1x16xf32>
      tpu.vector_store %arg14[%swap3A_679, %swap3A_680], %swap3A_683 {strides = array<i32>} : memref<128x16xf32, #tpu.memory_space<vmem>>, vector<1x16xf32>,
      %mul3A_684 = arith.constant 4 : i32
      %mul3A_685 = arith.muli %add3A_617, %mul3A_684 : i32
      %add3A_686 = arith.constant 3 : i32
      %add3A_687 = arith.addi %mul3A_685, %add3A_686 : i32
      %broadcast_in_dim3A_688 = arith.constant 0.000000e+00 : f32
      %broadcast_in_dim3A_689 = vector.broadcast %broadcast_in_dim3A_688 : f32 to vector<16xf32>
      %scan3A_690 = arith.constant 0 : i32
      %scan3A_691 = arith.constant 25 : i32
      %scan3A_692 = arith.addi %scan3A_690, %scan3A_691 : i32
      %scan3A_693 = arith.constant 1 : i32
      %scan3A_694:4 = scf.for %scan3A_806 = %scan3A_690 to %scan3A_692 step %scan3A_693 iter_args(%scan3A_807 = %broadcast_in_dim3A_689, %scan3A_808 = %broadcast_in_dim3A_689, %scan3A_809 = %broadcast_in_dim3A_689, %scan3A_810 = %broadcast_in_dim3A_689) -> (vector<16xf32>, vector<16xf32>, vector<16xf32>, vector<16xf32>)  : i32 {
        %mul3A_811 = arith.constant 8 : i32
        %mul3A_812 = arith.muli %scan3A_806, %mul3A_811 : i32
        %add3A_813 = arith.constant 600 : i32
        %add3A_814 = arith.addi %add3A_813, %mul3A_812 : i32
        %get3A = arith.index_cast %add3A_814 : i32 to index
        %get3A_815 = arith.constant 0 : index
        %get3A_816 = tpu.vector_load %arg12[%get3A, %get3A_815] {strides = array<i32>} : memref<800x16xf32, #tpu.memory_space<vmem>>, vector<1x16xf32>,
        %get3A_817 = vector.shape_cast %get3A_816 : vector<1x16xf32> to vector<16xf32>
        %add3A_818 = arith.addf %scan3A_807, %get3A_817 : vector<16xf32>
        %add3A_819 = arith.constant 4 : i32
        %add3A_820 = arith.addi %add3A_814, %add3A_819 : i32
        %get3A_821 = arith.index_cast %add3A_820 : i32 to index
        %get3A_822 = arith.constant 0 : index
        %get3A_823 = tpu.vector_load %arg12[%get3A_821, %get3A_822] {strides = array<i32>} : memref<800x16xf32, #tpu.memory_space<vmem>>, vector<1x16xf32>,
        %get3A_824 = vector.shape_cast %get3A_823 : vector<1x16xf32> to vector<16xf32>
        %add3A_825 = arith.addf %add3A_818, %get3A_824 : vector<16xf32>
        %add3A_826 = arith.constant 1 : i32
        %add3A_827 = arith.addi %add3A_814, %add3A_826 : i32
        %get3A_828 = arith.index_cast %add3A_827 : i32 to index
        %get3A_829 = arith.constant 0 : index
        %get3A_830 = tpu.vector_load %arg12[%get3A_828, %get3A_829] {strides = array<i32>} : memref<800x16xf32, #tpu.memory_space<vmem>>, vector<1x16xf32>,
        %get3A_831 = vector.shape_cast %get3A_830 : vector<1x16xf32> to vector<16xf32>
        %add3A_832 = arith.addf %scan3A_808, %get3A_831 : vector<16xf32>
        %add3A_833 = arith.constant 5 : i32
        %add3A_834 = arith.addi %add3A_814, %add3A_833 : i32
        %get3A_835 = arith.index_cast %add3A_834 : i32 to index
        %get3A_836 = arith.constant 0 : index
        %get3A_837 = tpu.vector_load %arg12[%get3A_835, %get3A_836] {strides = array<i32>} : memref<800x16xf32, #tpu.memory_space<vmem>>, vector<1x16xf32>,
        %get3A_838 = vector.shape_cast %get3A_837 : vector<1x16xf32> to vector<16xf32>
        %add3A_839 = arith.addf %add3A_832, %get3A_838 : vector<16xf32>
        %add3A_840 = arith.constant 2 : i32
        %add3A_841 = arith.addi %add3A_814, %add3A_840 : i32
        %get3A_842 = arith.index_cast %add3A_841 : i32 to index
        %get3A_843 = arith.constant 0 : index
        %get3A_844 = tpu.vector_load %arg12[%get3A_842, %get3A_843] {strides = array<i32>} : memref<800x16xf32, #tpu.memory_space<vmem>>, vector<1x16xf32>,
        %get3A_845 = vector.shape_cast %get3A_844 : vector<1x16xf32> to vector<16xf32>
        %add3A_846 = arith.addf %scan3A_809, %get3A_845 : vector<16xf32>
        %add3A_847 = arith.constant 6 : i32
        %add3A_848 = arith.addi %add3A_814, %add3A_847 : i32
        %get3A_849 = arith.index_cast %add3A_848 : i32 to index
        %get3A_850 = arith.constant 0 : index
        %get3A_851 = tpu.vector_load %arg12[%get3A_849, %get3A_850] {strides = array<i32>} : memref<800x16xf32, #tpu.memory_space<vmem>>, vector<1x16xf32>,
        %get3A_852 = vector.shape_cast %get3A_851 : vector<1x16xf32> to vector<16xf32>
        %add3A_853 = arith.addf %add3A_846, %get3A_852 : vector<16xf32>
        %add3A_854 = arith.constant 3 : i32
        %add3A_855 = arith.addi %add3A_814, %add3A_854 : i32
        %get3A_856 = arith.index_cast %add3A_855 : i32 to index
        %get3A_857 = arith.constant 0 : index
        %get3A_858 = tpu.vector_load %arg12[%get3A_856, %get3A_857] {strides = array<i32>} : memref<800x16xf32, #tpu.memory_space<vmem>>, vector<1x16xf32>,
        %get3A_859 = vector.shape_cast %get3A_858 : vector<1x16xf32> to vector<16xf32>
        %add3A_860 = arith.addf %scan3A_810, %get3A_859 : vector<16xf32>
        %add3A_861 = arith.constant 7 : i32
        %add3A_862 = arith.addi %add3A_814, %add3A_861 : i32
        %get3A_863 = arith.index_cast %add3A_862 : i32 to index
        %get3A_864 = arith.constant 0 : index
        %get3A_865 = tpu.vector_load %arg12[%get3A_863, %get3A_864] {strides = array<i32>} : memref<800x16xf32, #tpu.memory_space<vmem>>, vector<1x16xf32>,
        %get3A_866 = vector.shape_cast %get3A_865 : vector<1x16xf32> to vector<16xf32>
        %add3A_867 = arith.addf %add3A_860, %get3A_866 : vector<16xf32>
        scf.yield %add3A_825, %add3A_839, %add3A_853, %add3A_867 : vector<16xf32>, vector<16xf32>, vector<16xf32>, vector<16xf32>
      }
      %scan3A_695 = arith.constant 25 : i32
      %add3A_696 = arith.addf %scan3A_694#0, %scan3A_694#1 : vector<16xf32>
      %add3A_697 = arith.addf %scan3A_694#2, %scan3A_694#3 : vector<16xf32>
      %add3A_698 = arith.addf %add3A_696, %add3A_697 : vector<16xf32>
      %swap3A_699 = arith.index_cast %add3A_687 : i32 to index
      %swap3A_700 = arith.constant 0 : index
      %swap3A_701 = tpu.vector_load %arg14[%swap3A_699, %swap3A_700] {strides = array<i32>} : memref<128x16xf32, #tpu.memory_space<vmem>>, vector<1x16xf32>,
      %swap3A_702 = vector.shape_cast %swap3A_701 : vector<1x16xf32> to vector<16xf32>
      %swap3A_703 = vector.shape_cast %add3A_698 : vector<16xf32> to vector<1x16xf32>
      tpu.vector_store %arg14[%swap3A_699, %swap3A_700], %swap3A_703 {strides = array<i32>} : memref<128x16xf32, #tpu.memory_space<vmem>>, vector<1x16xf32>,
      %add3A_704 = arith.constant 8 : i32
      %add3A_705 = arith.addi %add3A_617, %add3A_704 : i32
      %lt3A_706 = arith.constant 32 : i32
      %lt3A_707 = arith.cmpi slt, %add3A_705, %lt3A_706 : i32
      %convert_element_type3A_708 = arith.extui %lt3A_707 : i1 to i32
      %cond3A_709 = arith.constant 0 : i32
      %cond3A_710 = arith.cmpi ne, %convert_element_type3A_708, %cond3A_709 : i32
      scf.if %cond3A_710 {
        %add3A_806 = arith.constant 8 : i32
        %add3A_807 = arith.addi %add3A_617, %add3A_806 : i32
        %mul3A_808 = arith.constant 800 : i32
        %mul3A_809 = arith.muli %add3A_807, %mul3A_808 : i32
        %dma_start3A_810 = tpu.memref_slice %arg5[%mul3A_809] : memref<25600xi32, #tpu.memory_space<vmem>> -> memref<800xi32, #tpu.memory_space<vmem>>
        %dma_start3A_811 = arith.constant 0 : i32
        %dma_start3A_812 = arith.constant 0 : i32
        %dma_start3A_813 = tpu.memref_slice %arg3[%dma_start3A_811, %dma_start3A_812] : memref<1000000x16xf32, #tpu.memory_space<hbm>> -> memref<1000000x16xf32, #tpu.memory_space<hbm>>
        tpu.enqueue_indirect_dma source(%dma_start3A_813 : memref<1000000x16xf32, #tpu.memory_space<hbm>>) target(%arg12 : memref<800x16xf32, #tpu.memory_space<vmem>>) offsets(%dma_start3A_810 : memref<800xi32, #tpu.memory_space<vmem>>) semaphore(%arg21 : memref<!tpu.dma_semaphore, #tpu.memory_space<semaphore_mem>>)
      } else {
      }
      %add3A_711 = arith.constant 7 : i32
      %add3A_712 = arith.addi %mul3A_51, %add3A_711 : i32
      %mul3A_713 = arith.constant 800 : i32
      %mul3A_714 = arith.muli %add3A_712, %mul3A_713 : i32
      %dma_wait3A_715 = tpu.memref_slice %arg5[%mul3A_714] : memref<25600xi32, #tpu.memory_space<vmem>> -> memref<800xi32, #tpu.memory_space<vmem>>
      %dma_wait3A_716 = arith.constant 0 : i32
      %dma_wait3A_717 = arith.constant 0 : i32
      %dma_wait3A_718 = tpu.memref_slice %arg3[%dma_wait3A_716, %dma_wait3A_717] : memref<1000000x16xf32, #tpu.memory_space<hbm>> -> memref<1000000x16xf32, #tpu.memory_space<hbm>>
      tpu.wait_indirect_dma semaphore(%arg22 : memref<!tpu.dma_semaphore, #tpu.memory_space<semaphore_mem>>) src(%dma_wait3A_718 : memref<1000000x16xf32, #tpu.memory_space<hbm>>) dst(%arg13 : memref<800x16xf32, #tpu.memory_space<vmem>>)
      %mul3A_719 = arith.constant 4 : i32
      %mul3A_720 = arith.muli %add3A_712, %mul3A_719 : i32
      %add3A_721 = arith.constant 0 : i32
      %add3A_722 = arith.addi %mul3A_720, %add3A_721 : i32
      %broadcast_in_dim3A_723 = arith.constant 0.000000e+00 : f32
      %broadcast_in_dim3A_724 = vector.broadcast %broadcast_in_dim3A_723 : f32 to vector<16xf32>
      %scan3A_725 = arith.constant 0 : i32
      %scan3A_726 = arith.constant 25 : i32
      %scan3A_727 = arith.addi %scan3A_725, %scan3A_726 : i32
      %scan3A_728 = arith.constant 1 : i32
      %scan3A_729:4 = scf.for %scan3A_806 = %scan3A_725 to %scan3A_727 step %scan3A_728 iter_args(%scan3A_807 = %broadcast_in_dim3A_724, %scan3A_808 = %broadcast_in_dim3A_724, %scan3A_809 = %broadcast_in_dim3A_724, %scan3A_810 = %broadcast_in_dim3A_724) -> (vector<16xf32>, vector<16xf32>, vector<16xf32>, vector<16xf32>)  : i32 {
        %mul3A_811 = arith.constant 8 : i32
        %mul3A_812 = arith.muli %scan3A_806, %mul3A_811 : i32
        %add3A_813 = arith.constant 0 : i32
        %add3A_814 = arith.addi %add3A_813, %mul3A_812 : i32
        %get3A = arith.index_cast %add3A_814 : i32 to index
        %get3A_815 = arith.constant 0 : index
        %get3A_816 = tpu.vector_load %arg13[%get3A, %get3A_815] {strides = array<i32>} : memref<800x16xf32, #tpu.memory_space<vmem>>, vector<1x16xf32>,
        %get3A_817 = vector.shape_cast %get3A_816 : vector<1x16xf32> to vector<16xf32>
        %add3A_818 = arith.addf %scan3A_807, %get3A_817 : vector<16xf32>
        %add3A_819 = arith.constant 4 : i32
        %add3A_820 = arith.addi %add3A_814, %add3A_819 : i32
        %get3A_821 = arith.index_cast %add3A_820 : i32 to index
        %get3A_822 = arith.constant 0 : index
        %get3A_823 = tpu.vector_load %arg13[%get3A_821, %get3A_822] {strides = array<i32>} : memref<800x16xf32, #tpu.memory_space<vmem>>, vector<1x16xf32>,
        %get3A_824 = vector.shape_cast %get3A_823 : vector<1x16xf32> to vector<16xf32>
        %add3A_825 = arith.addf %add3A_818, %get3A_824 : vector<16xf32>
        %add3A_826 = arith.constant 1 : i32
        %add3A_827 = arith.addi %add3A_814, %add3A_826 : i32
        %get3A_828 = arith.index_cast %add3A_827 : i32 to index
        %get3A_829 = arith.constant 0 : index
        %get3A_830 = tpu.vector_load %arg13[%get3A_828, %get3A_829] {strides = array<i32>} : memref<800x16xf32, #tpu.memory_space<vmem>>, vector<1x16xf32>,
        %get3A_831 = vector.shape_cast %get3A_830 : vector<1x16xf32> to vector<16xf32>
        %add3A_832 = arith.addf %scan3A_808, %get3A_831 : vector<16xf32>
        %add3A_833 = arith.constant 5 : i32
        %add3A_834 = arith.addi %add3A_814, %add3A_833 : i32
        %get3A_835 = arith.index_cast %add3A_834 : i32 to index
        %get3A_836 = arith.constant 0 : index
        %get3A_837 = tpu.vector_load %arg13[%get3A_835, %get3A_836] {strides = array<i32>} : memref<800x16xf32, #tpu.memory_space<vmem>>, vector<1x16xf32>,
        %get3A_838 = vector.shape_cast %get3A_837 : vector<1x16xf32> to vector<16xf32>
        %add3A_839 = arith.addf %add3A_832, %get3A_838 : vector<16xf32>
        %add3A_840 = arith.constant 2 : i32
        %add3A_841 = arith.addi %add3A_814, %add3A_840 : i32
        %get3A_842 = arith.index_cast %add3A_841 : i32 to index
        %get3A_843 = arith.constant 0 : index
        %get3A_844 = tpu.vector_load %arg13[%get3A_842, %get3A_843] {strides = array<i32>} : memref<800x16xf32, #tpu.memory_space<vmem>>, vector<1x16xf32>,
        %get3A_845 = vector.shape_cast %get3A_844 : vector<1x16xf32> to vector<16xf32>
        %add3A_846 = arith.addf %scan3A_809, %get3A_845 : vector<16xf32>
        %add3A_847 = arith.constant 6 : i32
        %add3A_848 = arith.addi %add3A_814, %add3A_847 : i32
        %get3A_849 = arith.index_cast %add3A_848 : i32 to index
        %get3A_850 = arith.constant 0 : index
        %get3A_851 = tpu.vector_load %arg13[%get3A_849, %get3A_850] {strides = array<i32>} : memref<800x16xf32, #tpu.memory_space<vmem>>, vector<1x16xf32>,
        %get3A_852 = vector.shape_cast %get3A_851 : vector<1x16xf32> to vector<16xf32>
        %add3A_853 = arith.addf %add3A_846, %get3A_852 : vector<16xf32>
        %add3A_854 = arith.constant 3 : i32
        %add3A_855 = arith.addi %add3A_814, %add3A_854 : i32
        %get3A_856 = arith.index_cast %add3A_855 : i32 to index
        %get3A_857 = arith.constant 0 : index
        %get3A_858 = tpu.vector_load %arg13[%get3A_856, %get3A_857] {strides = array<i32>} : memref<800x16xf32, #tpu.memory_space<vmem>>, vector<1x16xf32>,
        %get3A_859 = vector.shape_cast %get3A_858 : vector<1x16xf32> to vector<16xf32>
        %add3A_860 = arith.addf %scan3A_810, %get3A_859 : vector<16xf32>
        %add3A_861 = arith.constant 7 : i32
        %add3A_862 = arith.addi %add3A_814, %add3A_861 : i32
        %get3A_863 = arith.index_cast %add3A_862 : i32 to index
        %get3A_864 = arith.constant 0 : index
        %get3A_865 = tpu.vector_load %arg13[%get3A_863, %get3A_864] {strides = array<i32>} : memref<800x16xf32, #tpu.memory_space<vmem>>, vector<1x16xf32>,
        %get3A_866 = vector.shape_cast %get3A_865 : vector<1x16xf32> to vector<16xf32>
        %add3A_867 = arith.addf %add3A_860, %get3A_866 : vector<16xf32>
        scf.yield %add3A_825, %add3A_839, %add3A_853, %add3A_867 : vector<16xf32>, vector<16xf32>, vector<16xf32>, vector<16xf32>
      }
      %scan3A_730 = arith.constant 25 : i32
      %add3A_731 = arith.addf %scan3A_729#0, %scan3A_729#1 : vector<16xf32>
      %add3A_732 = arith.addf %scan3A_729#2, %scan3A_729#3 : vector<16xf32>
      %add3A_733 = arith.addf %add3A_731, %add3A_732 : vector<16xf32>
      %swap3A_734 = arith.index_cast %add3A_722 : i32 to index
      %swap3A_735 = arith.constant 0 : index
      %swap3A_736 = tpu.vector_load %arg14[%swap3A_734, %swap3A_735] {strides = array<i32>} : memref<128x16xf32, #tpu.memory_space<vmem>>, vector<1x16xf32>,
      %swap3A_737 = vector.shape_cast %swap3A_736 : vector<1x16xf32> to vector<16xf32>
      %swap3A_738 = vector.shape_cast %add3A_733 : vector<16xf32> to vector<1x16xf32>
      tpu.vector_store %arg14[%swap3A_734, %swap3A_735], %swap3A_738 {strides = array<i32>} : memref<128x16xf32, #tpu.memory_space<vmem>>, vector<1x16xf32>,
      %mul3A_739 = arith.constant 4 : i32
      %mul3A_740 = arith.muli %add3A_712, %mul3A_739 : i32
      %add3A_741 = arith.constant 1 : i32
      %add3A_742 = arith.addi %mul3A_740, %add3A_741 : i32
      %broadcast_in_dim3A_743 = arith.constant 0.000000e+00 : f32
      %broadcast_in_dim3A_744 = vector.broadcast %broadcast_in_dim3A_743 : f32 to vector<16xf32>
      %scan3A_745 = arith.constant 0 : i32
      %scan3A_746 = arith.constant 25 : i32
      %scan3A_747 = arith.addi %scan3A_745, %scan3A_746 : i32
      %scan3A_748 = arith.constant 1 : i32
      %scan3A_749:4 = scf.for %scan3A_806 = %scan3A_745 to %scan3A_747 step %scan3A_748 iter_args(%scan3A_807 = %broadcast_in_dim3A_744, %scan3A_808 = %broadcast_in_dim3A_744, %scan3A_809 = %broadcast_in_dim3A_744, %scan3A_810 = %broadcast_in_dim3A_744) -> (vector<16xf32>, vector<16xf32>, vector<16xf32>, vector<16xf32>)  : i32 {
        %mul3A_811 = arith.constant 8 : i32
        %mul3A_812 = arith.muli %scan3A_806, %mul3A_811 : i32
        %add3A_813 = arith.constant 200 : i32
        %add3A_814 = arith.addi %add3A_813, %mul3A_812 : i32
        %get3A = arith.index_cast %add3A_814 : i32 to index
        %get3A_815 = arith.constant 0 : index
        %get3A_816 = tpu.vector_load %arg13[%get3A, %get3A_815] {strides = array<i32>} : memref<800x16xf32, #tpu.memory_space<vmem>>, vector<1x16xf32>,
        %get3A_817 = vector.shape_cast %get3A_816 : vector<1x16xf32> to vector<16xf32>
        %add3A_818 = arith.addf %scan3A_807, %get3A_817 : vector<16xf32>
        %add3A_819 = arith.constant 4 : i32
        %add3A_820 = arith.addi %add3A_814, %add3A_819 : i32
        %get3A_821 = arith.index_cast %add3A_820 : i32 to index
        %get3A_822 = arith.constant 0 : index
        %get3A_823 = tpu.vector_load %arg13[%get3A_821, %get3A_822] {strides = array<i32>} : memref<800x16xf32, #tpu.memory_space<vmem>>, vector<1x16xf32>,
        %get3A_824 = vector.shape_cast %get3A_823 : vector<1x16xf32> to vector<16xf32>
        %add3A_825 = arith.addf %add3A_818, %get3A_824 : vector<16xf32>
        %add3A_826 = arith.constant 1 : i32
        %add3A_827 = arith.addi %add3A_814, %add3A_826 : i32
        %get3A_828 = arith.index_cast %add3A_827 : i32 to index
        %get3A_829 = arith.constant 0 : index
        %get3A_830 = tpu.vector_load %arg13[%get3A_828, %get3A_829] {strides = array<i32>} : memref<800x16xf32, #tpu.memory_space<vmem>>, vector<1x16xf32>,
        %get3A_831 = vector.shape_cast %get3A_830 : vector<1x16xf32> to vector<16xf32>
        %add3A_832 = arith.addf %scan3A_808, %get3A_831 : vector<16xf32>
        %add3A_833 = arith.constant 5 : i32
        %add3A_834 = arith.addi %add3A_814, %add3A_833 : i32
        %get3A_835 = arith.index_cast %add3A_834 : i32 to index
        %get3A_836 = arith.constant 0 : index
        %get3A_837 = tpu.vector_load %arg13[%get3A_835, %get3A_836] {strides = array<i32>} : memref<800x16xf32, #tpu.memory_space<vmem>>, vector<1x16xf32>,
        %get3A_838 = vector.shape_cast %get3A_837 : vector<1x16xf32> to vector<16xf32>
        %add3A_839 = arith.addf %add3A_832, %get3A_838 : vector<16xf32>
        %add3A_840 = arith.constant 2 : i32
        %add3A_841 = arith.addi %add3A_814, %add3A_840 : i32
        %get3A_842 = arith.index_cast %add3A_841 : i32 to index
        %get3A_843 = arith.constant 0 : index
        %get3A_844 = tpu.vector_load %arg13[%get3A_842, %get3A_843] {strides = array<i32>} : memref<800x16xf32, #tpu.memory_space<vmem>>, vector<1x16xf32>,
        %get3A_845 = vector.shape_cast %get3A_844 : vector<1x16xf32> to vector<16xf32>
        %add3A_846 = arith.addf %scan3A_809, %get3A_845 : vector<16xf32>
        %add3A_847 = arith.constant 6 : i32
        %add3A_848 = arith.addi %add3A_814, %add3A_847 : i32
        %get3A_849 = arith.index_cast %add3A_848 : i32 to index
        %get3A_850 = arith.constant 0 : index
        %get3A_851 = tpu.vector_load %arg13[%get3A_849, %get3A_850] {strides = array<i32>} : memref<800x16xf32, #tpu.memory_space<vmem>>, vector<1x16xf32>,
        %get3A_852 = vector.shape_cast %get3A_851 : vector<1x16xf32> to vector<16xf32>
        %add3A_853 = arith.addf %add3A_846, %get3A_852 : vector<16xf32>
        %add3A_854 = arith.constant 3 : i32
        %add3A_855 = arith.addi %add3A_814, %add3A_854 : i32
        %get3A_856 = arith.index_cast %add3A_855 : i32 to index
        %get3A_857 = arith.constant 0 : index
        %get3A_858 = tpu.vector_load %arg13[%get3A_856, %get3A_857] {strides = array<i32>} : memref<800x16xf32, #tpu.memory_space<vmem>>, vector<1x16xf32>,
        %get3A_859 = vector.shape_cast %get3A_858 : vector<1x16xf32> to vector<16xf32>
        %add3A_860 = arith.addf %scan3A_810, %get3A_859 : vector<16xf32>
        %add3A_861 = arith.constant 7 : i32
        %add3A_862 = arith.addi %add3A_814, %add3A_861 : i32
        %get3A_863 = arith.index_cast %add3A_862 : i32 to index
        %get3A_864 = arith.constant 0 : index
        %get3A_865 = tpu.vector_load %arg13[%get3A_863, %get3A_864] {strides = array<i32>} : memref<800x16xf32, #tpu.memory_space<vmem>>, vector<1x16xf32>,
        %get3A_866 = vector.shape_cast %get3A_865 : vector<1x16xf32> to vector<16xf32>
        %add3A_867 = arith.addf %add3A_860, %get3A_866 : vector<16xf32>
        scf.yield %add3A_825, %add3A_839, %add3A_853, %add3A_867 : vector<16xf32>, vector<16xf32>, vector<16xf32>, vector<16xf32>
      }
      %scan3A_750 = arith.constant 25 : i32
      %add3A_751 = arith.addf %scan3A_749#0, %scan3A_749#1 : vector<16xf32>
      %add3A_752 = arith.addf %scan3A_749#2, %scan3A_749#3 : vector<16xf32>
      %add3A_753 = arith.addf %add3A_751, %add3A_752 : vector<16xf32>
      %swap3A_754 = arith.index_cast %add3A_742 : i32 to index
      %swap3A_755 = arith.constant 0 : index
      %swap3A_756 = tpu.vector_load %arg14[%swap3A_754, %swap3A_755] {strides = array<i32>} : memref<128x16xf32, #tpu.memory_space<vmem>>, vector<1x16xf32>,
      %swap3A_757 = vector.shape_cast %swap3A_756 : vector<1x16xf32> to vector<16xf32>
      %swap3A_758 = vector.shape_cast %add3A_753 : vector<16xf32> to vector<1x16xf32>
      tpu.vector_store %arg14[%swap3A_754, %swap3A_755], %swap3A_758 {strides = array<i32>} : memref<128x16xf32, #tpu.memory_space<vmem>>, vector<1x16xf32>,
      %mul3A_759 = arith.constant 4 : i32
      %mul3A_760 = arith.muli %add3A_712, %mul3A_759 : i32
      %add3A_761 = arith.constant 2 : i32
      %add3A_762 = arith.addi %mul3A_760, %add3A_761 : i32
      %broadcast_in_dim3A_763 = arith.constant 0.000000e+00 : f32
      %broadcast_in_dim3A_764 = vector.broadcast %broadcast_in_dim3A_763 : f32 to vector<16xf32>
      %scan3A_765 = arith.constant 0 : i32
      %scan3A_766 = arith.constant 25 : i32
      %scan3A_767 = arith.addi %scan3A_765, %scan3A_766 : i32
      %scan3A_768 = arith.constant 1 : i32
      %scan3A_769:4 = scf.for %scan3A_806 = %scan3A_765 to %scan3A_767 step %scan3A_768 iter_args(%scan3A_807 = %broadcast_in_dim3A_764, %scan3A_808 = %broadcast_in_dim3A_764, %scan3A_809 = %broadcast_in_dim3A_764, %scan3A_810 = %broadcast_in_dim3A_764) -> (vector<16xf32>, vector<16xf32>, vector<16xf32>, vector<16xf32>)  : i32 {
        %mul3A_811 = arith.constant 8 : i32
        %mul3A_812 = arith.muli %scan3A_806, %mul3A_811 : i32
        %add3A_813 = arith.constant 400 : i32
        %add3A_814 = arith.addi %add3A_813, %mul3A_812 : i32
        %get3A = arith.index_cast %add3A_814 : i32 to index
        %get3A_815 = arith.constant 0 : index
        %get3A_816 = tpu.vector_load %arg13[%get3A, %get3A_815] {strides = array<i32>} : memref<800x16xf32, #tpu.memory_space<vmem>>, vector<1x16xf32>,
        %get3A_817 = vector.shape_cast %get3A_816 : vector<1x16xf32> to vector<16xf32>
        %add3A_818 = arith.addf %scan3A_807, %get3A_817 : vector<16xf32>
        %add3A_819 = arith.constant 4 : i32
        %add3A_820 = arith.addi %add3A_814, %add3A_819 : i32
        %get3A_821 = arith.index_cast %add3A_820 : i32 to index
        %get3A_822 = arith.constant 0 : index
        %get3A_823 = tpu.vector_load %arg13[%get3A_821, %get3A_822] {strides = array<i32>} : memref<800x16xf32, #tpu.memory_space<vmem>>, vector<1x16xf32>,
        %get3A_824 = vector.shape_cast %get3A_823 : vector<1x16xf32> to vector<16xf32>
        %add3A_825 = arith.addf %add3A_818, %get3A_824 : vector<16xf32>
        %add3A_826 = arith.constant 1 : i32
        %add3A_827 = arith.addi %add3A_814, %add3A_826 : i32
        %get3A_828 = arith.index_cast %add3A_827 : i32 to index
        %get3A_829 = arith.constant 0 : index
        %get3A_830 = tpu.vector_load %arg13[%get3A_828, %get3A_829] {strides = array<i32>} : memref<800x16xf32, #tpu.memory_space<vmem>>, vector<1x16xf32>,
        %get3A_831 = vector.shape_cast %get3A_830 : vector<1x16xf32> to vector<16xf32>
        %add3A_832 = arith.addf %scan3A_808, %get3A_831 : vector<16xf32>
        %add3A_833 = arith.constant 5 : i32
        %add3A_834 = arith.addi %add3A_814, %add3A_833 : i32
        %get3A_835 = arith.index_cast %add3A_834 : i32 to index
        %get3A_836 = arith.constant 0 : index
        %get3A_837 = tpu.vector_load %arg13[%get3A_835, %get3A_836] {strides = array<i32>} : memref<800x16xf32, #tpu.memory_space<vmem>>, vector<1x16xf32>,
        %get3A_838 = vector.shape_cast %get3A_837 : vector<1x16xf32> to vector<16xf32>
        %add3A_839 = arith.addf %add3A_832, %get3A_838 : vector<16xf32>
        %add3A_840 = arith.constant 2 : i32
        %add3A_841 = arith.addi %add3A_814, %add3A_840 : i32
        %get3A_842 = arith.index_cast %add3A_841 : i32 to index
        %get3A_843 = arith.constant 0 : index
        %get3A_844 = tpu.vector_load %arg13[%get3A_842, %get3A_843] {strides = array<i32>} : memref<800x16xf32, #tpu.memory_space<vmem>>, vector<1x16xf32>,
        %get3A_845 = vector.shape_cast %get3A_844 : vector<1x16xf32> to vector<16xf32>
        %add3A_846 = arith.addf %scan3A_809, %get3A_845 : vector<16xf32>
        %add3A_847 = arith.constant 6 : i32
        %add3A_848 = arith.addi %add3A_814, %add3A_847 : i32
        %get3A_849 = arith.index_cast %add3A_848 : i32 to index
        %get3A_850 = arith.constant 0 : index
        %get3A_851 = tpu.vector_load %arg13[%get3A_849, %get3A_850] {strides = array<i32>} : memref<800x16xf32, #tpu.memory_space<vmem>>, vector<1x16xf32>,
        %get3A_852 = vector.shape_cast %get3A_851 : vector<1x16xf32> to vector<16xf32>
        %add3A_853 = arith.addf %add3A_846, %get3A_852 : vector<16xf32>
        %add3A_854 = arith.constant 3 : i32
        %add3A_855 = arith.addi %add3A_814, %add3A_854 : i32
        %get3A_856 = arith.index_cast %add3A_855 : i32 to index
        %get3A_857 = arith.constant 0 : index
        %get3A_858 = tpu.vector_load %arg13[%get3A_856, %get3A_857] {strides = array<i32>} : memref<800x16xf32, #tpu.memory_space<vmem>>, vector<1x16xf32>,
        %get3A_859 = vector.shape_cast %get3A_858 : vector<1x16xf32> to vector<16xf32>
        %add3A_860 = arith.addf %scan3A_810, %get3A_859 : vector<16xf32>
        %add3A_861 = arith.constant 7 : i32
        %add3A_862 = arith.addi %add3A_814, %add3A_861 : i32
        %get3A_863 = arith.index_cast %add3A_862 : i32 to index
        %get3A_864 = arith.constant 0 : index
        %get3A_865 = tpu.vector_load %arg13[%get3A_863, %get3A_864] {strides = array<i32>} : memref<800x16xf32, #tpu.memory_space<vmem>>, vector<1x16xf32>,
        %get3A_866 = vector.shape_cast %get3A_865 : vector<1x16xf32> to vector<16xf32>
        %add3A_867 = arith.addf %add3A_860, %get3A_866 : vector<16xf32>
        scf.yield %add3A_825, %add3A_839, %add3A_853, %add3A_867 : vector<16xf32>, vector<16xf32>, vector<16xf32>, vector<16xf32>
      }
      %scan3A_770 = arith.constant 25 : i32
      %add3A_771 = arith.addf %scan3A_769#0, %scan3A_769#1 : vector<16xf32>
      %add3A_772 = arith.addf %scan3A_769#2, %scan3A_769#3 : vector<16xf32>
      %add3A_773 = arith.addf %add3A_771, %add3A_772 : vector<16xf32>
      %swap3A_774 = arith.index_cast %add3A_762 : i32 to index
      %swap3A_775 = arith.constant 0 : index
      %swap3A_776 = tpu.vector_load %arg14[%swap3A_774, %swap3A_775] {strides = array<i32>} : memref<128x16xf32, #tpu.memory_space<vmem>>, vector<1x16xf32>,
      %swap3A_777 = vector.shape_cast %swap3A_776 : vector<1x16xf32> to vector<16xf32>
      %swap3A_778 = vector.shape_cast %add3A_773 : vector<16xf32> to vector<1x16xf32>
      tpu.vector_store %arg14[%swap3A_774, %swap3A_775], %swap3A_778 {strides = array<i32>} : memref<128x16xf32, #tpu.memory_space<vmem>>, vector<1x16xf32>,
      %mul3A_779 = arith.constant 4 : i32
      %mul3A_780 = arith.muli %add3A_712, %mul3A_779 : i32
      %add3A_781 = arith.constant 3 : i32
      %add3A_782 = arith.addi %mul3A_780, %add3A_781 : i32
      %broadcast_in_dim3A_783 = arith.constant 0.000000e+00 : f32
      %broadcast_in_dim3A_784 = vector.broadcast %broadcast_in_dim3A_783 : f32 to vector<16xf32>
      %scan3A_785 = arith.constant 0 : i32
      %scan3A_786 = arith.constant 25 : i32
      %scan3A_787 = arith.addi %scan3A_785, %scan3A_786 : i32
      %scan3A_788 = arith.constant 1 : i32
      %scan3A_789:4 = scf.for %scan3A_806 = %scan3A_785 to %scan3A_787 step %scan3A_788 iter_args(%scan3A_807 = %broadcast_in_dim3A_784, %scan3A_808 = %broadcast_in_dim3A_784, %scan3A_809 = %broadcast_in_dim3A_784, %scan3A_810 = %broadcast_in_dim3A_784) -> (vector<16xf32>, vector<16xf32>, vector<16xf32>, vector<16xf32>)  : i32 {
        %mul3A_811 = arith.constant 8 : i32
        %mul3A_812 = arith.muli %scan3A_806, %mul3A_811 : i32
        %add3A_813 = arith.constant 600 : i32
        %add3A_814 = arith.addi %add3A_813, %mul3A_812 : i32
        %get3A = arith.index_cast %add3A_814 : i32 to index
        %get3A_815 = arith.constant 0 : index
        %get3A_816 = tpu.vector_load %arg13[%get3A, %get3A_815] {strides = array<i32>} : memref<800x16xf32, #tpu.memory_space<vmem>>, vector<1x16xf32>,
        %get3A_817 = vector.shape_cast %get3A_816 : vector<1x16xf32> to vector<16xf32>
        %add3A_818 = arith.addf %scan3A_807, %get3A_817 : vector<16xf32>
        %add3A_819 = arith.constant 4 : i32
        %add3A_820 = arith.addi %add3A_814, %add3A_819 : i32
        %get3A_821 = arith.index_cast %add3A_820 : i32 to index
        %get3A_822 = arith.constant 0 : index
        %get3A_823 = tpu.vector_load %arg13[%get3A_821, %get3A_822] {strides = array<i32>} : memref<800x16xf32, #tpu.memory_space<vmem>>, vector<1x16xf32>,
        %get3A_824 = vector.shape_cast %get3A_823 : vector<1x16xf32> to vector<16xf32>
        %add3A_825 = arith.addf %add3A_818, %get3A_824 : vector<16xf32>
        %add3A_826 = arith.constant 1 : i32
        %add3A_827 = arith.addi %add3A_814, %add3A_826 : i32
        %get3A_828 = arith.index_cast %add3A_827 : i32 to index
        %get3A_829 = arith.constant 0 : index
        %get3A_830 = tpu.vector_load %arg13[%get3A_828, %get3A_829] {strides = array<i32>} : memref<800x16xf32, #tpu.memory_space<vmem>>, vector<1x16xf32>,
        %get3A_831 = vector.shape_cast %get3A_830 : vector<1x16xf32> to vector<16xf32>
        %add3A_832 = arith.addf %scan3A_808, %get3A_831 : vector<16xf32>
        %add3A_833 = arith.constant 5 : i32
        %add3A_834 = arith.addi %add3A_814, %add3A_833 : i32
        %get3A_835 = arith.index_cast %add3A_834 : i32 to index
        %get3A_836 = arith.constant 0 : index
        %get3A_837 = tpu.vector_load %arg13[%get3A_835, %get3A_836] {strides = array<i32>} : memref<800x16xf32, #tpu.memory_space<vmem>>, vector<1x16xf32>,
        %get3A_838 = vector.shape_cast %get3A_837 : vector<1x16xf32> to vector<16xf32>
        %add3A_839 = arith.addf %add3A_832, %get3A_838 : vector<16xf32>
        %add3A_840 = arith.constant 2 : i32
        %add3A_841 = arith.addi %add3A_814, %add3A_840 : i32
        %get3A_842 = arith.index_cast %add3A_841 : i32 to index
        %get3A_843 = arith.constant 0 : index
        %get3A_844 = tpu.vector_load %arg13[%get3A_842, %get3A_843] {strides = array<i32>} : memref<800x16xf32, #tpu.memory_space<vmem>>, vector<1x16xf32>,
        %get3A_845 = vector.shape_cast %get3A_844 : vector<1x16xf32> to vector<16xf32>
        %add3A_846 = arith.addf %scan3A_809, %get3A_845 : vector<16xf32>
        %add3A_847 = arith.constant 6 : i32
        %add3A_848 = arith.addi %add3A_814, %add3A_847 : i32
        %get3A_849 = arith.index_cast %add3A_848 : i32 to index
        %get3A_850 = arith.constant 0 : index
        %get3A_851 = tpu.vector_load %arg13[%get3A_849, %get3A_850] {strides = array<i32>} : memref<800x16xf32, #tpu.memory_space<vmem>>, vector<1x16xf32>,
        %get3A_852 = vector.shape_cast %get3A_851 : vector<1x16xf32> to vector<16xf32>
        %add3A_853 = arith.addf %add3A_846, %get3A_852 : vector<16xf32>
        %add3A_854 = arith.constant 3 : i32
        %add3A_855 = arith.addi %add3A_814, %add3A_854 : i32
        %get3A_856 = arith.index_cast %add3A_855 : i32 to index
        %get3A_857 = arith.constant 0 : index
        %get3A_858 = tpu.vector_load %arg13[%get3A_856, %get3A_857] {strides = array<i32>} : memref<800x16xf32, #tpu.memory_space<vmem>>, vector<1x16xf32>,
        %get3A_859 = vector.shape_cast %get3A_858 : vector<1x16xf32> to vector<16xf32>
        %add3A_860 = arith.addf %scan3A_810, %get3A_859 : vector<16xf32>
        %add3A_861 = arith.constant 7 : i32
        %add3A_862 = arith.addi %add3A_814, %add3A_861 : i32
        %get3A_863 = arith.index_cast %add3A_862 : i32 to index
        %get3A_864 = arith.constant 0 : index
        %get3A_865 = tpu.vector_load %arg13[%get3A_863, %get3A_864] {strides = array<i32>} : memref<800x16xf32, #tpu.memory_space<vmem>>, vector<1x16xf32>,
        %get3A_866 = vector.shape_cast %get3A_865 : vector<1x16xf32> to vector<16xf32>
        %add3A_867 = arith.addf %add3A_860, %get3A_866 : vector<16xf32>
        scf.yield %add3A_825, %add3A_839, %add3A_853, %add3A_867 : vector<16xf32>, vector<16xf32>, vector<16xf32>, vector<16xf32>
      }
      %scan3A_790 = arith.constant 25 : i32
      %add3A_791 = arith.addf %scan3A_789#0, %scan3A_789#1 : vector<16xf32>
      %add3A_792 = arith.addf %scan3A_789#2, %scan3A_789#3 : vector<16xf32>
      %add3A_793 = arith.addf %add3A_791, %add3A_792 : vector<16xf32>
      %swap3A_794 = arith.index_cast %add3A_782 : i32 to index
      %swap3A_795 = arith.constant 0 : index
      %swap3A_796 = tpu.vector_load %arg14[%swap3A_794, %swap3A_795] {strides = array<i32>} : memref<128x16xf32, #tpu.memory_space<vmem>>, vector<1x16xf32>,
      %swap3A_797 = vector.shape_cast %swap3A_796 : vector<1x16xf32> to vector<16xf32>
      %swap3A_798 = vector.shape_cast %add3A_793 : vector<16xf32> to vector<1x16xf32>
      tpu.vector_store %arg14[%swap3A_794, %swap3A_795], %swap3A_798 {strides = array<i32>} : memref<128x16xf32, #tpu.memory_space<vmem>>, vector<1x16xf32>,
      %add3A_799 = arith.constant 8 : i32
      %add3A_800 = arith.addi %add3A_712, %add3A_799 : i32
      %lt3A_801 = arith.constant 32 : i32
      %lt3A_802 = arith.cmpi slt, %add3A_800, %lt3A_801 : i32
      %convert_element_type3A_803 = arith.extui %lt3A_802 : i1 to i32
      %cond3A_804 = arith.constant 0 : i32
      %cond3A_805 = arith.cmpi ne, %convert_element_type3A_803, %cond3A_804 : i32
      scf.if %cond3A_805 {
        %add3A_806 = arith.constant 8 : i32
        %add3A_807 = arith.addi %add3A_712, %add3A_806 : i32
        %mul3A_808 = arith.constant 800 : i32
        %mul3A_809 = arith.muli %add3A_807, %mul3A_808 : i32
        %dma_start3A_810 = tpu.memref_slice %arg5[%mul3A_809] : memref<25600xi32, #tpu.memory_space<vmem>> -> memref<800xi32, #tpu.memory_space<vmem>>
        %dma_start3A_811 = arith.constant 0 : i32
        %dma_start3A_812 = arith.constant 0 : i32
        %dma_start3A_813 = tpu.memref_slice %arg3[%dma_start3A_811, %dma_start3A_812] : memref<1000000x16xf32, #tpu.memory_space<hbm>> -> memref<1000000x16xf32, #tpu.memory_space<hbm>>
        tpu.enqueue_indirect_dma source(%dma_start3A_813 : memref<1000000x16xf32, #tpu.memory_space<hbm>>) target(%arg13 : memref<800x16xf32, #tpu.memory_space<vmem>>) offsets(%dma_start3A_810 : memref<800xi32, #tpu.memory_space<vmem>>) semaphore(%arg22 : memref<!tpu.dma_semaphore, #tpu.memory_space<semaphore_mem>>)
      } else {
      }
    }
    %scan3A_48 = arith.constant 4 : i32
    "tpu.region"() ({
      %run_scoped3A = tpu.sem_alloc : memref<!tpu.dma_semaphore, #tpu.memory_space<semaphore_mem>>
      %dma_start3A_49 = arith.constant 0 : i32
      %dma_start3A_50 = tpu.memref_slice %arg4[%mul3A_2, %dma_start3A_49] : memref<4096x16xf32, #tpu.memory_space<hbm>> -> memref<128x16xf32, #tpu.memory_space<hbm>>
      %dma_start3A_51 = arith.constant 0 : i32
      %dma_start3A_52 = tpu.memref_slice %arg4[%mul3A_2, %dma_start3A_51] : memref<4096x16xf32, #tpu.memory_space<hbm>> -> memref<128x16xf32, #tpu.memory_space<hbm>>
      tpu.enqueue_dma source(%arg14 : memref<128x16xf32, #tpu.memory_space<vmem>>) target(%dma_start3A_52 : memref<128x16xf32, #tpu.memory_space<hbm>>) target_semaphore(%run_scoped3A : memref<!tpu.dma_semaphore, #tpu.memory_space<semaphore_mem>>)
      %dma_wait3A = arith.constant 0 : i32
      %dma_wait3A_53 = tpu.memref_slice %arg4[%mul3A_2, %dma_wait3A] : memref<4096x16xf32, #tpu.memory_space<hbm>> -> memref<128x16xf32, #tpu.memory_space<hbm>>
      %dma_wait3A_54 = arith.constant 0 : i32
      %dma_wait3A_55 = tpu.memref_slice %arg4[%mul3A_2, %dma_wait3A_54] : memref<4096x16xf32, #tpu.memory_space<hbm>> -> memref<128x16xf32, #tpu.memory_space<hbm>>
      tpu.wait_dma2 semaphore(%run_scoped3A : memref<!tpu.dma_semaphore, #tpu.memory_space<semaphore_mem>>) src(%arg14 : memref<128x16xf32, #tpu.memory_space<vmem>>) dst(%dma_wait3A_55 : memref<128x16xf32, #tpu.memory_space<hbm>>)
      tpu.yield
    }) : () -> ()
    return
  }
}

module attributes {stable_mosaic.version = 14 : i64} {
  func.func @_g_manual_body(%arg0: i32, %arg1: memref<1000000x64xbf16, #tpu.memory_space<hbm>>, %arg2: memref<64x128xbf16, #tpu.memory_space<vmem>>, %arg3: memref<1x128xf32, #tpu.memory_space<vmem>>, %arg4: memref<128x16xbf16, #tpu.memory_space<vmem>>, %arg5: memref<1000000x16xf32, #tpu.memory_space<hbm>>, %arg6: memref<10000x64xbf16, #tpu.memory_space<vmem>>, %arg7: memref<10000x64xbf16, #tpu.memory_space<vmem>>, %arg8: memref<10000x64xbf16, #tpu.memory_space<vmem>>, %arg9: memref<10000x64xbf16, #tpu.memory_space<vmem>>, %arg10: memref<10000x64xbf16, #tpu.memory_space<vmem>>, %arg11: memref<10000x16xf32, #tpu.memory_space<vmem>>, %arg12: memref<10000x16xf32, #tpu.memory_space<vmem>>, %arg13: memref<10000x16xf32, #tpu.memory_space<vmem>>, %arg14: memref<10000x16xf32, #tpu.memory_space<vmem>>, %arg15: memref<10000x16xf32, #tpu.memory_space<vmem>>, %arg16: memref<!tpu.dma_semaphore, #tpu.memory_space<semaphore_mem>>, %arg17: memref<!tpu.dma_semaphore, #tpu.memory_space<semaphore_mem>>, %arg18: memref<!tpu.dma_semaphore, #tpu.memory_space<semaphore_mem>>, %arg19: memref<!tpu.dma_semaphore, #tpu.memory_space<semaphore_mem>>, %arg20: memref<!tpu.dma_semaphore, #tpu.memory_space<semaphore_mem>>, %arg21: memref<!tpu.dma_semaphore, #tpu.memory_space<semaphore_mem>>, %arg22: memref<!tpu.dma_semaphore, #tpu.memory_space<semaphore_mem>>, %arg23: memref<!tpu.dma_semaphore, #tpu.memory_space<semaphore_mem>>, %arg24: memref<!tpu.dma_semaphore, #tpu.memory_space<semaphore_mem>>, %arg25: memref<!tpu.dma_semaphore, #tpu.memory_space<semaphore_mem>>) attributes {dimension_semantics = [#tpu.dimension_semantics<arbitrary>], iteration_bounds = array<i64: 20>, scalar_prefetch = 0 : i64, scratch_operands = 20 : i64, tpu.core_type = #tpu.core_type<tc>, window_params = [{}, {pipeline_mode = #tpu.pipeline_mode<synchronous>, transform_indices = @transform_1, window_bounds = array<i64: 64, 128>}, {pipeline_mode = #tpu.pipeline_mode<synchronous>, transform_indices = @transform_2, window_bounds = array<i64: 1, 128>}, {pipeline_mode = #tpu.pipeline_mode<synchronous>, transform_indices = @transform_3, window_bounds = array<i64: 128, 16>}, {}]} {
    %eq3A = arith.constant 0 : i32
    %eq3A_0 = arith.cmpi eq, %arg0, %eq3A : i32
    %convert_element_type3A = arith.extui %eq3A_0 : i1 to i32
    %cond3A = arith.constant 0 : i32
    %cond3A_1 = arith.cmpi ne, %convert_element_type3A, %cond3A : i32
    scf.if %cond3A_1 {
      %dma_start3A_232 = arith.constant 0 : i32
      %dma_start3A_233 = arith.constant 0 : i32
      %dma_start3A_234 = tpu.memref_slice %arg1[%dma_start3A_232, %dma_start3A_233] : memref<1000000x64xbf16, #tpu.memory_space<hbm>> -> memref<10000x64xbf16, #tpu.memory_space<hbm>>
      tpu.enqueue_dma source(%dma_start3A_234 : memref<10000x64xbf16, #tpu.memory_space<hbm>>) target(%arg6 : memref<10000x64xbf16, #tpu.memory_space<vmem>>) target_semaphore(%arg16 : memref<!tpu.dma_semaphore, #tpu.memory_space<semaphore_mem>>)
      %dma_start3A_235 = arith.constant 10000 : i32
      %dma_start3A_236 = arith.constant 0 : i32
      %dma_start3A_237 = tpu.memref_slice %arg1[%dma_start3A_235, %dma_start3A_236] : memref<1000000x64xbf16, #tpu.memory_space<hbm>> -> memref<10000x64xbf16, #tpu.memory_space<hbm>>
      tpu.enqueue_dma source(%dma_start3A_237 : memref<10000x64xbf16, #tpu.memory_space<hbm>>) target(%arg7 : memref<10000x64xbf16, #tpu.memory_space<vmem>>) target_semaphore(%arg17 : memref<!tpu.dma_semaphore, #tpu.memory_space<semaphore_mem>>)
      %dma_start3A_238 = arith.constant 20000 : i32
      %dma_start3A_239 = arith.constant 0 : i32
      %dma_start3A_240 = tpu.memref_slice %arg1[%dma_start3A_238, %dma_start3A_239] : memref<1000000x64xbf16, #tpu.memory_space<hbm>> -> memref<10000x64xbf16, #tpu.memory_space<hbm>>
      tpu.enqueue_dma source(%dma_start3A_240 : memref<10000x64xbf16, #tpu.memory_space<hbm>>) target(%arg8 : memref<10000x64xbf16, #tpu.memory_space<vmem>>) target_semaphore(%arg18 : memref<!tpu.dma_semaphore, #tpu.memory_space<semaphore_mem>>)
      %dma_start3A_241 = arith.constant 30000 : i32
      %dma_start3A_242 = arith.constant 0 : i32
      %dma_start3A_243 = tpu.memref_slice %arg1[%dma_start3A_241, %dma_start3A_242] : memref<1000000x64xbf16, #tpu.memory_space<hbm>> -> memref<10000x64xbf16, #tpu.memory_space<hbm>>
      tpu.enqueue_dma source(%dma_start3A_243 : memref<10000x64xbf16, #tpu.memory_space<hbm>>) target(%arg9 : memref<10000x64xbf16, #tpu.memory_space<vmem>>) target_semaphore(%arg19 : memref<!tpu.dma_semaphore, #tpu.memory_space<semaphore_mem>>)
      %dma_start3A_244 = arith.constant 40000 : i32
      %dma_start3A_245 = arith.constant 0 : i32
      %dma_start3A_246 = tpu.memref_slice %arg1[%dma_start3A_244, %dma_start3A_245] : memref<1000000x64xbf16, #tpu.memory_space<hbm>> -> memref<10000x64xbf16, #tpu.memory_space<hbm>>
      tpu.enqueue_dma source(%dma_start3A_246 : memref<10000x64xbf16, #tpu.memory_space<hbm>>) target(%arg10 : memref<10000x64xbf16, #tpu.memory_space<vmem>>) target_semaphore(%arg20 : memref<!tpu.dma_semaphore, #tpu.memory_space<semaphore_mem>>)
    } else {
    }
    %mul3A = arith.constant 5 : i32
    %mul3A_2 = arith.muli %arg0, %mul3A : i32
    %add3A = arith.constant 0 : i32
    %add3A_3 = arith.addi %mul3A_2, %add3A : i32
    %ge3A = arith.constant 5 : i32
    %ge3A_4 = arith.cmpi sge, %add3A_3, %ge3A : i32
    %convert_element_type3A_5 = arith.extui %ge3A_4 : i1 to i32
    %cond3A_6 = arith.constant 0 : i32
    %cond3A_7 = arith.cmpi ne, %convert_element_type3A_5, %cond3A_6 : i32
    scf.if %cond3A_7 {
      %sub3A = arith.constant 5 : i32
      %sub3A_232 = arith.subi %add3A_3, %sub3A : i32
      %mul3A_233 = arith.constant 10000 : i32
      %mul3A_234 = arith.muli %sub3A_232, %mul3A_233 : i32
      %dma_wait3A_235 = arith.constant 0 : i32
      %dma_wait3A_236 = tpu.memref_slice %arg5[%mul3A_234, %dma_wait3A_235] : memref<1000000x16xf32, #tpu.memory_space<hbm>> -> memref<10000x16xf32, #tpu.memory_space<hbm>>
      tpu.wait_dma2 semaphore(%arg21 : memref<!tpu.dma_semaphore, #tpu.memory_space<semaphore_mem>>) src(%arg11 : memref<10000x16xf32, #tpu.memory_space<vmem>>) dst(%dma_wait3A_236 : memref<10000x16xf32, #tpu.memory_space<hbm>>)
    } else {
    }
    %mul3A_8 = arith.constant 10000 : i32
    %mul3A_9 = arith.muli %add3A_3, %mul3A_8 : i32
    %dma_wait3A = arith.constant 0 : i32
    %dma_wait3A_10 = tpu.memref_slice %arg1[%mul3A_9, %dma_wait3A] : memref<1000000x64xbf16, #tpu.memory_space<hbm>> -> memref<10000x64xbf16, #tpu.memory_space<hbm>>
    tpu.wait_dma2 semaphore(%arg16 : memref<!tpu.dma_semaphore, #tpu.memory_space<semaphore_mem>>) src(%dma_wait3A_10 : memref<10000x64xbf16, #tpu.memory_space<hbm>>) dst(%arg6 : memref<10000x64xbf16, #tpu.memory_space<vmem>>)
    %get3A = arith.constant 0 : index
    %get3A_11 = arith.constant 0 : index
    %get3A_12 = vector.load %arg6[%get3A, %get3A_11] : memref<10000x64xbf16, #tpu.memory_space<vmem>>, vector<10000x64xbf16>
    %get3A_13 = arith.constant 0 : index
    %get3A_14 = arith.constant 0 : index
    %get3A_15 = vector.load %arg2[%get3A_13, %get3A_14] : memref<64x128xbf16, #tpu.memory_space<vmem>>, vector<64x128xbf16>
    %dot_general3A = arith.constant dense<0.000000e+00> : vector<10000x128xf32>
    %dot_general3A_16 = tpu.matmul %get3A_12, %get3A_15, %dot_general3A {dimension_numbers = #tpu.dot_dimension_numbers<[1], [0], [0], [1], [0, 0, 1, 1], [], []>, transpose_lhs_hint = false} : vector<10000x64xbf16>, vector<64x128xbf16>, vector<10000x128xf32> -> vector<10000x128xf32>
    %get3A_17 = arith.constant 0 : index
    %get3A_18 = arith.constant 0 : index
    %get3A_19 = vector.load %arg3[%get3A_17, %get3A_18] : memref<1x128xf32, #tpu.memory_space<vmem>>, vector<1x128xf32>
    %add3A_20 = vector.broadcast %get3A_19 : vector<1x128xf32> to vector<10000x128xf32>
    %add3A_21 = arith.addf %dot_general3A_16, %add3A_20 : vector<10000x128xf32>
    %tanh3A = math.tanh %add3A_21 : vector<10000x128xf32>
    %convert_element_type3A_22 = arith.truncf %tanh3A : vector<10000x128xf32> to vector<10000x128xbf16>
    %get3A_23 = arith.constant 0 : index
    %get3A_24 = arith.constant 0 : index
    %get3A_25 = vector.load %arg4[%get3A_23, %get3A_24] : memref<128x16xbf16, #tpu.memory_space<vmem>>, vector<128x16xbf16>
    %dot_general3A_26 = arith.constant dense<0.000000e+00> : vector<10000x16xf32>
    %dot_general3A_27 = tpu.matmul %convert_element_type3A_22, %get3A_25, %dot_general3A_26 {dimension_numbers = #tpu.dot_dimension_numbers<[1], [0], [0], [1], [0, 0, 1, 1], [], []>, transpose_lhs_hint = false} : vector<10000x128xbf16>, vector<128x16xbf16>, vector<10000x16xf32> -> vector<10000x16xf32>
    %swap3A = arith.constant 0 : index
    %swap3A_28 = arith.constant 0 : index
    %swap3A_29 = vector.load %arg11[%swap3A, %swap3A_28] : memref<10000x16xf32, #tpu.memory_space<vmem>>, vector<10000x16xf32>
    tpu.vector_store %arg11[%swap3A, %swap3A_28], %dot_general3A_27 {strides = array<i32>} : memref<10000x16xf32, #tpu.memory_space<vmem>>, vector<10000x16xf32>,
    %mul3A_30 = arith.constant 10000 : i32
    %mul3A_31 = arith.muli %add3A_3, %mul3A_30 : i32
    %dma_start3A = arith.constant 0 : i32
    %dma_start3A_32 = tpu.memref_slice %arg5[%mul3A_31, %dma_start3A] : memref<1000000x16xf32, #tpu.memory_space<hbm>> -> memref<10000x16xf32, #tpu.memory_space<hbm>>
    tpu.enqueue_dma source(%arg11 : memref<10000x16xf32, #tpu.memory_space<vmem>>) target(%dma_start3A_32 : memref<10000x16xf32, #tpu.memory_space<hbm>>) target_semaphore(%arg21 : memref<!tpu.dma_semaphore, #tpu.memory_space<semaphore_mem>>)
    %add3A_33 = arith.constant 5 : i32
    %add3A_34 = arith.addi %add3A_3, %add3A_33 : i32
    %lt3A = arith.constant 100 : i32
    %lt3A_35 = arith.cmpi slt, %add3A_34, %lt3A : i32
    %convert_element_type3A_36 = arith.extui %lt3A_35 : i1 to i32
    %cond3A_37 = arith.constant 0 : i32
    %cond3A_38 = arith.cmpi ne, %convert_element_type3A_36, %cond3A_37 : i32
    scf.if %cond3A_38 {
      %add3A_232 = arith.constant 5 : i32
      %add3A_233 = arith.addi %add3A_3, %add3A_232 : i32
      %mul3A_234 = arith.constant 10000 : i32
      %mul3A_235 = arith.muli %add3A_233, %mul3A_234 : i32
      %dma_start3A_236 = arith.constant 0 : i32
      %dma_start3A_237 = tpu.memref_slice %arg1[%mul3A_235, %dma_start3A_236] : memref<1000000x64xbf16, #tpu.memory_space<hbm>> -> memref<10000x64xbf16, #tpu.memory_space<hbm>>
      tpu.enqueue_dma source(%dma_start3A_237 : memref<10000x64xbf16, #tpu.memory_space<hbm>>) target(%arg6 : memref<10000x64xbf16, #tpu.memory_space<vmem>>) target_semaphore(%arg16 : memref<!tpu.dma_semaphore, #tpu.memory_space<semaphore_mem>>)
    } else {
    }
    %mul3A_39 = arith.constant 5 : i32
    %mul3A_40 = arith.muli %arg0, %mul3A_39 : i32
    %add3A_41 = arith.constant 1 : i32
    %add3A_42 = arith.addi %mul3A_40, %add3A_41 : i32
    %ge3A_43 = arith.constant 5 : i32
    %ge3A_44 = arith.cmpi sge, %add3A_42, %ge3A_43 : i32
    %convert_element_type3A_45 = arith.extui %ge3A_44 : i1 to i32
    %cond3A_46 = arith.constant 0 : i32
    %cond3A_47 = arith.cmpi ne, %convert_element_type3A_45, %cond3A_46 : i32
    scf.if %cond3A_47 {
      %sub3A = arith.constant 5 : i32
      %sub3A_232 = arith.subi %add3A_42, %sub3A : i32
      %mul3A_233 = arith.constant 10000 : i32
      %mul3A_234 = arith.muli %sub3A_232, %mul3A_233 : i32
      %dma_wait3A_235 = arith.constant 0 : i32
      %dma_wait3A_236 = tpu.memref_slice %arg5[%mul3A_234, %dma_wait3A_235] : memref<1000000x16xf32, #tpu.memory_space<hbm>> -> memref<10000x16xf32, #tpu.memory_space<hbm>>
      tpu.wait_dma2 semaphore(%arg22 : memref<!tpu.dma_semaphore, #tpu.memory_space<semaphore_mem>>) src(%arg12 : memref<10000x16xf32, #tpu.memory_space<vmem>>) dst(%dma_wait3A_236 : memref<10000x16xf32, #tpu.memory_space<hbm>>)
    } else {
    }
    %mul3A_48 = arith.constant 10000 : i32
    %mul3A_49 = arith.muli %add3A_42, %mul3A_48 : i32
    %dma_wait3A_50 = arith.constant 0 : i32
    %dma_wait3A_51 = tpu.memref_slice %arg1[%mul3A_49, %dma_wait3A_50] : memref<1000000x64xbf16, #tpu.memory_space<hbm>> -> memref<10000x64xbf16, #tpu.memory_space<hbm>>
    tpu.wait_dma2 semaphore(%arg17 : memref<!tpu.dma_semaphore, #tpu.memory_space<semaphore_mem>>) src(%dma_wait3A_51 : memref<10000x64xbf16, #tpu.memory_space<hbm>>) dst(%arg7 : memref<10000x64xbf16, #tpu.memory_space<vmem>>)
    %get3A_52 = arith.constant 0 : index
    %get3A_53 = arith.constant 0 : index
    %get3A_54 = vector.load %arg7[%get3A_52, %get3A_53] : memref<10000x64xbf16, #tpu.memory_space<vmem>>, vector<10000x64xbf16>
    %get3A_55 = arith.constant 0 : index
    %get3A_56 = arith.constant 0 : index
    %get3A_57 = vector.load %arg2[%get3A_55, %get3A_56] : memref<64x128xbf16, #tpu.memory_space<vmem>>, vector<64x128xbf16>
    %dot_general3A_58 = arith.constant dense<0.000000e+00> : vector<10000x128xf32>
    %dot_general3A_59 = tpu.matmul %get3A_54, %get3A_57, %dot_general3A_58 {dimension_numbers = #tpu.dot_dimension_numbers<[1], [0], [0], [1], [0, 0, 1, 1], [], []>, transpose_lhs_hint = false} : vector<10000x64xbf16>, vector<64x128xbf16>, vector<10000x128xf32> -> vector<10000x128xf32>
    %get3A_60 = arith.constant 0 : index
    %get3A_61 = arith.constant 0 : index
    %get3A_62 = vector.load %arg3[%get3A_60, %get3A_61] : memref<1x128xf32, #tpu.memory_space<vmem>>, vector<1x128xf32>
    %add3A_63 = vector.broadcast %get3A_62 : vector<1x128xf32> to vector<10000x128xf32>
    %add3A_64 = arith.addf %dot_general3A_59, %add3A_63 : vector<10000x128xf32>
    %tanh3A_65 = math.tanh %add3A_64 : vector<10000x128xf32>
    %convert_element_type3A_66 = arith.truncf %tanh3A_65 : vector<10000x128xf32> to vector<10000x128xbf16>
    %get3A_67 = arith.constant 0 : index
    %get3A_68 = arith.constant 0 : index
    %get3A_69 = vector.load %arg4[%get3A_67, %get3A_68] : memref<128x16xbf16, #tpu.memory_space<vmem>>, vector<128x16xbf16>
    %dot_general3A_70 = arith.constant dense<0.000000e+00> : vector<10000x16xf32>
    %dot_general3A_71 = tpu.matmul %convert_element_type3A_66, %get3A_69, %dot_general3A_70 {dimension_numbers = #tpu.dot_dimension_numbers<[1], [0], [0], [1], [0, 0, 1, 1], [], []>, transpose_lhs_hint = false} : vector<10000x128xbf16>, vector<128x16xbf16>, vector<10000x16xf32> -> vector<10000x16xf32>
    %swap3A_72 = arith.constant 0 : index
    %swap3A_73 = arith.constant 0 : index
    %swap3A_74 = vector.load %arg12[%swap3A_72, %swap3A_73] : memref<10000x16xf32, #tpu.memory_space<vmem>>, vector<10000x16xf32>
    tpu.vector_store %arg12[%swap3A_72, %swap3A_73], %dot_general3A_71 {strides = array<i32>} : memref<10000x16xf32, #tpu.memory_space<vmem>>, vector<10000x16xf32>,
    %mul3A_75 = arith.constant 10000 : i32
    %mul3A_76 = arith.muli %add3A_42, %mul3A_75 : i32
    %dma_start3A_77 = arith.constant 0 : i32
    %dma_start3A_78 = tpu.memref_slice %arg5[%mul3A_76, %dma_start3A_77] : memref<1000000x16xf32, #tpu.memory_space<hbm>> -> memref<10000x16xf32, #tpu.memory_space<hbm>>
    tpu.enqueue_dma source(%arg12 : memref<10000x16xf32, #tpu.memory_space<vmem>>) target(%dma_start3A_78 : memref<10000x16xf32, #tpu.memory_space<hbm>>) target_semaphore(%arg22 : memref<!tpu.dma_semaphore, #tpu.memory_space<semaphore_mem>>)
    %add3A_79 = arith.constant 5 : i32
    %add3A_80 = arith.addi %add3A_42, %add3A_79 : i32
    %lt3A_81 = arith.constant 100 : i32
    %lt3A_82 = arith.cmpi slt, %add3A_80, %lt3A_81 : i32
    %convert_element_type3A_83 = arith.extui %lt3A_82 : i1 to i32
    %cond3A_84 = arith.constant 0 : i32
    %cond3A_85 = arith.cmpi ne, %convert_element_type3A_83, %cond3A_84 : i32
    scf.if %cond3A_85 {
      %add3A_232 = arith.constant 5 : i32
      %add3A_233 = arith.addi %add3A_42, %add3A_232 : i32
      %mul3A_234 = arith.constant 10000 : i32
      %mul3A_235 = arith.muli %add3A_233, %mul3A_234 : i32
      %dma_start3A_236 = arith.constant 0 : i32
      %dma_start3A_237 = tpu.memref_slice %arg1[%mul3A_235, %dma_start3A_236] : memref<1000000x64xbf16, #tpu.memory_space<hbm>> -> memref<10000x64xbf16, #tpu.memory_space<hbm>>
      tpu.enqueue_dma source(%dma_start3A_237 : memref<10000x64xbf16, #tpu.memory_space<hbm>>) target(%arg7 : memref<10000x64xbf16, #tpu.memory_space<vmem>>) target_semaphore(%arg17 : memref<!tpu.dma_semaphore, #tpu.memory_space<semaphore_mem>>)
    } else {
    }
    %mul3A_86 = arith.constant 5 : i32
    %mul3A_87 = arith.muli %arg0, %mul3A_86 : i32
    %add3A_88 = arith.constant 2 : i32
    %add3A_89 = arith.addi %mul3A_87, %add3A_88 : i32
    %ge3A_90 = arith.constant 5 : i32
    %ge3A_91 = arith.cmpi sge, %add3A_89, %ge3A_90 : i32
    %convert_element_type3A_92 = arith.extui %ge3A_91 : i1 to i32
    %cond3A_93 = arith.constant 0 : i32
    %cond3A_94 = arith.cmpi ne, %convert_element_type3A_92, %cond3A_93 : i32
    scf.if %cond3A_94 {
      %sub3A = arith.constant 5 : i32
      %sub3A_232 = arith.subi %add3A_89, %sub3A : i32
      %mul3A_233 = arith.constant 10000 : i32
      %mul3A_234 = arith.muli %sub3A_232, %mul3A_233 : i32
      %dma_wait3A_235 = arith.constant 0 : i32
      %dma_wait3A_236 = tpu.memref_slice %arg5[%mul3A_234, %dma_wait3A_235] : memref<1000000x16xf32, #tpu.memory_space<hbm>> -> memref<10000x16xf32, #tpu.memory_space<hbm>>
      tpu.wait_dma2 semaphore(%arg23 : memref<!tpu.dma_semaphore, #tpu.memory_space<semaphore_mem>>) src(%arg13 : memref<10000x16xf32, #tpu.memory_space<vmem>>) dst(%dma_wait3A_236 : memref<10000x16xf32, #tpu.memory_space<hbm>>)
    } else {
    }
    %mul3A_95 = arith.constant 10000 : i32
    %mul3A_96 = arith.muli %add3A_89, %mul3A_95 : i32
    %dma_wait3A_97 = arith.constant 0 : i32
    %dma_wait3A_98 = tpu.memref_slice %arg1[%mul3A_96, %dma_wait3A_97] : memref<1000000x64xbf16, #tpu.memory_space<hbm>> -> memref<10000x64xbf16, #tpu.memory_space<hbm>>
    tpu.wait_dma2 semaphore(%arg18 : memref<!tpu.dma_semaphore, #tpu.memory_space<semaphore_mem>>) src(%dma_wait3A_98 : memref<10000x64xbf16, #tpu.memory_space<hbm>>) dst(%arg8 : memref<10000x64xbf16, #tpu.memory_space<vmem>>)
    %get3A_99 = arith.constant 0 : index
    %get3A_100 = arith.constant 0 : index
    %get3A_101 = vector.load %arg8[%get3A_99, %get3A_100] : memref<10000x64xbf16, #tpu.memory_space<vmem>>, vector<10000x64xbf16>
    %get3A_102 = arith.constant 0 : index
    %get3A_103 = arith.constant 0 : index
    %get3A_104 = vector.load %arg2[%get3A_102, %get3A_103] : memref<64x128xbf16, #tpu.memory_space<vmem>>, vector<64x128xbf16>
    %dot_general3A_105 = arith.constant dense<0.000000e+00> : vector<10000x128xf32>
    %dot_general3A_106 = tpu.matmul %get3A_101, %get3A_104, %dot_general3A_105 {dimension_numbers = #tpu.dot_dimension_numbers<[1], [0], [0], [1], [0, 0, 1, 1], [], []>, transpose_lhs_hint = false} : vector<10000x64xbf16>, vector<64x128xbf16>, vector<10000x128xf32> -> vector<10000x128xf32>
    %get3A_107 = arith.constant 0 : index
    %get3A_108 = arith.constant 0 : index
    %get3A_109 = vector.load %arg3[%get3A_107, %get3A_108] : memref<1x128xf32, #tpu.memory_space<vmem>>, vector<1x128xf32>
    %add3A_110 = vector.broadcast %get3A_109 : vector<1x128xf32> to vector<10000x128xf32>
    %add3A_111 = arith.addf %dot_general3A_106, %add3A_110 : vector<10000x128xf32>
    %tanh3A_112 = math.tanh %add3A_111 : vector<10000x128xf32>
    %convert_element_type3A_113 = arith.truncf %tanh3A_112 : vector<10000x128xf32> to vector<10000x128xbf16>
    %get3A_114 = arith.constant 0 : index
    %get3A_115 = arith.constant 0 : index
    %get3A_116 = vector.load %arg4[%get3A_114, %get3A_115] : memref<128x16xbf16, #tpu.memory_space<vmem>>, vector<128x16xbf16>
    %dot_general3A_117 = arith.constant dense<0.000000e+00> : vector<10000x16xf32>
    %dot_general3A_118 = tpu.matmul %convert_element_type3A_113, %get3A_116, %dot_general3A_117 {dimension_numbers = #tpu.dot_dimension_numbers<[1], [0], [0], [1], [0, 0, 1, 1], [], []>, transpose_lhs_hint = false} : vector<10000x128xbf16>, vector<128x16xbf16>, vector<10000x16xf32> -> vector<10000x16xf32>
    %swap3A_119 = arith.constant 0 : index
    %swap3A_120 = arith.constant 0 : index
    %swap3A_121 = vector.load %arg13[%swap3A_119, %swap3A_120] : memref<10000x16xf32, #tpu.memory_space<vmem>>, vector<10000x16xf32>
    tpu.vector_store %arg13[%swap3A_119, %swap3A_120], %dot_general3A_118 {strides = array<i32>} : memref<10000x16xf32, #tpu.memory_space<vmem>>, vector<10000x16xf32>,
    %mul3A_122 = arith.constant 10000 : i32
    %mul3A_123 = arith.muli %add3A_89, %mul3A_122 : i32
    %dma_start3A_124 = arith.constant 0 : i32
    %dma_start3A_125 = tpu.memref_slice %arg5[%mul3A_123, %dma_start3A_124] : memref<1000000x16xf32, #tpu.memory_space<hbm>> -> memref<10000x16xf32, #tpu.memory_space<hbm>>
    tpu.enqueue_dma source(%arg13 : memref<10000x16xf32, #tpu.memory_space<vmem>>) target(%dma_start3A_125 : memref<10000x16xf32, #tpu.memory_space<hbm>>) target_semaphore(%arg23 : memref<!tpu.dma_semaphore, #tpu.memory_space<semaphore_mem>>)
    %add3A_126 = arith.constant 5 : i32
    %add3A_127 = arith.addi %add3A_89, %add3A_126 : i32
    %lt3A_128 = arith.constant 100 : i32
    %lt3A_129 = arith.cmpi slt, %add3A_127, %lt3A_128 : i32
    %convert_element_type3A_130 = arith.extui %lt3A_129 : i1 to i32
    %cond3A_131 = arith.constant 0 : i32
    %cond3A_132 = arith.cmpi ne, %convert_element_type3A_130, %cond3A_131 : i32
    scf.if %cond3A_132 {
      %add3A_232 = arith.constant 5 : i32
      %add3A_233 = arith.addi %add3A_89, %add3A_232 : i32
      %mul3A_234 = arith.constant 10000 : i32
      %mul3A_235 = arith.muli %add3A_233, %mul3A_234 : i32
      %dma_start3A_236 = arith.constant 0 : i32
      %dma_start3A_237 = tpu.memref_slice %arg1[%mul3A_235, %dma_start3A_236] : memref<1000000x64xbf16, #tpu.memory_space<hbm>> -> memref<10000x64xbf16, #tpu.memory_space<hbm>>
      tpu.enqueue_dma source(%dma_start3A_237 : memref<10000x64xbf16, #tpu.memory_space<hbm>>) target(%arg8 : memref<10000x64xbf16, #tpu.memory_space<vmem>>) target_semaphore(%arg18 : memref<!tpu.dma_semaphore, #tpu.memory_space<semaphore_mem>>)
    } else {
    }
    %mul3A_133 = arith.constant 5 : i32
    %mul3A_134 = arith.muli %arg0, %mul3A_133 : i32
    %add3A_135 = arith.constant 3 : i32
    %add3A_136 = arith.addi %mul3A_134, %add3A_135 : i32
    %ge3A_137 = arith.constant 5 : i32
    %ge3A_138 = arith.cmpi sge, %add3A_136, %ge3A_137 : i32
    %convert_element_type3A_139 = arith.extui %ge3A_138 : i1 to i32
    %cond3A_140 = arith.constant 0 : i32
    %cond3A_141 = arith.cmpi ne, %convert_element_type3A_139, %cond3A_140 : i32
    scf.if %cond3A_141 {
      %sub3A = arith.constant 5 : i32
      %sub3A_232 = arith.subi %add3A_136, %sub3A : i32
      %mul3A_233 = arith.constant 10000 : i32
      %mul3A_234 = arith.muli %sub3A_232, %mul3A_233 : i32
      %dma_wait3A_235 = arith.constant 0 : i32
      %dma_wait3A_236 = tpu.memref_slice %arg5[%mul3A_234, %dma_wait3A_235] : memref<1000000x16xf32, #tpu.memory_space<hbm>> -> memref<10000x16xf32, #tpu.memory_space<hbm>>
      tpu.wait_dma2 semaphore(%arg24 : memref<!tpu.dma_semaphore, #tpu.memory_space<semaphore_mem>>) src(%arg14 : memref<10000x16xf32, #tpu.memory_space<vmem>>) dst(%dma_wait3A_236 : memref<10000x16xf32, #tpu.memory_space<hbm>>)
    } else {
    }
    %mul3A_142 = arith.constant 10000 : i32
    %mul3A_143 = arith.muli %add3A_136, %mul3A_142 : i32
    %dma_wait3A_144 = arith.constant 0 : i32
    %dma_wait3A_145 = tpu.memref_slice %arg1[%mul3A_143, %dma_wait3A_144] : memref<1000000x64xbf16, #tpu.memory_space<hbm>> -> memref<10000x64xbf16, #tpu.memory_space<hbm>>
    tpu.wait_dma2 semaphore(%arg19 : memref<!tpu.dma_semaphore, #tpu.memory_space<semaphore_mem>>) src(%dma_wait3A_145 : memref<10000x64xbf16, #tpu.memory_space<hbm>>) dst(%arg9 : memref<10000x64xbf16, #tpu.memory_space<vmem>>)
    %get3A_146 = arith.constant 0 : index
    %get3A_147 = arith.constant 0 : index
    %get3A_148 = vector.load %arg9[%get3A_146, %get3A_147] : memref<10000x64xbf16, #tpu.memory_space<vmem>>, vector<10000x64xbf16>
    %get3A_149 = arith.constant 0 : index
    %get3A_150 = arith.constant 0 : index
    %get3A_151 = vector.load %arg2[%get3A_149, %get3A_150] : memref<64x128xbf16, #tpu.memory_space<vmem>>, vector<64x128xbf16>
    %dot_general3A_152 = arith.constant dense<0.000000e+00> : vector<10000x128xf32>
    %dot_general3A_153 = tpu.matmul %get3A_148, %get3A_151, %dot_general3A_152 {dimension_numbers = #tpu.dot_dimension_numbers<[1], [0], [0], [1], [0, 0, 1, 1], [], []>, transpose_lhs_hint = false} : vector<10000x64xbf16>, vector<64x128xbf16>, vector<10000x128xf32> -> vector<10000x128xf32>
    %get3A_154 = arith.constant 0 : index
    %get3A_155 = arith.constant 0 : index
    %get3A_156 = vector.load %arg3[%get3A_154, %get3A_155] : memref<1x128xf32, #tpu.memory_space<vmem>>, vector<1x128xf32>
    %add3A_157 = vector.broadcast %get3A_156 : vector<1x128xf32> to vector<10000x128xf32>
    %add3A_158 = arith.addf %dot_general3A_153, %add3A_157 : vector<10000x128xf32>
    %tanh3A_159 = math.tanh %add3A_158 : vector<10000x128xf32>
    %convert_element_type3A_160 = arith.truncf %tanh3A_159 : vector<10000x128xf32> to vector<10000x128xbf16>
    %get3A_161 = arith.constant 0 : index
    %get3A_162 = arith.constant 0 : index
    %get3A_163 = vector.load %arg4[%get3A_161, %get3A_162] : memref<128x16xbf16, #tpu.memory_space<vmem>>, vector<128x16xbf16>
    %dot_general3A_164 = arith.constant dense<0.000000e+00> : vector<10000x16xf32>
    %dot_general3A_165 = tpu.matmul %convert_element_type3A_160, %get3A_163, %dot_general3A_164 {dimension_numbers = #tpu.dot_dimension_numbers<[1], [0], [0], [1], [0, 0, 1, 1], [], []>, transpose_lhs_hint = false} : vector<10000x128xbf16>, vector<128x16xbf16>, vector<10000x16xf32> -> vector<10000x16xf32>
    %swap3A_166 = arith.constant 0 : index
    %swap3A_167 = arith.constant 0 : index
    %swap3A_168 = vector.load %arg14[%swap3A_166, %swap3A_167] : memref<10000x16xf32, #tpu.memory_space<vmem>>, vector<10000x16xf32>
    tpu.vector_store %arg14[%swap3A_166, %swap3A_167], %dot_general3A_165 {strides = array<i32>} : memref<10000x16xf32, #tpu.memory_space<vmem>>, vector<10000x16xf32>,
    %mul3A_169 = arith.constant 10000 : i32
    %mul3A_170 = arith.muli %add3A_136, %mul3A_169 : i32
    %dma_start3A_171 = arith.constant 0 : i32
    %dma_start3A_172 = tpu.memref_slice %arg5[%mul3A_170, %dma_start3A_171] : memref<1000000x16xf32, #tpu.memory_space<hbm>> -> memref<10000x16xf32, #tpu.memory_space<hbm>>
    tpu.enqueue_dma source(%arg14 : memref<10000x16xf32, #tpu.memory_space<vmem>>) target(%dma_start3A_172 : memref<10000x16xf32, #tpu.memory_space<hbm>>) target_semaphore(%arg24 : memref<!tpu.dma_semaphore, #tpu.memory_space<semaphore_mem>>)
    %add3A_173 = arith.constant 5 : i32
    %add3A_174 = arith.addi %add3A_136, %add3A_173 : i32
    %lt3A_175 = arith.constant 100 : i32
    %lt3A_176 = arith.cmpi slt, %add3A_174, %lt3A_175 : i32
    %convert_element_type3A_177 = arith.extui %lt3A_176 : i1 to i32
    %cond3A_178 = arith.constant 0 : i32
    %cond3A_179 = arith.cmpi ne, %convert_element_type3A_177, %cond3A_178 : i32
    scf.if %cond3A_179 {
      %add3A_232 = arith.constant 5 : i32
      %add3A_233 = arith.addi %add3A_136, %add3A_232 : i32
      %mul3A_234 = arith.constant 10000 : i32
      %mul3A_235 = arith.muli %add3A_233, %mul3A_234 : i32
      %dma_start3A_236 = arith.constant 0 : i32
      %dma_start3A_237 = tpu.memref_slice %arg1[%mul3A_235, %dma_start3A_236] : memref<1000000x64xbf16, #tpu.memory_space<hbm>> -> memref<10000x64xbf16, #tpu.memory_space<hbm>>
      tpu.enqueue_dma source(%dma_start3A_237 : memref<10000x64xbf16, #tpu.memory_space<hbm>>) target(%arg9 : memref<10000x64xbf16, #tpu.memory_space<vmem>>) target_semaphore(%arg19 : memref<!tpu.dma_semaphore, #tpu.memory_space<semaphore_mem>>)
    } else {
    }
    %mul3A_180 = arith.constant 5 : i32
    %mul3A_181 = arith.muli %arg0, %mul3A_180 : i32
    %add3A_182 = arith.constant 4 : i32
    %add3A_183 = arith.addi %mul3A_181, %add3A_182 : i32
    %ge3A_184 = arith.constant 5 : i32
    %ge3A_185 = arith.cmpi sge, %add3A_183, %ge3A_184 : i32
    %convert_element_type3A_186 = arith.extui %ge3A_185 : i1 to i32
    %cond3A_187 = arith.constant 0 : i32
    %cond3A_188 = arith.cmpi ne, %convert_element_type3A_186, %cond3A_187 : i32
    scf.if %cond3A_188 {
      %sub3A = arith.constant 5 : i32
      %sub3A_232 = arith.subi %add3A_183, %sub3A : i32
      %mul3A_233 = arith.constant 10000 : i32
      %mul3A_234 = arith.muli %sub3A_232, %mul3A_233 : i32
      %dma_wait3A_235 = arith.constant 0 : i32
      %dma_wait3A_236 = tpu.memref_slice %arg5[%mul3A_234, %dma_wait3A_235] : memref<1000000x16xf32, #tpu.memory_space<hbm>> -> memref<10000x16xf32, #tpu.memory_space<hbm>>
      tpu.wait_dma2 semaphore(%arg25 : memref<!tpu.dma_semaphore, #tpu.memory_space<semaphore_mem>>) src(%arg15 : memref<10000x16xf32, #tpu.memory_space<vmem>>) dst(%dma_wait3A_236 : memref<10000x16xf32, #tpu.memory_space<hbm>>)
    } else {
    }
    %mul3A_189 = arith.constant 10000 : i32
    %mul3A_190 = arith.muli %add3A_183, %mul3A_189 : i32
    %dma_wait3A_191 = arith.constant 0 : i32
    %dma_wait3A_192 = tpu.memref_slice %arg1[%mul3A_190, %dma_wait3A_191] : memref<1000000x64xbf16, #tpu.memory_space<hbm>> -> memref<10000x64xbf16, #tpu.memory_space<hbm>>
    tpu.wait_dma2 semaphore(%arg20 : memref<!tpu.dma_semaphore, #tpu.memory_space<semaphore_mem>>) src(%dma_wait3A_192 : memref<10000x64xbf16, #tpu.memory_space<hbm>>) dst(%arg10 : memref<10000x64xbf16, #tpu.memory_space<vmem>>)
    %get3A_193 = arith.constant 0 : index
    %get3A_194 = arith.constant 0 : index
    %get3A_195 = vector.load %arg10[%get3A_193, %get3A_194] : memref<10000x64xbf16, #tpu.memory_space<vmem>>, vector<10000x64xbf16>
    %get3A_196 = arith.constant 0 : index
    %get3A_197 = arith.constant 0 : index
    %get3A_198 = vector.load %arg2[%get3A_196, %get3A_197] : memref<64x128xbf16, #tpu.memory_space<vmem>>, vector<64x128xbf16>
    %dot_general3A_199 = arith.constant dense<0.000000e+00> : vector<10000x128xf32>
    %dot_general3A_200 = tpu.matmul %get3A_195, %get3A_198, %dot_general3A_199 {dimension_numbers = #tpu.dot_dimension_numbers<[1], [0], [0], [1], [0, 0, 1, 1], [], []>, transpose_lhs_hint = false} : vector<10000x64xbf16>, vector<64x128xbf16>, vector<10000x128xf32> -> vector<10000x128xf32>
    %get3A_201 = arith.constant 0 : index
    %get3A_202 = arith.constant 0 : index
    %get3A_203 = vector.load %arg3[%get3A_201, %get3A_202] : memref<1x128xf32, #tpu.memory_space<vmem>>, vector<1x128xf32>
    %add3A_204 = vector.broadcast %get3A_203 : vector<1x128xf32> to vector<10000x128xf32>
    %add3A_205 = arith.addf %dot_general3A_200, %add3A_204 : vector<10000x128xf32>
    %tanh3A_206 = math.tanh %add3A_205 : vector<10000x128xf32>
    %convert_element_type3A_207 = arith.truncf %tanh3A_206 : vector<10000x128xf32> to vector<10000x128xbf16>
    %get3A_208 = arith.constant 0 : index
    %get3A_209 = arith.constant 0 : index
    %get3A_210 = vector.load %arg4[%get3A_208, %get3A_209] : memref<128x16xbf16, #tpu.memory_space<vmem>>, vector<128x16xbf16>
    %dot_general3A_211 = arith.constant dense<0.000000e+00> : vector<10000x16xf32>
    %dot_general3A_212 = tpu.matmul %convert_element_type3A_207, %get3A_210, %dot_general3A_211 {dimension_numbers = #tpu.dot_dimension_numbers<[1], [0], [0], [1], [0, 0, 1, 1], [], []>, transpose_lhs_hint = false} : vector<10000x128xbf16>, vector<128x16xbf16>, vector<10000x16xf32> -> vector<10000x16xf32>
    %swap3A_213 = arith.constant 0 : index
    %swap3A_214 = arith.constant 0 : index
    %swap3A_215 = vector.load %arg15[%swap3A_213, %swap3A_214] : memref<10000x16xf32, #tpu.memory_space<vmem>>, vector<10000x16xf32>
    tpu.vector_store %arg15[%swap3A_213, %swap3A_214], %dot_general3A_212 {strides = array<i32>} : memref<10000x16xf32, #tpu.memory_space<vmem>>, vector<10000x16xf32>,
    %mul3A_216 = arith.constant 10000 : i32
    %mul3A_217 = arith.muli %add3A_183, %mul3A_216 : i32
    %dma_start3A_218 = arith.constant 0 : i32
    %dma_start3A_219 = tpu.memref_slice %arg5[%mul3A_217, %dma_start3A_218] : memref<1000000x16xf32, #tpu.memory_space<hbm>> -> memref<10000x16xf32, #tpu.memory_space<hbm>>
    tpu.enqueue_dma source(%arg15 : memref<10000x16xf32, #tpu.memory_space<vmem>>) target(%dma_start3A_219 : memref<10000x16xf32, #tpu.memory_space<hbm>>) target_semaphore(%arg25 : memref<!tpu.dma_semaphore, #tpu.memory_space<semaphore_mem>>)
    %add3A_220 = arith.constant 5 : i32
    %add3A_221 = arith.addi %add3A_183, %add3A_220 : i32
    %lt3A_222 = arith.constant 100 : i32
    %lt3A_223 = arith.cmpi slt, %add3A_221, %lt3A_222 : i32
    %convert_element_type3A_224 = arith.extui %lt3A_223 : i1 to i32
    %cond3A_225 = arith.constant 0 : i32
    %cond3A_226 = arith.cmpi ne, %convert_element_type3A_224, %cond3A_225 : i32
    scf.if %cond3A_226 {
      %add3A_232 = arith.constant 5 : i32
      %add3A_233 = arith.addi %add3A_183, %add3A_232 : i32
      %mul3A_234 = arith.constant 10000 : i32
      %mul3A_235 = arith.muli %add3A_233, %mul3A_234 : i32
      %dma_start3A_236 = arith.constant 0 : i32
      %dma_start3A_237 = tpu.memref_slice %arg1[%mul3A_235, %dma_start3A_236] : memref<1000000x64xbf16, #tpu.memory_space<hbm>> -> memref<10000x64xbf16, #tpu.memory_space<hbm>>
      tpu.enqueue_dma source(%dma_start3A_237 : memref<10000x64xbf16, #tpu.memory_space<hbm>>) target(%arg10 : memref<10000x64xbf16, #tpu.memory_space<vmem>>) target_semaphore(%arg20 : memref<!tpu.dma_semaphore, #tpu.memory_space<semaphore_mem>>)
    } else {
    }
    %eq3A_227 = arith.constant 19 : i32
    %eq3A_228 = arith.cmpi eq, %arg0, %eq3A_227 : i32
    %convert_element_type3A_229 = arith.extui %eq3A_228 : i1 to i32
    %cond3A_230 = arith.constant 0 : i32
    %cond3A_231 = arith.cmpi ne, %convert_element_type3A_229, %cond3A_230 : i32
    scf.if %cond3A_231 {
      %dma_wait3A_232 = arith.constant 950000 : i32
      %dma_wait3A_233 = arith.constant 0 : i32
      %dma_wait3A_234 = tpu.memref_slice %arg5[%dma_wait3A_232, %dma_wait3A_233] : memref<1000000x16xf32, #tpu.memory_space<hbm>> -> memref<10000x16xf32, #tpu.memory_space<hbm>>
      tpu.wait_dma2 semaphore(%arg21 : memref<!tpu.dma_semaphore, #tpu.memory_space<semaphore_mem>>) src(%arg11 : memref<10000x16xf32, #tpu.memory_space<vmem>>) dst(%dma_wait3A_234 : memref<10000x16xf32, #tpu.memory_space<hbm>>)
      %dma_wait3A_235 = arith.constant 960000 : i32
      %dma_wait3A_236 = arith.constant 0 : i32
      %dma_wait3A_237 = tpu.memref_slice %arg5[%dma_wait3A_235, %dma_wait3A_236] : memref<1000000x16xf32, #tpu.memory_space<hbm>> -> memref<10000x16xf32, #tpu.memory_space<hbm>>
      tpu.wait_dma2 semaphore(%arg22 : memref<!tpu.dma_semaphore, #tpu.memory_space<semaphore_mem>>) src(%arg12 : memref<10000x16xf32, #tpu.memory_space<vmem>>) dst(%dma_wait3A_237 : memref<10000x16xf32, #tpu.memory_space<hbm>>)
      %dma_wait3A_238 = arith.constant 970000 : i32
      %dma_wait3A_239 = arith.constant 0 : i32
      %dma_wait3A_240 = tpu.memref_slice %arg5[%dma_wait3A_238, %dma_wait3A_239] : memref<1000000x16xf32, #tpu.memory_space<hbm>> -> memref<10000x16xf32, #tpu.memory_space<hbm>>
      tpu.wait_dma2 semaphore(%arg23 : memref<!tpu.dma_semaphore, #tpu.memory_space<semaphore_mem>>) src(%arg13 : memref<10000x16xf32, #tpu.memory_space<vmem>>) dst(%dma_wait3A_240 : memref<10000x16xf32, #tpu.memory_space<hbm>>)
      %dma_wait3A_241 = arith.constant 980000 : i32
      %dma_wait3A_242 = arith.constant 0 : i32
      %dma_wait3A_243 = tpu.memref_slice %arg5[%dma_wait3A_241, %dma_wait3A_242] : memref<1000000x16xf32, #tpu.memory_space<hbm>> -> memref<10000x16xf32, #tpu.memory_space<hbm>>
      tpu.wait_dma2 semaphore(%arg24 : memref<!tpu.dma_semaphore, #tpu.memory_space<semaphore_mem>>) src(%arg14 : memref<10000x16xf32, #tpu.memory_space<vmem>>) dst(%dma_wait3A_243 : memref<10000x16xf32, #tpu.memory_space<hbm>>)
      %dma_wait3A_244 = arith.constant 990000 : i32
      %dma_wait3A_245 = arith.constant 0 : i32
      %dma_wait3A_246 = tpu.memref_slice %arg5[%dma_wait3A_244, %dma_wait3A_245] : memref<1000000x16xf32, #tpu.memory_space<hbm>> -> memref<10000x16xf32, #tpu.memory_space<hbm>>
      tpu.wait_dma2 semaphore(%arg25 : memref<!tpu.dma_semaphore, #tpu.memory_space<semaphore_mem>>) src(%arg15 : memref<10000x16xf32, #tpu.memory_space<vmem>>) dst(%dma_wait3A_246 : memref<10000x16xf32, #tpu.memory_space<hbm>>)
    } else {
    }
    return
  }
  func.func @transform_1(%arg0: i32) -> (i32, i32) {
    %c0_i32 = arith.constant 0 : i32
    %c0_i32_0 = arith.constant 0 : i32
    %c0_i32_1 = arith.constant 0 : i32
    return %c0_i32, %c0_i32_0 : i32, i32
  }
  func.func @transform_2(%arg0: i32) -> (i32, i32) {
    %c0_i32 = arith.constant 0 : i32
    %c0_i32_0 = arith.constant 0 : i32
    %c0_i32_1 = arith.constant 0 : i32
    return %c0_i32, %c0_i32_0 : i32, i32
  }
  func.func @transform_3(%arg0: i32) -> (i32, i32) {
    %c0_i32 = arith.constant 0 : i32
    %c0_i32_0 = arith.constant 0 : i32
    %c0_i32_1 = arith.constant 0 : i32
    return %c0_i32, %c0_i32_0 : i32, i32
  }
}

</mosaic_0001>

<sc_bundles>
// kernel: kernel.4.cloned.1.call-start
scs
__scs_entry_jumppad:
0x0: {  	(pc) =	sbr.rel $0x88, $3  }
0x1: {  	(tag) =	ssettag $0x0;
	lr =	simm.s32 $0x1  }
0x2: {  	[smem:$0x3F99] =	sst lr;
	_ =	strace $0xD0000000  }
0x3: {  	_ = 	snop  }
0x4: {  	_ = 	snop  }
0x5: {  	_ = 	snop  }
0x6: {  	_ = 	snop  }
0x7: {  	_ = 	snop  }
__scs_overlays_trampoline_lowered:
0x8: {  	[smem:$0x3FA8] =	sst s0  }
0x9: {  	[smem:$0x3FA9] =	sst s1  }
0xa: {  	[smem:$0x3FAA] =	sst s2  }
0xb: {  	[smem:$0x3FAB] =	sst s3  }
0xc: {  	[smem:$0x3FAC] =	sst s4  }
0xd: {  	[smem:$0x3FAD] =	sst s5  }
0xe: {  	[smem:$0x3FAE] =	sst s6  }
0xf: {  	[smem:$0x3FAF] =	sst s7  }
0x10: {  	[smem:$0x3FB0] =	sst s8  }
0x11: {  	[smem:$0x3FB1] =	sst s9;
	s0 =	simm.s32 @!p0 $0x0  }
0x12: {  	s1 =	sld [smem:$0x3F97];
	s0 =	simm.s32 @p0 $0x1  }
0x13: {  	[smem:$0x3FB2] =	sst s0;
	s0 =	simm.s32 @!p1 $0x0  }
0x14: {  	s2 =	sld [smem:$0x3F96];
	s0 =	simm.s32 @p1 $0x1  }
0x15: {  	[smem:$0x3FB3] =	sst s0;
	s0 =	simm.s32 @!p2 $0x0  }
0x16: {  	s3 =	sld [smem:$0x3FDB];
	s0 =	simm.s32 @p2 $0x1  }
0x17: {  	s4 =	simm.s32 $0x1BF5;
	[smem:$0x3FB5] =	sst s0  }
0x18: {  	s0 =	sld [smem:$0x3F98];
	_ =	swait.ge [sflag:s4], $0x0  }
0x19: {  	s7 =	sld [smem:$0x3F99]  }
0x1a: {  	s8 =	sadd.s32 $0xFFFFE003, lr  }
0x1b: {  	s9 =	sadd.s32 $0xFFFFFEF7, lr;
	s5 =	simm.s32 $0xFFFFFFFF;
	p2 =	slt.u32 s8, $0xFFFFF086  }
0x1c: {  	p1 =	slt.u32 s9, $0xF7A;
	s5 =	simm.s32 @!p2 $0x0  }
0x1d: {  	s5 =	simm.s32 @p1 $0x1;
	p0 =	seq.s32 s7, s2  }
0x1e: {  	s7 =	smul.u32 @!p0 $0xF7A, s2;
	p2 =	seq.s32 @!p0 s5, $0x0  }
0x1f: {  	s9 =	smul.u32 $0xF7A, s1;
	s8 =	simm.s32 @!p0 $0x1BF5;
	p2 =	por !p2, p0  }
0x20: {  	[sflag:s8] =	ssyncset.s32 @!p0 $0xFFFFF086;
	s6 =	sadd.s32 @!p0 s3, s7;
	s7 =	simm.s32 @!p0 $0x108  }
0x21: {  	s3 =	sadd.s32 s3, s9;
	s6 =	sadd.s32 @!p0 $0x88, s6;
	s7 =	simm.s32 @p2 $0x1082  }
0x22: {  	[simem:s7], [sflag:s8] =	dma.local @!p0 [hbm:s6], $0xF7A  }
0x23: {  	s9 =	sor.u32 $0xD0000000, s2;
	s6 =	simm.s32 $0x108;
	_ =	swait.ge @!p0 [sflag:s8], $0x0  }
0x24: {  	s3 =	sadd.s32 $0x88, s3;
	s6 =	simm.s32 @!p1 $0x1082;
	[sflag:s4] =	ssyncset.s32 $0xFFFFF086  }
0x25: {  	[simem:s6], [sflag:s4] =	dma.local [hbm:s3], $0xF7A  }
0x26: {  	[smem:$0x3F99] =	sst s1;
	(tag) =	ssettag s2;
	_ =	strace s9  }
0x27: {  	s1 =	sld [smem:$0x3FA9]  }
0x28: {  	s2 =	sld [smem:$0x3FAA]  }
0x29: {  	s4 =	sld [smem:$0x3FAC]  }
0x2a: {  	p0 =	seq.s32 s5, $0x0;
	s5 =	sld [smem:$0x3FAD]  }
0x2b: {  	s6 =	sld [smem:$0x3FAE]  }
0x2c: {  	s7 =	sld [smem:$0x3FAF]  }
0x2d: {  	s3 =	simm.s32 $0x108;
	s8 =	sld [smem:$0x3FB0]  }
0x2e: {  	s3 =	simm.s32 @!p0 $0x1082;
	s9 =	sld [smem:$0x3FB1]  }
0x2f: {  	lr =	sadd.s32 s0, s3;
	s0 =	sld [smem:$0x3FA8]  }
0x30: {  	s3 =	sld [smem:$0x3FAB]  }
0x31: {  	[smem:$0x3FB4] =	sst s10  }
0x32: {  	s10 =	sld [smem:$0x3FB2];
	_ =	sdelay $0x3  }
0x33: {  	p0 =	seq.s32 s10, $0x1;
	s10 =	sld [smem:$0x3FB4];
	_ =	sdelay $0x3  }
0x34: {  	[smem:$0x3FB4] =	sst s10  }
0x35: {  	s10 =	sld [smem:$0x3FB3];
	_ =	sdelay $0x3  }
0x36: {  	p1 =	seq.s32 s10, $0x1;
	s10 =	sld [smem:$0x3FB4];
	_ =	sdelay $0x3  }
0x37: {  	[smem:$0x3FB4] =	sst s10  }
0x38: {  	s10 =	sld [smem:$0x3FB5]  }
0x39: {  	_ = 	snop;
	(pc) =	sbr.ind lr, $3  }
0x3a: {  	_ = 	snop  }
0x3b: {  	_ = 	snop  }
0x3c: {  	p2 =	seq.s32 s10, $0x1;
	s10 =	sld [smem:$0x3FB4]  }
0x3d: {  	_ =	shalt  }
0x3e: {  	_ =	shalt  }
0x3f: {  	_ =	shalt  }
0x40: {  	_ =	shalt  }
0x41: {  	_ =	shalt  }
0x42: {  	_ =	shalt  }
0x43: {  	_ =	shalt  }
0x44: {  	_ =	shalt  }
0x45: {  	_ =	shalt  }
0x46: {  	_ =	shalt  }
0x47: {  	_ =	shalt  }
0x48: {  	_ =	shalt  }
0x49: {  	_ =	shalt  }
0x4a: {  	_ =	shalt  }
0x4b: {  	_ =	shalt  }
0x4c: {  	_ =	shalt  }
0x4d: {  	_ =	shalt  }
0x4e: {  	_ =	shalt  }
0x4f: {  	_ =	shalt  }
0x50: {  	_ =	shalt  }
0x51: {  	_ =	shalt  }
0x52: {  	_ =	shalt  }
0x53: {  	_ =	shalt  }
0x54: {  	_ =	shalt  }
0x55: {  	_ =	shalt  }
0x56: {  	_ =	shalt  }
0x57: {  	_ =	shalt  }
0x58: {  	_ =	shalt  }
0x59: {  	_ =	shalt  }
0x5a: {  	_ =	shalt  }
0x5b: {  	_ =	shalt  }
0x5c: {  	_ =	shalt  }
0x5d: {  	_ =	shalt  }
0x5e: {  	_ =	shalt  }
0x5f: {  	_ =	shalt  }
0x60: {  	_ =	shalt  }
0x61: {  	_ =	shalt  }
0x62: {  	_ =	shalt  }
0x63: {  	_ =	shalt  }
0x64: {  	_ =	shalt  }
0x65: {  	_ =	shalt  }
0x66: {  	_ =	shalt  }
0x67: {  	_ =	shalt  }
0x68: {  	_ =	shalt  }
0x69: {  	_ =	shalt  }
0x6a: {  	_ =	shalt  }
0x6b: {  	_ =	shalt  }
0x6c: {  	_ =	shalt  }
0x6d: {  	_ =	shalt  }
0x6e: {  	_ =	shalt  }
0x6f: {  	_ =	shalt  }
0x70: {  	_ =	shalt  }
0x71: {  	_ =	shalt  }
0x72: {  	_ =	shalt  }
0x73: {  	_ =	shalt  }
0x74: {  	_ =	shalt  }
0x75: {  	_ =	shalt  }
0x76: {  	_ =	shalt  }
0x77: {  	_ =	shalt  }
0x78: {  	_ =	shalt  }
0x79: {  	_ =	shalt  }
0x7a: {  	_ =	shalt  }
0x7b: {  	_ =	shalt  }
0x7c: {  	_ =	shalt  }
0x7d: {  	_ =	shalt  }
0x7e: {  	_ =	shalt  }
0x7f: {  	_ =	shalt  }
0x80: {  	_ =	shalt  }
0x81: {  	_ =	shalt  }
0x82: {  	_ =	shalt  }
0x83: {  	_ =	shalt  }
0x84: {  	_ =	shalt  }
0x85: {  	_ =	shalt  }
0x86: {  	_ =	shalt  }
0x87: {  	_ =	shalt  }
.Lfunc_end0:
.L_simem_size_0:
called_computation_lowered:
.L_overlay_start_0:
0x88: {  	s2 =	sld [smem:$0x3FD9]  }
0x89: {  	s3 =	sld [smem:$0x3FFE];
	_ =	sdelay $0x1  }
0x8a: {  	s1 =	srdreg.scid  }
0x8b: {  	s0 =	sand.u32 $0x1, s1  }
0x8c: {  	s16 =	sshll.u32 s0, $0xA;
	s2 =	sadd.s32 s3, s2  }
0x8d: {  	s2 =	sadd.s32 s2, s16  }
0x8e: {  	[smem:$0x3FC0] =	sst s2  }
0x8f: {  	_ = 	snop  }
0x90: {  	(tm) =	ssettm $0x1  }
0x91: {  	s17 =	sld [smem:$0x3FFB];
	_ =	sdelay $0x3  }
0x92: {  	_ =	strace s17  }
0x93: {  	s2 =	sld [smem:$0x3FFC];
	_ =	sdelay $0x3  }
0x94: {  	_ =	strace s2  }
0x95: {  	s2 =	sld [smem:$0x3FFD];
	_ =	sdelay $0x3  }
0x96: {  	_ =	strace s2  }
0x97: {  	_ =	strace $0x8FFFFFFF  }
0x98: {  	s18 =	sld [smem:$0x3FDB];
	_ =	sdelay $0x1  }
0x99: {  	s19 =	simm.s32 $_scs_section_size  }
0x9a: {  	s4 =	simm.s32 $_size__tile_overlayer_lowered;
	s5 =	simm.s32 $_tile_overlayer_lowered  }
0x9b: {  	s22 =	simm.s32 $0x1BFF;
	s21 =	sshll.u32 s5, $0x1;
	s2 =	sadd.s32 s19, s18  }
0x9c: {  	s6 =	simm.s32 $0x0;
	s20 =	sshll.u32 s4, $0x1;
	s4 =	sadd.s32 s21, s2  }
0x9d: {  	[timem:s6], [sflag:s22] =	dma.local [hbm:s4], s20  }
0x9e: {  	_ =	swait.ge [sflag:s22], s20  }
0x9f: {  	s3 =	ssub.s32 $0x0, s20;
	[sflag:s22] =	ssyncset.done $0x0  }
0xa0: {  	[sflag:s22] =	ssyncadd.s32 s3;
	_ =	sdelay $0x1  }
0xa1: {  	s23 =	simm.s32 $0x1B8B  }
0xa2: {  	_ =	swait.ge [sflag:s23], $0x1  }
0xa3: {  	[sflag:s23] =	ssyncset.done $0x0  }
0xa4: {  	s25 =	simm.s32 $0x1B8E;
	s24 =	sld [smem:$0x3FFE];
	[sflag:s23] =	ssyncadd.s32 $0xFFFFFFFF  }
0xa5: {  	s26 =	simm.s32 $execute0_lowered;
	[smem:$0x3FD2] =	sst s25  }
0xa6: {  	s4 =	sshll.u32 s26, $0x1;
	_ =	strace $0x80000046;
	[dreg:$0x1] =	wrdreg $0xFFFFFFFF  }
0xa7: {  	s28 =	simm.s32 $_size_execute0_lowered;
	s2 =	sadd.s32 s2, s4;
	[dreg:$0x0] =	wrdreg $0x0  }
0xa8: {  	s4 =	sshll.u32 s28, $0x1;
	[dreg:$0x2] =	wrdreg s2  }
0xa9: {  	[dreg:$0x3] =	wrdreg s4  }
0xaa: {  	[dreg:$0x4] =	wrdreg $0xC0  }
0xab: {  	_ =	task [dreg:s6], $0x5FFFF  }
0xac: {  	[dreg:$0x1] =	wrdreg $0xFFFFFFFF  }
0xad: {  	[dreg:$0x0] =	wrdreg $0x60  }
0xae: {  	[dreg:$0x2] =	wrdreg s24  }
0xaf: {  	[dreg:$0x3] =	wrdreg $0x9  }
0xb0: {  	_ =	task.clear_ibuf [dreg:s6], $0x4FFFF;
	_ =	strace $0x90000046  }
0xb1: {  	s29 =	simm.s32 $0x9;
	_ =	strace $0x80000048  }
0xb2: {  	_ =	swait.ge [sflag:s29], $0x1  }
0xb3: {  	[sflag:s29] =	ssyncadd.s32 $0xFFFFFFFF  }
0xb4: {  	_ =	strace $0x90000048  }
0xb5: {  	_ =	sfence  }
0xb6: {  	s30 =	sld [smem:$0x0];
	_ =	sdelay $0x2  }
0xb7: {  	s31 =	sshll.u32 s1, $0xD;
	s1 =	sshrl.u32 s1, $0x2  }
0xb8: {  	s3 =	sand.u32 $0x4000, s31;
	s1 =	sadd.s32 s1, s30  }
0xb9: {  	s0 =	sor.u32 s3, s0;
	s1 =	sshll.u32 s1, $0x11  }
0xba: {  	s0 =	sor.u32 s1, s0  }
0xbb: {  	s0 =	sadd.s32 $0x8F2B, s0  }
0xbc: {  	[sflag:s0] =	ssyncadd.remote.s32 $0x1  }
0xbd: {  	_ =	sfence.sel $0xFFFF  }
0xbe: {  	[dreg:$0x0] =	wrdreg $0xFFFFFFFF;
	(pc) =	sbr.abs _section_cstart, $3  }
0xbf: {  	[dreg:$0x1] =	wrdreg $0xFFFFFFFF  }
0xc0: {  	_ =	task.clear_ibuf [dreg:s6], $0x2FFFF;
	_ =	strace $0x9FFFFFFF  }
0xc1: {  	(tm) =	ssettm $0x7FFFFFFF  }
tec
execute0_lowered:
.L_overlay_start_1:
0x0: {  	(tag) =	ssettag $0x1  }
0x1: {  	s0 =	srdreg.scid;
	s2 =	stileid.u32  }
0x2: {  	s1 =	rddreg [dreg:$0x0];
	s7 =	simm.s32 $0x9;
	s8 =	simm.s32 $0x320  }
0x3: {  	s15 =	simm.s32 $0xC80;
	s16 =	simm.s32 $0x12C00;
	s17 =	simm.s32 $0xFA0  }
0x4: {  	s18 =	simm.s32 $0x15E00;
	s19 =	simm.s32 $0x12C0;
	s20 =	simm.s32 $0x19000  }
0x5: {  	s21 =	simm.s32 $0x15E0;
	s22 =	simm.s32 $0x1C200;
	s23 =	simm.s32 $0x1  }
0x6: {  	s24 =	simm.s32 $0x2;
	s25 =	simm.s32 $0x3;
	s28 =	simm.s32 $0x5  }
0x7: {  	s29 =	simm.s32 $0x6;
	s0 =	sand.u32 $0x1, s0;
	s3 =	sshll.u32 s2, $0x1  }
0x8: {  	s30 =	simm.s32 $0x7;
	s2 =	simm.s32 $0x0;
	s3 =	sor.u32 s0, s3  }
0x9: {  	s31 =	simm.s32 $0x8;
	[smem:$0x7FF] =	sst s2;
	s4 =	smul.u32 $0xC80, s3  }
.Ltmp0:
0xa: {  	s0 =	ssub.s32 $0x2, s0;
	_ =	strace $0x80000047;
	(pc) =	sbr.rel .LBB2_1-.Ltmp0, $4  }
0xb: {  	s5 =	sshll.u32 s3, $0x8;
	s3 =	sadd.s32 $0x1000, s1;
	s26 =	sshrl.u32 s0, $0x1  }
0xc: {  	s0 =	ssub.s32 s0, s26;
	s26 =	simm.s32 $0x4;
	s4 =	sadd.s32 s4, s1  }
0xd: {  	s1 =	sadd.s32 s5, s1;
	s6 =	smax.u32 s0, $0x1;
	s4 =	sadd.s32 $0x1E9600, s4  }
0xe: {  	s0 =	simm.s32 $0x0;
	s5 =	sadd.s32 $0x202600, s1;
	s1 =	simm.s32 $0x1F400  }
.LBB2_68:
0xf: {  	s0 =	sadd.s32 $0x1, s0  }
0x10: {  	p0 =	sne.s32 s0, s6  }
.Ltmp1:
0x11: {  	_ = 	snop;
	(pc) =	sbr.rel @!p0 .LBB2_69-.Ltmp1, $4  }
0x12: {  	[hbm4b:s5+s2] =	stream.linear.scatter [tilespmem:s1], [sflag:$0x9], $0x800, $0x38;
	[tilespmem:$0x1FC00] =	vst v63  }
0x13: {  	_ =	swait.ge [sflag:s7], $0x800  }
0x14: {  	[sflag:s7] =	ssyncset.done $0x0  }
0x15: {  	[sflag:s7] =	ssyncadd.s32 $0xFFFFF800  }
.LBB2_1:
0x16: {  	[tilespmem:s2], [sflag:$0x9] =	stream.linear.gather [hbm4b:s4+s2], $0x6400, $0x38;
	[tilespmem:$0x1FC00] =	vst v63  }
0x17: {  	_ =	swait.ge [sflag:s7], $0x6400  }
0x18: {  	[sflag:s7] =	ssyncset.done $0x0  }
0x19: {  	s9 =	simm.s32 $0x6400;
	[sflag:s7] =	ssyncadd.s32 $0xFFFF9C00  }
0x1a: {  	[tilespmem:s9], [sflag:$0x1] =	stream.indirect.gather [hbm4b:s3+s8], $0x10, s2, s8, $0xb8;
	[tilespmem:$0x1FC00] =	vst v63  }
0x1b: {  	s11 =	simm.s32 $0x9600  }
0x1c: {  	[tilespmem:s11], [sflag:$0x2] =	stream.indirect.gather [hbm4b:s3+s8], $0x10, s8, s8, $0xb8;
	[tilespmem:$0x1FC00] =	vst v63  }
0x1d: {  	s12 =	simm.s32 $0x640;
	s10 =	simm.s32 $0xC800  }
0x1e: {  	[tilespmem:s10], [sflag:$0x3] =	stream.indirect.gather [hbm4b:s3+s8], $0x10, s12, s8, $0xb8;
	[tilespmem:$0x1FC00] =	vst v63  }
0x1f: {  	s13 =	simm.s32 $0x960;
	s14 =	simm.s32 $0xFA00  }
0x20: {  	[tilespmem:s14], [sflag:$0x4] =	stream.indirect.gather [hbm4b:s3+s8], $0x10, s13, s8, $0xb8;
	[tilespmem:$0x1FC00] =	vst v63  }
0x21: {  	_ = 	snop  }
0x22: {  	[tilespmem:s16], [sflag:$0x5] =	stream.indirect.gather [hbm4b:s3+s8], $0x10, s15, s8, $0xb8;
	[tilespmem:$0x1FC00] =	vst v63  }
0x23: {  	_ = 	snop  }
0x24: {  	[tilespmem:s18], [sflag:$0x6] =	stream.indirect.gather [hbm4b:s3+s8], $0x10, s17, s8, $0xb8;
	[tilespmem:$0x1FC00] =	vst v63  }
0x25: {  	_ = 	snop  }
0x26: {  	[tilespmem:s20], [sflag:$0x7] =	stream.indirect.gather [hbm4b:s3+s8], $0x10, s19, s8, $0xb8;
	[tilespmem:$0x1FC00] =	vst v63  }
0x27: {  	s9 =	simm.s32 $0x0  }
0x28: {  	[tilespmem:s22], [sflag:$0x8] =	stream.indirect.gather [hbm4b:s3+s8], $0x10, s21, s8, $0xb8;
	[tilespmem:$0x1FC00] =	vst v63  }
.LBB2_2:
0x29: {  	_ =	swait.ge [sflag:s23], $0x3200  }
0x2a: {  	[sflag:s23] =	ssyncset.done $0x0  }
0x2b: {  	s10 =	simm.s32 $0x0;
	[sflag:s23] =	ssyncadd.s32 $0xFFFFCE00  }
0x2c: {  	v1 =	vld [tilespmem:s10+$0x6440]  }
0x2d: {  	v0 =	vld [tilespmem:s10+$0x6450]  }
0x2e: {  	v2 =	vld [tilespmem:s10+$0x6400]  }
0x2f: {  	v5 =	vimm.f32 $0.0e+00;
	v3 =	vld [tilespmem:s10+$0x6410]  }
0x30: {  	s11 =	simm.s32 $0x200;
	v6 =	vimm.f32 $0.0e+00;
	v7 =	vimm.f32 $0.0e+00;
	v8 =	vimm.f32 $0.0e+00;
	v4 =	vld [tilespmem:s10+$0x6420]  }
.LBB2_3:
0x31: {  	p0 =	sne.s32 s11, $0x3000;
	v9 =	vld [tilespmem:s10+$0x6430];
	v10 =	vmov v1  }
0x32: {  	v11 =	vld [tilespmem:s10+$0x6460];
	v12 =	vmov v0  }
0x33: {  	v13 =	vld [tilespmem:s10+$0x6470];
	s10 =	sshra.s32 s11, $0x2  }
.Ltmp2:
0x34: {  	v1 =	vld [tilespmem:s10+$0x6440];
	(pc) =	sbr.rel @p0 .LBB2_3-.Ltmp2, $4  }
0x35: {  	v5 =	vadd.f32 v2, v5;
	v6 =	vadd.f32 v3, v6;
	v0 =	vld [tilespmem:s10+$0x6450]  }
0x36: {  	v7 =	vadd.f32 v4, v7;
	v2 =	vld [tilespmem:s10+$0x6400];
	v8 =	vadd.f32 v9, v8  }
0x37: {  	v5 =	vadd.f32 v10, v5;
	v6 =	vadd.f32 v12, v6;
	v3 =	vld [tilespmem:s10+$0x6410]  }
0x38: {  	s11 =	sadd.s32 $0x200, s11;
	v7 =	vadd.f32 v11, v7;
	v4 =	vld [tilespmem:s10+$0x6420];
	v8 =	vadd.f32 v13, v8  }
0x39: {  	v9 =	vld [tilespmem:s10+$0x6430]  }
0x3a: {  	v10 =	vld [tilespmem:s10+$0x6460]  }
0x3b: {  	v11 =	vld [tilespmem:s10+$0x6470];
	_ =	sdelay $0x1  }
0x3c: {  	v2 =	vadd.f32 v2, v5;
	v3 =	vadd.f32 v3, v6  }
0x3d: {  	v4 =	vadd.f32 v4, v7;
	v5 =	vadd.f32 v9, v8  }
0x3e: {  	v1 =	vadd.f32 v1, v2;
	v0 =	vadd.f32 v0, v3  }
0x3f: {  	v2 =	vadd.f32 v10, v4;
	v3 =	vadd.f32 v11, v5;
	_ =	sdelay $0x1  }
0x40: {  	v0 =	vadd.f32 v0, v1;
	v1 =	vadd.f32 v3, v2;
	_ =	sdelay $0x1  }
0x41: {  	s14 =	sshll.u32 s9, $0x9;
	v0 =	vadd.f32 v1, v0  }
0x42: {  	s10 =	sand.u32 $0x3FFFFE00, s14  }
0x43: {  	s11 =	simm.s32 $0x0;
	[tilespmem:s10+$0x1F400] =	vst v0  }
0x44: {  	v1 =	vld [tilespmem:s11+$0x70C0]  }
0x45: {  	v0 =	vld [tilespmem:s11+$0x70D0]  }
0x46: {  	v2 =	vld [tilespmem:s11+$0x7080]  }
0x47: {  	v6 =	vimm.f32 $0.0e+00;
	v3 =	vld [tilespmem:s11+$0x7090]  }
0x48: {  	s12 =	simm.s32 $0x200;
	v7 =	vimm.f32 $0.0e+00;
	v8 =	vimm.f32 $0.0e+00;
	v5 =	vimm.f32 $0.0e+00;
	v4 =	vld [tilespmem:s11+$0x70A0]  }
.LBB2_5:
0x49: {  	p0 =	sne.s32 s12, $0x3000;
	v9 =	vld [tilespmem:s11+$0x70B0];
	v10 =	vmov v1  }
0x4a: {  	v11 =	vld [tilespmem:s11+$0x70E0];
	v12 =	vmov v0  }
0x4b: {  	v13 =	vld [tilespmem:s11+$0x70F0];
	s11 =	sshra.s32 s12, $0x2  }
.Ltmp3:
0x4c: {  	v1 =	vld [tilespmem:s11+$0x70C0];
	(pc) =	sbr.rel @p0 .LBB2_5-.Ltmp3, $4  }
0x4d: {  	v5 =	vadd.f32 v2, v5;
	v6 =	vadd.f32 v3, v6;
	v0 =	vld [tilespmem:s11+$0x70D0]  }
0x4e: {  	v7 =	vadd.f32 v4, v7;
	v2 =	vld [tilespmem:s11+$0x7080];
	v8 =	vadd.f32 v9, v8  }
0x4f: {  	v5 =	vadd.f32 v10, v5;
	v6 =	vadd.f32 v12, v6;
	v3 =	vld [tilespmem:s11+$0x7090]  }
0x50: {  	s12 =	sadd.s32 $0x200, s12;
	v7 =	vadd.f32 v11, v7;
	v4 =	vld [tilespmem:s11+$0x70A0];
	v8 =	vadd.f32 v13, v8  }
0x51: {  	v9 =	vld [tilespmem:s11+$0x70B0]  }
0x52: {  	v10 =	vld [tilespmem:s11+$0x70E0]  }
0x53: {  	v11 =	vld [tilespmem:s11+$0x70F0];
	_ =	sdelay $0x1  }
0x54: {  	v2 =	vadd.f32 v2, v5;
	v3 =	vadd.f32 v3, v6  }
0x55: {  	v4 =	vadd.f32 v4, v7;
	v5 =	vadd.f32 v9, v8  }
0x56: {  	v1 =	vadd.f32 v1, v2;
	v0 =	vadd.f32 v0, v3  }
0x57: {  	v2 =	vadd.f32 v10, v4;
	v3 =	vadd.f32 v11, v5;
	_ =	sdelay $0x1  }
0x58: {  	v0 =	vadd.f32 v0, v1;
	v1 =	vadd.f32 v3, v2;
	_ =	sdelay $0x1  }
0x59: {  	v0 =	vadd.f32 v1, v0;
	_ =	sdelay $0x1  }
0x5a: {  	s11 =	simm.s32 $0x0;
	[tilespmem:s10+$0x1F410] =	vst v0  }
0x5b: {  	v1 =	vld [tilespmem:s11+$0x7D40]  }
0x5c: {  	v0 =	vld [tilespmem:s11+$0x7D50]  }
0x5d: {  	v2 =	vld [tilespmem:s11+$0x7D00]  }
0x5e: {  	v6 =	vimm.f32 $0.0e+00;
	v3 =	vld [tilespmem:s11+$0x7D10]  }
0x5f: {  	s12 =	simm.s32 $0x200;
	v7 =	vimm.f32 $0.0e+00;
	v8 =	vimm.f32 $0.0e+00;
	v5 =	vimm.f32 $0.0e+00;
	v4 =	vld [tilespmem:s11+$0x7D20]  }
.LBB2_7:
0x60: {  	p0 =	sne.s32 s12, $0x3000;
	v9 =	vld [tilespmem:s11+$0x7D30];
	v10 =	vmov v1  }
0x61: {  	v11 =	vld [tilespmem:s11+$0x7D60];
	v12 =	vmov v0  }
0x62: {  	v13 =	vld [tilespmem:s11+$0x7D70];
	s11 =	sshra.s32 s12, $0x2  }
.Ltmp4:
0x63: {  	v1 =	vld [tilespmem:s11+$0x7D40];
	(pc) =	sbr.rel @p0 .LBB2_7-.Ltmp4, $4  }
0x64: {  	v5 =	vadd.f32 v2, v5;
	v6 =	vadd.f32 v3, v6;
	v0 =	vld [tilespmem:s11+$0x7D50]  }
0x65: {  	v7 =	vadd.f32 v4, v7;
	v2 =	vld [tilespmem:s11+$0x7D00];
	v8 =	vadd.f32 v9, v8  }
0x66: {  	v5 =	vadd.f32 v10, v5;
	v6 =	vadd.f32 v12, v6;
	v3 =	vld [tilespmem:s11+$0x7D10]  }
0x67: {  	s12 =	sadd.s32 $0x200, s12;
	v7 =	vadd.f32 v11, v7;
	v4 =	vld [tilespmem:s11+$0x7D20];
	v8 =	vadd.f32 v13, v8  }
0x68: {  	v9 =	vld [tilespmem:s11+$0x7D30]  }
0x69: {  	v10 =	vld [tilespmem:s11+$0x7D60]  }
0x6a: {  	v11 =	vld [tilespmem:s11+$0x7D70];
	_ =	sdelay $0x1  }
0x6b: {  	v2 =	vadd.f32 v2, v5;
	v3 =	vadd.f32 v3, v6  }
0x6c: {  	v4 =	vadd.f32 v4, v7;
	v5 =	vadd.f32 v9, v8  }
0x6d: {  	v1 =	vadd.f32 v1, v2;
	v0 =	vadd.f32 v0, v3  }
0x6e: {  	v2 =	vadd.f32 v10, v4;
	v3 =	vadd.f32 v11, v5;
	_ =	sdelay $0x1  }
0x6f: {  	v0 =	vadd.f32 v0, v1;
	v1 =	vadd.f32 v3, v2;
	_ =	sdelay $0x1  }
0x70: {  	v0 =	vadd.f32 v1, v0;
	_ =	sdelay $0x1  }
0x71: {  	s11 =	simm.s32 $0x0;
	[tilespmem:s10+$0x1F420] =	vst v0  }
0x72: {  	v1 =	vld [tilespmem:s11+$0x89C0]  }
0x73: {  	v0 =	vld [tilespmem:s11+$0x89D0]  }
0x74: {  	v2 =	vld [tilespmem:s11+$0x8980]  }
0x75: {  	v6 =	vimm.f32 $0.0e+00;
	v3 =	vld [tilespmem:s11+$0x8990]  }
0x76: {  	s12 =	simm.s32 $0x200;
	v7 =	vimm.f32 $0.0e+00;
	v8 =	vimm.f32 $0.0e+00;
	v5 =	vimm.f32 $0.0e+00;
	v4 =	vld [tilespmem:s11+$0x89A0]  }
.LBB2_9:
0x77: {  	p0 =	sne.s32 s12, $0x3000;
	v9 =	vld [tilespmem:s11+$0x89B0];
	v10 =	vmov v1  }
0x78: {  	v11 =	vld [tilespmem:s11+$0x89E0];
	v12 =	vmov v0  }
0x79: {  	v13 =	vld [tilespmem:s11+$0x89F0];
	s11 =	sshra.s32 s12, $0x2  }
.Ltmp5:
0x7a: {  	v1 =	vld [tilespmem:s11+$0x89C0];
	(pc) =	sbr.rel @p0 .LBB2_9-.Ltmp5, $4  }
0x7b: {  	v5 =	vadd.f32 v2, v5;
	v6 =	vadd.f32 v3, v6;
	v0 =	vld [tilespmem:s11+$0x89D0]  }
0x7c: {  	v7 =	vadd.f32 v4, v7;
	v2 =	vld [tilespmem:s11+$0x8980];
	v8 =	vadd.f32 v9, v8  }
0x7d: {  	v5 =	vadd.f32 v10, v5;
	v6 =	vadd.f32 v12, v6;
	v3 =	vld [tilespmem:s11+$0x8990]  }
0x7e: {  	s12 =	sadd.s32 $0x200, s12;
	v7 =	vadd.f32 v11, v7;
	v4 =	vld [tilespmem:s11+$0x89A0];
	v8 =	vadd.f32 v13, v8  }
0x7f: {  	v9 =	vld [tilespmem:s11+$0x89B0]  }
0x80: {  	v10 =	vld [tilespmem:s11+$0x89E0]  }
0x81: {  	v11 =	vld [tilespmem:s11+$0x89F0];
	_ =	sdelay $0x1  }
0x82: {  	v2 =	vadd.f32 v2, v5;
	v3 =	vadd.f32 v3, v6  }
0x83: {  	v4 =	vadd.f32 v4, v7;
	v5 =	vadd.f32 v9, v8  }
0x84: {  	v1 =	vadd.f32 v1, v2;
	v0 =	vadd.f32 v0, v3  }
0x85: {  	v2 =	vadd.f32 v10, v4;
	v3 =	vadd.f32 v11, v5;
	_ =	sdelay $0x1  }
0x86: {  	p0 =	seq.s32 s9, $0x3;
	v0 =	vadd.f32 v0, v1;
	v1 =	vadd.f32 v3, v2  }
0x87: {  	s11 =	smul.u32 @!p0 $0x6400, s9  }
0x88: {  	v0 =	vadd.f32 v1, v0  }
0x89: {  	s11 =	sshra.s32 @!p0 s11, $0x2  }
0x8a: {  	s13 =	simm.s32 @!p0 $0x320;
	s14 =	simm.s32 @!p0 $0x6400;
	s12 =	sadd.s32 @!p0 $0x1900, s11;
	[tilespmem:s10+$0x1F430] =	vst v0  }
0x8b: {  	[tilespmem:s14], [sflag:$0x1] =	stream.indirect.gather @!p0 [hbm4b:s3+s13], $0x10, s12, s13, $0xb8;
	[tilespmem:$0x1FC00] =	vst v63  }
0x8c: {  	_ =	swait.ge [sflag:s24], $0x3200  }
0x8d: {  	[sflag:s24] =	ssyncset.done $0x0  }
0x8e: {  	s12 =	simm.s32 $0x0;
	[sflag:s24] =	ssyncadd.s32 $0xFFFFCE00  }
0x8f: {  	v1 =	vld [tilespmem:s12+$0x9640]  }
0x90: {  	v0 =	vld [tilespmem:s12+$0x9650]  }
0x91: {  	v2 =	vld [tilespmem:s12+$0x9600]  }
0x92: {  	v6 =	vimm.f32 $0.0e+00;
	v3 =	vld [tilespmem:s12+$0x9610]  }
0x93: {  	v7 =	vimm.f32 $0.0e+00;
	v8 =	vimm.f32 $0.0e+00;
	v5 =	vimm.f32 $0.0e+00;
	s13 =	simm.s32 $0x200;
	v4 =	vld [tilespmem:s12+$0x9620]  }
.LBB2_11:
0x94: {  	p1 =	sne.s32 s13, $0x3000;
	v9 =	vld [tilespmem:s12+$0x9630];
	v10 =	vmov v1  }
0x95: {  	v11 =	vld [tilespmem:s12+$0x9660];
	v12 =	vmov v0  }
0x96: {  	v13 =	vld [tilespmem:s12+$0x9670];
	s12 =	sshra.s32 s13, $0x2  }
.Ltmp6:
0x97: {  	v1 =	vld [tilespmem:s12+$0x9640];
	(pc) =	sbr.rel @p1 .LBB2_11-.Ltmp6, $4  }
0x98: {  	v5 =	vadd.f32 v2, v5;
	v6 =	vadd.f32 v3, v6;
	v0 =	vld [tilespmem:s12+$0x9650]  }
0x99: {  	v7 =	vadd.f32 v4, v7;
	v2 =	vld [tilespmem:s12+$0x9600];
	v8 =	vadd.f32 v9, v8  }
0x9a: {  	v5 =	vadd.f32 v10, v5;
	v6 =	vadd.f32 v12, v6;
	v3 =	vld [tilespmem:s12+$0x9610]  }
0x9b: {  	s13 =	sadd.s32 $0x200, s13;
	v7 =	vadd.f32 v11, v7;
	v4 =	vld [tilespmem:s12+$0x9620];
	v8 =	vadd.f32 v13, v8  }
0x9c: {  	v9 =	vld [tilespmem:s12+$0x9630]  }
0x9d: {  	v10 =	vld [tilespmem:s12+$0x9660]  }
0x9e: {  	v11 =	vld [tilespmem:s12+$0x9670];
	_ =	sdelay $0x1  }
0x9f: {  	v2 =	vadd.f32 v2, v5;
	v3 =	vadd.f32 v3, v6  }
0xa0: {  	v4 =	vadd.f32 v4, v7;
	v5 =	vadd.f32 v9, v8  }
0xa1: {  	v1 =	vadd.f32 v1, v2;
	v0 =	vadd.f32 v0, v3  }
0xa2: {  	v2 =	vadd.f32 v10, v4;
	v3 =	vadd.f32 v11, v5;
	_ =	sdelay $0x1  }
0xa3: {  	v0 =	vadd.f32 v0, v1;
	v1 =	vadd.f32 v3, v2;
	_ =	sdelay $0x1  }
0xa4: {  	v0 =	vadd.f32 v1, v0;
	_ =	sdelay $0x1  }
0xa5: {  	s12 =	simm.s32 $0x0;
	[tilespmem:s10+$0x1F440] =	vst v0  }
0xa6: {  	v1 =	vld [tilespmem:s12+$0xA2C0]  }
0xa7: {  	v0 =	vld [tilespmem:s12+$0xA2D0]  }
0xa8: {  	v2 =	vld [tilespmem:s12+$0xA280]  }
0xa9: {  	v6 =	vimm.f32 $0.0e+00;
	v3 =	vld [tilespmem:s12+$0xA290]  }
0xaa: {  	s13 =	simm.s32 $0x200;
	v7 =	vimm.f32 $0.0e+00;
	v8 =	vimm.f32 $0.0e+00;
	v5 =	vimm.f32 $0.0e+00;
	v4 =	vld [tilespmem:s12+$0xA2A0]  }
.LBB2_13:
0xab: {  	p1 =	sne.s32 s13, $0x3000;
	v9 =	vld [tilespmem:s12+$0xA2B0];
	v10 =	vmov v1  }
0xac: {  	v11 =	vld [tilespmem:s12+$0xA2E0];
	v12 =	vmov v0  }
0xad: {  	v13 =	vld [tilespmem:s12+$0xA2F0];
	s12 =	sshra.s32 s13, $0x2  }
.Ltmp7:
0xae: {  	v1 =	vld [tilespmem:s12+$0xA2C0];
	(pc) =	sbr.rel @p1 .LBB2_13-.Ltmp7, $4  }
0xaf: {  	v5 =	vadd.f32 v2, v5;
	v6 =	vadd.f32 v3, v6;
	v0 =	vld [tilespmem:s12+$0xA2D0]  }
0xb0: {  	v7 =	vadd.f32 v4, v7;
	v2 =	vld [tilespmem:s12+$0xA280];
	v8 =	vadd.f32 v9, v8  }
0xb1: {  	v5 =	vadd.f32 v10, v5;
	v6 =	vadd.f32 v12, v6;
	v3 =	vld [tilespmem:s12+$0xA290]  }
0xb2: {  	s13 =	sadd.s32 $0x200, s13;
	v7 =	vadd.f32 v11, v7;
	v4 =	vld [tilespmem:s12+$0xA2A0];
	v8 =	vadd.f32 v13, v8  }
0xb3: {  	v9 =	vld [tilespmem:s12+$0xA2B0]  }
0xb4: {  	v10 =	vld [tilespmem:s12+$0xA2E0]  }
0xb5: {  	v11 =	vld [tilespmem:s12+$0xA2F0];
	_ =	sdelay $0x1  }
0xb6: {  	v2 =	vadd.f32 v2, v5;
	v3 =	vadd.f32 v3, v6  }
0xb7: {  	v4 =	vadd.f32 v4, v7;
	v5 =	vadd.f32 v9, v8  }
0xb8: {  	v1 =	vadd.f32 v1, v2;
	v0 =	vadd.f32 v0, v3  }
0xb9: {  	v2 =	vadd.f32 v10, v4;
	v3 =	vadd.f32 v11, v5;
	_ =	sdelay $0x1  }
0xba: {  	v0 =	vadd.f32 v0, v1;
	v1 =	vadd.f32 v3, v2;
	_ =	sdelay $0x1  }
0xbb: {  	v0 =	vadd.f32 v1, v0;
	_ =	sdelay $0x1  }
0xbc: {  	s12 =	simm.s32 $0x0;
	[tilespmem:s10+$0x1F450] =	vst v0  }
0xbd: {  	v1 =	vld [tilespmem:s12+$0xAF40]  }
0xbe: {  	v0 =	vld [tilespmem:s12+$0xAF50]  }
0xbf: {  	v2 =	vld [tilespmem:s12+$0xAF00]  }
0xc0: {  	v6 =	vimm.f32 $0.0e+00;
	v3 =	vld [tilespmem:s12+$0xAF10]  }
0xc1: {  	s13 =	simm.s32 $0x200;
	v7 =	vimm.f32 $0.0e+00;
	v8 =	vimm.f32 $0.0e+00;
	v5 =	vimm.f32 $0.0e+00;
	v4 =	vld [tilespmem:s12+$0xAF20]  }
.LBB2_15:
0xc2: {  	p1 =	sne.s32 s13, $0x3000;
	v9 =	vld [tilespmem:s12+$0xAF30];
	v10 =	vmov v1  }
0xc3: {  	v11 =	vld [tilespmem:s12+$0xAF60];
	v12 =	vmov v0  }
0xc4: {  	v13 =	vld [tilespmem:s12+$0xAF70];
	s12 =	sshra.s32 s13, $0x2  }
.Ltmp8:
0xc5: {  	v1 =	vld [tilespmem:s12+$0xAF40];
	(pc) =	sbr.rel @p1 .LBB2_15-.Ltmp8, $4  }
0xc6: {  	v5 =	vadd.f32 v2, v5;
	v6 =	vadd.f32 v3, v6;
	v0 =	vld [tilespmem:s12+$0xAF50]  }
0xc7: {  	v7 =	vadd.f32 v4, v7;
	v2 =	vld [tilespmem:s12+$0xAF00];
	v8 =	vadd.f32 v9, v8  }
0xc8: {  	v5 =	vadd.f32 v10, v5;
	v6 =	vadd.f32 v12, v6;
	v3 =	vld [tilespmem:s12+$0xAF10]  }
0xc9: {  	s13 =	sadd.s32 $0x200, s13;
	v7 =	vadd.f32 v11, v7;
	v4 =	vld [tilespmem:s12+$0xAF20];
	v8 =	vadd.f32 v13, v8  }
0xca: {  	v9 =	vld [tilespmem:s12+$0xAF30]  }
0xcb: {  	v10 =	vld [tilespmem:s12+$0xAF60]  }
0xcc: {  	v11 =	vld [tilespmem:s12+$0xAF70];
	_ =	sdelay $0x1  }
0xcd: {  	v2 =	vadd.f32 v2, v5;
	v3 =	vadd.f32 v3, v6  }
0xce: {  	v4 =	vadd.f32 v4, v7;
	v5 =	vadd.f32 v9, v8  }
0xcf: {  	v1 =	vadd.f32 v1, v2;
	v0 =	vadd.f32 v0, v3  }
0xd0: {  	v2 =	vadd.f32 v10, v4;
	v3 =	vadd.f32 v11, v5;
	_ =	sdelay $0x1  }
0xd1: {  	v0 =	vadd.f32 v0, v1;
	v1 =	vadd.f32 v3, v2;
	_ =	sdelay $0x1  }
0xd2: {  	v0 =	vadd.f32 v1, v0;
	_ =	sdelay $0x1  }
0xd3: {  	s12 =	simm.s32 $0x0;
	[tilespmem:s10+$0x1F460] =	vst v0  }
0xd4: {  	v1 =	vld [tilespmem:s12+$0xBBC0]  }
0xd5: {  	v0 =	vld [tilespmem:s12+$0xBBD0]  }
0xd6: {  	v2 =	vld [tilespmem:s12+$0xBB80]  }
0xd7: {  	v6 =	vimm.f32 $0.0e+00;
	v3 =	vld [tilespmem:s12+$0xBB90]  }
0xd8: {  	s13 =	simm.s32 $0x200;
	v7 =	vimm.f32 $0.0e+00;
	v8 =	vimm.f32 $0.0e+00;
	v5 =	vimm.f32 $0.0e+00;
	v4 =	vld [tilespmem:s12+$0xBBA0]  }
.LBB2_17:
0xd9: {  	p1 =	sne.s32 s13, $0x3000;
	v9 =	vld [tilespmem:s12+$0xBBB0];
	v10 =	vmov v1  }
0xda: {  	v11 =	vld [tilespmem:s12+$0xBBE0];
	v12 =	vmov v0  }
0xdb: {  	v13 =	vld [tilespmem:s12+$0xBBF0];
	s12 =	sshra.s32 s13, $0x2  }
.Ltmp9:
0xdc: {  	v1 =	vld [tilespmem:s12+$0xBBC0];
	(pc) =	sbr.rel @p1 .LBB2_17-.Ltmp9, $4  }
0xdd: {  	v5 =	vadd.f32 v2, v5;
	v6 =	vadd.f32 v3, v6;
	v0 =	vld [tilespmem:s12+$0xBBD0]  }
0xde: {  	v7 =	vadd.f32 v4, v7;
	v2 =	vld [tilespmem:s12+$0xBB80];
	v8 =	vadd.f32 v9, v8  }
0xdf: {  	v5 =	vadd.f32 v10, v5;
	v6 =	vadd.f32 v12, v6;
	v3 =	vld [tilespmem:s12+$0xBB90]  }
0xe0: {  	s13 =	sadd.s32 $0x200, s13;
	v7 =	vadd.f32 v11, v7;
	v4 =	vld [tilespmem:s12+$0xBBA0];
	v8 =	vadd.f32 v13, v8  }
0xe1: {  	v9 =	vld [tilespmem:s12+$0xBBB0]  }
0xe2: {  	v10 =	vld [tilespmem:s12+$0xBBE0]  }
0xe3: {  	v11 =	vld [tilespmem:s12+$0xBBF0];
	_ =	sdelay $0x1  }
0xe4: {  	v2 =	vadd.f32 v2, v5;
	v3 =	vadd.f32 v3, v6  }
0xe5: {  	v4 =	vadd.f32 v4, v7;
	v5 =	vadd.f32 v9, v8  }
0xe6: {  	v1 =	vadd.f32 v1, v2;
	v0 =	vadd.f32 v0, v3  }
0xe7: {  	v2 =	vadd.f32 v10, v4;
	v3 =	vadd.f32 v11, v5;
	_ =	sdelay $0x1  }
0xe8: {  	v0 =	vadd.f32 v0, v1;
	v1 =	vadd.f32 v3, v2;
	_ =	sdelay $0x1  }
0xe9: {  	v0 =	vadd.f32 v1, v0;
	_ =	sdelay $0x1  }
0xea: {  	s12 =	sadd.s32 @!p0 $0x1C20, s11;
	s13 =	simm.s32 @!p0 $0x320;
	s14 =	simm.s32 @!p0 $0x9600;
	[tilespmem:s10+$0x1F470] =	vst v0  }
0xeb: {  	[tilespmem:s14], [sflag:$0x2] =	stream.indirect.gather @!p0 [hbm4b:s3+s13], $0x10, s12, s13, $0xb8;
	[tilespmem:$0x1FC00] =	vst v63  }
0xec: {  	_ =	swait.ge [sflag:s25], $0x3200  }
0xed: {  	[sflag:s25] =	ssyncset.done $0x0  }
0xee: {  	s12 =	simm.s32 $0x0;
	[sflag:s25] =	ssyncadd.s32 $0xFFFFCE00  }
0xef: {  	v1 =	vld [tilespmem:s12+$0xC840]  }
0xf0: {  	v0 =	vld [tilespmem:s12+$0xC850]  }
0xf1: {  	v2 =	vld [tilespmem:s12+$0xC800]  }
0xf2: {  	v6 =	vimm.f32 $0.0e+00;
	v3 =	vld [tilespmem:s12+$0xC810]  }
0xf3: {  	v7 =	vimm.f32 $0.0e+00;
	v8 =	vimm.f32 $0.0e+00;
	v5 =	vimm.f32 $0.0e+00;
	s13 =	simm.s32 $0x200;
	v4 =	vld [tilespmem:s12+$0xC820]  }
.LBB2_19:
0xf4: {  	p1 =	sne.s32 s13, $0x3000;
	v9 =	vld [tilespmem:s12+$0xC830];
	v10 =	vmov v1  }
0xf5: {  	v11 =	vld [tilespmem:s12+$0xC860];
	v12 =	vmov v0  }
0xf6: {  	v13 =	vld [tilespmem:s12+$0xC870];
	s12 =	sshra.s32 s13, $0x2  }
.Ltmp10:
0xf7: {  	v1 =	vld [tilespmem:s12+$0xC840];
	(pc) =	sbr.rel @p1 .LBB2_19-.Ltmp10, $4  }
0xf8: {  	v5 =	vadd.f32 v2, v5;
	v6 =	vadd.f32 v3, v6;
	v0 =	vld [tilespmem:s12+$0xC850]  }
0xf9: {  	v7 =	vadd.f32 v4, v7;
	v2 =	vld [tilespmem:s12+$0xC800];
	v8 =	vadd.f32 v9, v8  }
0xfa: {  	v5 =	vadd.f32 v10, v5;
	v6 =	vadd.f32 v12, v6;
	v3 =	vld [tilespmem:s12+$0xC810]  }
0xfb: {  	s13 =	sadd.s32 $0x200, s13;
	v7 =	vadd.f32 v11, v7;
	v4 =	vld [tilespmem:s12+$0xC820];
	v8 =	vadd.f32 v13, v8  }
0xfc: {  	v9 =	vld [tilespmem:s12+$0xC830]  }
0xfd: {  	v10 =	vld [tilespmem:s12+$0xC860]  }
0xfe: {  	v11 =	vld [tilespmem:s12+$0xC870];
	_ =	sdelay $0x1  }
0xff: {  	v2 =	vadd.f32 v2, v5;
	v3 =	vadd.f32 v3, v6  }
0x100: {  	v4 =	vadd.f32 v4, v7;
	v5 =	vadd.f32 v9, v8  }
0x101: {  	v1 =	vadd.f32 v1, v2;
	v0 =	vadd.f32 v0, v3  }
0x102: {  	v2 =	vadd.f32 v10, v4;
	v3 =	vadd.f32 v11, v5;
	_ =	sdelay $0x1  }
0x103: {  	v0 =	vadd.f32 v0, v1;
	v1 =	vadd.f32 v3, v2;
	_ =	sdelay $0x1  }
0x104: {  	v0 =	vadd.f32 v1, v0;
	_ =	sdelay $0x1  }
0x105: {  	s12 =	simm.s32 $0x0;
	[tilespmem:s10+$0x1F480] =	vst v0  }
0x106: {  	v1 =	vld [tilespmem:s12+$0xD4C0]  }
0x107: {  	v0 =	vld [tilespmem:s12+$0xD4D0]  }
0x108: {  	v2 =	vld [tilespmem:s12+$0xD480]  }
0x109: {  	v6 =	vimm.f32 $0.0e+00;
	v3 =	vld [tilespmem:s12+$0xD490]  }
0x10a: {  	s13 =	simm.s32 $0x200;
	v7 =	vimm.f32 $0.0e+00;
	v8 =	vimm.f32 $0.0e+00;
	v5 =	vimm.f32 $0.0e+00;
	v4 =	vld [tilespmem:s12+$0xD4A0]  }
.LBB2_21:
0x10b: {  	p1 =	sne.s32 s13, $0x3000;
	v9 =	vld [tilespmem:s12+$0xD4B0];
	v10 =	vmov v1  }
0x10c: {  	v11 =	vld [tilespmem:s12+$0xD4E0];
	v12 =	vmov v0  }
0x10d: {  	v13 =	vld [tilespmem:s12+$0xD4F0];
	s12 =	sshra.s32 s13, $0x2  }
.Ltmp11:
0x10e: {  	v1 =	vld [tilespmem:s12+$0xD4C0];
	(pc) =	sbr.rel @p1 .LBB2_21-.Ltmp11, $4  }
0x10f: {  	v5 =	vadd.f32 v2, v5;
	v6 =	vadd.f32 v3, v6;
	v0 =	vld [tilespmem:s12+$0xD4D0]  }
0x110: {  	v7 =	vadd.f32 v4, v7;
	v2 =	vld [tilespmem:s12+$0xD480];
	v8 =	vadd.f32 v9, v8  }
0x111: {  	v5 =	vadd.f32 v10, v5;
	v6 =	vadd.f32 v12, v6;
	v3 =	vld [tilespmem:s12+$0xD490]  }
0x112: {  	s13 =	sadd.s32 $0x200, s13;
	v7 =	vadd.f32 v11, v7;
	v4 =	vld [tilespmem:s12+$0xD4A0];
	v8 =	vadd.f32 v13, v8  }
0x113: {  	v9 =	vld [tilespmem:s12+$0xD4B0]  }
0x114: {  	v10 =	vld [tilespmem:s12+$0xD4E0]  }
0x115: {  	v11 =	vld [tilespmem:s12+$0xD4F0];
	_ =	sdelay $0x1  }
0x116: {  	v2 =	vadd.f32 v2, v5;
	v3 =	vadd.f32 v3, v6  }
0x117: {  	v4 =	vadd.f32 v4, v7;
	v5 =	vadd.f32 v9, v8  }
0x118: {  	v1 =	vadd.f32 v1, v2;
	v0 =	vadd.f32 v0, v3  }
0x119: {  	v2 =	vadd.f32 v10, v4;
	v3 =	vadd.f32 v11, v5;
	_ =	sdelay $0x1  }
0x11a: {  	v0 =	vadd.f32 v0, v1;
	v1 =	vadd.f32 v3, v2;
	_ =	sdelay $0x1  }
0x11b: {  	v0 =	vadd.f32 v1, v0;
	_ =	sdelay $0x1  }
0x11c: {  	s12 =	simm.s32 $0x0;
	[tilespmem:s10+$0x1F490] =	vst v0  }
0x11d: {  	v1 =	vld [tilespmem:s12+$0xE140]  }
0x11e: {  	v0 =	vld [tilespmem:s12+$0xE150]  }
0x11f: {  	v2 =	vld [tilespmem:s12+$0xE100]  }
0x120: {  	v6 =	vimm.f32 $0.0e+00;
	v3 =	vld [tilespmem:s12+$0xE110]  }
0x121: {  	s13 =	simm.s32 $0x200;
	v7 =	vimm.f32 $0.0e+00;
	v8 =	vimm.f32 $0.0e+00;
	v5 =	vimm.f32 $0.0e+00;
	v4 =	vld [tilespmem:s12+$0xE120]  }
.LBB2_23:
0x122: {  	p1 =	sne.s32 s13, $0x3000;
	v9 =	vld [tilespmem:s12+$0xE130];
	v10 =	vmov v1  }
0x123: {  	v11 =	vld [tilespmem:s12+$0xE160];
	v12 =	vmov v0  }
0x124: {  	v13 =	vld [tilespmem:s12+$0xE170];
	s12 =	sshra.s32 s13, $0x2  }
.Ltmp12:
0x125: {  	v1 =	vld [tilespmem:s12+$0xE140];
	(pc) =	sbr.rel @p1 .LBB2_23-.Ltmp12, $4  }
0x126: {  	v5 =	vadd.f32 v2, v5;
	v6 =	vadd.f32 v3, v6;
	v0 =	vld [tilespmem:s12+$0xE150]  }
0x127: {  	v7 =	vadd.f32 v4, v7;
	v2 =	vld [tilespmem:s12+$0xE100];
	v8 =	vadd.f32 v9, v8  }
0x128: {  	v5 =	vadd.f32 v10, v5;
	v6 =	vadd.f32 v12, v6;
	v3 =	vld [tilespmem:s12+$0xE110]  }
0x129: {  	s13 =	sadd.s32 $0x200, s13;
	v7 =	vadd.f32 v11, v7;
	v4 =	vld [tilespmem:s12+$0xE120];
	v8 =	vadd.f32 v13, v8  }
0x12a: {  	v9 =	vld [tilespmem:s12+$0xE130]  }
0x12b: {  	v10 =	vld [tilespmem:s12+$0xE160]  }
0x12c: {  	v11 =	vld [tilespmem:s12+$0xE170];
	_ =	sdelay $0x1  }
0x12d: {  	v2 =	vadd.f32 v2, v5;
	v3 =	vadd.f32 v3, v6  }
0x12e: {  	v4 =	vadd.f32 v4, v7;
	v5 =	vadd.f32 v9, v8  }
0x12f: {  	v1 =	vadd.f32 v1, v2;
	v0 =	vadd.f32 v0, v3  }
0x130: {  	v2 =	vadd.f32 v10, v4;
	v3 =	vadd.f32 v11, v5;
	_ =	sdelay $0x1  }
0x131: {  	v0 =	vadd.f32 v0, v1;
	v1 =	vadd.f32 v3, v2;
	_ =	sdelay $0x1  }
0x132: {  	v0 =	vadd.f32 v1, v0;
	_ =	sdelay $0x1  }
0x133: {  	s12 =	simm.s32 $0x0;
	[tilespmem:s10+$0x1F4A0] =	vst v0  }
0x134: {  	v1 =	vld [tilespmem:s12+$0xEDC0]  }
0x135: {  	v0 =	vld [tilespmem:s12+$0xEDD0]  }
0x136: {  	v2 =	vld [tilespmem:s12+$0xED80]  }
0x137: {  	v6 =	vimm.f32 $0.0e+00;
	v3 =	vld [tilespmem:s12+$0xED90]  }
0x138: {  	s13 =	simm.s32 $0x200;
	v7 =	vimm.f32 $0.0e+00;
	v8 =	vimm.f32 $0.0e+00;
	v5 =	vimm.f32 $0.0e+00;
	v4 =	vld [tilespmem:s12+$0xEDA0]  }
.LBB2_25:
0x139: {  	p1 =	sne.s32 s13, $0x3000;
	v9 =	vld [tilespmem:s12+$0xEDB0];
	v10 =	vmov v1  }
0x13a: {  	v11 =	vld [tilespmem:s12+$0xEDE0];
	v12 =	vmov v0  }
0x13b: {  	v13 =	vld [tilespmem:s12+$0xEDF0];
	s12 =	sshra.s32 s13, $0x2  }
.Ltmp13:
0x13c: {  	v1 =	vld [tilespmem:s12+$0xEDC0];
	(pc) =	sbr.rel @p1 .LBB2_25-.Ltmp13, $4  }
0x13d: {  	v5 =	vadd.f32 v2, v5;
	v6 =	vadd.f32 v3, v6;
	v0 =	vld [tilespmem:s12+$0xEDD0]  }
0x13e: {  	v7 =	vadd.f32 v4, v7;
	v2 =	vld [tilespmem:s12+$0xED80];
	v8 =	vadd.f32 v9, v8  }
0x13f: {  	v5 =	vadd.f32 v10, v5;
	v6 =	vadd.f32 v12, v6;
	v3 =	vld [tilespmem:s12+$0xED90]  }
0x140: {  	s13 =	sadd.s32 $0x200, s13;
	v7 =	vadd.f32 v11, v7;
	v4 =	vld [tilespmem:s12+$0xEDA0];
	v8 =	vadd.f32 v13, v8  }
0x141: {  	v9 =	vld [tilespmem:s12+$0xEDB0]  }
0x142: {  	v10 =	vld [tilespmem:s12+$0xEDE0]  }
0x143: {  	v11 =	vld [tilespmem:s12+$0xEDF0];
	_ =	sdelay $0x1  }
0x144: {  	v2 =	vadd.f32 v2, v5;
	v3 =	vadd.f32 v3, v6  }
0x145: {  	v4 =	vadd.f32 v4, v7;
	v5 =	vadd.f32 v9, v8  }
0x146: {  	v1 =	vadd.f32 v1, v2;
	v0 =	vadd.f32 v0, v3  }
0x147: {  	v2 =	vadd.f32 v10, v4;
	v3 =	vadd.f32 v11, v5;
	_ =	sdelay $0x1  }
0x148: {  	v0 =	vadd.f32 v0, v1;
	v1 =	vadd.f32 v3, v2;
	_ =	sdelay $0x1  }
0x149: {  	v0 =	vadd.f32 v1, v0;
	_ =	sdelay $0x1  }
0x14a: {  	s12 =	sadd.s32 @!p0 $0x1F40, s11;
	s13 =	simm.s32 @!p0 $0x320;
	s14 =	simm.s32 @!p0 $0xC800;
	[tilespmem:s10+$0x1F4B0] =	vst v0  }
0x14b: {  	[tilespmem:s14], [sflag:$0x3] =	stream.indirect.gather @!p0 [hbm4b:s3+s13], $0x10, s12, s13, $0xb8;
	[tilespmem:$0x1FC00] =	vst v63  }
0x14c: {  	_ =	swait.ge [sflag:s26], $0x3200  }
0x14d: {  	[sflag:s26] =	ssyncset.done $0x0  }
0x14e: {  	s12 =	simm.s32 $0x0;
	[sflag:s26] =	ssyncadd.s32 $0xFFFFCE00  }
0x14f: {  	v1 =	vld [tilespmem:s12+$0xFA40]  }
0x150: {  	v0 =	vld [tilespmem:s12+$0xFA50]  }
0x151: {  	v2 =	vld [tilespmem:s12+$0xFA00]  }
0x152: {  	v6 =	vimm.f32 $0.0e+00;
	v3 =	vld [tilespmem:s12+$0xFA10]  }
0x153: {  	v7 =	vimm.f32 $0.0e+00;
	v8 =	vimm.f32 $0.0e+00;
	v5 =	vimm.f32 $0.0e+00;
	s13 =	simm.s32 $0x200;
	v4 =	vld [tilespmem:s12+$0xFA20]  }
.LBB2_27:
0x154: {  	p1 =	sne.s32 s13, $0x3000;
	v9 =	vld [tilespmem:s12+$0xFA30];
	v10 =	vmov v1  }
0x155: {  	v11 =	vld [tilespmem:s12+$0xFA60];
	v12 =	vmov v0  }
0x156: {  	v13 =	vld [tilespmem:s12+$0xFA70];
	s12 =	sshra.s32 s13, $0x2  }
.Ltmp14:
0x157: {  	v1 =	vld [tilespmem:s12+$0xFA40];
	(pc) =	sbr.rel @p1 .LBB2_27-.Ltmp14, $4  }
0x158: {  	v5 =	vadd.f32 v2, v5;
	v6 =	vadd.f32 v3, v6;
	v0 =	vld [tilespmem:s12+$0xFA50]  }
0x159: {  	v7 =	vadd.f32 v4, v7;
	v2 =	vld [tilespmem:s12+$0xFA00];
	v8 =	vadd.f32 v9, v8  }
0x15a: {  	v5 =	vadd.f32 v10, v5;
	v6 =	vadd.f32 v12, v6;
	v3 =	vld [tilespmem:s12+$0xFA10]  }
0x15b: {  	s13 =	sadd.s32 $0x200, s13;
	v7 =	vadd.f32 v11, v7;
	v4 =	vld [tilespmem:s12+$0xFA20];
	v8 =	vadd.f32 v13, v8  }
0x15c: {  	v9 =	vld [tilespmem:s12+$0xFA30]  }
0x15d: {  	v10 =	vld [tilespmem:s12+$0xFA60]  }
0x15e: {  	v11 =	vld [tilespmem:s12+$0xFA70];
	_ =	sdelay $0x1  }
0x15f: {  	v2 =	vadd.f32 v2, v5;
	v3 =	vadd.f32 v3, v6  }
0x160: {  	v4 =	vadd.f32 v4, v7;
	v5 =	vadd.f32 v9, v8  }
0x161: {  	v1 =	vadd.f32 v1, v2;
	v0 =	vadd.f32 v0, v3  }
0x162: {  	v2 =	vadd.f32 v10, v4;
	v3 =	vadd.f32 v11, v5;
	_ =	sdelay $0x1  }
0x163: {  	v0 =	vadd.f32 v0, v1;
	v1 =	vadd.f32 v3, v2;
	_ =	sdelay $0x1  }
0x164: {  	v0 =	vadd.f32 v1, v0;
	_ =	sdelay $0x1  }
0x165: {  	s12 =	simm.s32 $0x0;
	[tilespmem:s10+$0x1F4C0] =	vst v0  }
0x166: {  	v1 =	vld [tilespmem:s12+$0x106C0]  }
0x167: {  	v0 =	vld [tilespmem:s12+$0x106D0]  }
0x168: {  	v2 =	vld [tilespmem:s12+$0x10680]  }
0x169: {  	v6 =	vimm.f32 $0.0e+00;
	v3 =	vld [tilespmem:s12+$0x10690]  }
0x16a: {  	s13 =	simm.s32 $0x200;
	v7 =	vimm.f32 $0.0e+00;
	v8 =	vimm.f32 $0.0e+00;
	v5 =	vimm.f32 $0.0e+00;
	v4 =	vld [tilespmem:s12+$0x106A0]  }
.LBB2_29:
0x16b: {  	p1 =	sne.s32 s13, $0x3000;
	v9 =	vld [tilespmem:s12+$0x106B0];
	v10 =	vmov v1  }
0x16c: {  	v11 =	vld [tilespmem:s12+$0x106E0];
	v12 =	vmov v0  }
0x16d: {  	v13 =	vld [tilespmem:s12+$0x106F0];
	s12 =	sshra.s32 s13, $0x2  }
.Ltmp15:
0x16e: {  	v1 =	vld [tilespmem:s12+$0x106C0];
	(pc) =	sbr.rel @p1 .LBB2_29-.Ltmp15, $4  }
0x16f: {  	v5 =	vadd.f32 v2, v5;
	v6 =	vadd.f32 v3, v6;
	v0 =	vld [tilespmem:s12+$0x106D0]  }
0x170: {  	v7 =	vadd.f32 v4, v7;
	v2 =	vld [tilespmem:s12+$0x10680];
	v8 =	vadd.f32 v9, v8  }
0x171: {  	v5 =	vadd.f32 v10, v5;
	v6 =	vadd.f32 v12, v6;
	v3 =	vld [tilespmem:s12+$0x10690]  }
0x172: {  	s13 =	sadd.s32 $0x200, s13;
	v7 =	vadd.f32 v11, v7;
	v4 =	vld [tilespmem:s12+$0x106A0];
	v8 =	vadd.f32 v13, v8  }
0x173: {  	v9 =	vld [tilespmem:s12+$0x106B0]  }
0x174: {  	v10 =	vld [tilespmem:s12+$0x106E0]  }
0x175: {  	v11 =	vld [tilespmem:s12+$0x106F0];
	_ =	sdelay $0x1  }
0x176: {  	v2 =	vadd.f32 v2, v5;
	v3 =	vadd.f32 v3, v6  }
0x177: {  	v4 =	vadd.f32 v4, v7;
	v5 =	vadd.f32 v9, v8  }
0x178: {  	v1 =	vadd.f32 v1, v2;
	v0 =	vadd.f32 v0, v3  }
0x179: {  	v2 =	vadd.f32 v10, v4;
	v3 =	vadd.f32 v11, v5;
	_ =	sdelay $0x1  }
0x17a: {  	v0 =	vadd.f32 v0, v1;
	v1 =	vadd.f32 v3, v2;
	_ =	sdelay $0x1  }
0x17b: {  	v0 =	vadd.f32 v1, v0;
	_ =	sdelay $0x1  }
0x17c: {  	s12 =	simm.s32 $0x0;
	[tilespmem:s10+$0x1F4D0] =	vst v0  }
0x17d: {  	v1 =	vld [tilespmem:s12+$0x11340]  }
0x17e: {  	v0 =	vld [tilespmem:s12+$0x11350]  }
0x17f: {  	v2 =	vld [tilespmem:s12+$0x11300]  }
0x180: {  	v6 =	vimm.f32 $0.0e+00;
	v3 =	vld [tilespmem:s12+$0x11310]  }
0x181: {  	s13 =	simm.s32 $0x200;
	v7 =	vimm.f32 $0.0e+00;
	v8 =	vimm.f32 $0.0e+00;
	v5 =	vimm.f32 $0.0e+00;
	v4 =	vld [tilespmem:s12+$0x11320]  }
.LBB2_31:
0x182: {  	p1 =	sne.s32 s13, $0x3000;
	v9 =	vld [tilespmem:s12+$0x11330];
	v10 =	vmov v1  }
0x183: {  	v11 =	vld [tilespmem:s12+$0x11360];
	v12 =	vmov v0  }
0x184: {  	v13 =	vld [tilespmem:s12+$0x11370];
	s12 =	sshra.s32 s13, $0x2  }
.Ltmp16:
0x185: {  	v1 =	vld [tilespmem:s12+$0x11340];
	(pc) =	sbr.rel @p1 .LBB2_31-.Ltmp16, $4  }
0x186: {  	v5 =	vadd.f32 v2, v5;
	v6 =	vadd.f32 v3, v6;
	v0 =	vld [tilespmem:s12+$0x11350]  }
0x187: {  	v7 =	vadd.f32 v4, v7;
	v2 =	vld [tilespmem:s12+$0x11300];
	v8 =	vadd.f32 v9, v8  }
0x188: {  	v5 =	vadd.f32 v10, v5;
	v6 =	vadd.f32 v12, v6;
	v3 =	vld [tilespmem:s12+$0x11310]  }
0x189: {  	s13 =	sadd.s32 $0x200, s13;
	v7 =	vadd.f32 v11, v7;
	v4 =	vld [tilespmem:s12+$0x11320];
	v8 =	vadd.f32 v13, v8  }
0x18a: {  	v9 =	vld [tilespmem:s12+$0x11330]  }
0x18b: {  	v10 =	vld [tilespmem:s12+$0x11360]  }
0x18c: {  	v11 =	vld [tilespmem:s12+$0x11370];
	_ =	sdelay $0x1  }
0x18d: {  	v2 =	vadd.f32 v2, v5;
	v3 =	vadd.f32 v3, v6  }
0x18e: {  	v4 =	vadd.f32 v4, v7;
	v5 =	vadd.f32 v9, v8  }
0x18f: {  	v1 =	vadd.f32 v1, v2;
	v0 =	vadd.f32 v0, v3  }
0x190: {  	v2 =	vadd.f32 v10, v4;
	v3 =	vadd.f32 v11, v5;
	_ =	sdelay $0x1  }
0x191: {  	v0 =	vadd.f32 v0, v1;
	v1 =	vadd.f32 v3, v2;
	_ =	sdelay $0x1  }
0x192: {  	v0 =	vadd.f32 v1, v0;
	_ =	sdelay $0x1  }
0x193: {  	s12 =	simm.s32 $0x0;
	[tilespmem:s10+$0x1F4E0] =	vst v0  }
0x194: {  	v1 =	vld [tilespmem:s12+$0x11FC0]  }
0x195: {  	v0 =	vld [tilespmem:s12+$0x11FD0]  }
0x196: {  	v2 =	vld [tilespmem:s12+$0x11F80]  }
0x197: {  	v6 =	vimm.f32 $0.0e+00;
	v3 =	vld [tilespmem:s12+$0x11F90]  }
0x198: {  	s13 =	simm.s32 $0x200;
	v7 =	vimm.f32 $0.0e+00;
	v8 =	vimm.f32 $0.0e+00;
	v5 =	vimm.f32 $0.0e+00;
	v4 =	vld [tilespmem:s12+$0x11FA0]  }
.LBB2_33:
0x199: {  	p1 =	sne.s32 s13, $0x3000;
	v9 =	vld [tilespmem:s12+$0x11FB0];
	v10 =	vmov v1  }
0x19a: {  	v11 =	vld [tilespmem:s12+$0x11FE0];
	v12 =	vmov v0  }
0x19b: {  	v13 =	vld [tilespmem:s12+$0x11FF0];
	s12 =	sshra.s32 s13, $0x2  }
.Ltmp17:
0x19c: {  	v1 =	vld [tilespmem:s12+$0x11FC0];
	(pc) =	sbr.rel @p1 .LBB2_33-.Ltmp17, $4  }
0x19d: {  	v5 =	vadd.f32 v2, v5;
	v6 =	vadd.f32 v3, v6;
	v0 =	vld [tilespmem:s12+$0x11FD0]  }
0x19e: {  	v7 =	vadd.f32 v4, v7;
	v2 =	vld [tilespmem:s12+$0x11F80];
	v8 =	vadd.f32 v9, v8  }
0x19f: {  	v5 =	vadd.f32 v10, v5;
	v6 =	vadd.f32 v12, v6;
	v3 =	vld [tilespmem:s12+$0x11F90]  }
0x1a0: {  	s13 =	sadd.s32 $0x200, s13;
	v7 =	vadd.f32 v11, v7;
	v4 =	vld [tilespmem:s12+$0x11FA0];
	v8 =	vadd.f32 v13, v8  }
0x1a1: {  	v9 =	vld [tilespmem:s12+$0x11FB0]  }
0x1a2: {  	v10 =	vld [tilespmem:s12+$0x11FE0]  }
0x1a3: {  	v11 =	vld [tilespmem:s12+$0x11FF0];
	_ =	sdelay $0x1  }
0x1a4: {  	v2 =	vadd.f32 v2, v5;
	v3 =	vadd.f32 v3, v6  }
0x1a5: {  	v4 =	vadd.f32 v4, v7;
	v5 =	vadd.f32 v9, v8  }
0x1a6: {  	v1 =	vadd.f32 v1, v2;
	v0 =	vadd.f32 v0, v3  }
0x1a7: {  	v2 =	vadd.f32 v10, v4;
	v3 =	vadd.f32 v11, v5;
	_ =	sdelay $0x1  }
0x1a8: {  	v0 =	vadd.f32 v0, v1;
	v1 =	vadd.f32 v3, v2;
	_ =	sdelay $0x1  }
0x1a9: {  	v0 =	vadd.f32 v1, v0;
	_ =	sdelay $0x1  }
0x1aa: {  	s12 =	sadd.s32 @!p0 $0x2260, s11;
	s13 =	simm.s32 @!p0 $0x320;
	s14 =	simm.s32 @!p0 $0xFA00;
	[tilespmem:s10+$0x1F4F0] =	vst v0  }
0x1ab: {  	[tilespmem:s14], [sflag:$0x4] =	stream.indirect.gather @!p0 [hbm4b:s3+s13], $0x10, s12, s13, $0xb8;
	[tilespmem:$0x1FC00] =	vst v63  }
0x1ac: {  	_ =	swait.ge [sflag:s28], $0x3200  }
0x1ad: {  	[sflag:s28] =	ssyncset.done $0x0  }
0x1ae: {  	s12 =	simm.s32 $0x0;
	[sflag:s28] =	ssyncadd.s32 $0xFFFFCE00  }
0x1af: {  	v1 =	vld [tilespmem:s12+$0x12C40]  }
0x1b0: {  	v0 =	vld [tilespmem:s12+$0x12C50]  }
0x1b1: {  	v2 =	vld [tilespmem:s12+$0x12C00]  }
0x1b2: {  	v6 =	vimm.f32 $0.0e+00;
	v3 =	vld [tilespmem:s12+$0x12C10]  }
0x1b3: {  	v7 =	vimm.f32 $0.0e+00;
	v8 =	vimm.f32 $0.0e+00;
	v5 =	vimm.f32 $0.0e+00;
	s13 =	simm.s32 $0x200;
	v4 =	vld [tilespmem:s12+$0x12C20]  }
.LBB2_35:
0x1b4: {  	p1 =	sne.s32 s13, $0x3000;
	v9 =	vld [tilespmem:s12+$0x12C30];
	v10 =	vmov v1  }
0x1b5: {  	v11 =	vld [tilespmem:s12+$0x12C60];
	v12 =	vmov v0  }
0x1b6: {  	v13 =	vld [tilespmem:s12+$0x12C70];
	s12 =	sshra.s32 s13, $0x2  }
.Ltmp18:
0x1b7: {  	v1 =	vld [tilespmem:s12+$0x12C40];
	(pc) =	sbr.rel @p1 .LBB2_35-.Ltmp18, $4  }
0x1b8: {  	v5 =	vadd.f32 v2, v5;
	v6 =	vadd.f32 v3, v6;
	v0 =	vld [tilespmem:s12+$0x12C50]  }
0x1b9: {  	v7 =	vadd.f32 v4, v7;
	v2 =	vld [tilespmem:s12+$0x12C00];
	v8 =	vadd.f32 v9, v8  }
0x1ba: {  	v5 =	vadd.f32 v10, v5;
	v6 =	vadd.f32 v12, v6;
	v3 =	vld [tilespmem:s12+$0x12C10]  }
0x1bb: {  	s13 =	sadd.s32 $0x200, s13;
	v7 =	vadd.f32 v11, v7;
	v4 =	vld [tilespmem:s12+$0x12C20];
	v8 =	vadd.f32 v13, v8  }
0x1bc: {  	v9 =	vld [tilespmem:s12+$0x12C30]  }
0x1bd: {  	v10 =	vld [tilespmem:s12+$0x12C60]  }
0x1be: {  	v11 =	vld [tilespmem:s12+$0x12C70];
	_ =	sdelay $0x1  }
0x1bf: {  	v2 =	vadd.f32 v2, v5;
	v3 =	vadd.f32 v3, v6  }
0x1c0: {  	v4 =	vadd.f32 v4, v7;
	v5 =	vadd.f32 v9, v8  }
0x1c1: {  	v1 =	vadd.f32 v1, v2;
	v0 =	vadd.f32 v0, v3  }
0x1c2: {  	v2 =	vadd.f32 v10, v4;
	v3 =	vadd.f32 v11, v5;
	_ =	sdelay $0x1  }
0x1c3: {  	v0 =	vadd.f32 v0, v1;
	v1 =	vadd.f32 v3, v2;
	_ =	sdelay $0x1  }
0x1c4: {  	v0 =	vadd.f32 v1, v0;
	_ =	sdelay $0x1  }
0x1c5: {  	s12 =	simm.s32 $0x0;
	[tilespmem:s10+$0x1F500] =	vst v0  }
0x1c6: {  	v1 =	vld [tilespmem:s12+$0x138C0]  }
0x1c7: {  	v0 =	vld [tilespmem:s12+$0x138D0]  }
0x1c8: {  	v2 =	vld [tilespmem:s12+$0x13880]  }
0x1c9: {  	v6 =	vimm.f32 $0.0e+00;
	v3 =	vld [tilespmem:s12+$0x13890]  }
0x1ca: {  	s13 =	simm.s32 $0x200;
	v7 =	vimm.f32 $0.0e+00;
	v8 =	vimm.f32 $0.0e+00;
	v5 =	vimm.f32 $0.0e+00;
	v4 =	vld [tilespmem:s12+$0x138A0]  }
.LBB2_37:
0x1cb: {  	p1 =	sne.s32 s13, $0x3000;
	v9 =	vld [tilespmem:s12+$0x138B0];
	v10 =	vmov v1  }
0x1cc: {  	v11 =	vld [tilespmem:s12+$0x138E0];
	v12 =	vmov v0  }
0x1cd: {  	v13 =	vld [tilespmem:s12+$0x138F0];
	s12 =	sshra.s32 s13, $0x2  }
.Ltmp19:
0x1ce: {  	v1 =	vld [tilespmem:s12+$0x138C0];
	(pc) =	sbr.rel @p1 .LBB2_37-.Ltmp19, $4  }
0x1cf: {  	v5 =	vadd.f32 v2, v5;
	v6 =	vadd.f32 v3, v6;
	v0 =	vld [tilespmem:s12+$0x138D0]  }
0x1d0: {  	v7 =	vadd.f32 v4, v7;
	v2 =	vld [tilespmem:s12+$0x13880];
	v8 =	vadd.f32 v9, v8  }
0x1d1: {  	v5 =	vadd.f32 v10, v5;
	v6 =	vadd.f32 v12, v6;
	v3 =	vld [tilespmem:s12+$0x13890]  }
0x1d2: {  	s13 =	sadd.s32 $0x200, s13;
	v7 =	vadd.f32 v11, v7;
	v4 =	vld [tilespmem:s12+$0x138A0];
	v8 =	vadd.f32 v13, v8  }
0x1d3: {  	v9 =	vld [tilespmem:s12+$0x138B0]  }
0x1d4: {  	v10 =	vld [tilespmem:s12+$0x138E0]  }
0x1d5: {  	v11 =	vld [tilespmem:s12+$0x138F0];
	_ =	sdelay $0x1  }
0x1d6: {  	v2 =	vadd.f32 v2, v5;
	v3 =	vadd.f32 v3, v6  }
0x1d7: {  	v4 =	vadd.f32 v4, v7;
	v5 =	vadd.f32 v9, v8  }
0x1d8: {  	v1 =	vadd.f32 v1, v2;
	v0 =	vadd.f32 v0, v3  }
0x1d9: {  	v2 =	vadd.f32 v10, v4;
	v3 =	vadd.f32 v11, v5;
	_ =	sdelay $0x1  }
0x1da: {  	v0 =	vadd.f32 v0, v1;
	v1 =	vadd.f32 v3, v2;
	_ =	sdelay $0x1  }
0x1db: {  	v0 =	vadd.f32 v1, v0;
	_ =	sdelay $0x1  }
0x1dc: {  	s12 =	simm.s32 $0x0;
	[tilespmem:s10+$0x1F510] =	vst v0  }
0x1dd: {  	v1 =	vld [tilespmem:s12+$0x14540]  }
0x1de: {  	v0 =	vld [tilespmem:s12+$0x14550]  }
0x1df: {  	v2 =	vld [tilespmem:s12+$0x14500]  }
0x1e0: {  	v6 =	vimm.f32 $0.0e+00;
	v3 =	vld [tilespmem:s12+$0x14510]  }
0x1e1: {  	s13 =	simm.s32 $0x200;
	v7 =	vimm.f32 $0.0e+00;
	v8 =	vimm.f32 $0.0e+00;
	v5 =	vimm.f32 $0.0e+00;
	v4 =	vld [tilespmem:s12+$0x14520]  }
.LBB2_39:
0x1e2: {  	p1 =	sne.s32 s13, $0x3000;
	v9 =	vld [tilespmem:s12+$0x14530];
	v10 =	vmov v1  }
0x1e3: {  	v11 =	vld [tilespmem:s12+$0x14560];
	v12 =	vmov v0  }
0x1e4: {  	v13 =	vld [tilespmem:s12+$0x14570];
	s12 =	sshra.s32 s13, $0x2  }
.Ltmp20:
0x1e5: {  	v1 =	vld [tilespmem:s12+$0x14540];
	(pc) =	sbr.rel @p1 .LBB2_39-.Ltmp20, $4  }
0x1e6: {  	v5 =	vadd.f32 v2, v5;
	v6 =	vadd.f32 v3, v6;
	v0 =	vld [tilespmem:s12+$0x14550]  }
0x1e7: {  	v7 =	vadd.f32 v4, v7;
	v2 =	vld [tilespmem:s12+$0x14500];
	v8 =	vadd.f32 v9, v8  }
0x1e8: {  	v5 =	vadd.f32 v10, v5;
	v6 =	vadd.f32 v12, v6;
	v3 =	vld [tilespmem:s12+$0x14510]  }
0x1e9: {  	s13 =	sadd.s32 $0x200, s13;
	v7 =	vadd.f32 v11, v7;
	v4 =	vld [tilespmem:s12+$0x14520];
	v8 =	vadd.f32 v13, v8  }
0x1ea: {  	v9 =	vld [tilespmem:s12+$0x14530]  }
0x1eb: {  	v10 =	vld [tilespmem:s12+$0x14560]  }
0x1ec: {  	v11 =	vld [tilespmem:s12+$0x14570];
	_ =	sdelay $0x1  }
0x1ed: {  	v2 =	vadd.f32 v2, v5;
	v3 =	vadd.f32 v3, v6  }
0x1ee: {  	v4 =	vadd.f32 v4, v7;
	v5 =	vadd.f32 v9, v8  }
0x1ef: {  	v1 =	vadd.f32 v1, v2;
	v0 =	vadd.f32 v0, v3  }
0x1f0: {  	v2 =	vadd.f32 v10, v4;
	v3 =	vadd.f32 v11, v5;
	_ =	sdelay $0x1  }
0x1f1: {  	v0 =	vadd.f32 v0, v1;
	v1 =	vadd.f32 v3, v2;
	_ =	sdelay $0x1  }
0x1f2: {  	v0 =	vadd.f32 v1, v0;
	_ =	sdelay $0x1  }
0x1f3: {  	s12 =	simm.s32 $0x0;
	[tilespmem:s10+$0x1F520] =	vst v0  }
0x1f4: {  	v1 =	vld [tilespmem:s12+$0x151C0]  }
0x1f5: {  	v0 =	vld [tilespmem:s12+$0x151D0]  }
0x1f6: {  	v2 =	vld [tilespmem:s12+$0x15180]  }
0x1f7: {  	v6 =	vimm.f32 $0.0e+00;
	v3 =	vld [tilespmem:s12+$0x15190]  }
0x1f8: {  	s13 =	simm.s32 $0x200;
	v7 =	vimm.f32 $0.0e+00;
	v8 =	vimm.f32 $0.0e+00;
	v5 =	vimm.f32 $0.0e+00;
	v4 =	vld [tilespmem:s12+$0x151A0]  }
.LBB2_41:
0x1f9: {  	p1 =	sne.s32 s13, $0x3000;
	v9 =	vld [tilespmem:s12+$0x151B0];
	v10 =	vmov v1  }
0x1fa: {  	v11 =	vld [tilespmem:s12+$0x151E0];
	v12 =	vmov v0  }
0x1fb: {  	v13 =	vld [tilespmem:s12+$0x151F0];
	s12 =	sshra.s32 s13, $0x2  }
.Ltmp21:
0x1fc: {  	v1 =	vld [tilespmem:s12+$0x151C0];
	(pc) =	sbr.rel @p1 .LBB2_41-.Ltmp21, $4  }
0x1fd: {  	v5 =	vadd.f32 v2, v5;
	v6 =	vadd.f32 v3, v6;
	v0 =	vld [tilespmem:s12+$0x151D0]  }
0x1fe: {  	v7 =	vadd.f32 v4, v7;
	v2 =	vld [tilespmem:s12+$0x15180];
	v8 =	vadd.f32 v9, v8  }
0x1ff: {  	v5 =	vadd.f32 v10, v5;
	v6 =	vadd.f32 v12, v6;
	v3 =	vld [tilespmem:s12+$0x15190]  }
0x200: {  	s13 =	sadd.s32 $0x200, s13;
	v7 =	vadd.f32 v11, v7;
	v4 =	vld [tilespmem:s12+$0x151A0];
	v8 =	vadd.f32 v13, v8  }
0x201: {  	v9 =	vld [tilespmem:s12+$0x151B0]  }
0x202: {  	v10 =	vld [tilespmem:s12+$0x151E0]  }
0x203: {  	v11 =	vld [tilespmem:s12+$0x151F0];
	_ =	sdelay $0x1  }
0x204: {  	v2 =	vadd.f32 v2, v5;
	v3 =	vadd.f32 v3, v6  }
0x205: {  	v4 =	vadd.f32 v4, v7;
	v5 =	vadd.f32 v9, v8  }
0x206: {  	v1 =	vadd.f32 v1, v2;
	v0 =	vadd.f32 v0, v3  }
0x207: {  	v2 =	vadd.f32 v10, v4;
	v3 =	vadd.f32 v11, v5;
	_ =	sdelay $0x1  }
0x208: {  	v0 =	vadd.f32 v0, v1;
	v1 =	vadd.f32 v3, v2;
	_ =	sdelay $0x1  }
0x209: {  	v0 =	vadd.f32 v1, v0;
	_ =	sdelay $0x1  }
0x20a: {  	s12 =	sadd.s32 @!p0 $0x2580, s11;
	s13 =	simm.s32 @!p0 $0x320;
	s14 =	simm.s32 @!p0 $0x12C00;
	[tilespmem:s10+$0x1F530] =	vst v0  }
0x20b: {  	[tilespmem:s14], [sflag:$0x5] =	stream.indirect.gather @!p0 [hbm4b:s3+s13], $0x10, s12, s13, $0xb8;
	[tilespmem:$0x1FC00] =	vst v63  }
0x20c: {  	_ =	swait.ge [sflag:s29], $0x3200  }
0x20d: {  	[sflag:s29] =	ssyncset.done $0x0  }
0x20e: {  	s12 =	simm.s32 $0x0;
	[sflag:s29] =	ssyncadd.s32 $0xFFFFCE00  }
0x20f: {  	v1 =	vld [tilespmem:s12+$0x15E40]  }
0x210: {  	v0 =	vld [tilespmem:s12+$0x15E50]  }
0x211: {  	v2 =	vld [tilespmem:s12+$0x15E00]  }
0x212: {  	v6 =	vimm.f32 $0.0e+00;
	v3 =	vld [tilespmem:s12+$0x15E10]  }
0x213: {  	v7 =	vimm.f32 $0.0e+00;
	v8 =	vimm.f32 $0.0e+00;
	v5 =	vimm.f32 $0.0e+00;
	s13 =	simm.s32 $0x200;
	v4 =	vld [tilespmem:s12+$0x15E20]  }
.LBB2_43:
0x214: {  	p1 =	sne.s32 s13, $0x3000;
	v9 =	vld [tilespmem:s12+$0x15E30];
	v10 =	vmov v1  }
0x215: {  	v11 =	vld [tilespmem:s12+$0x15E60];
	v12 =	vmov v0  }
0x216: {  	v13 =	vld [tilespmem:s12+$0x15E70];
	s12 =	sshra.s32 s13, $0x2  }
.Ltmp22:
0x217: {  	v1 =	vld [tilespmem:s12+$0x15E40];
	(pc) =	sbr.rel @p1 .LBB2_43-.Ltmp22, $4  }
0x218: {  	v5 =	vadd.f32 v2, v5;
	v6 =	vadd.f32 v3, v6;
	v0 =	vld [tilespmem:s12+$0x15E50]  }
0x219: {  	v7 =	vadd.f32 v4, v7;
	v2 =	vld [tilespmem:s12+$0x15E00];
	v8 =	vadd.f32 v9, v8  }
0x21a: {  	v5 =	vadd.f32 v10, v5;
	v6 =	vadd.f32 v12, v6;
	v3 =	vld [tilespmem:s12+$0x15E10]  }
0x21b: {  	s13 =	sadd.s32 $0x200, s13;
	v7 =	vadd.f32 v11, v7;
	v4 =	vld [tilespmem:s12+$0x15E20];
	v8 =	vadd.f32 v13, v8  }
0x21c: {  	v9 =	vld [tilespmem:s12+$0x15E30]  }
0x21d: {  	v10 =	vld [tilespmem:s12+$0x15E60]  }
0x21e: {  	v11 =	vld [tilespmem:s12+$0x15E70];
	_ =	sdelay $0x1  }
0x21f: {  	v2 =	vadd.f32 v2, v5;
	v3 =	vadd.f32 v3, v6  }
0x220: {  	v4 =	vadd.f32 v4, v7;
	v5 =	vadd.f32 v9, v8  }
0x221: {  	v1 =	vadd.f32 v1, v2;
	v0 =	vadd.f32 v0, v3  }
0x222: {  	v2 =	vadd.f32 v10, v4;
	v3 =	vadd.f32 v11, v5;
	_ =	sdelay $0x1  }
0x223: {  	v0 =	vadd.f32 v0, v1;
	v1 =	vadd.f32 v3, v2;
	_ =	sdelay $0x1  }
0x224: {  	v0 =	vadd.f32 v1, v0;
	_ =	sdelay $0x1  }
0x225: {  	s12 =	simm.s32 $0x0;
	[tilespmem:s10+$0x1F540] =	vst v0  }
0x226: {  	v1 =	vld [tilespmem:s12+$0x16AC0]  }
0x227: {  	v0 =	vld [tilespmem:s12+$0x16AD0]  }
0x228: {  	v2 =	vld [tilespmem:s12+$0x16A80]  }
0x229: {  	v6 =	vimm.f32 $0.0e+00;
	v3 =	vld [tilespmem:s12+$0x16A90]  }
0x22a: {  	s13 =	simm.s32 $0x200;
	v7 =	vimm.f32 $0.0e+00;
	v8 =	vimm.f32 $0.0e+00;
	v5 =	vimm.f32 $0.0e+00;
	v4 =	vld [tilespmem:s12+$0x16AA0]  }
.LBB2_45:
0x22b: {  	p1 =	sne.s32 s13, $0x3000;
	v9 =	vld [tilespmem:s12+$0x16AB0];
	v10 =	vmov v1  }
0x22c: {  	v11 =	vld [tilespmem:s12+$0x16AE0];
	v12 =	vmov v0  }
0x22d: {  	v13 =	vld [tilespmem:s12+$0x16AF0];
	s12 =	sshra.s32 s13, $0x2  }
.Ltmp23:
0x22e: {  	v1 =	vld [tilespmem:s12+$0x16AC0];
	(pc) =	sbr.rel @p1 .LBB2_45-.Ltmp23, $4  }
0x22f: {  	v5 =	vadd.f32 v2, v5;
	v6 =	vadd.f32 v3, v6;
	v0 =	vld [tilespmem:s12+$0x16AD0]  }
0x230: {  	v7 =	vadd.f32 v4, v7;
	v2 =	vld [tilespmem:s12+$0x16A80];
	v8 =	vadd.f32 v9, v8  }
0x231: {  	v5 =	vadd.f32 v10, v5;
	v6 =	vadd.f32 v12, v6;
	v3 =	vld [tilespmem:s12+$0x16A90]  }
0x232: {  	s13 =	sadd.s32 $0x200, s13;
	v7 =	vadd.f32 v11, v7;
	v4 =	vld [tilespmem:s12+$0x16AA0];
	v8 =	vadd.f32 v13, v8  }
0x233: {  	v9 =	vld [tilespmem:s12+$0x16AB0]  }
0x234: {  	v10 =	vld [tilespmem:s12+$0x16AE0]  }
0x235: {  	v11 =	vld [tilespmem:s12+$0x16AF0];
	_ =	sdelay $0x1  }
0x236: {  	v2 =	vadd.f32 v2, v5;
	v3 =	vadd.f32 v3, v6  }
0x237: {  	v4 =	vadd.f32 v4, v7;
	v5 =	vadd.f32 v9, v8  }
0x238: {  	v1 =	vadd.f32 v1, v2;
	v0 =	vadd.f32 v0, v3  }
0x239: {  	v2 =	vadd.f32 v10, v4;
	v3 =	vadd.f32 v11, v5;
	_ =	sdelay $0x1  }
0x23a: {  	v0 =	vadd.f32 v0, v1;
	v1 =	vadd.f32 v3, v2;
	_ =	sdelay $0x1  }
0x23b: {  	v0 =	vadd.f32 v1, v0;
	_ =	sdelay $0x1  }
0x23c: {  	s12 =	simm.s32 $0x0;
	[tilespmem:s10+$0x1F550] =	vst v0  }
0x23d: {  	v1 =	vld [tilespmem:s12+$0x17740]  }
0x23e: {  	v0 =	vld [tilespmem:s12+$0x17750]  }
0x23f: {  	v2 =	vld [tilespmem:s12+$0x17700]  }
0x240: {  	v6 =	vimm.f32 $0.0e+00;
	v3 =	vld [tilespmem:s12+$0x17710]  }
0x241: {  	s13 =	simm.s32 $0x200;
	v7 =	vimm.f32 $0.0e+00;
	v8 =	vimm.f32 $0.0e+00;
	v5 =	vimm.f32 $0.0e+00;
	v4 =	vld [tilespmem:s12+$0x17720]  }
.LBB2_47:
0x242: {  	p1 =	sne.s32 s13, $0x3000;
	v9 =	vld [tilespmem:s12+$0x17730];
	v10 =	vmov v1  }
0x243: {  	v11 =	vld [tilespmem:s12+$0x17760];
	v12 =	vmov v0  }
0x244: {  	v13 =	vld [tilespmem:s12+$0x17770];
	s12 =	sshra.s32 s13, $0x2  }
.Ltmp24:
0x245: {  	v1 =	vld [tilespmem:s12+$0x17740];
	(pc) =	sbr.rel @p1 .LBB2_47-.Ltmp24, $4  }
0x246: {  	v5 =	vadd.f32 v2, v5;
	v6 =	vadd.f32 v3, v6;
	v0 =	vld [tilespmem:s12+$0x17750]  }
0x247: {  	v7 =	vadd.f32 v4, v7;
	v2 =	vld [tilespmem:s12+$0x17700];
	v8 =	vadd.f32 v9, v8  }
0x248: {  	v5 =	vadd.f32 v10, v5;
	v6 =	vadd.f32 v12, v6;
	v3 =	vld [tilespmem:s12+$0x17710]  }
0x249: {  	s13 =	sadd.s32 $0x200, s13;
	v7 =	vadd.f32 v11, v7;
	v4 =	vld [tilespmem:s12+$0x17720];
	v8 =	vadd.f32 v13, v8  }
0x24a: {  	v9 =	vld [tilespmem:s12+$0x17730]  }
0x24b: {  	v10 =	vld [tilespmem:s12+$0x17760]  }
0x24c: {  	v11 =	vld [tilespmem:s12+$0x17770];
	_ =	sdelay $0x1  }
0x24d: {  	v2 =	vadd.f32 v2, v5;
	v3 =	vadd.f32 v3, v6  }
0x24e: {  	v4 =	vadd.f32 v4, v7;
	v5 =	vadd.f32 v9, v8  }
0x24f: {  	v1 =	vadd.f32 v1, v2;
	v0 =	vadd.f32 v0, v3  }
0x250: {  	v2 =	vadd.f32 v10, v4;
	v3 =	vadd.f32 v11, v5;
	_ =	sdelay $0x1  }
0x251: {  	v0 =	vadd.f32 v0, v1;
	v1 =	vadd.f32 v3, v2;
	_ =	sdelay $0x1  }
0x252: {  	v0 =	vadd.f32 v1, v0;
	_ =	sdelay $0x1  }
0x253: {  	s12 =	simm.s32 $0x0;
	[tilespmem:s10+$0x1F560] =	vst v0  }
0x254: {  	v1 =	vld [tilespmem:s12+$0x183C0]  }
0x255: {  	v0 =	vld [tilespmem:s12+$0x183D0]  }
0x256: {  	v2 =	vld [tilespmem:s12+$0x18380]  }
0x257: {  	v6 =	vimm.f32 $0.0e+00;
	v3 =	vld [tilespmem:s12+$0x18390]  }
0x258: {  	s13 =	simm.s32 $0x200;
	v7 =	vimm.f32 $0.0e+00;
	v8 =	vimm.f32 $0.0e+00;
	v5 =	vimm.f32 $0.0e+00;
	v4 =	vld [tilespmem:s12+$0x183A0]  }
.LBB2_49:
0x259: {  	p1 =	sne.s32 s13, $0x3000;
	v9 =	vld [tilespmem:s12+$0x183B0];
	v10 =	vmov v1  }
0x25a: {  	v11 =	vld [tilespmem:s12+$0x183E0];
	v12 =	vmov v0  }
0x25b: {  	v13 =	vld [tilespmem:s12+$0x183F0];
	s12 =	sshra.s32 s13, $0x2  }
.Ltmp25:
0x25c: {  	v1 =	vld [tilespmem:s12+$0x183C0];
	(pc) =	sbr.rel @p1 .LBB2_49-.Ltmp25, $4  }
0x25d: {  	v5 =	vadd.f32 v2, v5;
	v6 =	vadd.f32 v3, v6;
	v0 =	vld [tilespmem:s12+$0x183D0]  }
0x25e: {  	v7 =	vadd.f32 v4, v7;
	v2 =	vld [tilespmem:s12+$0x18380];
	v8 =	vadd.f32 v9, v8  }
0x25f: {  	v5 =	vadd.f32 v10, v5;
	v6 =	vadd.f32 v12, v6;
	v3 =	vld [tilespmem:s12+$0x18390]  }
0x260: {  	s13 =	sadd.s32 $0x200, s13;
	v7 =	vadd.f32 v11, v7;
	v4 =	vld [tilespmem:s12+$0x183A0];
	v8 =	vadd.f32 v13, v8  }
0x261: {  	v9 =	vld [tilespmem:s12+$0x183B0]  }
0x262: {  	v10 =	vld [tilespmem:s12+$0x183E0]  }
0x263: {  	v11 =	vld [tilespmem:s12+$0x183F0];
	_ =	sdelay $0x1  }
0x264: {  	v2 =	vadd.f32 v2, v5;
	v3 =	vadd.f32 v3, v6  }
0x265: {  	v4 =	vadd.f32 v4, v7;
	v5 =	vadd.f32 v9, v8  }
0x266: {  	v1 =	vadd.f32 v1, v2;
	v0 =	vadd.f32 v0, v3  }
0x267: {  	v2 =	vadd.f32 v10, v4;
	v3 =	vadd.f32 v11, v5;
	_ =	sdelay $0x1  }
0x268: {  	v0 =	vadd.f32 v0, v1;
	v1 =	vadd.f32 v3, v2;
	_ =	sdelay $0x1  }
0x269: {  	v0 =	vadd.f32 v1, v0;
	_ =	sdelay $0x1  }
0x26a: {  	s12 =	sadd.s32 @!p0 $0x28A0, s11;
	s13 =	simm.s32 @!p0 $0x320;
	s14 =	simm.s32 @!p0 $0x15E00;
	[tilespmem:s10+$0x1F570] =	vst v0  }
0x26b: {  	[tilespmem:s14], [sflag:$0x6] =	stream.indirect.gather @!p0 [hbm4b:s3+s13], $0x10, s12, s13, $0xb8;
	[tilespmem:$0x1FC00] =	vst v63  }
0x26c: {  	_ =	swait.ge [sflag:s30], $0x3200  }
0x26d: {  	[sflag:s30] =	ssyncset.done $0x0  }
0x26e: {  	s12 =	simm.s32 $0x0;
	[sflag:s30] =	ssyncadd.s32 $0xFFFFCE00  }
0x26f: {  	v1 =	vld [tilespmem:s12+$0x19040]  }
0x270: {  	v0 =	vld [tilespmem:s12+$0x19050]  }
0x271: {  	v2 =	vld [tilespmem:s12+$0x19000]  }
0x272: {  	v6 =	vimm.f32 $0.0e+00;
	v3 =	vld [tilespmem:s12+$0x19010]  }
0x273: {  	v7 =	vimm.f32 $0.0e+00;
	v8 =	vimm.f32 $0.0e+00;
	v5 =	vimm.f32 $0.0e+00;
	s13 =	simm.s32 $0x200;
	v4 =	vld [tilespmem:s12+$0x19020]  }
.LBB2_51:
0x274: {  	p1 =	sne.s32 s13, $0x3000;
	v9 =	vld [tilespmem:s12+$0x19030];
	v10 =	vmov v1  }
0x275: {  	v11 =	vld [tilespmem:s12+$0x19060];
	v12 =	vmov v0  }
0x276: {  	v13 =	vld [tilespmem:s12+$0x19070];
	s12 =	sshra.s32 s13, $0x2  }
.Ltmp26:
0x277: {  	v1 =	vld [tilespmem:s12+$0x19040];
	(pc) =	sbr.rel @p1 .LBB2_51-.Ltmp26, $4  }
0x278: {  	v5 =	vadd.f32 v2, v5;
	v6 =	vadd.f32 v3, v6;
	v0 =	vld [tilespmem:s12+$0x19050]  }
0x279: {  	v7 =	vadd.f32 v4, v7;
	v2 =	vld [tilespmem:s12+$0x19000];
	v8 =	vadd.f32 v9, v8  }
0x27a: {  	v5 =	vadd.f32 v10, v5;
	v6 =	vadd.f32 v12, v6;
	v3 =	vld [tilespmem:s12+$0x19010]  }
0x27b: {  	s13 =	sadd.s32 $0x200, s13;
	v7 =	vadd.f32 v11, v7;
	v4 =	vld [tilespmem:s12+$0x19020];
	v8 =	vadd.f32 v13, v8  }
0x27c: {  	v9 =	vld [tilespmem:s12+$0x19030]  }
0x27d: {  	v10 =	vld [tilespmem:s12+$0x19060]  }
0x27e: {  	v11 =	vld [tilespmem:s12+$0x19070];
	_ =	sdelay $0x1  }
0x27f: {  	v2 =	vadd.f32 v2, v5;
	v3 =	vadd.f32 v3, v6  }
0x280: {  	v4 =	vadd.f32 v4, v7;
	v5 =	vadd.f32 v9, v8  }
0x281: {  	v1 =	vadd.f32 v1, v2;
	v0 =	vadd.f32 v0, v3  }
0x282: {  	v2 =	vadd.f32 v10, v4;
	v3 =	vadd.f32 v11, v5;
	_ =	sdelay $0x1  }
0x283: {  	v0 =	vadd.f32 v0, v1;
	v1 =	vadd.f32 v3, v2;
	_ =	sdelay $0x1  }
0x284: {  	v0 =	vadd.f32 v1, v0;
	_ =	sdelay $0x1  }
0x285: {  	s12 =	simm.s32 $0x0;
	[tilespmem:s10+$0x1F580] =	vst v0  }
0x286: {  	v1 =	vld [tilespmem:s12+$0x19CC0]  }
0x287: {  	v0 =	vld [tilespmem:s12+$0x19CD0]  }
0x288: {  	v2 =	vld [tilespmem:s12+$0x19C80]  }
0x289: {  	v6 =	vimm.f32 $0.0e+00;
	v3 =	vld [tilespmem:s12+$0x19C90]  }
0x28a: {  	s13 =	simm.s32 $0x200;
	v7 =	vimm.f32 $0.0e+00;
	v8 =	vimm.f32 $0.0e+00;
	v5 =	vimm.f32 $0.0e+00;
	v4 =	vld [tilespmem:s12+$0x19CA0]  }
.LBB2_53:
0x28b: {  	p1 =	sne.s32 s13, $0x3000;
	v9 =	vld [tilespmem:s12+$0x19CB0];
	v10 =	vmov v1  }
0x28c: {  	v11 =	vld [tilespmem:s12+$0x19CE0];
	v12 =	vmov v0  }
0x28d: {  	v13 =	vld [tilespmem:s12+$0x19CF0];
	s12 =	sshra.s32 s13, $0x2  }
.Ltmp27:
0x28e: {  	v1 =	vld [tilespmem:s12+$0x19CC0];
	(pc) =	sbr.rel @p1 .LBB2_53-.Ltmp27, $4  }
0x28f: {  	v5 =	vadd.f32 v2, v5;
	v6 =	vadd.f32 v3, v6;
	v0 =	vld [tilespmem:s12+$0x19CD0]  }
0x290: {  	v7 =	vadd.f32 v4, v7;
	v2 =	vld [tilespmem:s12+$0x19C80];
	v8 =	vadd.f32 v9, v8  }
0x291: {  	v5 =	vadd.f32 v10, v5;
	v6 =	vadd.f32 v12, v6;
	v3 =	vld [tilespmem:s12+$0x19C90]  }
0x292: {  	s13 =	sadd.s32 $0x200, s13;
	v7 =	vadd.f32 v11, v7;
	v4 =	vld [tilespmem:s12+$0x19CA0];
	v8 =	vadd.f32 v13, v8  }
0x293: {  	v9 =	vld [tilespmem:s12+$0x19CB0]  }
0x294: {  	v10 =	vld [tilespmem:s12+$0x19CE0]  }
0x295: {  	v11 =	vld [tilespmem:s12+$0x19CF0];
	_ =	sdelay $0x1  }
0x296: {  	v2 =	vadd.f32 v2, v5;
	v3 =	vadd.f32 v3, v6  }
0x297: {  	v4 =	vadd.f32 v4, v7;
	v5 =	vadd.f32 v9, v8  }
0x298: {  	v1 =	vadd.f32 v1, v2;
	v0 =	vadd.f32 v0, v3  }
0x299: {  	v2 =	vadd.f32 v10, v4;
	v3 =	vadd.f32 v11, v5;
	_ =	sdelay $0x1  }
0x29a: {  	v0 =	vadd.f32 v0, v1;
	v1 =	vadd.f32 v3, v2;
	_ =	sdelay $0x1  }
0x29b: {  	v0 =	vadd.f32 v1, v0;
	_ =	sdelay $0x1  }
0x29c: {  	s12 =	simm.s32 $0x0;
	[tilespmem:s10+$0x1F590] =	vst v0  }
0x29d: {  	v1 =	vld [tilespmem:s12+$0x1A940]  }
0x29e: {  	v0 =	vld [tilespmem:s12+$0x1A950]  }
0x29f: {  	v2 =	vld [tilespmem:s12+$0x1A900]  }
0x2a0: {  	v6 =	vimm.f32 $0.0e+00;
	v3 =	vld [tilespmem:s12+$0x1A910]  }
0x2a1: {  	s13 =	simm.s32 $0x200;
	v7 =	vimm.f32 $0.0e+00;
	v8 =	vimm.f32 $0.0e+00;
	v5 =	vimm.f32 $0.0e+00;
	v4 =	vld [tilespmem:s12+$0x1A920]  }
.LBB2_55:
0x2a2: {  	p1 =	sne.s32 s13, $0x3000;
	v9 =	vld [tilespmem:s12+$0x1A930];
	v10 =	vmov v1  }
0x2a3: {  	v11 =	vld [tilespmem:s12+$0x1A960];
	v12 =	vmov v0  }
0x2a4: {  	v13 =	vld [tilespmem:s12+$0x1A970];
	s12 =	sshra.s32 s13, $0x2  }
.Ltmp28:
0x2a5: {  	v1 =	vld [tilespmem:s12+$0x1A940];
	(pc) =	sbr.rel @p1 .LBB2_55-.Ltmp28, $4  }
0x2a6: {  	v5 =	vadd.f32 v2, v5;
	v6 =	vadd.f32 v3, v6;
	v0 =	vld [tilespmem:s12+$0x1A950]  }
0x2a7: {  	v7 =	vadd.f32 v4, v7;
	v2 =	vld [tilespmem:s12+$0x1A900];
	v8 =	vadd.f32 v9, v8  }
0x2a8: {  	v5 =	vadd.f32 v10, v5;
	v6 =	vadd.f32 v12, v6;
	v3 =	vld [tilespmem:s12+$0x1A910]  }
0x2a9: {  	s13 =	sadd.s32 $0x200, s13;
	v7 =	vadd.f32 v11, v7;
	v4 =	vld [tilespmem:s12+$0x1A920];
	v8 =	vadd.f32 v13, v8  }
0x2aa: {  	v9 =	vld [tilespmem:s12+$0x1A930]  }
0x2ab: {  	v10 =	vld [tilespmem:s12+$0x1A960]  }
0x2ac: {  	v11 =	vld [tilespmem:s12+$0x1A970];
	_ =	sdelay $0x1  }
0x2ad: {  	v2 =	vadd.f32 v2, v5;
	v3 =	vadd.f32 v3, v6  }
0x2ae: {  	v4 =	vadd.f32 v4, v7;
	v5 =	vadd.f32 v9, v8  }
0x2af: {  	v1 =	vadd.f32 v1, v2;
	v0 =	vadd.f32 v0, v3  }
0x2b0: {  	v2 =	vadd.f32 v10, v4;
	v3 =	vadd.f32 v11, v5;
	_ =	sdelay $0x1  }
0x2b1: {  	v0 =	vadd.f32 v0, v1;
	v1 =	vadd.f32 v3, v2;
	_ =	sdelay $0x1  }
0x2b2: {  	v0 =	vadd.f32 v1, v0;
	_ =	sdelay $0x1  }
0x2b3: {  	s12 =	simm.s32 $0x0;
	[tilespmem:s10+$0x1F5A0] =	vst v0  }
0x2b4: {  	v1 =	vld [tilespmem:s12+$0x1B5C0]  }
0x2b5: {  	v0 =	vld [tilespmem:s12+$0x1B5D0]  }
0x2b6: {  	v2 =	vld [tilespmem:s12+$0x1B580]  }
0x2b7: {  	v6 =	vimm.f32 $0.0e+00;
	v3 =	vld [tilespmem:s12+$0x1B590]  }
0x2b8: {  	s13 =	simm.s32 $0x200;
	v7 =	vimm.f32 $0.0e+00;
	v8 =	vimm.f32 $0.0e+00;
	v5 =	vimm.f32 $0.0e+00;
	v4 =	vld [tilespmem:s12+$0x1B5A0]  }
.LBB2_57:
0x2b9: {  	p1 =	sne.s32 s13, $0x3000;
	v9 =	vld [tilespmem:s12+$0x1B5B0];
	v10 =	vmov v1  }
0x2ba: {  	v11 =	vld [tilespmem:s12+$0x1B5E0];
	v12 =	vmov v0  }
0x2bb: {  	v13 =	vld [tilespmem:s12+$0x1B5F0];
	s12 =	sshra.s32 s13, $0x2  }
.Ltmp29:
0x2bc: {  	v1 =	vld [tilespmem:s12+$0x1B5C0];
	(pc) =	sbr.rel @p1 .LBB2_57-.Ltmp29, $4  }
0x2bd: {  	v5 =	vadd.f32 v2, v5;
	v6 =	vadd.f32 v3, v6;
	v0 =	vld [tilespmem:s12+$0x1B5D0]  }
0x2be: {  	v7 =	vadd.f32 v4, v7;
	v2 =	vld [tilespmem:s12+$0x1B580];
	v8 =	vadd.f32 v9, v8  }
0x2bf: {  	v5 =	vadd.f32 v10, v5;
	v6 =	vadd.f32 v12, v6;
	v3 =	vld [tilespmem:s12+$0x1B590]  }
0x2c0: {  	s13 =	sadd.s32 $0x200, s13;
	v7 =	vadd.f32 v11, v7;
	v4 =	vld [tilespmem:s12+$0x1B5A0];
	v8 =	vadd.f32 v13, v8  }
0x2c1: {  	v9 =	vld [tilespmem:s12+$0x1B5B0]  }
0x2c2: {  	v10 =	vld [tilespmem:s12+$0x1B5E0]  }
0x2c3: {  	v11 =	vld [tilespmem:s12+$0x1B5F0];
	_ =	sdelay $0x1  }
0x2c4: {  	v2 =	vadd.f32 v2, v5;
	v3 =	vadd.f32 v3, v6  }
0x2c5: {  	v4 =	vadd.f32 v4, v7;
	v5 =	vadd.f32 v9, v8  }
0x2c6: {  	v1 =	vadd.f32 v1, v2;
	v0 =	vadd.f32 v0, v3  }
0x2c7: {  	v2 =	vadd.f32 v10, v4;
	v3 =	vadd.f32 v11, v5;
	_ =	sdelay $0x1  }
0x2c8: {  	v0 =	vadd.f32 v0, v1;
	v1 =	vadd.f32 v3, v2;
	_ =	sdelay $0x1  }
0x2c9: {  	v0 =	vadd.f32 v1, v0;
	_ =	sdelay $0x1  }
0x2ca: {  	s11 =	sadd.s32 @!p0 $0x2BC0, s11;
	s12 =	simm.s32 @!p0 $0x320;
	s13 =	simm.s32 @!p0 $0x19000;
	[tilespmem:s10+$0x1F5B0] =	vst v0  }
0x2cb: {  	[tilespmem:s13], [sflag:$0x7] =	stream.indirect.gather @!p0 [hbm4b:s3+s12], $0x10, s11, s12, $0xb8;
	[tilespmem:$0x1FC00] =	vst v63  }
0x2cc: {  	_ =	swait.ge [sflag:s31], $0x3200  }
0x2cd: {  	[sflag:s31] =	ssyncset.done $0x0  }
0x2ce: {  	s11 =	simm.s32 $0x0;
	[sflag:s31] =	ssyncadd.s32 $0xFFFFCE00  }
0x2cf: {  	v1 =	vld [tilespmem:s11+$0x1C240]  }
0x2d0: {  	v0 =	vld [tilespmem:s11+$0x1C250]  }
0x2d1: {  	v2 =	vld [tilespmem:s11+$0x1C200]  }
0x2d2: {  	v6 =	vimm.f32 $0.0e+00;
	v3 =	vld [tilespmem:s11+$0x1C210]  }
0x2d3: {  	v7 =	vimm.f32 $0.0e+00;
	v8 =	vimm.f32 $0.0e+00;
	v5 =	vimm.f32 $0.0e+00;
	s12 =	simm.s32 $0x200;
	v4 =	vld [tilespmem:s11+$0x1C220]  }
.LBB2_59:
0x2d4: {  	p1 =	sne.s32 s12, $0x3000;
	v9 =	vld [tilespmem:s11+$0x1C230];
	v10 =	vmov v1  }
0x2d5: {  	v11 =	vld [tilespmem:s11+$0x1C260];
	v12 =	vmov v0  }
0x2d6: {  	v13 =	vld [tilespmem:s11+$0x1C270];
	s11 =	sshra.s32 s12, $0x2  }
.Ltmp30:
0x2d7: {  	v1 =	vld [tilespmem:s11+$0x1C240];
	(pc) =	sbr.rel @p1 .LBB2_59-.Ltmp30, $4  }
0x2d8: {  	v5 =	vadd.f32 v2, v5;
	v6 =	vadd.f32 v3, v6;
	v0 =	vld [tilespmem:s11+$0x1C250]  }
0x2d9: {  	v7 =	vadd.f32 v4, v7;
	v2 =	vld [tilespmem:s11+$0x1C200];
	v8 =	vadd.f32 v9, v8  }
0x2da: {  	v5 =	vadd.f32 v10, v5;
	v6 =	vadd.f32 v12, v6;
	v3 =	vld [tilespmem:s11+$0x1C210]  }
0x2db: {  	s12 =	sadd.s32 $0x200, s12;
	v7 =	vadd.f32 v11, v7;
	v4 =	vld [tilespmem:s11+$0x1C220];
	v8 =	vadd.f32 v13, v8  }
0x2dc: {  	v9 =	vld [tilespmem:s11+$0x1C230]  }
0x2dd: {  	v10 =	vld [tilespmem:s11+$0x1C260]  }
0x2de: {  	v11 =	vld [tilespmem:s11+$0x1C270];
	_ =	sdelay $0x1  }
0x2df: {  	v2 =	vadd.f32 v2, v5;
	v3 =	vadd.f32 v3, v6  }
0x2e0: {  	v4 =	vadd.f32 v4, v7;
	v5 =	vadd.f32 v9, v8  }
0x2e1: {  	v1 =	vadd.f32 v1, v2;
	v0 =	vadd.f32 v0, v3  }
0x2e2: {  	v2 =	vadd.f32 v10, v4;
	v3 =	vadd.f32 v11, v5;
	_ =	sdelay $0x1  }
0x2e3: {  	v0 =	vadd.f32 v0, v1;
	v1 =	vadd.f32 v3, v2;
	_ =	sdelay $0x1  }
0x2e4: {  	v0 =	vadd.f32 v1, v0;
	_ =	sdelay $0x1  }
0x2e5: {  	s11 =	simm.s32 $0x0;
	[tilespmem:s10+$0x1F5C0] =	vst v0  }
0x2e6: {  	v1 =	vld [tilespmem:s11+$0x1CEC0]  }
0x2e7: {  	v0 =	vld [tilespmem:s11+$0x1CED0]  }
0x2e8: {  	v2 =	vld [tilespmem:s11+$0x1CE80]  }
0x2e9: {  	v6 =	vimm.f32 $0.0e+00;
	v3 =	vld [tilespmem:s11+$0x1CE90]  }
0x2ea: {  	s12 =	simm.s32 $0x200;
	v7 =	vimm.f32 $0.0e+00;
	v8 =	vimm.f32 $0.0e+00;
	v5 =	vimm.f32 $0.0e+00;
	v4 =	vld [tilespmem:s11+$0x1CEA0]  }
.LBB2_61:
0x2eb: {  	p1 =	sne.s32 s12, $0x3000;
	v9 =	vld [tilespmem:s11+$0x1CEB0];
	v10 =	vmov v1  }
0x2ec: {  	v11 =	vld [tilespmem:s11+$0x1CEE0];
	v12 =	vmov v0  }
0x2ed: {  	v13 =	vld [tilespmem:s11+$0x1CEF0];
	s11 =	sshra.s32 s12, $0x2  }
.Ltmp31:
0x2ee: {  	v1 =	vld [tilespmem:s11+$0x1CEC0];
	(pc) =	sbr.rel @p1 .LBB2_61-.Ltmp31, $4  }
0x2ef: {  	v5 =	vadd.f32 v2, v5;
	v6 =	vadd.f32 v3, v6;
	v0 =	vld [tilespmem:s11+$0x1CED0]  }
0x2f0: {  	v7 =	vadd.f32 v4, v7;
	v2 =	vld [tilespmem:s11+$0x1CE80];
	v8 =	vadd.f32 v9, v8  }
0x2f1: {  	v5 =	vadd.f32 v10, v5;
	v6 =	vadd.f32 v12, v6;
	v3 =	vld [tilespmem:s11+$0x1CE90]  }
0x2f2: {  	s12 =	sadd.s32 $0x200, s12;
	v7 =	vadd.f32 v11, v7;
	v4 =	vld [tilespmem:s11+$0x1CEA0];
	v8 =	vadd.f32 v13, v8  }
0x2f3: {  	v9 =	vld [tilespmem:s11+$0x1CEB0]  }
0x2f4: {  	v10 =	vld [tilespmem:s11+$0x1CEE0]  }
0x2f5: {  	v11 =	vld [tilespmem:s11+$0x1CEF0];
	_ =	sdelay $0x1  }
0x2f6: {  	v2 =	vadd.f32 v2, v5;
	v3 =	vadd.f32 v3, v6  }
0x2f7: {  	v4 =	vadd.f32 v4, v7;
	v5 =	vadd.f32 v9, v8  }
0x2f8: {  	v1 =	vadd.f32 v1, v2;
	v0 =	vadd.f32 v0, v3  }
0x2f9: {  	v2 =	vadd.f32 v10, v4;
	v3 =	vadd.f32 v11, v5;
	_ =	sdelay $0x1  }
0x2fa: {  	v0 =	vadd.f32 v0, v1;
	v1 =	vadd.f32 v3, v2;
	_ =	sdelay $0x1  }
0x2fb: {  	v0 =	vadd.f32 v1, v0;
	_ =	sdelay $0x1  }
0x2fc: {  	s11 =	simm.s32 $0x0;
	[tilespmem:s10+$0x1F5D0] =	vst v0  }
0x2fd: {  	v1 =	vld [tilespmem:s11+$0x1DB40]  }
0x2fe: {  	v0 =	vld [tilespmem:s11+$0x1DB50]  }
0x2ff: {  	v2 =	vld [tilespmem:s11+$0x1DB00]  }
0x300: {  	v6 =	vimm.f32 $0.0e+00;
	v3 =	vld [tilespmem:s11+$0x1DB10]  }
0x301: {  	s12 =	simm.s32 $0x200;
	v7 =	vimm.f32 $0.0e+00;
	v8 =	vimm.f32 $0.0e+00;
	v5 =	vimm.f32 $0.0e+00;
	v4 =	vld [tilespmem:s11+$0x1DB20]  }
.LBB2_63:
0x302: {  	p1 =	sne.s32 s12, $0x3000;
	v9 =	vld [tilespmem:s11+$0x1DB30];
	v10 =	vmov v1  }
0x303: {  	v11 =	vld [tilespmem:s11+$0x1DB60];
	v12 =	vmov v0  }
0x304: {  	v13 =	vld [tilespmem:s11+$0x1DB70];
	s11 =	sshra.s32 s12, $0x2  }
.Ltmp32:
0x305: {  	v1 =	vld [tilespmem:s11+$0x1DB40];
	(pc) =	sbr.rel @p1 .LBB2_63-.Ltmp32, $4  }
0x306: {  	v5 =	vadd.f32 v2, v5;
	v6 =	vadd.f32 v3, v6;
	v0 =	vld [tilespmem:s11+$0x1DB50]  }
0x307: {  	v7 =	vadd.f32 v4, v7;
	v2 =	vld [tilespmem:s11+$0x1DB00];
	v8 =	vadd.f32 v9, v8  }
0x308: {  	v5 =	vadd.f32 v10, v5;
	v6 =	vadd.f32 v12, v6;
	v3 =	vld [tilespmem:s11+$0x1DB10]  }
0x309: {  	s12 =	sadd.s32 $0x200, s12;
	v7 =	vadd.f32 v11, v7;
	v4 =	vld [tilespmem:s11+$0x1DB20];
	v8 =	vadd.f32 v13, v8  }
0x30a: {  	v9 =	vld [tilespmem:s11+$0x1DB30]  }
0x30b: {  	v10 =	vld [tilespmem:s11+$0x1DB60]  }
0x30c: {  	v11 =	vld [tilespmem:s11+$0x1DB70];
	_ =	sdelay $0x1  }
0x30d: {  	v2 =	vadd.f32 v2, v5;
	v3 =	vadd.f32 v3, v6  }
0x30e: {  	v4 =	vadd.f32 v4, v7;
	v5 =	vadd.f32 v9, v8  }
0x30f: {  	v1 =	vadd.f32 v1, v2;
	v0 =	vadd.f32 v0, v3  }
0x310: {  	v2 =	vadd.f32 v10, v4;
	v3 =	vadd.f32 v11, v5;
	_ =	sdelay $0x1  }
0x311: {  	v0 =	vadd.f32 v0, v1;
	v1 =	vadd.f32 v3, v2;
	_ =	sdelay $0x1  }
0x312: {  	v0 =	vadd.f32 v1, v0;
	_ =	sdelay $0x1  }
0x313: {  	s11 =	simm.s32 $0x0;
	[tilespmem:s10+$0x1F5E0] =	vst v0  }
0x314: {  	v1 =	vld [tilespmem:s11+$0x1E7C0]  }
0x315: {  	v0 =	vld [tilespmem:s11+$0x1E7D0]  }
0x316: {  	v2 =	vld [tilespmem:s11+$0x1E780]  }
0x317: {  	v6 =	vimm.f32 $0.0e+00;
	v3 =	vld [tilespmem:s11+$0x1E790]  }
0x318: {  	s12 =	simm.s32 $0x200;
	v7 =	vimm.f32 $0.0e+00;
	v8 =	vimm.f32 $0.0e+00;
	v5 =	vimm.f32 $0.0e+00;
	v4 =	vld [tilespmem:s11+$0x1E7A0]  }
.LBB2_65:
0x319: {  	p1 =	sne.s32 s12, $0x3000;
	v9 =	vld [tilespmem:s11+$0x1E7B0];
	v10 =	vmov v1  }
0x31a: {  	v11 =	vld [tilespmem:s11+$0x1E7E0];
	v12 =	vmov v0  }
0x31b: {  	v13 =	vld [tilespmem:s11+$0x1E7F0];
	s11 =	sshra.s32 s12, $0x2  }
.Ltmp33:
0x31c: {  	v1 =	vld [tilespmem:s11+$0x1E7C0];
	(pc) =	sbr.rel @p1 .LBB2_65-.Ltmp33, $4  }
0x31d: {  	v5 =	vadd.f32 v2, v5;
	v6 =	vadd.f32 v3, v6;
	v0 =	vld [tilespmem:s11+$0x1E7D0]  }
0x31e: {  	v7 =	vadd.f32 v4, v7;
	v2 =	vld [tilespmem:s11+$0x1E780];
	v8 =	vadd.f32 v9, v8  }
0x31f: {  	v5 =	vadd.f32 v10, v5;
	v6 =	vadd.f32 v12, v6;
	v3 =	vld [tilespmem:s11+$0x1E790]  }
0x320: {  	s12 =	sadd.s32 $0x200, s12;
	v7 =	vadd.f32 v11, v7;
	v4 =	vld [tilespmem:s11+$0x1E7A0];
	v8 =	vadd.f32 v13, v8  }
0x321: {  	v9 =	vld [tilespmem:s11+$0x1E7B0]  }
0x322: {  	v10 =	vld [tilespmem:s11+$0x1E7E0]  }
0x323: {  	v11 =	vld [tilespmem:s11+$0x1E7F0];
	_ =	sdelay $0x1  }
0x324: {  	v2 =	vadd.f32 v2, v5;
	v3 =	vadd.f32 v3, v6  }
0x325: {  	v4 =	vadd.f32 v4, v7;
	v60 =	vadd.f32 v9, v8  }
0x326: {  	v1 =	vadd.f32 v1, v2;
	v0 =	vadd.f32 v0, v3  }
0x327: {  	v61 =	vadd.f32 v10, v4;
	v62 =	vadd.f32 v11, v60;
	_ =	sdelay $0x1  }
.Ltmp34:
0x328: {  	v0 =	vadd.f32 v0, v1;
	v63 =	vadd.f32 v62, v61;
	(pc) =	sbr.rel @p0 .LBB2_68-.Ltmp34, $3  }
0x329: {  	_ = 	snop  }
0x32a: {  	v0 =	vadd.f32 v63, v0;
	_ =	sdelay $0x1  }
0x32b: {  	[tilespmem:s10+$0x1F5F0] =	vst v0  }
0x32c: {  	s10 =	smul.u32 $0x6400, s9  }
.Ltmp35:
0x32d: {  	_ = 	snop;
	(pc) =	sbr.rel .LBB2_2-.Ltmp35, $4  }
0x32e: {  	_ = 	snop  }
0x32f: {  	s10 =	sshra.s32 s10, $0x2  }
0x330: {  	s9 =	sadd.s32 $0x1, s9;
	s10 =	sadd.s32 $0x2EE0, s10  }
0x331: {  	[tilespmem:s22], [sflag:$0x8] =	stream.indirect.gather [hbm4b:s3+s8], $0x10, s10, s8, $0xb8;
	[tilespmem:$0x1FC00] =	vst v63  }
.LBB2_69:
0x332: {  	_ =	sfence.sel $0x180000  }
0x333: {  	[bflag:$0x0] =	sbarrier.arrive $0xFFFF  }
0x334: {  	_ =	strace $0x90000047  }
0x335: {  	s0 =	stileid.u32;
	[bflag:$0x2] =	sbarrier.arrive $0xFFFF  }
0x336: {  	p0 =	sne.s32 s0, $0x0;
	s0 =	rddreg [dreg:$0x1]  }
0x337: {  	s0 =	sadd.s32 @!p0 $0x100000, s0  }
0x338: {  	[sflag:s0] =	ssyncadd.tile.s32 @!p0 $0x1;
	_ =	shalt  }
.Lfunc_end2:
_tile_overlayer_lowered:
.L_overlay_start_2:
0x339: {  	(tag) =	ssettag $0x2  }
0x33a: {  	s0 =	rddreg [dreg:$0x0];
	s2 =	stileid.u32  }
0x33b: {  	s1 =	rddreg [dreg:$0x1];
	p0 =	sne.s32 s2, $0x0  }
0x33c: {  	s3 =	rddreg [dreg:$0x2];
	[bflag:$0x3] =	sbarrier.arrive $0xFFFF;
	s2 =	simm.s32 @!p0 $0x1C09  }
0x33d: {  	[timem:s3], [sflag:s2] =	dma.local @!p0 [hbm:s0], s1  }
0x33e: {  	s0 =	simm.s32 @!p0 $0x9  }
0x33f: {  	_ =	swait.ge @!p0 [sflag:s0], s1  }
0x340: {  	s1 =	ssub.s32 @!p0 $0x0, s1;
	[sflag:s0] =	ssyncset.done @!p0 $0x0  }
0x341: {  	[sflag:s0] =	ssyncadd.s32 @!p0 s1  }
0x342: {  	[bflag:$0x3] =	sbarrier.arrive $0xFFFF  }
0x343: {  	_ =	shalt  }

</sc_bundles>
